<compile_context>
chip_gen: v7x
topology: tpu7x:2x2x1
jax: 0.10.2.dev20260603
libtpu: 0.0.44.dev20260713+nightly
codegen_flags: <defaults>
</compile_context>

<pallas_src>
import math
import functools

import jax
import jax.numpy as jnp
from jax import lax
from jax.experimental import pallas as pl
from jax.experimental.pallas import tpu as pltpu
from jax.experimental.pallas import tpu_sc as plsc

D = 32
L = 16
NC = 2
NS = 16
NW = NC * NS
SCALE = math.sqrt(D)

H = 50
B = 16384
BW = B // NW
NT = BW // 128
DT = D // 8

_mesh = plsc.VectorSubcoreMesh(core_axis_name="c", subcore_axis_name="s")

VOCAB = 1000000


@functools.partial(
    pl.kernel,
    out_type=jax.ShapeDtypeStruct((H, DT, B // 128, 8, 128),
                                  jnp.float32),
    mesh=_mesh,
    scratch_types=[
        pltpu.VMEM((H, BW), jnp.int32),
        pltpu.VMEM((BW, D), jnp.float32),
        pltpu.VMEM((BW, D), jnp.float32),
        pltpu.VMEM((BW, D), jnp.float32),
        pltpu.VMEM((DT, NT, 8, 128), jnp.float32),
        pltpu.VMEM((DT, NT, 8, 128), jnp.float32),
        pltpu.VMEM((DT, NT, 8, 128), jnp.float32),
        pltpu.SemaphoreType.DMA,
        pltpu.SemaphoreType.DMA,
        pltpu.SemaphoreType.DMA,
        pltpu.SemaphoreType.DMA,
        pltpu.SemaphoreType.DMA,
        pltpu.SemaphoreType.DMA,
    ],
    compiler_params=pltpu.CompilerParams(
        use_tc_tiling_on_sc=False, needs_layout_passes=False),
)
def _emb_kernel(xt_hbm, table_hbm, out_hbm, idx_all, rows0, rows1, rows2,
                tbuf0, tbuf1, tbuf2, gsem0, gsem1, gsem2,
                osem0, osem1, osem2):
    wid = lax.axis_index("s") * NC + lax.axis_index("c")
    b0 = wid * BW
    bt0 = wid * NT

    rows = (rows0, rows1, rows2)
    tbufs = (tbuf0, tbuf1, tbuf2)
    gsems = (gsem0, gsem1, gsem2)
    osems = (osem0, osem1, osem2)

    pltpu.sync_copy(xt_hbm.at[:, pl.ds(b0, BW)], idx_all)

    def issue_gather(h, buf):
        pltpu.async_copy(
            table_hbm.at[idx_all.at[h]], rows[buf], gsems[buf])

    def wait_gather(h, buf):
        pltpu.make_async_copy(
            table_hbm.at[idx_all.at[h]], rows[buf], gsems[buf]).wait()

    def wait_out(h, buf):
        pltpu.make_async_copy(
            tbufs[buf], out_hbm.at[h, :, pl.ds(bt0, NT)], osems[buf]).wait()

    iota16 = jax.lax.iota(jnp.int32, L)

    def compute(h, buf):
        r = rows[buf]
        tb = tbufs[buf]

        @plsc.parallel_loop(0, (BW // L) * DT, unroll=4)
        def _(k):
            i2 = k // DT
            dg = k % DT
            lvec = i2 * L + iota16
            t = i2 // 8
            j16 = (i2 % 8) * L
            for di in range(8):
                dsplat = lax.broadcast(dg * 8 + di, (L,))
                g = plsc.load_gather(r, [lvec, dsplat])
                tb[dg, t, di, pl.ds(j16, L)] = g * SCALE

        pltpu.async_copy(tb, out_hbm.at[h, :, pl.ds(bt0, NT)], osems[buf])

    issue_gather(0, 0)
    issue_gather(1, 1)
    issue_gather(2, 2)

    def one(h, j, do_wait_out, do_issue):
        wait_gather(h, j)
        if do_wait_out is True:
            wait_out(h, j)
        elif do_wait_out is not False:
            @pl.when(do_wait_out)
            def _():
                wait_out(h, j)
        compute(h, j)
        if do_issue is True:
            issue_gather(h + 3, j)
        elif do_issue is not False:
            @pl.when(do_issue)
            def _():
                issue_gather(h + 3, j)

    def step(i, _):
        for j in range(3):
            h = 3 * i + j
            one(h, j, i >= 1, h + 3 < H)
        return 0

    lax.fori_loop(0, H // 3, step, 0)
    one(H - 2, 0, True, False)
    one(H - 1, 1, True, False)
    wait_out(H - 3, 2)
    wait_out(H - 2, 0)
    wait_out(H - 1, 1)


def kernel(X, table):
    xt = X.T.astype(jnp.int32)
    table3 = jax.lax.optimization_barrier(
        table.reshape(VOCAB * D // 1024, 8, 128))
    table_lin = table3.reshape(VOCAB, D)
    outp = _emb_kernel(xt, table_lin)
    out = outp.transpose(0, 1, 3, 2, 4).reshape(H, D, B).transpose(2, 0, 1)
    return out

# --- scband reference (transcript-rebuilt; emitter-appended) ---
"""Pipeline reference for scband-transformer-embedding-4329327035213 (READ-ONLY COPY).

The authoritative reference and input builder live on the scoring server;
editing this copy changes nothing except your own understanding.
"""

import jax, jax.numpy as jnp
import numpy as np
import math

VOCAB = 1000000
D_MODEL = 32
BATCH = 16384
HIST = 50
PAD_IDX = 0


def setup_inputs(seed: int = 0) -> dict:
    key = jax.random.key(seed)
    k1, k2 = jax.random.split(key)
    X = jax.random.randint(k1, (BATCH, HIST), 0, VOCAB)
    table = jax.random.normal(k2, (VOCAB, D_MODEL), dtype=jnp.float32)
    # emulate nn.Embedding padding_idx: the padding row is zeros
    table = table.at[PAD_IDX].set(0.0)
    return {"X": X, "table": table}


def reference(X, table):
    # TransformerEmbedding.forward: embedding(X) * sqrt(d_model)
    # padding_idx semantics: row PAD_IDX contributes zeros
    mask = (jnp.arange(table.shape[0]) != PAD_IDX).astype(table.dtype)[:, None]
    padded = table * mask
    emb = jnp.take(padded, X, axis=0)
    return emb * math.sqrt(table.shape[1])

if __name__ == "__main__":
    import jax
    _d = setup_inputs()
    print(jax.jit(kernel)(*tuple(_d.values())))

</pallas_src>

<mosaic_0001>
#map = affine_map<(d0, d1) -> (0, 0)>
#map1 = affine_map<(d0, d1) -> (0, 0, 0, 0, 0)>
module attributes {stable_mosaic.version = 14 : i64} {
  func.func @_emb_kernel(%arg0: i32, %arg1: i32, %arg2: memref<50x16384xi32, #tpu.memory_space<hbm>>, %arg3: memref<1000000x32xf32, #tpu.memory_space<hbm>>, %arg4: memref<50x4x128x8x128xf32, #tpu.memory_space<hbm>>, %arg5: memref<50x512xi32, #tpu.memory_space<vmem>>, %arg6: memref<512x32xf32, #tpu.memory_space<vmem>>, %arg7: memref<512x32xf32, #tpu.memory_space<vmem>>, %arg8: memref<512x32xf32, #tpu.memory_space<vmem>>, %arg9: memref<4x4x8x128xf32, #tpu.memory_space<vmem>>, %arg10: memref<4x4x8x128xf32, #tpu.memory_space<vmem>>, %arg11: memref<4x4x8x128xf32, #tpu.memory_space<vmem>>, %arg12: memref<!tpu.dma_semaphore, #tpu.memory_space<semaphore_mem>>, %arg13: memref<!tpu.dma_semaphore, #tpu.memory_space<semaphore_mem>>, %arg14: memref<!tpu.dma_semaphore, #tpu.memory_space<semaphore_mem>>, %arg15: memref<!tpu.dma_semaphore, #tpu.memory_space<semaphore_mem>>, %arg16: memref<!tpu.dma_semaphore, #tpu.memory_space<semaphore_mem>>, %arg17: memref<!tpu.dma_semaphore, #tpu.memory_space<semaphore_mem>>) attributes {dimension_semantics = [#tpu.dimension_semantics<core_parallel>, #tpu.dimension_semantics<subcore_parallel>], iteration_bounds = array<i64: 2, 16>, scalar_prefetch = 0 : i64, scratch_operands = 13 : i64, tpu.core_type = #tpu.core_type<sc_vector_subcore>, window_params = [{transform_indices = #map}, {transform_indices = #map}, {transform_indices = #map1}]} {
    %mul3A = arith.constant 2 : i32
    %mul3A_0 = arith.muli %arg1, %mul3A : i32
    %add3A = arith.addi %mul3A_0, %arg0 : i32
    %mul3A_1 = arith.constant 512 : i32
    %mul3A_2 = arith.muli %add3A, %mul3A_1 : i32
    %mul3A_3 = arith.constant 4 : i32
    %mul3A_4 = arith.muli %add3A, %mul3A_3 : i32
    "tpu.region"() ({
      %run_scoped3A = tpu.sem_alloc : memref<!tpu.dma_semaphore, #tpu.memory_space<semaphore_mem>>
      %dma_start3A_126 = arith.constant 0 : i32
      %dma_start3A_127 = tpu.memref_slice %arg2[%dma_start3A_126, %mul3A_2] : memref<50x16384xi32, #tpu.memory_space<hbm>> -> memref<50x512xi32, #tpu.memory_space<hbm>>
      %dma_start3A_128 = arith.constant 0 : i32
      %dma_start3A_129 = tpu.memref_slice %arg2[%dma_start3A_128, %mul3A_2] : memref<50x16384xi32, #tpu.memory_space<hbm>> -> memref<50x512xi32, #tpu.memory_space<hbm>>
      tpu.enqueue_dma source(%dma_start3A_129 : memref<50x512xi32, #tpu.memory_space<hbm>>) target(%arg5 : memref<50x512xi32, #tpu.memory_space<vmem>>) target_semaphore(%run_scoped3A : memref<!tpu.dma_semaphore, #tpu.memory_space<semaphore_mem>>)
      %dma_wait3A_130 = arith.constant 0 : i32
      %dma_wait3A_131 = tpu.memref_slice %arg2[%dma_wait3A_130, %mul3A_2] : memref<50x16384xi32, #tpu.memory_space<hbm>> -> memref<50x512xi32, #tpu.memory_space<hbm>>
      %dma_wait3A_132 = arith.constant 0 : i32
      %dma_wait3A_133 = tpu.memref_slice %arg2[%dma_wait3A_132, %mul3A_2] : memref<50x16384xi32, #tpu.memory_space<hbm>> -> memref<50x512xi32, #tpu.memory_space<hbm>>
      tpu.wait_dma2 semaphore(%run_scoped3A : memref<!tpu.dma_semaphore, #tpu.memory_space<semaphore_mem>>) src(%dma_wait3A_133 : memref<50x512xi32, #tpu.memory_space<hbm>>) dst(%arg5 : memref<50x512xi32, #tpu.memory_space<vmem>>)
      tpu.yield
    }) : () -> ()
    %iota3A = tpu.iota {dimensions = array<i32: 0>} : vector<16xi32>
    %dma_start3A = arith.constant 0 : i32
    %dma_start3A_5 = arith.constant 0 : i32
    %dma_start3A_6 = tpu.memref_slice %arg5[%dma_start3A, %dma_start3A_5] : memref<50x512xi32, #tpu.memory_space<vmem>> -> memref<1x512xi32, #tpu.memory_space<vmem>>
    %dma_start3A_7 = tpu.memref_squeeze %dma_start3A_6 : memref<1x512xi32, #tpu.memory_space<vmem>> -> memref<512xi32, #tpu.memory_space<vmem>>
    %dma_start3A_8 = arith.constant 0 : i32
    %dma_start3A_9 = arith.constant 0 : i32
    %dma_start3A_10 = tpu.memref_slice %arg3[%dma_start3A_8, %dma_start3A_9] : memref<1000000x32xf32, #tpu.memory_space<hbm>> -> memref<1000000x32xf32, #tpu.memory_space<hbm>>
    tpu.enqueue_indirect_dma source(%dma_start3A_10 : memref<1000000x32xf32, #tpu.memory_space<hbm>>) target(%arg6 : memref<512x32xf32, #tpu.memory_space<vmem>>) offsets(%dma_start3A_7 : memref<512xi32, #tpu.memory_space<vmem>>) semaphore(%arg12 : memref<!tpu.dma_semaphore, #tpu.memory_space<semaphore_mem>>)
    %dma_start3A_11 = arith.constant 1 : i32
    %dma_start3A_12 = arith.constant 0 : i32
    %dma_start3A_13 = tpu.memref_slice %arg5[%dma_start3A_11, %dma_start3A_12] : memref<50x512xi32, #tpu.memory_space<vmem>> -> memref<1x512xi32, #tpu.memory_space<vmem>>
    %dma_start3A_14 = tpu.memref_squeeze %dma_start3A_13 : memref<1x512xi32, #tpu.memory_space<vmem>> -> memref<512xi32, #tpu.memory_space<vmem>>
    %dma_start3A_15 = arith.constant 0 : i32
    %dma_start3A_16 = arith.constant 0 : i32
    %dma_start3A_17 = tpu.memref_slice %arg3[%dma_start3A_15, %dma_start3A_16] : memref<1000000x32xf32, #tpu.memory_space<hbm>> -> memref<1000000x32xf32, #tpu.memory_space<hbm>>
    tpu.enqueue_indirect_dma source(%dma_start3A_17 : memref<1000000x32xf32, #tpu.memory_space<hbm>>) target(%arg7 : memref<512x32xf32, #tpu.memory_space<vmem>>) offsets(%dma_start3A_14 : memref<512xi32, #tpu.memory_space<vmem>>) semaphore(%arg13 : memref<!tpu.dma_semaphore, #tpu.memory_space<semaphore_mem>>)
    %dma_start3A_18 = arith.constant 2 : i32
    %dma_start3A_19 = arith.constant 0 : i32
    %dma_start3A_20 = tpu.memref_slice %arg5[%dma_start3A_18, %dma_start3A_19] : memref<50x512xi32, #tpu.memory_space<vmem>> -> memref<1x512xi32, #tpu.memory_space<vmem>>
    %dma_start3A_21 = tpu.memref_squeeze %dma_start3A_20 : memref<1x512xi32, #tpu.memory_space<vmem>> -> memref<512xi32, #tpu.memory_space<vmem>>
    %dma_start3A_22 = arith.constant 0 : i32
    %dma_start3A_23 = arith.constant 0 : i32
    %dma_start3A_24 = tpu.memref_slice %arg3[%dma_start3A_22, %dma_start3A_23] : memref<1000000x32xf32, #tpu.memory_space<hbm>> -> memref<1000000x32xf32, #tpu.memory_space<hbm>>
    tpu.enqueue_indirect_dma source(%dma_start3A_24 : memref<1000000x32xf32, #tpu.memory_space<hbm>>) target(%arg8 : memref<512x32xf32, #tpu.memory_space<vmem>>) offsets(%dma_start3A_21 : memref<512xi32, #tpu.memory_space<vmem>>) semaphore(%arg14 : memref<!tpu.dma_semaphore, #tpu.memory_space<semaphore_mem>>)
    %scan3A = arith.constant 0 : i32
    %scan3A_25 = arith.constant 0 : i32
    %scan3A_26 = arith.constant 16 : i32
    %scan3A_27 = arith.addi %scan3A_25, %scan3A_26 : i32
    %scan3A_28 = arith.constant 1 : i32
    %scan3A_29 = scf.for %scan3A_126 = %scan3A_25 to %scan3A_27 step %scan3A_28 iter_args(%scan3A_127 = %scan3A) -> (i32)  : i32 {
      %mul3A_128 = arith.constant 3 : i32
      %mul3A_129 = arith.muli %mul3A_128, %scan3A_126 : i32
      %add3A_130 = arith.constant 0 : i32
      %add3A_131 = arith.addi %mul3A_129, %add3A_130 : i32
      %ge3A = arith.constant 1 : i32
      %ge3A_132 = arith.cmpi sge, %scan3A_126, %ge3A : i32
      %add3A_133 = arith.constant 3 : i32
      %add3A_134 = arith.addi %add3A_131, %add3A_133 : i32
      %lt3A = arith.constant 50 : i32
      %lt3A_135 = arith.cmpi slt, %add3A_134, %lt3A : i32
      %dma_wait3A_136 = arith.constant 0 : i32
      %dma_wait3A_137 = tpu.memref_slice %arg5[%add3A_131, %dma_wait3A_136] : memref<50x512xi32, #tpu.memory_space<vmem>> -> memref<1x512xi32, #tpu.memory_space<vmem>>
      %dma_wait3A_138 = tpu.memref_squeeze %dma_wait3A_137 : memref<1x512xi32, #tpu.memory_space<vmem>> -> memref<512xi32, #tpu.memory_space<vmem>>
      %dma_wait3A_139 = arith.constant 0 : i32
      %dma_wait3A_140 = arith.constant 0 : i32
      %dma_wait3A_141 = tpu.memref_slice %arg3[%dma_wait3A_139, %dma_wait3A_140] : memref<1000000x32xf32, #tpu.memory_space<hbm>> -> memref<1000000x32xf32, #tpu.memory_space<hbm>>
      tpu.wait_indirect_dma semaphore(%arg12 : memref<!tpu.dma_semaphore, #tpu.memory_space<semaphore_mem>>) src(%dma_wait3A_141 : memref<1000000x32xf32, #tpu.memory_space<hbm>>) dst(%arg6 : memref<512x32xf32, #tpu.memory_space<vmem>>)
      %convert_element_type3A = arith.extui %ge3A_132 : i1 to i32
      %cond3A = arith.constant 0 : i32
      %cond3A_142 = arith.cmpi ne, %convert_element_type3A, %cond3A : i32
      scf.if %cond3A_142 {
        %dma_wait3A_230 = arith.constant 0 : i32
        %dma_wait3A_231 = arith.constant 0 : i32
        %dma_wait3A_232 = arith.constant 0 : i32
        %dma_wait3A_233 = tpu.memref_slice %arg4[%add3A_131, %dma_wait3A_230, %mul3A_4, %dma_wait3A_231, %dma_wait3A_232] : memref<50x4x128x8x128xf32, #tpu.memory_space<hbm>> -> memref<1x4x4x8x128xf32, #tpu.memory_space<hbm>>
        %dma_wait3A_234 = tpu.memref_squeeze %dma_wait3A_233 : memref<1x4x4x8x128xf32, #tpu.memory_space<hbm>> -> memref<4x4x8x128xf32, #tpu.memory_space<hbm>>
        %dma_wait3A_235 = arith.constant 0 : i32
        %dma_wait3A_236 = arith.constant 0 : i32
        %dma_wait3A_237 = arith.constant 0 : i32
        %dma_wait3A_238 = tpu.memref_slice %arg4[%add3A_131, %dma_wait3A_235, %mul3A_4, %dma_wait3A_236, %dma_wait3A_237] : memref<50x4x128x8x128xf32, #tpu.memory_space<hbm>> -> memref<1x4x4x8x128xf32, #tpu.memory_space<hbm>>
        %dma_wait3A_239 = tpu.memref_squeeze %dma_wait3A_238 : memref<1x4x4x8x128xf32, #tpu.memory_space<hbm>> -> memref<4x4x8x128xf32, #tpu.memory_space<hbm>>
        tpu.wait_dma2 semaphore(%arg15 : memref<!tpu.dma_semaphore, #tpu.memory_space<semaphore_mem>>) src(%arg9 : memref<4x4x8x128xf32, #tpu.memory_space<vmem>>) dst(%dma_wait3A_239 : memref<4x4x8x128xf32, #tpu.memory_space<hbm>>)
      } else {
      }
      %parallel_loop3A_143 = arith.constant 0 : i32
      %parallel_loop3A_144 = arith.constant 128 : i32
      %parallel_loop3A_145 = arith.constant 1 : i32
      scf.for %parallel_loop3A_230 = %parallel_loop3A_143 to %parallel_loop3A_144 step %parallel_loop3A_145  : i32 {
        %parallel_loop3A_231 = arith.constant 4 : i32
        %parallel_loop3A_232 = arith.divsi %parallel_loop3A_230, %parallel_loop3A_231 : i32
        %parallel_loop3A_233 = arith.constant 0 : i32
        %parallel_loop3A_234 = arith.cmpi sgt, %parallel_loop3A_230, %parallel_loop3A_233 : i32
        %parallel_loop3A_235 = arith.extui %parallel_loop3A_234 : i1 to i32
        %parallel_loop3A_236 = arith.constant 0 : i32
        %parallel_loop3A_237 = arith.cmpi slt, %parallel_loop3A_230, %parallel_loop3A_236 : i32
        %parallel_loop3A_238 = arith.extui %parallel_loop3A_237 : i1 to i32
        %parallel_loop3A_239 = arith.subi %parallel_loop3A_235, %parallel_loop3A_238 : i32
        %parallel_loop3A_240 = arith.constant 0 : i32
        %parallel_loop3A_241 = arith.cmpi sgt, %parallel_loop3A_231, %parallel_loop3A_240 : i32
        %parallel_loop3A_242 = arith.extui %parallel_loop3A_241 : i1 to i32
        %parallel_loop3A_243 = arith.constant 0 : i32
        %parallel_loop3A_244 = arith.cmpi slt, %parallel_loop3A_231, %parallel_loop3A_243 : i32
        %parallel_loop3A_245 = arith.extui %parallel_loop3A_244 : i1 to i32
        %parallel_loop3A_246 = arith.subi %parallel_loop3A_242, %parallel_loop3A_245 : i32
        %parallel_loop3A_247 = arith.cmpi ne, %parallel_loop3A_239, %parallel_loop3A_246 : i32
        %parallel_loop3A_248 = arith.remsi %parallel_loop3A_230, %parallel_loop3A_231 : i32
        %parallel_loop3A_249 = arith.constant 0 : i32
        %parallel_loop3A_250 = arith.cmpi ne, %parallel_loop3A_248, %parallel_loop3A_249 : i32
        %parallel_loop3A_251 = arith.andi %parallel_loop3A_247, %parallel_loop3A_250 : i1
        %parallel_loop3A_252 = arith.constant 1 : i32
        %parallel_loop3A_253 = arith.subi %parallel_loop3A_232, %parallel_loop3A_252 : i32
        %parallel_loop3A_254 = arith.select %parallel_loop3A_251, %parallel_loop3A_253, %parallel_loop3A_232 : i32
        %parallel_loop3A_255 = arith.constant 4 : i32
        %parallel_loop3A_256 = arith.constant 0 : i32
        %parallel_loop3A_257 = arith.cmpi eq, %parallel_loop3A_255, %parallel_loop3A_256 : i32
        %parallel_loop3A_258 = arith.constant 1 : i32
        %parallel_loop3A_259 = arith.select %parallel_loop3A_257, %parallel_loop3A_258, %parallel_loop3A_255 : i32
        %parallel_loop3A_260 = arith.remsi %parallel_loop3A_230, %parallel_loop3A_259 : i32
        %parallel_loop3A_261 = arith.constant 0 : i32
        %parallel_loop3A_262 = arith.cmpi ne, %parallel_loop3A_260, %parallel_loop3A_261 : i32
        %parallel_loop3A_263 = arith.constant 0 : i32
        %parallel_loop3A_264 = arith.cmpi slt, %parallel_loop3A_260, %parallel_loop3A_263 : i32
        %parallel_loop3A_265 = arith.constant 0 : i32
        %parallel_loop3A_266 = arith.cmpi slt, %parallel_loop3A_259, %parallel_loop3A_265 : i32
        %parallel_loop3A_267 = arith.xori %parallel_loop3A_264, %parallel_loop3A_266 : i1
        %parallel_loop3A_268 = arith.andi %parallel_loop3A_267, %parallel_loop3A_262 : i1
        %parallel_loop3A_269 = arith.addi %parallel_loop3A_260, %parallel_loop3A_259 : i32
        %parallel_loop3A_270 = arith.select %parallel_loop3A_268, %parallel_loop3A_269, %parallel_loop3A_260 : i32
        %parallel_loop3A_271 = arith.constant 16 : i32
        %parallel_loop3A_272 = arith.muli %parallel_loop3A_254, %parallel_loop3A_271 : i32
        %parallel_loop3A_273 = vector.broadcast %parallel_loop3A_272 : i32 to vector<16xi32>
        %parallel_loop3A_274 = arith.addi %parallel_loop3A_273, %iota3A : vector<16xi32>
        %parallel_loop3A_275 = arith.constant 8 : i32
        %parallel_loop3A_276 = arith.divsi %parallel_loop3A_254, %parallel_loop3A_275 : i32
        %parallel_loop3A_277 = arith.constant 0 : i32
        %parallel_loop3A_278 = arith.cmpi sgt, %parallel_loop3A_254, %parallel_loop3A_277 : i32
        %parallel_loop3A_279 = arith.extui %parallel_loop3A_278 : i1 to i32
        %parallel_loop3A_280 = arith.constant 0 : i32
        %parallel_loop3A_281 = arith.cmpi slt, %parallel_loop3A_254, %parallel_loop3A_280 : i32
        %parallel_loop3A_282 = arith.extui %parallel_loop3A_281 : i1 to i32
        %parallel_loop3A_283 = arith.subi %parallel_loop3A_279, %parallel_loop3A_282 : i32
        %parallel_loop3A_284 = arith.constant 0 : i32
        %parallel_loop3A_285 = arith.cmpi sgt, %parallel_loop3A_275, %parallel_loop3A_284 : i32
        %parallel_loop3A_286 = arith.extui %parallel_loop3A_285 : i1 to i32
        %parallel_loop3A_287 = arith.constant 0 : i32
        %parallel_loop3A_288 = arith.cmpi slt, %parallel_loop3A_275, %parallel_loop3A_287 : i32
        %parallel_loop3A_289 = arith.extui %parallel_loop3A_288 : i1 to i32
        %parallel_loop3A_290 = arith.subi %parallel_loop3A_286, %parallel_loop3A_289 : i32
        %parallel_loop3A_291 = arith.cmpi ne, %parallel_loop3A_283, %parallel_loop3A_290 : i32
        %parallel_loop3A_292 = arith.remsi %parallel_loop3A_254, %parallel_loop3A_275 : i32
        %parallel_loop3A_293 = arith.constant 0 : i32
        %parallel_loop3A_294 = arith.cmpi ne, %parallel_loop3A_292, %parallel_loop3A_293 : i32
        %parallel_loop3A_295 = arith.andi %parallel_loop3A_291, %parallel_loop3A_294 : i1
        %parallel_loop3A_296 = arith.constant 1 : i32
        %parallel_loop3A_297 = arith.subi %parallel_loop3A_276, %parallel_loop3A_296 : i32
        %parallel_loop3A_298 = arith.select %parallel_loop3A_295, %parallel_loop3A_297, %parallel_loop3A_276 : i32
        %parallel_loop3A_299 = arith.constant 8 : i32
        %parallel_loop3A_300 = arith.constant 0 : i32
        %parallel_loop3A_301 = arith.cmpi eq, %parallel_loop3A_299, %parallel_loop3A_300 : i32
        %parallel_loop3A_302 = arith.constant 1 : i32
        %parallel_loop3A_303 = arith.select %parallel_loop3A_301, %parallel_loop3A_302, %parallel_loop3A_299 : i32
        %parallel_loop3A_304 = arith.remsi %parallel_loop3A_254, %parallel_loop3A_303 : i32
        %parallel_loop3A_305 = arith.constant 0 : i32
        %parallel_loop3A_306 = arith.cmpi ne, %parallel_loop3A_304, %parallel_loop3A_305 : i32
        %parallel_loop3A_307 = arith.constant 0 : i32
        %parallel_loop3A_308 = arith.cmpi slt, %parallel_loop3A_304, %parallel_loop3A_307 : i32
        %parallel_loop3A_309 = arith.constant 0 : i32
        %parallel_loop3A_310 = arith.cmpi slt, %parallel_loop3A_303, %parallel_loop3A_309 : i32
        %parallel_loop3A_311 = arith.xori %parallel_loop3A_308, %parallel_loop3A_310 : i1
        %parallel_loop3A_312 = arith.andi %parallel_loop3A_311, %parallel_loop3A_306 : i1
        %parallel_loop3A_313 = arith.addi %parallel_loop3A_304, %parallel_loop3A_303 : i32
        %parallel_loop3A_314 = arith.select %parallel_loop3A_312, %parallel_loop3A_313, %parallel_loop3A_304 : i32
        %parallel_loop3A_315 = arith.constant 16 : i32
        %parallel_loop3A_316 = arith.muli %parallel_loop3A_314, %parallel_loop3A_315 : i32
        %parallel_loop3A_317 = arith.constant 8 : i32
        %parallel_loop3A_318 = arith.muli %parallel_loop3A_270, %parallel_loop3A_317 : i32
        %parallel_loop3A_319 = arith.constant 0 : i32
        %parallel_loop3A_320 = arith.addi %parallel_loop3A_318, %parallel_loop3A_319 : i32
        %parallel_loop3A_321 = vector.broadcast %parallel_loop3A_320 : i32 to vector<16xi32>
        %parallel_loop3A_322 = tpu.vector_load_idx %arg6[%parallel_loop3A_274, %parallel_loop3A_321] : memref<512x32xf32, #tpu.memory_space<vmem>>[vector<16xi32>, vector<16xi32>], vector<16xf32>,
        %parallel_loop3A_323 = arith.constant 5.65685415 : f32
        %parallel_loop3A_324 = vector.broadcast %parallel_loop3A_323 : f32 to vector<16xf32>
        %parallel_loop3A_325 = arith.mulf %parallel_loop3A_322, %parallel_loop3A_324 : vector<16xf32>
        %parallel_loop3A_326 = arith.constant 0 : i32
        %parallel_loop3A_327 = arith.index_cast %parallel_loop3A_270 : i32 to index
        %parallel_loop3A_328 = arith.index_cast %parallel_loop3A_298 : i32 to index
        %parallel_loop3A_329 = arith.index_cast %parallel_loop3A_326 : i32 to index
        %parallel_loop3A_330 = arith.index_cast %parallel_loop3A_316 : i32 to index
        %parallel_loop3A_331 = tpu.vector_load %arg9[%parallel_loop3A_327, %parallel_loop3A_328, %parallel_loop3A_329, %parallel_loop3A_330] {strides = array<i32>} : memref<4x4x8x128xf32, #tpu.memory_space<vmem>>, vector<16xf32>,
        tpu.vector_store %arg9[%parallel_loop3A_327, %parallel_loop3A_328, %parallel_loop3A_329, %parallel_loop3A_330], %parallel_loop3A_325 {strides = array<i32>} : memref<4x4x8x128xf32, #tpu.memory_space<vmem>>, vector<16xf32>,
        %parallel_loop3A_332 = arith.constant 8 : i32
        %parallel_loop3A_333 = arith.muli %parallel_loop3A_270, %parallel_loop3A_332 : i32
        %parallel_loop3A_334 = arith.constant 1 : i32
        %parallel_loop3A_335 = arith.addi %parallel_loop3A_333, %parallel_loop3A_334 : i32
        %parallel_loop3A_336 = vector.broadcast %parallel_loop3A_335 : i32 to vector<16xi32>
        %parallel_loop3A_337 = tpu.vector_load_idx %arg6[%parallel_loop3A_274, %parallel_loop3A_336] : memref<512x32xf32, #tpu.memory_space<vmem>>[vector<16xi32>, vector<16xi32>], vector<16xf32>,
        %parallel_loop3A_338 = arith.constant 5.65685415 : f32
        %parallel_loop3A_339 = vector.broadcast %parallel_loop3A_338 : f32 to vector<16xf32>
        %parallel_loop3A_340 = arith.mulf %parallel_loop3A_337, %parallel_loop3A_339 : vector<16xf32>
        %parallel_loop3A_341 = arith.constant 1 : i32
        %parallel_loop3A_342 = arith.index_cast %parallel_loop3A_270 : i32 to index
        %parallel_loop3A_343 = arith.index_cast %parallel_loop3A_298 : i32 to index
        %parallel_loop3A_344 = arith.index_cast %parallel_loop3A_341 : i32 to index
        %parallel_loop3A_345 = arith.index_cast %parallel_loop3A_316 : i32 to index
        %parallel_loop3A_346 = tpu.vector_load %arg9[%parallel_loop3A_342, %parallel_loop3A_343, %parallel_loop3A_344, %parallel_loop3A_345] {strides = array<i32>} : memref<4x4x8x128xf32, #tpu.memory_space<vmem>>, vector<16xf32>,
        tpu.vector_store %arg9[%parallel_loop3A_342, %parallel_loop3A_343, %parallel_loop3A_344, %parallel_loop3A_345], %parallel_loop3A_340 {strides = array<i32>} : memref<4x4x8x128xf32, #tpu.memory_space<vmem>>, vector<16xf32>,
        %parallel_loop3A_347 = arith.constant 8 : i32
        %parallel_loop3A_348 = arith.muli %parallel_loop3A_270, %parallel_loop3A_347 : i32
        %parallel_loop3A_349 = arith.constant 2 : i32
        %parallel_loop3A_350 = arith.addi %parallel_loop3A_348, %parallel_loop3A_349 : i32
        %parallel_loop3A_351 = vector.broadcast %parallel_loop3A_350 : i32 to vector<16xi32>
        %parallel_loop3A_352 = tpu.vector_load_idx %arg6[%parallel_loop3A_274, %parallel_loop3A_351] : memref<512x32xf32, #tpu.memory_space<vmem>>[vector<16xi32>, vector<16xi32>], vector<16xf32>,
        %parallel_loop3A_353 = arith.constant 5.65685415 : f32
        %parallel_loop3A_354 = vector.broadcast %parallel_loop3A_353 : f32 to vector<16xf32>
        %parallel_loop3A_355 = arith.mulf %parallel_loop3A_352, %parallel_loop3A_354 : vector<16xf32>
        %parallel_loop3A_356 = arith.constant 2 : i32
        %parallel_loop3A_357 = arith.index_cast %parallel_loop3A_270 : i32 to index
        %parallel_loop3A_358 = arith.index_cast %parallel_loop3A_298 : i32 to index
        %parallel_loop3A_359 = arith.index_cast %parallel_loop3A_356 : i32 to index
        %parallel_loop3A_360 = arith.index_cast %parallel_loop3A_316 : i32 to index
        %parallel_loop3A_361 = tpu.vector_load %arg9[%parallel_loop3A_357, %parallel_loop3A_358, %parallel_loop3A_359, %parallel_loop3A_360] {strides = array<i32>} : memref<4x4x8x128xf32, #tpu.memory_space<vmem>>, vector<16xf32>,
        tpu.vector_store %arg9[%parallel_loop3A_357, %parallel_loop3A_358, %parallel_loop3A_359, %parallel_loop3A_360], %parallel_loop3A_355 {strides = array<i32>} : memref<4x4x8x128xf32, #tpu.memory_space<vmem>>, vector<16xf32>,
        %parallel_loop3A_362 = arith.constant 8 : i32
        %parallel_loop3A_363 = arith.muli %parallel_loop3A_270, %parallel_loop3A_362 : i32
        %parallel_loop3A_364 = arith.constant 3 : i32
        %parallel_loop3A_365 = arith.addi %parallel_loop3A_363, %parallel_loop3A_364 : i32
        %parallel_loop3A_366 = vector.broadcast %parallel_loop3A_365 : i32 to vector<16xi32>
        %parallel_loop3A_367 = tpu.vector_load_idx %arg6[%parallel_loop3A_274, %parallel_loop3A_366] : memref<512x32xf32, #tpu.memory_space<vmem>>[vector<16xi32>, vector<16xi32>], vector<16xf32>,
        %parallel_loop3A_368 = arith.constant 5.65685415 : f32
        %parallel_loop3A_369 = vector.broadcast %parallel_loop3A_368 : f32 to vector<16xf32>
        %parallel_loop3A_370 = arith.mulf %parallel_loop3A_367, %parallel_loop3A_369 : vector<16xf32>
        %parallel_loop3A_371 = arith.constant 3 : i32
        %parallel_loop3A_372 = arith.index_cast %parallel_loop3A_270 : i32 to index
        %parallel_loop3A_373 = arith.index_cast %parallel_loop3A_298 : i32 to index
        %parallel_loop3A_374 = arith.index_cast %parallel_loop3A_371 : i32 to index
        %parallel_loop3A_375 = arith.index_cast %parallel_loop3A_316 : i32 to index
        %parallel_loop3A_376 = tpu.vector_load %arg9[%parallel_loop3A_372, %parallel_loop3A_373, %parallel_loop3A_374, %parallel_loop3A_375] {strides = array<i32>} : memref<4x4x8x128xf32, #tpu.memory_space<vmem>>, vector<16xf32>,
        tpu.vector_store %arg9[%parallel_loop3A_372, %parallel_loop3A_373, %parallel_loop3A_374, %parallel_loop3A_375], %parallel_loop3A_370 {strides = array<i32>} : memref<4x4x8x128xf32, #tpu.memory_space<vmem>>, vector<16xf32>,
        %parallel_loop3A_377 = arith.constant 8 : i32
        %parallel_loop3A_378 = arith.muli %parallel_loop3A_270, %parallel_loop3A_377 : i32
        %parallel_loop3A_379 = arith.constant 4 : i32
        %parallel_loop3A_380 = arith.addi %parallel_loop3A_378, %parallel_loop3A_379 : i32
        %parallel_loop3A_381 = vector.broadcast %parallel_loop3A_380 : i32 to vector<16xi32>
        %parallel_loop3A_382 = tpu.vector_load_idx %arg6[%parallel_loop3A_274, %parallel_loop3A_381] : memref<512x32xf32, #tpu.memory_space<vmem>>[vector<16xi32>, vector<16xi32>], vector<16xf32>,
        %parallel_loop3A_383 = arith.constant 5.65685415 : f32
        %parallel_loop3A_384 = vector.broadcast %parallel_loop3A_383 : f32 to vector<16xf32>
        %parallel_loop3A_385 = arith.mulf %parallel_loop3A_382, %parallel_loop3A_384 : vector<16xf32>
        %parallel_loop3A_386 = arith.constant 4 : i32
        %parallel_loop3A_387 = arith.index_cast %parallel_loop3A_270 : i32 to index
        %parallel_loop3A_388 = arith.index_cast %parallel_loop3A_298 : i32 to index
        %parallel_loop3A_389 = arith.index_cast %parallel_loop3A_386 : i32 to index
        %parallel_loop3A_390 = arith.index_cast %parallel_loop3A_316 : i32 to index
        %parallel_loop3A_391 = tpu.vector_load %arg9[%parallel_loop3A_387, %parallel_loop3A_388, %parallel_loop3A_389, %parallel_loop3A_390] {strides = array<i32>} : memref<4x4x8x128xf32, #tpu.memory_space<vmem>>, vector<16xf32>,
        tpu.vector_store %arg9[%parallel_loop3A_387, %parallel_loop3A_388, %parallel_loop3A_389, %parallel_loop3A_390], %parallel_loop3A_385 {strides = array<i32>} : memref<4x4x8x128xf32, #tpu.memory_space<vmem>>, vector<16xf32>,
        %parallel_loop3A_392 = arith.constant 8 : i32
        %parallel_loop3A_393 = arith.muli %parallel_loop3A_270, %parallel_loop3A_392 : i32
        %parallel_loop3A_394 = arith.constant 5 : i32
        %parallel_loop3A_395 = arith.addi %parallel_loop3A_393, %parallel_loop3A_394 : i32
        %parallel_loop3A_396 = vector.broadcast %parallel_loop3A_395 : i32 to vector<16xi32>
        %parallel_loop3A_397 = tpu.vector_load_idx %arg6[%parallel_loop3A_274, %parallel_loop3A_396] : memref<512x32xf32, #tpu.memory_space<vmem>>[vector<16xi32>, vector<16xi32>], vector<16xf32>,
        %parallel_loop3A_398 = arith.constant 5.65685415 : f32
        %parallel_loop3A_399 = vector.broadcast %parallel_loop3A_398 : f32 to vector<16xf32>
        %parallel_loop3A_400 = arith.mulf %parallel_loop3A_397, %parallel_loop3A_399 : vector<16xf32>
        %parallel_loop3A_401 = arith.constant 5 : i32
        %parallel_loop3A_402 = arith.index_cast %parallel_loop3A_270 : i32 to index
        %parallel_loop3A_403 = arith.index_cast %parallel_loop3A_298 : i32 to index
        %parallel_loop3A_404 = arith.index_cast %parallel_loop3A_401 : i32 to index
        %parallel_loop3A_405 = arith.index_cast %parallel_loop3A_316 : i32 to index
        %parallel_loop3A_406 = tpu.vector_load %arg9[%parallel_loop3A_402, %parallel_loop3A_403, %parallel_loop3A_404, %parallel_loop3A_405] {strides = array<i32>} : memref<4x4x8x128xf32, #tpu.memory_space<vmem>>, vector<16xf32>,
        tpu.vector_store %arg9[%parallel_loop3A_402, %parallel_loop3A_403, %parallel_loop3A_404, %parallel_loop3A_405], %parallel_loop3A_400 {strides = array<i32>} : memref<4x4x8x128xf32, #tpu.memory_space<vmem>>, vector<16xf32>,
        %parallel_loop3A_407 = arith.constant 8 : i32
        %parallel_loop3A_408 = arith.muli %parallel_loop3A_270, %parallel_loop3A_407 : i32
        %parallel_loop3A_409 = arith.constant 6 : i32
        %parallel_loop3A_410 = arith.addi %parallel_loop3A_408, %parallel_loop3A_409 : i32
        %parallel_loop3A_411 = vector.broadcast %parallel_loop3A_410 : i32 to vector<16xi32>
        %parallel_loop3A_412 = tpu.vector_load_idx %arg6[%parallel_loop3A_274, %parallel_loop3A_411] : memref<512x32xf32, #tpu.memory_space<vmem>>[vector<16xi32>, vector<16xi32>], vector<16xf32>,
        %parallel_loop3A_413 = arith.constant 5.65685415 : f32
        %parallel_loop3A_414 = vector.broadcast %parallel_loop3A_413 : f32 to vector<16xf32>
        %parallel_loop3A_415 = arith.mulf %parallel_loop3A_412, %parallel_loop3A_414 : vector<16xf32>
        %parallel_loop3A_416 = arith.constant 6 : i32
        %parallel_loop3A_417 = arith.index_cast %parallel_loop3A_270 : i32 to index
        %parallel_loop3A_418 = arith.index_cast %parallel_loop3A_298 : i32 to index
        %parallel_loop3A_419 = arith.index_cast %parallel_loop3A_416 : i32 to index
        %parallel_loop3A_420 = arith.index_cast %parallel_loop3A_316 : i32 to index
        %parallel_loop3A_421 = tpu.vector_load %arg9[%parallel_loop3A_417, %parallel_loop3A_418, %parallel_loop3A_419, %parallel_loop3A_420] {strides = array<i32>} : memref<4x4x8x128xf32, #tpu.memory_space<vmem>>, vector<16xf32>,
        tpu.vector_store %arg9[%parallel_loop3A_417, %parallel_loop3A_418, %parallel_loop3A_419, %parallel_loop3A_420], %parallel_loop3A_415 {strides = array<i32>} : memref<4x4x8x128xf32, #tpu.memory_space<vmem>>, vector<16xf32>,
        %parallel_loop3A_422 = arith.constant 8 : i32
        %parallel_loop3A_423 = arith.muli %parallel_loop3A_270, %parallel_loop3A_422 : i32
        %parallel_loop3A_424 = arith.constant 7 : i32
        %parallel_loop3A_425 = arith.addi %parallel_loop3A_423, %parallel_loop3A_424 : i32
        %parallel_loop3A_426 = vector.broadcast %parallel_loop3A_425 : i32 to vector<16xi32>
        %parallel_loop3A_427 = tpu.vector_load_idx %arg6[%parallel_loop3A_274, %parallel_loop3A_426] : memref<512x32xf32, #tpu.memory_space<vmem>>[vector<16xi32>, vector<16xi32>], vector<16xf32>,
        %parallel_loop3A_428 = arith.constant 5.65685415 : f32
        %parallel_loop3A_429 = vector.broadcast %parallel_loop3A_428 : f32 to vector<16xf32>
        %parallel_loop3A_430 = arith.mulf %parallel_loop3A_427, %parallel_loop3A_429 : vector<16xf32>
        %parallel_loop3A_431 = arith.constant 7 : i32
        %parallel_loop3A_432 = arith.index_cast %parallel_loop3A_270 : i32 to index
        %parallel_loop3A_433 = arith.index_cast %parallel_loop3A_298 : i32 to index
        %parallel_loop3A_434 = arith.index_cast %parallel_loop3A_431 : i32 to index
        %parallel_loop3A_435 = arith.index_cast %parallel_loop3A_316 : i32 to index
        %parallel_loop3A_436 = tpu.vector_load %arg9[%parallel_loop3A_432, %parallel_loop3A_433, %parallel_loop3A_434, %parallel_loop3A_435] {strides = array<i32>} : memref<4x4x8x128xf32, #tpu.memory_space<vmem>>, vector<16xf32>,
        tpu.vector_store %arg9[%parallel_loop3A_432, %parallel_loop3A_433, %parallel_loop3A_434, %parallel_loop3A_435], %parallel_loop3A_430 {strides = array<i32>} : memref<4x4x8x128xf32, #tpu.memory_space<vmem>>, vector<16xf32>,
      } {sc.loop_unroll_factor = 4 : i64, sc.parallel_access}
      %dma_start3A_146 = arith.constant 0 : i32
      %dma_start3A_147 = arith.constant 0 : i32
      %dma_start3A_148 = arith.constant 0 : i32
      %dma_start3A_149 = tpu.memref_slice %arg4[%add3A_131, %dma_start3A_146, %mul3A_4, %dma_start3A_147, %dma_start3A_148] : memref<50x4x128x8x128xf32, #tpu.memory_space<hbm>> -> memref<1x4x4x8x128xf32, #tpu.memory_space<hbm>>
      %dma_start3A_150 = tpu.memref_squeeze %dma_start3A_149 : memref<1x4x4x8x128xf32, #tpu.memory_space<hbm>> -> memref<4x4x8x128xf32, #tpu.memory_space<hbm>>
      %dma_start3A_151 = arith.constant 0 : i32
      %dma_start3A_152 = arith.constant 0 : i32
      %dma_start3A_153 = arith.constant 0 : i32
      %dma_start3A_154 = tpu.memref_slice %arg4[%add3A_131, %dma_start3A_151, %mul3A_4, %dma_start3A_152, %dma_start3A_153] : memref<50x4x128x8x128xf32, #tpu.memory_space<hbm>> -> memref<1x4x4x8x128xf32, #tpu.memory_space<hbm>>
      %dma_start3A_155 = tpu.memref_squeeze %dma_start3A_154 : memref<1x4x4x8x128xf32, #tpu.memory_space<hbm>> -> memref<4x4x8x128xf32, #tpu.memory_space<hbm>>
      tpu.enqueue_dma source(%arg9 : memref<4x4x8x128xf32, #tpu.memory_space<vmem>>) target(%dma_start3A_155 : memref<4x4x8x128xf32, #tpu.memory_space<hbm>>) target_semaphore(%arg15 : memref<!tpu.dma_semaphore, #tpu.memory_space<semaphore_mem>>)
      %convert_element_type3A_156 = arith.extui %lt3A_135 : i1 to i32
      %cond3A_157 = arith.constant 0 : i32
      %cond3A_158 = arith.cmpi ne, %convert_element_type3A_156, %cond3A_157 : i32
      scf.if %cond3A_158 {
        %add3A_230 = arith.constant 3 : i32
        %add3A_231 = arith.addi %add3A_131, %add3A_230 : i32
        %dma_start3A_232 = arith.constant 0 : i32
        %dma_start3A_233 = tpu.memref_slice %arg5[%add3A_231, %dma_start3A_232] : memref<50x512xi32, #tpu.memory_space<vmem>> -> memref<1x512xi32, #tpu.memory_space<vmem>>
        %dma_start3A_234 = tpu.memref_squeeze %dma_start3A_233 : memref<1x512xi32, #tpu.memory_space<vmem>> -> memref<512xi32, #tpu.memory_space<vmem>>
        %dma_start3A_235 = arith.constant 0 : i32
        %dma_start3A_236 = arith.constant 0 : i32
        %dma_start3A_237 = tpu.memref_slice %arg3[%dma_start3A_235, %dma_start3A_236] : memref<1000000x32xf32, #tpu.memory_space<hbm>> -> memref<1000000x32xf32, #tpu.memory_space<hbm>>
        tpu.enqueue_indirect_dma source(%dma_start3A_237 : memref<1000000x32xf32, #tpu.memory_space<hbm>>) target(%arg6 : memref<512x32xf32, #tpu.memory_space<vmem>>) offsets(%dma_start3A_234 : memref<512xi32, #tpu.memory_space<vmem>>) semaphore(%arg12 : memref<!tpu.dma_semaphore, #tpu.memory_space<semaphore_mem>>)
      } else {
      }
      %mul3A_159 = arith.constant 3 : i32
      %mul3A_160 = arith.muli %mul3A_159, %scan3A_126 : i32
      %add3A_161 = arith.constant 1 : i32
      %add3A_162 = arith.addi %mul3A_160, %add3A_161 : i32
      %ge3A_163 = arith.constant 1 : i32
      %ge3A_164 = arith.cmpi sge, %scan3A_126, %ge3A_163 : i32
      %add3A_165 = arith.constant 3 : i32
      %add3A_166 = arith.addi %add3A_162, %add3A_165 : i32
      %lt3A_167 = arith.constant 50 : i32
      %lt3A_168 = arith.cmpi slt, %add3A_166, %lt3A_167 : i32
      %dma_wait3A_169 = arith.constant 0 : i32
      %dma_wait3A_170 = tpu.memref_slice %arg5[%add3A_162, %dma_wait3A_169] : memref<50x512xi32, #tpu.memory_space<vmem>> -> memref<1x512xi32, #tpu.memory_space<vmem>>
      %dma_wait3A_171 = tpu.memref_squeeze %dma_wait3A_170 : memref<1x512xi32, #tpu.memory_space<vmem>> -> memref<512xi32, #tpu.memory_space<vmem>>
      %dma_wait3A_172 = arith.constant 0 : i32
      %dma_wait3A_173 = arith.constant 0 : i32
      %dma_wait3A_174 = tpu.memref_slice %arg3[%dma_wait3A_172, %dma_wait3A_173] : memref<1000000x32xf32, #tpu.memory_space<hbm>> -> memref<1000000x32xf32, #tpu.memory_space<hbm>>
      tpu.wait_indirect_dma semaphore(%arg13 : memref<!tpu.dma_semaphore, #tpu.memory_space<semaphore_mem>>) src(%dma_wait3A_174 : memref<1000000x32xf32, #tpu.memory_space<hbm>>) dst(%arg7 : memref<512x32xf32, #tpu.memory_space<vmem>>)
      %convert_element_type3A_175 = arith.extui %ge3A_164 : i1 to i32
      %cond3A_176 = arith.constant 0 : i32
      %cond3A_177 = arith.cmpi ne, %convert_element_type3A_175, %cond3A_176 : i32
      scf.if %cond3A_177 {
        %dma_wait3A_230 = arith.constant 0 : i32
        %dma_wait3A_231 = arith.constant 0 : i32
        %dma_wait3A_232 = arith.constant 0 : i32
        %dma_wait3A_233 = tpu.memref_slice %arg4[%add3A_162, %dma_wait3A_230, %mul3A_4, %dma_wait3A_231, %dma_wait3A_232] : memref<50x4x128x8x128xf32, #tpu.memory_space<hbm>> -> memref<1x4x4x8x128xf32, #tpu.memory_space<hbm>>
        %dma_wait3A_234 = tpu.memref_squeeze %dma_wait3A_233 : memref<1x4x4x8x128xf32, #tpu.memory_space<hbm>> -> memref<4x4x8x128xf32, #tpu.memory_space<hbm>>
        %dma_wait3A_235 = arith.constant 0 : i32
        %dma_wait3A_236 = arith.constant 0 : i32
        %dma_wait3A_237 = arith.constant 0 : i32
        %dma_wait3A_238 = tpu.memref_slice %arg4[%add3A_162, %dma_wait3A_235, %mul3A_4, %dma_wait3A_236, %dma_wait3A_237] : memref<50x4x128x8x128xf32, #tpu.memory_space<hbm>> -> memref<1x4x4x8x128xf32, #tpu.memory_space<hbm>>
        %dma_wait3A_239 = tpu.memref_squeeze %dma_wait3A_238 : memref<1x4x4x8x128xf32, #tpu.memory_space<hbm>> -> memref<4x4x8x128xf32, #tpu.memory_space<hbm>>
        tpu.wait_dma2 semaphore(%arg16 : memref<!tpu.dma_semaphore, #tpu.memory_space<semaphore_mem>>) src(%arg10 : memref<4x4x8x128xf32, #tpu.memory_space<vmem>>) dst(%dma_wait3A_239 : memref<4x4x8x128xf32, #tpu.memory_space<hbm>>)
      } else {
      }
      %parallel_loop3A_178 = arith.constant 0 : i32
      %parallel_loop3A_179 = arith.constant 128 : i32
      %parallel_loop3A_180 = arith.constant 1 : i32
      scf.for %parallel_loop3A_230 = %parallel_loop3A_178 to %parallel_loop3A_179 step %parallel_loop3A_180  : i32 {
        %parallel_loop3A_231 = arith.constant 4 : i32
        %parallel_loop3A_232 = arith.divsi %parallel_loop3A_230, %parallel_loop3A_231 : i32
        %parallel_loop3A_233 = arith.constant 0 : i32
        %parallel_loop3A_234 = arith.cmpi sgt, %parallel_loop3A_230, %parallel_loop3A_233 : i32
        %parallel_loop3A_235 = arith.extui %parallel_loop3A_234 : i1 to i32
        %parallel_loop3A_236 = arith.constant 0 : i32
        %parallel_loop3A_237 = arith.cmpi slt, %parallel_loop3A_230, %parallel_loop3A_236 : i32
        %parallel_loop3A_238 = arith.extui %parallel_loop3A_237 : i1 to i32
        %parallel_loop3A_239 = arith.subi %parallel_loop3A_235, %parallel_loop3A_238 : i32
        %parallel_loop3A_240 = arith.constant 0 : i32
        %parallel_loop3A_241 = arith.cmpi sgt, %parallel_loop3A_231, %parallel_loop3A_240 : i32
        %parallel_loop3A_242 = arith.extui %parallel_loop3A_241 : i1 to i32
        %parallel_loop3A_243 = arith.constant 0 : i32
        %parallel_loop3A_244 = arith.cmpi slt, %parallel_loop3A_231, %parallel_loop3A_243 : i32
        %parallel_loop3A_245 = arith.extui %parallel_loop3A_244 : i1 to i32
        %parallel_loop3A_246 = arith.subi %parallel_loop3A_242, %parallel_loop3A_245 : i32
        %parallel_loop3A_247 = arith.cmpi ne, %parallel_loop3A_239, %parallel_loop3A_246 : i32
        %parallel_loop3A_248 = arith.remsi %parallel_loop3A_230, %parallel_loop3A_231 : i32
        %parallel_loop3A_249 = arith.constant 0 : i32
        %parallel_loop3A_250 = arith.cmpi ne, %parallel_loop3A_248, %parallel_loop3A_249 : i32
        %parallel_loop3A_251 = arith.andi %parallel_loop3A_247, %parallel_loop3A_250 : i1
        %parallel_loop3A_252 = arith.constant 1 : i32
        %parallel_loop3A_253 = arith.subi %parallel_loop3A_232, %parallel_loop3A_252 : i32
        %parallel_loop3A_254 = arith.select %parallel_loop3A_251, %parallel_loop3A_253, %parallel_loop3A_232 : i32
        %parallel_loop3A_255 = arith.constant 4 : i32
        %parallel_loop3A_256 = arith.constant 0 : i32
        %parallel_loop3A_257 = arith.cmpi eq, %parallel_loop3A_255, %parallel_loop3A_256 : i32
        %parallel_loop3A_258 = arith.constant 1 : i32
        %parallel_loop3A_259 = arith.select %parallel_loop3A_257, %parallel_loop3A_258, %parallel_loop3A_255 : i32
        %parallel_loop3A_260 = arith.remsi %parallel_loop3A_230, %parallel_loop3A_259 : i32
        %parallel_loop3A_261 = arith.constant 0 : i32
        %parallel_loop3A_262 = arith.cmpi ne, %parallel_loop3A_260, %parallel_loop3A_261 : i32
        %parallel_loop3A_263 = arith.constant 0 : i32
        %parallel_loop3A_264 = arith.cmpi slt, %parallel_loop3A_260, %parallel_loop3A_263 : i32
        %parallel_loop3A_265 = arith.constant 0 : i32
        %parallel_loop3A_266 = arith.cmpi slt, %parallel_loop3A_259, %parallel_loop3A_265 : i32
        %parallel_loop3A_267 = arith.xori %parallel_loop3A_264, %parallel_loop3A_266 : i1
        %parallel_loop3A_268 = arith.andi %parallel_loop3A_267, %parallel_loop3A_262 : i1
        %parallel_loop3A_269 = arith.addi %parallel_loop3A_260, %parallel_loop3A_259 : i32
        %parallel_loop3A_270 = arith.select %parallel_loop3A_268, %parallel_loop3A_269, %parallel_loop3A_260 : i32
        %parallel_loop3A_271 = arith.constant 16 : i32
        %parallel_loop3A_272 = arith.muli %parallel_loop3A_254, %parallel_loop3A_271 : i32
        %parallel_loop3A_273 = vector.broadcast %parallel_loop3A_272 : i32 to vector<16xi32>
        %parallel_loop3A_274 = arith.addi %parallel_loop3A_273, %iota3A : vector<16xi32>
        %parallel_loop3A_275 = arith.constant 8 : i32
        %parallel_loop3A_276 = arith.divsi %parallel_loop3A_254, %parallel_loop3A_275 : i32
        %parallel_loop3A_277 = arith.constant 0 : i32
        %parallel_loop3A_278 = arith.cmpi sgt, %parallel_loop3A_254, %parallel_loop3A_277 : i32
        %parallel_loop3A_279 = arith.extui %parallel_loop3A_278 : i1 to i32
        %parallel_loop3A_280 = arith.constant 0 : i32
        %parallel_loop3A_281 = arith.cmpi slt, %parallel_loop3A_254, %parallel_loop3A_280 : i32
        %parallel_loop3A_282 = arith.extui %parallel_loop3A_281 : i1 to i32
        %parallel_loop3A_283 = arith.subi %parallel_loop3A_279, %parallel_loop3A_282 : i32
        %parallel_loop3A_284 = arith.constant 0 : i32
        %parallel_loop3A_285 = arith.cmpi sgt, %parallel_loop3A_275, %parallel_loop3A_284 : i32
        %parallel_loop3A_286 = arith.extui %parallel_loop3A_285 : i1 to i32
        %parallel_loop3A_287 = arith.constant 0 : i32
        %parallel_loop3A_288 = arith.cmpi slt, %parallel_loop3A_275, %parallel_loop3A_287 : i32
        %parallel_loop3A_289 = arith.extui %parallel_loop3A_288 : i1 to i32
        %parallel_loop3A_290 = arith.subi %parallel_loop3A_286, %parallel_loop3A_289 : i32
        %parallel_loop3A_291 = arith.cmpi ne, %parallel_loop3A_283, %parallel_loop3A_290 : i32
        %parallel_loop3A_292 = arith.remsi %parallel_loop3A_254, %parallel_loop3A_275 : i32
        %parallel_loop3A_293 = arith.constant 0 : i32
        %parallel_loop3A_294 = arith.cmpi ne, %parallel_loop3A_292, %parallel_loop3A_293 : i32
        %parallel_loop3A_295 = arith.andi %parallel_loop3A_291, %parallel_loop3A_294 : i1
        %parallel_loop3A_296 = arith.constant 1 : i32
        %parallel_loop3A_297 = arith.subi %parallel_loop3A_276, %parallel_loop3A_296 : i32
        %parallel_loop3A_298 = arith.select %parallel_loop3A_295, %parallel_loop3A_297, %parallel_loop3A_276 : i32
        %parallel_loop3A_299 = arith.constant 8 : i32
        %parallel_loop3A_300 = arith.constant 0 : i32
        %parallel_loop3A_301 = arith.cmpi eq, %parallel_loop3A_299, %parallel_loop3A_300 : i32
        %parallel_loop3A_302 = arith.constant 1 : i32
        %parallel_loop3A_303 = arith.select %parallel_loop3A_301, %parallel_loop3A_302, %parallel_loop3A_299 : i32
        %parallel_loop3A_304 = arith.remsi %parallel_loop3A_254, %parallel_loop3A_303 : i32
        %parallel_loop3A_305 = arith.constant 0 : i32
        %parallel_loop3A_306 = arith.cmpi ne, %parallel_loop3A_304, %parallel_loop3A_305 : i32
        %parallel_loop3A_307 = arith.constant 0 : i32
        %parallel_loop3A_308 = arith.cmpi slt, %parallel_loop3A_304, %parallel_loop3A_307 : i32
        %parallel_loop3A_309 = arith.constant 0 : i32
        %parallel_loop3A_310 = arith.cmpi slt, %parallel_loop3A_303, %parallel_loop3A_309 : i32
        %parallel_loop3A_311 = arith.xori %parallel_loop3A_308, %parallel_loop3A_310 : i1
        %parallel_loop3A_312 = arith.andi %parallel_loop3A_311, %parallel_loop3A_306 : i1
        %parallel_loop3A_313 = arith.addi %parallel_loop3A_304, %parallel_loop3A_303 : i32
        %parallel_loop3A_314 = arith.select %parallel_loop3A_312, %parallel_loop3A_313, %parallel_loop3A_304 : i32
        %parallel_loop3A_315 = arith.constant 16 : i32
        %parallel_loop3A_316 = arith.muli %parallel_loop3A_314, %parallel_loop3A_315 : i32
        %parallel_loop3A_317 = arith.constant 8 : i32
        %parallel_loop3A_318 = arith.muli %parallel_loop3A_270, %parallel_loop3A_317 : i32
        %parallel_loop3A_319 = arith.constant 0 : i32
        %parallel_loop3A_320 = arith.addi %parallel_loop3A_318, %parallel_loop3A_319 : i32
        %parallel_loop3A_321 = vector.broadcast %parallel_loop3A_320 : i32 to vector<16xi32>
        %parallel_loop3A_322 = tpu.vector_load_idx %arg7[%parallel_loop3A_274, %parallel_loop3A_321] : memref<512x32xf32, #tpu.memory_space<vmem>>[vector<16xi32>, vector<16xi32>], vector<16xf32>,
        %parallel_loop3A_323 = arith.constant 5.65685415 : f32
        %parallel_loop3A_324 = vector.broadcast %parallel_loop3A_323 : f32 to vector<16xf32>
        %parallel_loop3A_325 = arith.mulf %parallel_loop3A_322, %parallel_loop3A_324 : vector<16xf32>
        %parallel_loop3A_326 = arith.constant 0 : i32
        %parallel_loop3A_327 = arith.index_cast %parallel_loop3A_270 : i32 to index
        %parallel_loop3A_328 = arith.index_cast %parallel_loop3A_298 : i32 to index
        %parallel_loop3A_329 = arith.index_cast %parallel_loop3A_326 : i32 to index
        %parallel_loop3A_330 = arith.index_cast %parallel_loop3A_316 : i32 to index
        %parallel_loop3A_331 = tpu.vector_load %arg10[%parallel_loop3A_327, %parallel_loop3A_328, %parallel_loop3A_329, %parallel_loop3A_330] {strides = array<i32>} : memref<4x4x8x128xf32, #tpu.memory_space<vmem>>, vector<16xf32>,
        tpu.vector_store %arg10[%parallel_loop3A_327, %parallel_loop3A_328, %parallel_loop3A_329, %parallel_loop3A_330], %parallel_loop3A_325 {strides = array<i32>} : memref<4x4x8x128xf32, #tpu.memory_space<vmem>>, vector<16xf32>,
        %parallel_loop3A_332 = arith.constant 8 : i32
        %parallel_loop3A_333 = arith.muli %parallel_loop3A_270, %parallel_loop3A_332 : i32
        %parallel_loop3A_334 = arith.constant 1 : i32
        %parallel_loop3A_335 = arith.addi %parallel_loop3A_333, %parallel_loop3A_334 : i32
        %parallel_loop3A_336 = vector.broadcast %parallel_loop3A_335 : i32 to vector<16xi32>
        %parallel_loop3A_337 = tpu.vector_load_idx %arg7[%parallel_loop3A_274, %parallel_loop3A_336] : memref<512x32xf32, #tpu.memory_space<vmem>>[vector<16xi32>, vector<16xi32>], vector<16xf32>,
        %parallel_loop3A_338 = arith.constant 5.65685415 : f32
        %parallel_loop3A_339 = vector.broadcast %parallel_loop3A_338 : f32 to vector<16xf32>
        %parallel_loop3A_340 = arith.mulf %parallel_loop3A_337, %parallel_loop3A_339 : vector<16xf32>
        %parallel_loop3A_341 = arith.constant 1 : i32
        %parallel_loop3A_342 = arith.index_cast %parallel_loop3A_270 : i32 to index
        %parallel_loop3A_343 = arith.index_cast %parallel_loop3A_298 : i32 to index
        %parallel_loop3A_344 = arith.index_cast %parallel_loop3A_341 : i32 to index
        %parallel_loop3A_345 = arith.index_cast %parallel_loop3A_316 : i32 to index
        %parallel_loop3A_346 = tpu.vector_load %arg10[%parallel_loop3A_342, %parallel_loop3A_343, %parallel_loop3A_344, %parallel_loop3A_345] {strides = array<i32>} : memref<4x4x8x128xf32, #tpu.memory_space<vmem>>, vector<16xf32>,
        tpu.vector_store %arg10[%parallel_loop3A_342, %parallel_loop3A_343, %parallel_loop3A_344, %parallel_loop3A_345], %parallel_loop3A_340 {strides = array<i32>} : memref<4x4x8x128xf32, #tpu.memory_space<vmem>>, vector<16xf32>,
        %parallel_loop3A_347 = arith.constant 8 : i32
        %parallel_loop3A_348 = arith.muli %parallel_loop3A_270, %parallel_loop3A_347 : i32
        %parallel_loop3A_349 = arith.constant 2 : i32
        %parallel_loop3A_350 = arith.addi %parallel_loop3A_348, %parallel_loop3A_349 : i32
        %parallel_loop3A_351 = vector.broadcast %parallel_loop3A_350 : i32 to vector<16xi32>
        %parallel_loop3A_352 = tpu.vector_load_idx %arg7[%parallel_loop3A_274, %parallel_loop3A_351] : memref<512x32xf32, #tpu.memory_space<vmem>>[vector<16xi32>, vector<16xi32>], vector<16xf32>,
        %parallel_loop3A_353 = arith.constant 5.65685415 : f32
        %parallel_loop3A_354 = vector.broadcast %parallel_loop3A_353 : f32 to vector<16xf32>
        %parallel_loop3A_355 = arith.mulf %parallel_loop3A_352, %parallel_loop3A_354 : vector<16xf32>
        %parallel_loop3A_356 = arith.constant 2 : i32
        %parallel_loop3A_357 = arith.index_cast %parallel_loop3A_270 : i32 to index
        %parallel_loop3A_358 = arith.index_cast %parallel_loop3A_298 : i32 to index
        %parallel_loop3A_359 = arith.index_cast %parallel_loop3A_356 : i32 to index
        %parallel_loop3A_360 = arith.index_cast %parallel_loop3A_316 : i32 to index
        %parallel_loop3A_361 = tpu.vector_load %arg10[%parallel_loop3A_357, %parallel_loop3A_358, %parallel_loop3A_359, %parallel_loop3A_360] {strides = array<i32>} : memref<4x4x8x128xf32, #tpu.memory_space<vmem>>, vector<16xf32>,
        tpu.vector_store %arg10[%parallel_loop3A_357, %parallel_loop3A_358, %parallel_loop3A_359, %parallel_loop3A_360], %parallel_loop3A_355 {strides = array<i32>} : memref<4x4x8x128xf32, #tpu.memory_space<vmem>>, vector<16xf32>,
        %parallel_loop3A_362 = arith.constant 8 : i32
        %parallel_loop3A_363 = arith.muli %parallel_loop3A_270, %parallel_loop3A_362 : i32
        %parallel_loop3A_364 = arith.constant 3 : i32
        %parallel_loop3A_365 = arith.addi %parallel_loop3A_363, %parallel_loop3A_364 : i32
        %parallel_loop3A_366 = vector.broadcast %parallel_loop3A_365 : i32 to vector<16xi32>
        %parallel_loop3A_367 = tpu.vector_load_idx %arg7[%parallel_loop3A_274, %parallel_loop3A_366] : memref<512x32xf32, #tpu.memory_space<vmem>>[vector<16xi32>, vector<16xi32>], vector<16xf32>,
        %parallel_loop3A_368 = arith.constant 5.65685415 : f32
        %parallel_loop3A_369 = vector.broadcast %parallel_loop3A_368 : f32 to vector<16xf32>
        %parallel_loop3A_370 = arith.mulf %parallel_loop3A_367, %parallel_loop3A_369 : vector<16xf32>
        %parallel_loop3A_371 = arith.constant 3 : i32
        %parallel_loop3A_372 = arith.index_cast %parallel_loop3A_270 : i32 to index
        %parallel_loop3A_373 = arith.index_cast %parallel_loop3A_298 : i32 to index
        %parallel_loop3A_374 = arith.index_cast %parallel_loop3A_371 : i32 to index
        %parallel_loop3A_375 = arith.index_cast %parallel_loop3A_316 : i32 to index
        %parallel_loop3A_376 = tpu.vector_load %arg10[%parallel_loop3A_372, %parallel_loop3A_373, %parallel_loop3A_374, %parallel_loop3A_375] {strides = array<i32>} : memref<4x4x8x128xf32, #tpu.memory_space<vmem>>, vector<16xf32>,
        tpu.vector_store %arg10[%parallel_loop3A_372, %parallel_loop3A_373, %parallel_loop3A_374, %parallel_loop3A_375], %parallel_loop3A_370 {strides = array<i32>} : memref<4x4x8x128xf32, #tpu.memory_space<vmem>>, vector<16xf32>,
        %parallel_loop3A_377 = arith.constant 8 : i32
        %parallel_loop3A_378 = arith.muli %parallel_loop3A_270, %parallel_loop3A_377 : i32
        %parallel_loop3A_379 = arith.constant 4 : i32
        %parallel_loop3A_380 = arith.addi %parallel_loop3A_378, %parallel_loop3A_379 : i32
        %parallel_loop3A_381 = vector.broadcast %parallel_loop3A_380 : i32 to vector<16xi32>
        %parallel_loop3A_382 = tpu.vector_load_idx %arg7[%parallel_loop3A_274, %parallel_loop3A_381] : memref<512x32xf32, #tpu.memory_space<vmem>>[vector<16xi32>, vector<16xi32>], vector<16xf32>,
        %parallel_loop3A_383 = arith.constant 5.65685415 : f32
        %parallel_loop3A_384 = vector.broadcast %parallel_loop3A_383 : f32 to vector<16xf32>
        %parallel_loop3A_385 = arith.mulf %parallel_loop3A_382, %parallel_loop3A_384 : vector<16xf32>
        %parallel_loop3A_386 = arith.constant 4 : i32
        %parallel_loop3A_387 = arith.index_cast %parallel_loop3A_270 : i32 to index
        %parallel_loop3A_388 = arith.index_cast %parallel_loop3A_298 : i32 to index
        %parallel_loop3A_389 = arith.index_cast %parallel_loop3A_386 : i32 to index
        %parallel_loop3A_390 = arith.index_cast %parallel_loop3A_316 : i32 to index
        %parallel_loop3A_391 = tpu.vector_load %arg10[%parallel_loop3A_387, %parallel_loop3A_388, %parallel_loop3A_389, %parallel_loop3A_390] {strides = array<i32>} : memref<4x4x8x128xf32, #tpu.memory_space<vmem>>, vector<16xf32>,
        tpu.vector_store %arg10[%parallel_loop3A_387, %parallel_loop3A_388, %parallel_loop3A_389, %parallel_loop3A_390], %parallel_loop3A_385 {strides = array<i32>} : memref<4x4x8x128xf32, #tpu.memory_space<vmem>>, vector<16xf32>,
        %parallel_loop3A_392 = arith.constant 8 : i32
        %parallel_loop3A_393 = arith.muli %parallel_loop3A_270, %parallel_loop3A_392 : i32
        %parallel_loop3A_394 = arith.constant 5 : i32
        %parallel_loop3A_395 = arith.addi %parallel_loop3A_393, %parallel_loop3A_394 : i32
        %parallel_loop3A_396 = vector.broadcast %parallel_loop3A_395 : i32 to vector<16xi32>
        %parallel_loop3A_397 = tpu.vector_load_idx %arg7[%parallel_loop3A_274, %parallel_loop3A_396] : memref<512x32xf32, #tpu.memory_space<vmem>>[vector<16xi32>, vector<16xi32>], vector<16xf32>,
        %parallel_loop3A_398 = arith.constant 5.65685415 : f32
        %parallel_loop3A_399 = vector.broadcast %parallel_loop3A_398 : f32 to vector<16xf32>
        %parallel_loop3A_400 = arith.mulf %parallel_loop3A_397, %parallel_loop3A_399 : vector<16xf32>
        %parallel_loop3A_401 = arith.constant 5 : i32
        %parallel_loop3A_402 = arith.index_cast %parallel_loop3A_270 : i32 to index
        %parallel_loop3A_403 = arith.index_cast %parallel_loop3A_298 : i32 to index
        %parallel_loop3A_404 = arith.index_cast %parallel_loop3A_401 : i32 to index
        %parallel_loop3A_405 = arith.index_cast %parallel_loop3A_316 : i32 to index
        %parallel_loop3A_406 = tpu.vector_load %arg10[%parallel_loop3A_402, %parallel_loop3A_403, %parallel_loop3A_404, %parallel_loop3A_405] {strides = array<i32>} : memref<4x4x8x128xf32, #tpu.memory_space<vmem>>, vector<16xf32>,
        tpu.vector_store %arg10[%parallel_loop3A_402, %parallel_loop3A_403, %parallel_loop3A_404, %parallel_loop3A_405], %parallel_loop3A_400 {strides = array<i32>} : memref<4x4x8x128xf32, #tpu.memory_space<vmem>>, vector<16xf32>,
        %parallel_loop3A_407 = arith.constant 8 : i32
        %parallel_loop3A_408 = arith.muli %parallel_loop3A_270, %parallel_loop3A_407 : i32
        %parallel_loop3A_409 = arith.constant 6 : i32
        %parallel_loop3A_410 = arith.addi %parallel_loop3A_408, %parallel_loop3A_409 : i32
        %parallel_loop3A_411 = vector.broadcast %parallel_loop3A_410 : i32 to vector<16xi32>
        %parallel_loop3A_412 = tpu.vector_load_idx %arg7[%parallel_loop3A_274, %parallel_loop3A_411] : memref<512x32xf32, #tpu.memory_space<vmem>>[vector<16xi32>, vector<16xi32>], vector<16xf32>,
        %parallel_loop3A_413 = arith.constant 5.65685415 : f32
        %parallel_loop3A_414 = vector.broadcast %parallel_loop3A_413 : f32 to vector<16xf32>
        %parallel_loop3A_415 = arith.mulf %parallel_loop3A_412, %parallel_loop3A_414 : vector<16xf32>
        %parallel_loop3A_416 = arith.constant 6 : i32
        %parallel_loop3A_417 = arith.index_cast %parallel_loop3A_270 : i32 to index
        %parallel_loop3A_418 = arith.index_cast %parallel_loop3A_298 : i32 to index
        %parallel_loop3A_419 = arith.index_cast %parallel_loop3A_416 : i32 to index
        %parallel_loop3A_420 = arith.index_cast %parallel_loop3A_316 : i32 to index
        %parallel_loop3A_421 = tpu.vector_load %arg10[%parallel_loop3A_417, %parallel_loop3A_418, %parallel_loop3A_419, %parallel_loop3A_420] {strides = array<i32>} : memref<4x4x8x128xf32, #tpu.memory_space<vmem>>, vector<16xf32>,
        tpu.vector_store %arg10[%parallel_loop3A_417, %parallel_loop3A_418, %parallel_loop3A_419, %parallel_loop3A_420], %parallel_loop3A_415 {strides = array<i32>} : memref<4x4x8x128xf32, #tpu.memory_space<vmem>>, vector<16xf32>,
        %parallel_loop3A_422 = arith.constant 8 : i32
        %parallel_loop3A_423 = arith.muli %parallel_loop3A_270, %parallel_loop3A_422 : i32
        %parallel_loop3A_424 = arith.constant 7 : i32
        %parallel_loop3A_425 = arith.addi %parallel_loop3A_423, %parallel_loop3A_424 : i32
        %parallel_loop3A_426 = vector.broadcast %parallel_loop3A_425 : i32 to vector<16xi32>
        %parallel_loop3A_427 = tpu.vector_load_idx %arg7[%parallel_loop3A_274, %parallel_loop3A_426] : memref<512x32xf32, #tpu.memory_space<vmem>>[vector<16xi32>, vector<16xi32>], vector<16xf32>,
        %parallel_loop3A_428 = arith.constant 5.65685415 : f32
        %parallel_loop3A_429 = vector.broadcast %parallel_loop3A_428 : f32 to vector<16xf32>
        %parallel_loop3A_430 = arith.mulf %parallel_loop3A_427, %parallel_loop3A_429 : vector<16xf32>
        %parallel_loop3A_431 = arith.constant 7 : i32
        %parallel_loop3A_432 = arith.index_cast %parallel_loop3A_270 : i32 to index
        %parallel_loop3A_433 = arith.index_cast %parallel_loop3A_298 : i32 to index
        %parallel_loop3A_434 = arith.index_cast %parallel_loop3A_431 : i32 to index
        %parallel_loop3A_435 = arith.index_cast %parallel_loop3A_316 : i32 to index
        %parallel_loop3A_436 = tpu.vector_load %arg10[%parallel_loop3A_432, %parallel_loop3A_433, %parallel_loop3A_434, %parallel_loop3A_435] {strides = array<i32>} : memref<4x4x8x128xf32, #tpu.memory_space<vmem>>, vector<16xf32>,
        tpu.vector_store %arg10[%parallel_loop3A_432, %parallel_loop3A_433, %parallel_loop3A_434, %parallel_loop3A_435], %parallel_loop3A_430 {strides = array<i32>} : memref<4x4x8x128xf32, #tpu.memory_space<vmem>>, vector<16xf32>,
      } {sc.loop_unroll_factor = 4 : i64, sc.parallel_access}
      %dma_start3A_181 = arith.constant 0 : i32
      %dma_start3A_182 = arith.constant 0 : i32
      %dma_start3A_183 = arith.constant 0 : i32
      %dma_start3A_184 = tpu.memref_slice %arg4[%add3A_162, %dma_start3A_181, %mul3A_4, %dma_start3A_182, %dma_start3A_183] : memref<50x4x128x8x128xf32, #tpu.memory_space<hbm>> -> memref<1x4x4x8x128xf32, #tpu.memory_space<hbm>>
      %dma_start3A_185 = tpu.memref_squeeze %dma_start3A_184 : memref<1x4x4x8x128xf32, #tpu.memory_space<hbm>> -> memref<4x4x8x128xf32, #tpu.memory_space<hbm>>
      %dma_start3A_186 = arith.constant 0 : i32
      %dma_start3A_187 = arith.constant 0 : i32
      %dma_start3A_188 = arith.constant 0 : i32
      %dma_start3A_189 = tpu.memref_slice %arg4[%add3A_162, %dma_start3A_186, %mul3A_4, %dma_start3A_187, %dma_start3A_188] : memref<50x4x128x8x128xf32, #tpu.memory_space<hbm>> -> memref<1x4x4x8x128xf32, #tpu.memory_space<hbm>>
      %dma_start3A_190 = tpu.memref_squeeze %dma_start3A_189 : memref<1x4x4x8x128xf32, #tpu.memory_space<hbm>> -> memref<4x4x8x128xf32, #tpu.memory_space<hbm>>
      tpu.enqueue_dma source(%arg10 : memref<4x4x8x128xf32, #tpu.memory_space<vmem>>) target(%dma_start3A_190 : memref<4x4x8x128xf32, #tpu.memory_space<hbm>>) target_semaphore(%arg16 : memref<!tpu.dma_semaphore, #tpu.memory_space<semaphore_mem>>)
      %convert_element_type3A_191 = arith.extui %lt3A_168 : i1 to i32
      %cond3A_192 = arith.constant 0 : i32
      %cond3A_193 = arith.cmpi ne, %convert_element_type3A_191, %cond3A_192 : i32
      scf.if %cond3A_193 {
        %add3A_230 = arith.constant 3 : i32
        %add3A_231 = arith.addi %add3A_162, %add3A_230 : i32
        %dma_start3A_232 = arith.constant 0 : i32
        %dma_start3A_233 = tpu.memref_slice %arg5[%add3A_231, %dma_start3A_232] : memref<50x512xi32, #tpu.memory_space<vmem>> -> memref<1x512xi32, #tpu.memory_space<vmem>>
        %dma_start3A_234 = tpu.memref_squeeze %dma_start3A_233 : memref<1x512xi32, #tpu.memory_space<vmem>> -> memref<512xi32, #tpu.memory_space<vmem>>
        %dma_start3A_235 = arith.constant 0 : i32
        %dma_start3A_236 = arith.constant 0 : i32
        %dma_start3A_237 = tpu.memref_slice %arg3[%dma_start3A_235, %dma_start3A_236] : memref<1000000x32xf32, #tpu.memory_space<hbm>> -> memref<1000000x32xf32, #tpu.memory_space<hbm>>
        tpu.enqueue_indirect_dma source(%dma_start3A_237 : memref<1000000x32xf32, #tpu.memory_space<hbm>>) target(%arg7 : memref<512x32xf32, #tpu.memory_space<vmem>>) offsets(%dma_start3A_234 : memref<512xi32, #tpu.memory_space<vmem>>) semaphore(%arg13 : memref<!tpu.dma_semaphore, #tpu.memory_space<semaphore_mem>>)
      } else {
      }
      %mul3A_194 = arith.constant 3 : i32
      %mul3A_195 = arith.muli %mul3A_194, %scan3A_126 : i32
      %add3A_196 = arith.constant 2 : i32
      %add3A_197 = arith.addi %mul3A_195, %add3A_196 : i32
      %ge3A_198 = arith.constant 1 : i32
      %ge3A_199 = arith.cmpi sge, %scan3A_126, %ge3A_198 : i32
      %add3A_200 = arith.constant 3 : i32
      %add3A_201 = arith.addi %add3A_197, %add3A_200 : i32
      %lt3A_202 = arith.constant 50 : i32
      %lt3A_203 = arith.cmpi slt, %add3A_201, %lt3A_202 : i32
      %dma_wait3A_204 = arith.constant 0 : i32
      %dma_wait3A_205 = tpu.memref_slice %arg5[%add3A_197, %dma_wait3A_204] : memref<50x512xi32, #tpu.memory_space<vmem>> -> memref<1x512xi32, #tpu.memory_space<vmem>>
      %dma_wait3A_206 = tpu.memref_squeeze %dma_wait3A_205 : memref<1x512xi32, #tpu.memory_space<vmem>> -> memref<512xi32, #tpu.memory_space<vmem>>
      %dma_wait3A_207 = arith.constant 0 : i32
      %dma_wait3A_208 = arith.constant 0 : i32
      %dma_wait3A_209 = tpu.memref_slice %arg3[%dma_wait3A_207, %dma_wait3A_208] : memref<1000000x32xf32, #tpu.memory_space<hbm>> -> memref<1000000x32xf32, #tpu.memory_space<hbm>>
      tpu.wait_indirect_dma semaphore(%arg14 : memref<!tpu.dma_semaphore, #tpu.memory_space<semaphore_mem>>) src(%dma_wait3A_209 : memref<1000000x32xf32, #tpu.memory_space<hbm>>) dst(%arg8 : memref<512x32xf32, #tpu.memory_space<vmem>>)
      %convert_element_type3A_210 = arith.extui %ge3A_199 : i1 to i32
      %cond3A_211 = arith.constant 0 : i32
      %cond3A_212 = arith.cmpi ne, %convert_element_type3A_210, %cond3A_211 : i32
      scf.if %cond3A_212 {
        %dma_wait3A_230 = arith.constant 0 : i32
        %dma_wait3A_231 = arith.constant 0 : i32
        %dma_wait3A_232 = arith.constant 0 : i32
        %dma_wait3A_233 = tpu.memref_slice %arg4[%add3A_197, %dma_wait3A_230, %mul3A_4, %dma_wait3A_231, %dma_wait3A_232] : memref<50x4x128x8x128xf32, #tpu.memory_space<hbm>> -> memref<1x4x4x8x128xf32, #tpu.memory_space<hbm>>
        %dma_wait3A_234 = tpu.memref_squeeze %dma_wait3A_233 : memref<1x4x4x8x128xf32, #tpu.memory_space<hbm>> -> memref<4x4x8x128xf32, #tpu.memory_space<hbm>>
        %dma_wait3A_235 = arith.constant 0 : i32
        %dma_wait3A_236 = arith.constant 0 : i32
        %dma_wait3A_237 = arith.constant 0 : i32
        %dma_wait3A_238 = tpu.memref_slice %arg4[%add3A_197, %dma_wait3A_235, %mul3A_4, %dma_wait3A_236, %dma_wait3A_237] : memref<50x4x128x8x128xf32, #tpu.memory_space<hbm>> -> memref<1x4x4x8x128xf32, #tpu.memory_space<hbm>>
        %dma_wait3A_239 = tpu.memref_squeeze %dma_wait3A_238 : memref<1x4x4x8x128xf32, #tpu.memory_space<hbm>> -> memref<4x4x8x128xf32, #tpu.memory_space<hbm>>
        tpu.wait_dma2 semaphore(%arg17 : memref<!tpu.dma_semaphore, #tpu.memory_space<semaphore_mem>>) src(%arg11 : memref<4x4x8x128xf32, #tpu.memory_space<vmem>>) dst(%dma_wait3A_239 : memref<4x4x8x128xf32, #tpu.memory_space<hbm>>)
      } else {
      }
      %parallel_loop3A_213 = arith.constant 0 : i32
      %parallel_loop3A_214 = arith.constant 128 : i32
      %parallel_loop3A_215 = arith.constant 1 : i32
      scf.for %parallel_loop3A_230 = %parallel_loop3A_213 to %parallel_loop3A_214 step %parallel_loop3A_215  : i32 {
        %parallel_loop3A_231 = arith.constant 4 : i32
        %parallel_loop3A_232 = arith.divsi %parallel_loop3A_230, %parallel_loop3A_231 : i32
        %parallel_loop3A_233 = arith.constant 0 : i32
        %parallel_loop3A_234 = arith.cmpi sgt, %parallel_loop3A_230, %parallel_loop3A_233 : i32
        %parallel_loop3A_235 = arith.extui %parallel_loop3A_234 : i1 to i32
        %parallel_loop3A_236 = arith.constant 0 : i32
        %parallel_loop3A_237 = arith.cmpi slt, %parallel_loop3A_230, %parallel_loop3A_236 : i32
        %parallel_loop3A_238 = arith.extui %parallel_loop3A_237 : i1 to i32
        %parallel_loop3A_239 = arith.subi %parallel_loop3A_235, %parallel_loop3A_238 : i32
        %parallel_loop3A_240 = arith.constant 0 : i32
        %parallel_loop3A_241 = arith.cmpi sgt, %parallel_loop3A_231, %parallel_loop3A_240 : i32
        %parallel_loop3A_242 = arith.extui %parallel_loop3A_241 : i1 to i32
        %parallel_loop3A_243 = arith.constant 0 : i32
        %parallel_loop3A_244 = arith.cmpi slt, %parallel_loop3A_231, %parallel_loop3A_243 : i32
        %parallel_loop3A_245 = arith.extui %parallel_loop3A_244 : i1 to i32
        %parallel_loop3A_246 = arith.subi %parallel_loop3A_242, %parallel_loop3A_245 : i32
        %parallel_loop3A_247 = arith.cmpi ne, %parallel_loop3A_239, %parallel_loop3A_246 : i32
        %parallel_loop3A_248 = arith.remsi %parallel_loop3A_230, %parallel_loop3A_231 : i32
        %parallel_loop3A_249 = arith.constant 0 : i32
        %parallel_loop3A_250 = arith.cmpi ne, %parallel_loop3A_248, %parallel_loop3A_249 : i32
        %parallel_loop3A_251 = arith.andi %parallel_loop3A_247, %parallel_loop3A_250 : i1
        %parallel_loop3A_252 = arith.constant 1 : i32
        %parallel_loop3A_253 = arith.subi %parallel_loop3A_232, %parallel_loop3A_252 : i32
        %parallel_loop3A_254 = arith.select %parallel_loop3A_251, %parallel_loop3A_253, %parallel_loop3A_232 : i32
        %parallel_loop3A_255 = arith.constant 4 : i32
        %parallel_loop3A_256 = arith.constant 0 : i32
        %parallel_loop3A_257 = arith.cmpi eq, %parallel_loop3A_255, %parallel_loop3A_256 : i32
        %parallel_loop3A_258 = arith.constant 1 : i32
        %parallel_loop3A_259 = arith.select %parallel_loop3A_257, %parallel_loop3A_258, %parallel_loop3A_255 : i32
        %parallel_loop3A_260 = arith.remsi %parallel_loop3A_230, %parallel_loop3A_259 : i32
        %parallel_loop3A_261 = arith.constant 0 : i32
        %parallel_loop3A_262 = arith.cmpi ne, %parallel_loop3A_260, %parallel_loop3A_261 : i32
        %parallel_loop3A_263 = arith.constant 0 : i32
        %parallel_loop3A_264 = arith.cmpi slt, %parallel_loop3A_260, %parallel_loop3A_263 : i32
        %parallel_loop3A_265 = arith.constant 0 : i32
        %parallel_loop3A_266 = arith.cmpi slt, %parallel_loop3A_259, %parallel_loop3A_265 : i32
        %parallel_loop3A_267 = arith.xori %parallel_loop3A_264, %parallel_loop3A_266 : i1
        %parallel_loop3A_268 = arith.andi %parallel_loop3A_267, %parallel_loop3A_262 : i1
        %parallel_loop3A_269 = arith.addi %parallel_loop3A_260, %parallel_loop3A_259 : i32
        %parallel_loop3A_270 = arith.select %parallel_loop3A_268, %parallel_loop3A_269, %parallel_loop3A_260 : i32
        %parallel_loop3A_271 = arith.constant 16 : i32
        %parallel_loop3A_272 = arith.muli %parallel_loop3A_254, %parallel_loop3A_271 : i32
        %parallel_loop3A_273 = vector.broadcast %parallel_loop3A_272 : i32 to vector<16xi32>
        %parallel_loop3A_274 = arith.addi %parallel_loop3A_273, %iota3A : vector<16xi32>
        %parallel_loop3A_275 = arith.constant 8 : i32
        %parallel_loop3A_276 = arith.divsi %parallel_loop3A_254, %parallel_loop3A_275 : i32
        %parallel_loop3A_277 = arith.constant 0 : i32
        %parallel_loop3A_278 = arith.cmpi sgt, %parallel_loop3A_254, %parallel_loop3A_277 : i32
        %parallel_loop3A_279 = arith.extui %parallel_loop3A_278 : i1 to i32
        %parallel_loop3A_280 = arith.constant 0 : i32
        %parallel_loop3A_281 = arith.cmpi slt, %parallel_loop3A_254, %parallel_loop3A_280 : i32
        %parallel_loop3A_282 = arith.extui %parallel_loop3A_281 : i1 to i32
        %parallel_loop3A_283 = arith.subi %parallel_loop3A_279, %parallel_loop3A_282 : i32
        %parallel_loop3A_284 = arith.constant 0 : i32
        %parallel_loop3A_285 = arith.cmpi sgt, %parallel_loop3A_275, %parallel_loop3A_284 : i32
        %parallel_loop3A_286 = arith.extui %parallel_loop3A_285 : i1 to i32
        %parallel_loop3A_287 = arith.constant 0 : i32
        %parallel_loop3A_288 = arith.cmpi slt, %parallel_loop3A_275, %parallel_loop3A_287 : i32
        %parallel_loop3A_289 = arith.extui %parallel_loop3A_288 : i1 to i32
        %parallel_loop3A_290 = arith.subi %parallel_loop3A_286, %parallel_loop3A_289 : i32
        %parallel_loop3A_291 = arith.cmpi ne, %parallel_loop3A_283, %parallel_loop3A_290 : i32
        %parallel_loop3A_292 = arith.remsi %parallel_loop3A_254, %parallel_loop3A_275 : i32
        %parallel_loop3A_293 = arith.constant 0 : i32
        %parallel_loop3A_294 = arith.cmpi ne, %parallel_loop3A_292, %parallel_loop3A_293 : i32
        %parallel_loop3A_295 = arith.andi %parallel_loop3A_291, %parallel_loop3A_294 : i1
        %parallel_loop3A_296 = arith.constant 1 : i32
        %parallel_loop3A_297 = arith.subi %parallel_loop3A_276, %parallel_loop3A_296 : i32
        %parallel_loop3A_298 = arith.select %parallel_loop3A_295, %parallel_loop3A_297, %parallel_loop3A_276 : i32
        %parallel_loop3A_299 = arith.constant 8 : i32
        %parallel_loop3A_300 = arith.constant 0 : i32
        %parallel_loop3A_301 = arith.cmpi eq, %parallel_loop3A_299, %parallel_loop3A_300 : i32
        %parallel_loop3A_302 = arith.constant 1 : i32
        %parallel_loop3A_303 = arith.select %parallel_loop3A_301, %parallel_loop3A_302, %parallel_loop3A_299 : i32
        %parallel_loop3A_304 = arith.remsi %parallel_loop3A_254, %parallel_loop3A_303 : i32
        %parallel_loop3A_305 = arith.constant 0 : i32
        %parallel_loop3A_306 = arith.cmpi ne, %parallel_loop3A_304, %parallel_loop3A_305 : i32
        %parallel_loop3A_307 = arith.constant 0 : i32
        %parallel_loop3A_308 = arith.cmpi slt, %parallel_loop3A_304, %parallel_loop3A_307 : i32
        %parallel_loop3A_309 = arith.constant 0 : i32
        %parallel_loop3A_310 = arith.cmpi slt, %parallel_loop3A_303, %parallel_loop3A_309 : i32
        %parallel_loop3A_311 = arith.xori %parallel_loop3A_308, %parallel_loop3A_310 : i1
        %parallel_loop3A_312 = arith.andi %parallel_loop3A_311, %parallel_loop3A_306 : i1
        %parallel_loop3A_313 = arith.addi %parallel_loop3A_304, %parallel_loop3A_303 : i32
        %parallel_loop3A_314 = arith.select %parallel_loop3A_312, %parallel_loop3A_313, %parallel_loop3A_304 : i32
        %parallel_loop3A_315 = arith.constant 16 : i32
        %parallel_loop3A_316 = arith.muli %parallel_loop3A_314, %parallel_loop3A_315 : i32
        %parallel_loop3A_317 = arith.constant 8 : i32
        %parallel_loop3A_318 = arith.muli %parallel_loop3A_270, %parallel_loop3A_317 : i32
        %parallel_loop3A_319 = arith.constant 0 : i32
        %parallel_loop3A_320 = arith.addi %parallel_loop3A_318, %parallel_loop3A_319 : i32
        %parallel_loop3A_321 = vector.broadcast %parallel_loop3A_320 : i32 to vector<16xi32>
        %parallel_loop3A_322 = tpu.vector_load_idx %arg8[%parallel_loop3A_274, %parallel_loop3A_321] : memref<512x32xf32, #tpu.memory_space<vmem>>[vector<16xi32>, vector<16xi32>], vector<16xf32>,
        %parallel_loop3A_323 = arith.constant 5.65685415 : f32
        %parallel_loop3A_324 = vector.broadcast %parallel_loop3A_323 : f32 to vector<16xf32>
        %parallel_loop3A_325 = arith.mulf %parallel_loop3A_322, %parallel_loop3A_324 : vector<16xf32>
        %parallel_loop3A_326 = arith.constant 0 : i32
        %parallel_loop3A_327 = arith.index_cast %parallel_loop3A_270 : i32 to index
        %parallel_loop3A_328 = arith.index_cast %parallel_loop3A_298 : i32 to index
        %parallel_loop3A_329 = arith.index_cast %parallel_loop3A_326 : i32 to index
        %parallel_loop3A_330 = arith.index_cast %parallel_loop3A_316 : i32 to index
        %parallel_loop3A_331 = tpu.vector_load %arg11[%parallel_loop3A_327, %parallel_loop3A_328, %parallel_loop3A_329, %parallel_loop3A_330] {strides = array<i32>} : memref<4x4x8x128xf32, #tpu.memory_space<vmem>>, vector<16xf32>,
        tpu.vector_store %arg11[%parallel_loop3A_327, %parallel_loop3A_328, %parallel_loop3A_329, %parallel_loop3A_330], %parallel_loop3A_325 {strides = array<i32>} : memref<4x4x8x128xf32, #tpu.memory_space<vmem>>, vector<16xf32>,
        %parallel_loop3A_332 = arith.constant 8 : i32
        %parallel_loop3A_333 = arith.muli %parallel_loop3A_270, %parallel_loop3A_332 : i32
        %parallel_loop3A_334 = arith.constant 1 : i32
        %parallel_loop3A_335 = arith.addi %parallel_loop3A_333, %parallel_loop3A_334 : i32
        %parallel_loop3A_336 = vector.broadcast %parallel_loop3A_335 : i32 to vector<16xi32>
        %parallel_loop3A_337 = tpu.vector_load_idx %arg8[%parallel_loop3A_274, %parallel_loop3A_336] : memref<512x32xf32, #tpu.memory_space<vmem>>[vector<16xi32>, vector<16xi32>], vector<16xf32>,
        %parallel_loop3A_338 = arith.constant 5.65685415 : f32
        %parallel_loop3A_339 = vector.broadcast %parallel_loop3A_338 : f32 to vector<16xf32>
        %parallel_loop3A_340 = arith.mulf %parallel_loop3A_337, %parallel_loop3A_339 : vector<16xf32>
        %parallel_loop3A_341 = arith.constant 1 : i32
        %parallel_loop3A_342 = arith.index_cast %parallel_loop3A_270 : i32 to index
        %parallel_loop3A_343 = arith.index_cast %parallel_loop3A_298 : i32 to index
        %parallel_loop3A_344 = arith.index_cast %parallel_loop3A_341 : i32 to index
        %parallel_loop3A_345 = arith.index_cast %parallel_loop3A_316 : i32 to index
        %parallel_loop3A_346 = tpu.vector_load %arg11[%parallel_loop3A_342, %parallel_loop3A_343, %parallel_loop3A_344, %parallel_loop3A_345] {strides = array<i32>} : memref<4x4x8x128xf32, #tpu.memory_space<vmem>>, vector<16xf32>,
        tpu.vector_store %arg11[%parallel_loop3A_342, %parallel_loop3A_343, %parallel_loop3A_344, %parallel_loop3A_345], %parallel_loop3A_340 {strides = array<i32>} : memref<4x4x8x128xf32, #tpu.memory_space<vmem>>, vector<16xf32>,
        %parallel_loop3A_347 = arith.constant 8 : i32
        %parallel_loop3A_348 = arith.muli %parallel_loop3A_270, %parallel_loop3A_347 : i32
        %parallel_loop3A_349 = arith.constant 2 : i32
        %parallel_loop3A_350 = arith.addi %parallel_loop3A_348, %parallel_loop3A_349 : i32
        %parallel_loop3A_351 = vector.broadcast %parallel_loop3A_350 : i32 to vector<16xi32>
        %parallel_loop3A_352 = tpu.vector_load_idx %arg8[%parallel_loop3A_274, %parallel_loop3A_351] : memref<512x32xf32, #tpu.memory_space<vmem>>[vector<16xi32>, vector<16xi32>], vector<16xf32>,
        %parallel_loop3A_353 = arith.constant 5.65685415 : f32
        %parallel_loop3A_354 = vector.broadcast %parallel_loop3A_353 : f32 to vector<16xf32>
        %parallel_loop3A_355 = arith.mulf %parallel_loop3A_352, %parallel_loop3A_354 : vector<16xf32>
        %parallel_loop3A_356 = arith.constant 2 : i32
        %parallel_loop3A_357 = arith.index_cast %parallel_loop3A_270 : i32 to index
        %parallel_loop3A_358 = arith.index_cast %parallel_loop3A_298 : i32 to index
        %parallel_loop3A_359 = arith.index_cast %parallel_loop3A_356 : i32 to index
        %parallel_loop3A_360 = arith.index_cast %parallel_loop3A_316 : i32 to index
        %parallel_loop3A_361 = tpu.vector_load %arg11[%parallel_loop3A_357, %parallel_loop3A_358, %parallel_loop3A_359, %parallel_loop3A_360] {strides = array<i32>} : memref<4x4x8x128xf32, #tpu.memory_space<vmem>>, vector<16xf32>,
        tpu.vector_store %arg11[%parallel_loop3A_357, %parallel_loop3A_358, %parallel_loop3A_359, %parallel_loop3A_360], %parallel_loop3A_355 {strides = array<i32>} : memref<4x4x8x128xf32, #tpu.memory_space<vmem>>, vector<16xf32>,
        %parallel_loop3A_362 = arith.constant 8 : i32
        %parallel_loop3A_363 = arith.muli %parallel_loop3A_270, %parallel_loop3A_362 : i32
        %parallel_loop3A_364 = arith.constant 3 : i32
        %parallel_loop3A_365 = arith.addi %parallel_loop3A_363, %parallel_loop3A_364 : i32
        %parallel_loop3A_366 = vector.broadcast %parallel_loop3A_365 : i32 to vector<16xi32>
        %parallel_loop3A_367 = tpu.vector_load_idx %arg8[%parallel_loop3A_274, %parallel_loop3A_366] : memref<512x32xf32, #tpu.memory_space<vmem>>[vector<16xi32>, vector<16xi32>], vector<16xf32>,
        %parallel_loop3A_368 = arith.constant 5.65685415 : f32
        %parallel_loop3A_369 = vector.broadcast %parallel_loop3A_368 : f32 to vector<16xf32>
        %parallel_loop3A_370 = arith.mulf %parallel_loop3A_367, %parallel_loop3A_369 : vector<16xf32>
        %parallel_loop3A_371 = arith.constant 3 : i32
        %parallel_loop3A_372 = arith.index_cast %parallel_loop3A_270 : i32 to index
        %parallel_loop3A_373 = arith.index_cast %parallel_loop3A_298 : i32 to index
        %parallel_loop3A_374 = arith.index_cast %parallel_loop3A_371 : i32 to index
        %parallel_loop3A_375 = arith.index_cast %parallel_loop3A_316 : i32 to index
        %parallel_loop3A_376 = tpu.vector_load %arg11[%parallel_loop3A_372, %parallel_loop3A_373, %parallel_loop3A_374, %parallel_loop3A_375] {strides = array<i32>} : memref<4x4x8x128xf32, #tpu.memory_space<vmem>>, vector<16xf32>,
        tpu.vector_store %arg11[%parallel_loop3A_372, %parallel_loop3A_373, %parallel_loop3A_374, %parallel_loop3A_375], %parallel_loop3A_370 {strides = array<i32>} : memref<4x4x8x128xf32, #tpu.memory_space<vmem>>, vector<16xf32>,
        %parallel_loop3A_377 = arith.constant 8 : i32
        %parallel_loop3A_378 = arith.muli %parallel_loop3A_270, %parallel_loop3A_377 : i32
        %parallel_loop3A_379 = arith.constant 4 : i32
        %parallel_loop3A_380 = arith.addi %parallel_loop3A_378, %parallel_loop3A_379 : i32
        %parallel_loop3A_381 = vector.broadcast %parallel_loop3A_380 : i32 to vector<16xi32>
        %parallel_loop3A_382 = tpu.vector_load_idx %arg8[%parallel_loop3A_274, %parallel_loop3A_381] : memref<512x32xf32, #tpu.memory_space<vmem>>[vector<16xi32>, vector<16xi32>], vector<16xf32>,
        %parallel_loop3A_383 = arith.constant 5.65685415 : f32
        %parallel_loop3A_384 = vector.broadcast %parallel_loop3A_383 : f32 to vector<16xf32>
        %parallel_loop3A_385 = arith.mulf %parallel_loop3A_382, %parallel_loop3A_384 : vector<16xf32>
        %parallel_loop3A_386 = arith.constant 4 : i32
        %parallel_loop3A_387 = arith.index_cast %parallel_loop3A_270 : i32 to index
        %parallel_loop3A_388 = arith.index_cast %parallel_loop3A_298 : i32 to index
        %parallel_loop3A_389 = arith.index_cast %parallel_loop3A_386 : i32 to index
        %parallel_loop3A_390 = arith.index_cast %parallel_loop3A_316 : i32 to index
        %parallel_loop3A_391 = tpu.vector_load %arg11[%parallel_loop3A_387, %parallel_loop3A_388, %parallel_loop3A_389, %parallel_loop3A_390] {strides = array<i32>} : memref<4x4x8x128xf32, #tpu.memory_space<vmem>>, vector<16xf32>,
        tpu.vector_store %arg11[%parallel_loop3A_387, %parallel_loop3A_388, %parallel_loop3A_389, %parallel_loop3A_390], %parallel_loop3A_385 {strides = array<i32>} : memref<4x4x8x128xf32, #tpu.memory_space<vmem>>, vector<16xf32>,
        %parallel_loop3A_392 = arith.constant 8 : i32
        %parallel_loop3A_393 = arith.muli %parallel_loop3A_270, %parallel_loop3A_392 : i32
        %parallel_loop3A_394 = arith.constant 5 : i32
        %parallel_loop3A_395 = arith.addi %parallel_loop3A_393, %parallel_loop3A_394 : i32
        %parallel_loop3A_396 = vector.broadcast %parallel_loop3A_395 : i32 to vector<16xi32>
        %parallel_loop3A_397 = tpu.vector_load_idx %arg8[%parallel_loop3A_274, %parallel_loop3A_396] : memref<512x32xf32, #tpu.memory_space<vmem>>[vector<16xi32>, vector<16xi32>], vector<16xf32>,
        %parallel_loop3A_398 = arith.constant 5.65685415 : f32
        %parallel_loop3A_399 = vector.broadcast %parallel_loop3A_398 : f32 to vector<16xf32>
        %parallel_loop3A_400 = arith.mulf %parallel_loop3A_397, %parallel_loop3A_399 : vector<16xf32>
        %parallel_loop3A_401 = arith.constant 5 : i32
        %parallel_loop3A_402 = arith.index_cast %parallel_loop3A_270 : i32 to index
        %parallel_loop3A_403 = arith.index_cast %parallel_loop3A_298 : i32 to index
        %parallel_loop3A_404 = arith.index_cast %parallel_loop3A_401 : i32 to index
        %parallel_loop3A_405 = arith.index_cast %parallel_loop3A_316 : i32 to index
        %parallel_loop3A_406 = tpu.vector_load %arg11[%parallel_loop3A_402, %parallel_loop3A_403, %parallel_loop3A_404, %parallel_loop3A_405] {strides = array<i32>} : memref<4x4x8x128xf32, #tpu.memory_space<vmem>>, vector<16xf32>,
        tpu.vector_store %arg11[%parallel_loop3A_402, %parallel_loop3A_403, %parallel_loop3A_404, %parallel_loop3A_405], %parallel_loop3A_400 {strides = array<i32>} : memref<4x4x8x128xf32, #tpu.memory_space<vmem>>, vector<16xf32>,
        %parallel_loop3A_407 = arith.constant 8 : i32
        %parallel_loop3A_408 = arith.muli %parallel_loop3A_270, %parallel_loop3A_407 : i32
        %parallel_loop3A_409 = arith.constant 6 : i32
        %parallel_loop3A_410 = arith.addi %parallel_loop3A_408, %parallel_loop3A_409 : i32
        %parallel_loop3A_411 = vector.broadcast %parallel_loop3A_410 : i32 to vector<16xi32>
        %parallel_loop3A_412 = tpu.vector_load_idx %arg8[%parallel_loop3A_274, %parallel_loop3A_411] : memref<512x32xf32, #tpu.memory_space<vmem>>[vector<16xi32>, vector<16xi32>], vector<16xf32>,
        %parallel_loop3A_413 = arith.constant 5.65685415 : f32
        %parallel_loop3A_414 = vector.broadcast %parallel_loop3A_413 : f32 to vector<16xf32>
        %parallel_loop3A_415 = arith.mulf %parallel_loop3A_412, %parallel_loop3A_414 : vector<16xf32>
        %parallel_loop3A_416 = arith.constant 6 : i32
        %parallel_loop3A_417 = arith.index_cast %parallel_loop3A_270 : i32 to index
        %parallel_loop3A_418 = arith.index_cast %parallel_loop3A_298 : i32 to index
        %parallel_loop3A_419 = arith.index_cast %parallel_loop3A_416 : i32 to index
        %parallel_loop3A_420 = arith.index_cast %parallel_loop3A_316 : i32 to index
        %parallel_loop3A_421 = tpu.vector_load %arg11[%parallel_loop3A_417, %parallel_loop3A_418, %parallel_loop3A_419, %parallel_loop3A_420] {strides = array<i32>} : memref<4x4x8x128xf32, #tpu.memory_space<vmem>>, vector<16xf32>,
        tpu.vector_store %arg11[%parallel_loop3A_417, %parallel_loop3A_418, %parallel_loop3A_419, %parallel_loop3A_420], %parallel_loop3A_415 {strides = array<i32>} : memref<4x4x8x128xf32, #tpu.memory_space<vmem>>, vector<16xf32>,
        %parallel_loop3A_422 = arith.constant 8 : i32
        %parallel_loop3A_423 = arith.muli %parallel_loop3A_270, %parallel_loop3A_422 : i32
        %parallel_loop3A_424 = arith.constant 7 : i32
        %parallel_loop3A_425 = arith.addi %parallel_loop3A_423, %parallel_loop3A_424 : i32
        %parallel_loop3A_426 = vector.broadcast %parallel_loop3A_425 : i32 to vector<16xi32>
        %parallel_loop3A_427 = tpu.vector_load_idx %arg8[%parallel_loop3A_274, %parallel_loop3A_426] : memref<512x32xf32, #tpu.memory_space<vmem>>[vector<16xi32>, vector<16xi32>], vector<16xf32>,
        %parallel_loop3A_428 = arith.constant 5.65685415 : f32
        %parallel_loop3A_429 = vector.broadcast %parallel_loop3A_428 : f32 to vector<16xf32>
        %parallel_loop3A_430 = arith.mulf %parallel_loop3A_427, %parallel_loop3A_429 : vector<16xf32>
        %parallel_loop3A_431 = arith.constant 7 : i32
        %parallel_loop3A_432 = arith.index_cast %parallel_loop3A_270 : i32 to index
        %parallel_loop3A_433 = arith.index_cast %parallel_loop3A_298 : i32 to index
        %parallel_loop3A_434 = arith.index_cast %parallel_loop3A_431 : i32 to index
        %parallel_loop3A_435 = arith.index_cast %parallel_loop3A_316 : i32 to index
        %parallel_loop3A_436 = tpu.vector_load %arg11[%parallel_loop3A_432, %parallel_loop3A_433, %parallel_loop3A_434, %parallel_loop3A_435] {strides = array<i32>} : memref<4x4x8x128xf32, #tpu.memory_space<vmem>>, vector<16xf32>,
        tpu.vector_store %arg11[%parallel_loop3A_432, %parallel_loop3A_433, %parallel_loop3A_434, %parallel_loop3A_435], %parallel_loop3A_430 {strides = array<i32>} : memref<4x4x8x128xf32, #tpu.memory_space<vmem>>, vector<16xf32>,
      } {sc.loop_unroll_factor = 4 : i64, sc.parallel_access}
      %dma_start3A_216 = arith.constant 0 : i32
      %dma_start3A_217 = arith.constant 0 : i32
      %dma_start3A_218 = arith.constant 0 : i32
      %dma_start3A_219 = tpu.memref_slice %arg4[%add3A_197, %dma_start3A_216, %mul3A_4, %dma_start3A_217, %dma_start3A_218] : memref<50x4x128x8x128xf32, #tpu.memory_space<hbm>> -> memref<1x4x4x8x128xf32, #tpu.memory_space<hbm>>
      %dma_start3A_220 = tpu.memref_squeeze %dma_start3A_219 : memref<1x4x4x8x128xf32, #tpu.memory_space<hbm>> -> memref<4x4x8x128xf32, #tpu.memory_space<hbm>>
      %dma_start3A_221 = arith.constant 0 : i32
      %dma_start3A_222 = arith.constant 0 : i32
      %dma_start3A_223 = arith.constant 0 : i32
      %dma_start3A_224 = tpu.memref_slice %arg4[%add3A_197, %dma_start3A_221, %mul3A_4, %dma_start3A_222, %dma_start3A_223] : memref<50x4x128x8x128xf32, #tpu.memory_space<hbm>> -> memref<1x4x4x8x128xf32, #tpu.memory_space<hbm>>
      %dma_start3A_225 = tpu.memref_squeeze %dma_start3A_224 : memref<1x4x4x8x128xf32, #tpu.memory_space<hbm>> -> memref<4x4x8x128xf32, #tpu.memory_space<hbm>>
      tpu.enqueue_dma source(%arg11 : memref<4x4x8x128xf32, #tpu.memory_space<vmem>>) target(%dma_start3A_225 : memref<4x4x8x128xf32, #tpu.memory_space<hbm>>) target_semaphore(%arg17 : memref<!tpu.dma_semaphore, #tpu.memory_space<semaphore_mem>>)
      %convert_element_type3A_226 = arith.extui %lt3A_203 : i1 to i32
      %cond3A_227 = arith.constant 0 : i32
      %cond3A_228 = arith.cmpi ne, %convert_element_type3A_226, %cond3A_227 : i32
      scf.if %cond3A_228 {
        %add3A_230 = arith.constant 3 : i32
        %add3A_231 = arith.addi %add3A_197, %add3A_230 : i32
        %dma_start3A_232 = arith.constant 0 : i32
        %dma_start3A_233 = tpu.memref_slice %arg5[%add3A_231, %dma_start3A_232] : memref<50x512xi32, #tpu.memory_space<vmem>> -> memref<1x512xi32, #tpu.memory_space<vmem>>
        %dma_start3A_234 = tpu.memref_squeeze %dma_start3A_233 : memref<1x512xi32, #tpu.memory_space<vmem>> -> memref<512xi32, #tpu.memory_space<vmem>>
        %dma_start3A_235 = arith.constant 0 : i32
        %dma_start3A_236 = arith.constant 0 : i32
        %dma_start3A_237 = tpu.memref_slice %arg3[%dma_start3A_235, %dma_start3A_236] : memref<1000000x32xf32, #tpu.memory_space<hbm>> -> memref<1000000x32xf32, #tpu.memory_space<hbm>>
        tpu.enqueue_indirect_dma source(%dma_start3A_237 : memref<1000000x32xf32, #tpu.memory_space<hbm>>) target(%arg8 : memref<512x32xf32, #tpu.memory_space<vmem>>) offsets(%dma_start3A_234 : memref<512xi32, #tpu.memory_space<vmem>>) semaphore(%arg14 : memref<!tpu.dma_semaphore, #tpu.memory_space<semaphore_mem>>)
      } else {
      }
      %scan3A_229 = arith.constant 0 : i32
      scf.yield %scan3A_229 : i32
    }
    %scan3A_30 = arith.constant 16 : i32
    %dma_wait3A = arith.constant 48 : i32
    %dma_wait3A_31 = arith.constant 0 : i32
    %dma_wait3A_32 = tpu.memref_slice %arg5[%dma_wait3A, %dma_wait3A_31] : memref<50x512xi32, #tpu.memory_space<vmem>> -> memref<1x512xi32, #tpu.memory_space<vmem>>
    %dma_wait3A_33 = tpu.memref_squeeze %dma_wait3A_32 : memref<1x512xi32, #tpu.memory_space<vmem>> -> memref<512xi32, #tpu.memory_space<vmem>>
    %dma_wait3A_34 = arith.constant 0 : i32
    %dma_wait3A_35 = arith.constant 0 : i32
    %dma_wait3A_36 = tpu.memref_slice %arg3[%dma_wait3A_34, %dma_wait3A_35] : memref<1000000x32xf32, #tpu.memory_space<hbm>> -> memref<1000000x32xf32, #tpu.memory_space<hbm>>
    tpu.wait_indirect_dma semaphore(%arg12 : memref<!tpu.dma_semaphore, #tpu.memory_space<semaphore_mem>>) src(%dma_wait3A_36 : memref<1000000x32xf32, #tpu.memory_space<hbm>>) dst(%arg6 : memref<512x32xf32, #tpu.memory_space<vmem>>)
    %dma_wait3A_37 = arith.constant 48 : i32
    %dma_wait3A_38 = arith.constant 0 : i32
    %dma_wait3A_39 = arith.constant 0 : i32
    %dma_wait3A_40 = arith.constant 0 : i32
    %dma_wait3A_41 = tpu.memref_slice %arg4[%dma_wait3A_37, %dma_wait3A_38, %mul3A_4, %dma_wait3A_39, %dma_wait3A_40] : memref<50x4x128x8x128xf32, #tpu.memory_space<hbm>> -> memref<1x4x4x8x128xf32, #tpu.memory_space<hbm>>
    %dma_wait3A_42 = tpu.memref_squeeze %dma_wait3A_41 : memref<1x4x4x8x128xf32, #tpu.memory_space<hbm>> -> memref<4x4x8x128xf32, #tpu.memory_space<hbm>>
    %dma_wait3A_43 = arith.constant 0 : i32
    %dma_wait3A_44 = arith.constant 0 : i32
    %dma_wait3A_45 = arith.constant 0 : i32
    %dma_wait3A_46 = tpu.memref_slice %arg4[%dma_wait3A_37, %dma_wait3A_43, %mul3A_4, %dma_wait3A_44, %dma_wait3A_45] : memref<50x4x128x8x128xf32, #tpu.memory_space<hbm>> -> memref<1x4x4x8x128xf32, #tpu.memory_space<hbm>>
    %dma_wait3A_47 = tpu.memref_squeeze %dma_wait3A_46 : memref<1x4x4x8x128xf32, #tpu.memory_space<hbm>> -> memref<4x4x8x128xf32, #tpu.memory_space<hbm>>
    tpu.wait_dma2 semaphore(%arg15 : memref<!tpu.dma_semaphore, #tpu.memory_space<semaphore_mem>>) src(%arg9 : memref<4x4x8x128xf32, #tpu.memory_space<vmem>>) dst(%dma_wait3A_47 : memref<4x4x8x128xf32, #tpu.memory_space<hbm>>)
    %parallel_loop3A = arith.constant 0 : i32
    %parallel_loop3A_48 = arith.constant 128 : i32
    %parallel_loop3A_49 = arith.constant 1 : i32
    scf.for %parallel_loop3A_126 = %parallel_loop3A to %parallel_loop3A_48 step %parallel_loop3A_49  : i32 {
      %parallel_loop3A_127 = arith.constant 4 : i32
      %parallel_loop3A_128 = arith.divsi %parallel_loop3A_126, %parallel_loop3A_127 : i32
      %parallel_loop3A_129 = arith.constant 0 : i32
      %parallel_loop3A_130 = arith.cmpi sgt, %parallel_loop3A_126, %parallel_loop3A_129 : i32
      %parallel_loop3A_131 = arith.extui %parallel_loop3A_130 : i1 to i32
      %parallel_loop3A_132 = arith.constant 0 : i32
      %parallel_loop3A_133 = arith.cmpi slt, %parallel_loop3A_126, %parallel_loop3A_132 : i32
      %parallel_loop3A_134 = arith.extui %parallel_loop3A_133 : i1 to i32
      %parallel_loop3A_135 = arith.subi %parallel_loop3A_131, %parallel_loop3A_134 : i32
      %parallel_loop3A_136 = arith.constant 0 : i32
      %parallel_loop3A_137 = arith.cmpi sgt, %parallel_loop3A_127, %parallel_loop3A_136 : i32
      %parallel_loop3A_138 = arith.extui %parallel_loop3A_137 : i1 to i32
      %parallel_loop3A_139 = arith.constant 0 : i32
      %parallel_loop3A_140 = arith.cmpi slt, %parallel_loop3A_127, %parallel_loop3A_139 : i32
      %parallel_loop3A_141 = arith.extui %parallel_loop3A_140 : i1 to i32
      %parallel_loop3A_142 = arith.subi %parallel_loop3A_138, %parallel_loop3A_141 : i32
      %parallel_loop3A_143 = arith.cmpi ne, %parallel_loop3A_135, %parallel_loop3A_142 : i32
      %parallel_loop3A_144 = arith.remsi %parallel_loop3A_126, %parallel_loop3A_127 : i32
      %parallel_loop3A_145 = arith.constant 0 : i32
      %parallel_loop3A_146 = arith.cmpi ne, %parallel_loop3A_144, %parallel_loop3A_145 : i32
      %parallel_loop3A_147 = arith.andi %parallel_loop3A_143, %parallel_loop3A_146 : i1
      %parallel_loop3A_148 = arith.constant 1 : i32
      %parallel_loop3A_149 = arith.subi %parallel_loop3A_128, %parallel_loop3A_148 : i32
      %parallel_loop3A_150 = arith.select %parallel_loop3A_147, %parallel_loop3A_149, %parallel_loop3A_128 : i32
      %parallel_loop3A_151 = arith.constant 4 : i32
      %parallel_loop3A_152 = arith.constant 0 : i32
      %parallel_loop3A_153 = arith.cmpi eq, %parallel_loop3A_151, %parallel_loop3A_152 : i32
      %parallel_loop3A_154 = arith.constant 1 : i32
      %parallel_loop3A_155 = arith.select %parallel_loop3A_153, %parallel_loop3A_154, %parallel_loop3A_151 : i32
      %parallel_loop3A_156 = arith.remsi %parallel_loop3A_126, %parallel_loop3A_155 : i32
      %parallel_loop3A_157 = arith.constant 0 : i32
      %parallel_loop3A_158 = arith.cmpi ne, %parallel_loop3A_156, %parallel_loop3A_157 : i32
      %parallel_loop3A_159 = arith.constant 0 : i32
      %parallel_loop3A_160 = arith.cmpi slt, %parallel_loop3A_156, %parallel_loop3A_159 : i32
      %parallel_loop3A_161 = arith.constant 0 : i32
      %parallel_loop3A_162 = arith.cmpi slt, %parallel_loop3A_155, %parallel_loop3A_161 : i32
      %parallel_loop3A_163 = arith.xori %parallel_loop3A_160, %parallel_loop3A_162 : i1
      %parallel_loop3A_164 = arith.andi %parallel_loop3A_163, %parallel_loop3A_158 : i1
      %parallel_loop3A_165 = arith.addi %parallel_loop3A_156, %parallel_loop3A_155 : i32
      %parallel_loop3A_166 = arith.select %parallel_loop3A_164, %parallel_loop3A_165, %parallel_loop3A_156 : i32
      %parallel_loop3A_167 = arith.constant 16 : i32
      %parallel_loop3A_168 = arith.muli %parallel_loop3A_150, %parallel_loop3A_167 : i32
      %parallel_loop3A_169 = vector.broadcast %parallel_loop3A_168 : i32 to vector<16xi32>
      %parallel_loop3A_170 = arith.addi %parallel_loop3A_169, %iota3A : vector<16xi32>
      %parallel_loop3A_171 = arith.constant 8 : i32
      %parallel_loop3A_172 = arith.divsi %parallel_loop3A_150, %parallel_loop3A_171 : i32
      %parallel_loop3A_173 = arith.constant 0 : i32
      %parallel_loop3A_174 = arith.cmpi sgt, %parallel_loop3A_150, %parallel_loop3A_173 : i32
      %parallel_loop3A_175 = arith.extui %parallel_loop3A_174 : i1 to i32
      %parallel_loop3A_176 = arith.constant 0 : i32
      %parallel_loop3A_177 = arith.cmpi slt, %parallel_loop3A_150, %parallel_loop3A_176 : i32
      %parallel_loop3A_178 = arith.extui %parallel_loop3A_177 : i1 to i32
      %parallel_loop3A_179 = arith.subi %parallel_loop3A_175, %parallel_loop3A_178 : i32
      %parallel_loop3A_180 = arith.constant 0 : i32
      %parallel_loop3A_181 = arith.cmpi sgt, %parallel_loop3A_171, %parallel_loop3A_180 : i32
      %parallel_loop3A_182 = arith.extui %parallel_loop3A_181 : i1 to i32
      %parallel_loop3A_183 = arith.constant 0 : i32
      %parallel_loop3A_184 = arith.cmpi slt, %parallel_loop3A_171, %parallel_loop3A_183 : i32
      %parallel_loop3A_185 = arith.extui %parallel_loop3A_184 : i1 to i32
      %parallel_loop3A_186 = arith.subi %parallel_loop3A_182, %parallel_loop3A_185 : i32
      %parallel_loop3A_187 = arith.cmpi ne, %parallel_loop3A_179, %parallel_loop3A_186 : i32
      %parallel_loop3A_188 = arith.remsi %parallel_loop3A_150, %parallel_loop3A_171 : i32
      %parallel_loop3A_189 = arith.constant 0 : i32
      %parallel_loop3A_190 = arith.cmpi ne, %parallel_loop3A_188, %parallel_loop3A_189 : i32
      %parallel_loop3A_191 = arith.andi %parallel_loop3A_187, %parallel_loop3A_190 : i1
      %parallel_loop3A_192 = arith.constant 1 : i32
      %parallel_loop3A_193 = arith.subi %parallel_loop3A_172, %parallel_loop3A_192 : i32
      %parallel_loop3A_194 = arith.select %parallel_loop3A_191, %parallel_loop3A_193, %parallel_loop3A_172 : i32
      %parallel_loop3A_195 = arith.constant 8 : i32
      %parallel_loop3A_196 = arith.constant 0 : i32
      %parallel_loop3A_197 = arith.cmpi eq, %parallel_loop3A_195, %parallel_loop3A_196 : i32
      %parallel_loop3A_198 = arith.constant 1 : i32
      %parallel_loop3A_199 = arith.select %parallel_loop3A_197, %parallel_loop3A_198, %parallel_loop3A_195 : i32
      %parallel_loop3A_200 = arith.remsi %parallel_loop3A_150, %parallel_loop3A_199 : i32
      %parallel_loop3A_201 = arith.constant 0 : i32
      %parallel_loop3A_202 = arith.cmpi ne, %parallel_loop3A_200, %parallel_loop3A_201 : i32
      %parallel_loop3A_203 = arith.constant 0 : i32
      %parallel_loop3A_204 = arith.cmpi slt, %parallel_loop3A_200, %parallel_loop3A_203 : i32
      %parallel_loop3A_205 = arith.constant 0 : i32
      %parallel_loop3A_206 = arith.cmpi slt, %parallel_loop3A_199, %parallel_loop3A_205 : i32
      %parallel_loop3A_207 = arith.xori %parallel_loop3A_204, %parallel_loop3A_206 : i1
      %parallel_loop3A_208 = arith.andi %parallel_loop3A_207, %parallel_loop3A_202 : i1
      %parallel_loop3A_209 = arith.addi %parallel_loop3A_200, %parallel_loop3A_199 : i32
      %parallel_loop3A_210 = arith.select %parallel_loop3A_208, %parallel_loop3A_209, %parallel_loop3A_200 : i32
      %parallel_loop3A_211 = arith.constant 16 : i32
      %parallel_loop3A_212 = arith.muli %parallel_loop3A_210, %parallel_loop3A_211 : i32
      %parallel_loop3A_213 = arith.constant 8 : i32
      %parallel_loop3A_214 = arith.muli %parallel_loop3A_166, %parallel_loop3A_213 : i32
      %parallel_loop3A_215 = arith.constant 0 : i32
      %parallel_loop3A_216 = arith.addi %parallel_loop3A_214, %parallel_loop3A_215 : i32
      %parallel_loop3A_217 = vector.broadcast %parallel_loop3A_216 : i32 to vector<16xi32>
      %parallel_loop3A_218 = tpu.vector_load_idx %arg6[%parallel_loop3A_170, %parallel_loop3A_217] : memref<512x32xf32, #tpu.memory_space<vmem>>[vector<16xi32>, vector<16xi32>], vector<16xf32>,
      %parallel_loop3A_219 = arith.constant 5.65685415 : f32
      %parallel_loop3A_220 = vector.broadcast %parallel_loop3A_219 : f32 to vector<16xf32>
      %parallel_loop3A_221 = arith.mulf %parallel_loop3A_218, %parallel_loop3A_220 : vector<16xf32>
      %parallel_loop3A_222 = arith.constant 0 : i32
      %parallel_loop3A_223 = arith.index_cast %parallel_loop3A_166 : i32 to index
      %parallel_loop3A_224 = arith.index_cast %parallel_loop3A_194 : i32 to index
      %parallel_loop3A_225 = arith.index_cast %parallel_loop3A_222 : i32 to index
      %parallel_loop3A_226 = arith.index_cast %parallel_loop3A_212 : i32 to index
      %parallel_loop3A_227 = tpu.vector_load %arg9[%parallel_loop3A_223, %parallel_loop3A_224, %parallel_loop3A_225, %parallel_loop3A_226] {strides = array<i32>} : memref<4x4x8x128xf32, #tpu.memory_space<vmem>>, vector<16xf32>,
      tpu.vector_store %arg9[%parallel_loop3A_223, %parallel_loop3A_224, %parallel_loop3A_225, %parallel_loop3A_226], %parallel_loop3A_221 {strides = array<i32>} : memref<4x4x8x128xf32, #tpu.memory_space<vmem>>, vector<16xf32>,
      %parallel_loop3A_228 = arith.constant 8 : i32
      %parallel_loop3A_229 = arith.muli %parallel_loop3A_166, %parallel_loop3A_228 : i32
      %parallel_loop3A_230 = arith.constant 1 : i32
      %parallel_loop3A_231 = arith.addi %parallel_loop3A_229, %parallel_loop3A_230 : i32
      %parallel_loop3A_232 = vector.broadcast %parallel_loop3A_231 : i32 to vector<16xi32>
      %parallel_loop3A_233 = tpu.vector_load_idx %arg6[%parallel_loop3A_170, %parallel_loop3A_232] : memref<512x32xf32, #tpu.memory_space<vmem>>[vector<16xi32>, vector<16xi32>], vector<16xf32>,
      %parallel_loop3A_234 = arith.constant 5.65685415 : f32
      %parallel_loop3A_235 = vector.broadcast %parallel_loop3A_234 : f32 to vector<16xf32>
      %parallel_loop3A_236 = arith.mulf %parallel_loop3A_233, %parallel_loop3A_235 : vector<16xf32>
      %parallel_loop3A_237 = arith.constant 1 : i32
      %parallel_loop3A_238 = arith.index_cast %parallel_loop3A_166 : i32 to index
      %parallel_loop3A_239 = arith.index_cast %parallel_loop3A_194 : i32 to index
      %parallel_loop3A_240 = arith.index_cast %parallel_loop3A_237 : i32 to index
      %parallel_loop3A_241 = arith.index_cast %parallel_loop3A_212 : i32 to index
      %parallel_loop3A_242 = tpu.vector_load %arg9[%parallel_loop3A_238, %parallel_loop3A_239, %parallel_loop3A_240, %parallel_loop3A_241] {strides = array<i32>} : memref<4x4x8x128xf32, #tpu.memory_space<vmem>>, vector<16xf32>,
      tpu.vector_store %arg9[%parallel_loop3A_238, %parallel_loop3A_239, %parallel_loop3A_240, %parallel_loop3A_241], %parallel_loop3A_236 {strides = array<i32>} : memref<4x4x8x128xf32, #tpu.memory_space<vmem>>, vector<16xf32>,
      %parallel_loop3A_243 = arith.constant 8 : i32
      %parallel_loop3A_244 = arith.muli %parallel_loop3A_166, %parallel_loop3A_243 : i32
      %parallel_loop3A_245 = arith.constant 2 : i32
      %parallel_loop3A_246 = arith.addi %parallel_loop3A_244, %parallel_loop3A_245 : i32
      %parallel_loop3A_247 = vector.broadcast %parallel_loop3A_246 : i32 to vector<16xi32>
      %parallel_loop3A_248 = tpu.vector_load_idx %arg6[%parallel_loop3A_170, %parallel_loop3A_247] : memref<512x32xf32, #tpu.memory_space<vmem>>[vector<16xi32>, vector<16xi32>], vector<16xf32>,
      %parallel_loop3A_249 = arith.constant 5.65685415 : f32
      %parallel_loop3A_250 = vector.broadcast %parallel_loop3A_249 : f32 to vector<16xf32>
      %parallel_loop3A_251 = arith.mulf %parallel_loop3A_248, %parallel_loop3A_250 : vector<16xf32>
      %parallel_loop3A_252 = arith.constant 2 : i32
      %parallel_loop3A_253 = arith.index_cast %parallel_loop3A_166 : i32 to index
      %parallel_loop3A_254 = arith.index_cast %parallel_loop3A_194 : i32 to index
      %parallel_loop3A_255 = arith.index_cast %parallel_loop3A_252 : i32 to index
      %parallel_loop3A_256 = arith.index_cast %parallel_loop3A_212 : i32 to index
      %parallel_loop3A_257 = tpu.vector_load %arg9[%parallel_loop3A_253, %parallel_loop3A_254, %parallel_loop3A_255, %parallel_loop3A_256] {strides = array<i32>} : memref<4x4x8x128xf32, #tpu.memory_space<vmem>>, vector<16xf32>,
      tpu.vector_store %arg9[%parallel_loop3A_253, %parallel_loop3A_254, %parallel_loop3A_255, %parallel_loop3A_256], %parallel_loop3A_251 {strides = array<i32>} : memref<4x4x8x128xf32, #tpu.memory_space<vmem>>, vector<16xf32>,
      %parallel_loop3A_258 = arith.constant 8 : i32
      %parallel_loop3A_259 = arith.muli %parallel_loop3A_166, %parallel_loop3A_258 : i32
      %parallel_loop3A_260 = arith.constant 3 : i32
      %parallel_loop3A_261 = arith.addi %parallel_loop3A_259, %parallel_loop3A_260 : i32
      %parallel_loop3A_262 = vector.broadcast %parallel_loop3A_261 : i32 to vector<16xi32>
      %parallel_loop3A_263 = tpu.vector_load_idx %arg6[%parallel_loop3A_170, %parallel_loop3A_262] : memref<512x32xf32, #tpu.memory_space<vmem>>[vector<16xi32>, vector<16xi32>], vector<16xf32>,
      %parallel_loop3A_264 = arith.constant 5.65685415 : f32
      %parallel_loop3A_265 = vector.broadcast %parallel_loop3A_264 : f32 to vector<16xf32>
      %parallel_loop3A_266 = arith.mulf %parallel_loop3A_263, %parallel_loop3A_265 : vector<16xf32>
      %parallel_loop3A_267 = arith.constant 3 : i32
      %parallel_loop3A_268 = arith.index_cast %parallel_loop3A_166 : i32 to index
      %parallel_loop3A_269 = arith.index_cast %parallel_loop3A_194 : i32 to index
      %parallel_loop3A_270 = arith.index_cast %parallel_loop3A_267 : i32 to index
      %parallel_loop3A_271 = arith.index_cast %parallel_loop3A_212 : i32 to index
      %parallel_loop3A_272 = tpu.vector_load %arg9[%parallel_loop3A_268, %parallel_loop3A_269, %parallel_loop3A_270, %parallel_loop3A_271] {strides = array<i32>} : memref<4x4x8x128xf32, #tpu.memory_space<vmem>>, vector<16xf32>,
      tpu.vector_store %arg9[%parallel_loop3A_268, %parallel_loop3A_269, %parallel_loop3A_270, %parallel_loop3A_271], %parallel_loop3A_266 {strides = array<i32>} : memref<4x4x8x128xf32, #tpu.memory_space<vmem>>, vector<16xf32>,
      %parallel_loop3A_273 = arith.constant 8 : i32
      %parallel_loop3A_274 = arith.muli %parallel_loop3A_166, %parallel_loop3A_273 : i32
      %parallel_loop3A_275 = arith.constant 4 : i32
      %parallel_loop3A_276 = arith.addi %parallel_loop3A_274, %parallel_loop3A_275 : i32
      %parallel_loop3A_277 = vector.broadcast %parallel_loop3A_276 : i32 to vector<16xi32>
      %parallel_loop3A_278 = tpu.vector_load_idx %arg6[%parallel_loop3A_170, %parallel_loop3A_277] : memref<512x32xf32, #tpu.memory_space<vmem>>[vector<16xi32>, vector<16xi32>], vector<16xf32>,
      %parallel_loop3A_279 = arith.constant 5.65685415 : f32
      %parallel_loop3A_280 = vector.broadcast %parallel_loop3A_279 : f32 to vector<16xf32>
      %parallel_loop3A_281 = arith.mulf %parallel_loop3A_278, %parallel_loop3A_280 : vector<16xf32>
      %parallel_loop3A_282 = arith.constant 4 : i32
      %parallel_loop3A_283 = arith.index_cast %parallel_loop3A_166 : i32 to index
      %parallel_loop3A_284 = arith.index_cast %parallel_loop3A_194 : i32 to index
      %parallel_loop3A_285 = arith.index_cast %parallel_loop3A_282 : i32 to index
      %parallel_loop3A_286 = arith.index_cast %parallel_loop3A_212 : i32 to index
      %parallel_loop3A_287 = tpu.vector_load %arg9[%parallel_loop3A_283, %parallel_loop3A_284, %parallel_loop3A_285, %parallel_loop3A_286] {strides = array<i32>} : memref<4x4x8x128xf32, #tpu.memory_space<vmem>>, vector<16xf32>,
      tpu.vector_store %arg9[%parallel_loop3A_283, %parallel_loop3A_284, %parallel_loop3A_285, %parallel_loop3A_286], %parallel_loop3A_281 {strides = array<i32>} : memref<4x4x8x128xf32, #tpu.memory_space<vmem>>, vector<16xf32>,
      %parallel_loop3A_288 = arith.constant 8 : i32
      %parallel_loop3A_289 = arith.muli %parallel_loop3A_166, %parallel_loop3A_288 : i32
      %parallel_loop3A_290 = arith.constant 5 : i32
      %parallel_loop3A_291 = arith.addi %parallel_loop3A_289, %parallel_loop3A_290 : i32
      %parallel_loop3A_292 = vector.broadcast %parallel_loop3A_291 : i32 to vector<16xi32>
      %parallel_loop3A_293 = tpu.vector_load_idx %arg6[%parallel_loop3A_170, %parallel_loop3A_292] : memref<512x32xf32, #tpu.memory_space<vmem>>[vector<16xi32>, vector<16xi32>], vector<16xf32>,
      %parallel_loop3A_294 = arith.constant 5.65685415 : f32
      %parallel_loop3A_295 = vector.broadcast %parallel_loop3A_294 : f32 to vector<16xf32>
      %parallel_loop3A_296 = arith.mulf %parallel_loop3A_293, %parallel_loop3A_295 : vector<16xf32>
      %parallel_loop3A_297 = arith.constant 5 : i32
      %parallel_loop3A_298 = arith.index_cast %parallel_loop3A_166 : i32 to index
      %parallel_loop3A_299 = arith.index_cast %parallel_loop3A_194 : i32 to index
      %parallel_loop3A_300 = arith.index_cast %parallel_loop3A_297 : i32 to index
      %parallel_loop3A_301 = arith.index_cast %parallel_loop3A_212 : i32 to index
      %parallel_loop3A_302 = tpu.vector_load %arg9[%parallel_loop3A_298, %parallel_loop3A_299, %parallel_loop3A_300, %parallel_loop3A_301] {strides = array<i32>} : memref<4x4x8x128xf32, #tpu.memory_space<vmem>>, vector<16xf32>,
      tpu.vector_store %arg9[%parallel_loop3A_298, %parallel_loop3A_299, %parallel_loop3A_300, %parallel_loop3A_301], %parallel_loop3A_296 {strides = array<i32>} : memref<4x4x8x128xf32, #tpu.memory_space<vmem>>, vector<16xf32>,
      %parallel_loop3A_303 = arith.constant 8 : i32
      %parallel_loop3A_304 = arith.muli %parallel_loop3A_166, %parallel_loop3A_303 : i32
      %parallel_loop3A_305 = arith.constant 6 : i32
      %parallel_loop3A_306 = arith.addi %parallel_loop3A_304, %parallel_loop3A_305 : i32
      %parallel_loop3A_307 = vector.broadcast %parallel_loop3A_306 : i32 to vector<16xi32>
      %parallel_loop3A_308 = tpu.vector_load_idx %arg6[%parallel_loop3A_170, %parallel_loop3A_307] : memref<512x32xf32, #tpu.memory_space<vmem>>[vector<16xi32>, vector<16xi32>], vector<16xf32>,
      %parallel_loop3A_309 = arith.constant 5.65685415 : f32
      %parallel_loop3A_310 = vector.broadcast %parallel_loop3A_309 : f32 to vector<16xf32>
      %parallel_loop3A_311 = arith.mulf %parallel_loop3A_308, %parallel_loop3A_310 : vector<16xf32>
      %parallel_loop3A_312 = arith.constant 6 : i32
      %parallel_loop3A_313 = arith.index_cast %parallel_loop3A_166 : i32 to index
      %parallel_loop3A_314 = arith.index_cast %parallel_loop3A_194 : i32 to index
      %parallel_loop3A_315 = arith.index_cast %parallel_loop3A_312 : i32 to index
      %parallel_loop3A_316 = arith.index_cast %parallel_loop3A_212 : i32 to index
      %parallel_loop3A_317 = tpu.vector_load %arg9[%parallel_loop3A_313, %parallel_loop3A_314, %parallel_loop3A_315, %parallel_loop3A_316] {strides = array<i32>} : memref<4x4x8x128xf32, #tpu.memory_space<vmem>>, vector<16xf32>,
      tpu.vector_store %arg9[%parallel_loop3A_313, %parallel_loop3A_314, %parallel_loop3A_315, %parallel_loop3A_316], %parallel_loop3A_311 {strides = array<i32>} : memref<4x4x8x128xf32, #tpu.memory_space<vmem>>, vector<16xf32>,
      %parallel_loop3A_318 = arith.constant 8 : i32
      %parallel_loop3A_319 = arith.muli %parallel_loop3A_166, %parallel_loop3A_318 : i32
      %parallel_loop3A_320 = arith.constant 7 : i32
      %parallel_loop3A_321 = arith.addi %parallel_loop3A_319, %parallel_loop3A_320 : i32
      %parallel_loop3A_322 = vector.broadcast %parallel_loop3A_321 : i32 to vector<16xi32>
      %parallel_loop3A_323 = tpu.vector_load_idx %arg6[%parallel_loop3A_170, %parallel_loop3A_322] : memref<512x32xf32, #tpu.memory_space<vmem>>[vector<16xi32>, vector<16xi32>], vector<16xf32>,
      %parallel_loop3A_324 = arith.constant 5.65685415 : f32
      %parallel_loop3A_325 = vector.broadcast %parallel_loop3A_324 : f32 to vector<16xf32>
      %parallel_loop3A_326 = arith.mulf %parallel_loop3A_323, %parallel_loop3A_325 : vector<16xf32>
      %parallel_loop3A_327 = arith.constant 7 : i32
      %parallel_loop3A_328 = arith.index_cast %parallel_loop3A_166 : i32 to index
      %parallel_loop3A_329 = arith.index_cast %parallel_loop3A_194 : i32 to index
      %parallel_loop3A_330 = arith.index_cast %parallel_loop3A_327 : i32 to index
      %parallel_loop3A_331 = arith.index_cast %parallel_loop3A_212 : i32 to index
      %parallel_loop3A_332 = tpu.vector_load %arg9[%parallel_loop3A_328, %parallel_loop3A_329, %parallel_loop3A_330, %parallel_loop3A_331] {strides = array<i32>} : memref<4x4x8x128xf32, #tpu.memory_space<vmem>>, vector<16xf32>,
      tpu.vector_store %arg9[%parallel_loop3A_328, %parallel_loop3A_329, %parallel_loop3A_330, %parallel_loop3A_331], %parallel_loop3A_326 {strides = array<i32>} : memref<4x4x8x128xf32, #tpu.memory_space<vmem>>, vector<16xf32>,
    } {sc.loop_unroll_factor = 4 : i64, sc.parallel_access}
    %dma_start3A_50 = arith.constant 48 : i32
    %dma_start3A_51 = arith.constant 0 : i32
    %dma_start3A_52 = arith.constant 0 : i32
    %dma_start3A_53 = arith.constant 0 : i32
    %dma_start3A_54 = tpu.memref_slice %arg4[%dma_start3A_50, %dma_start3A_51, %mul3A_4, %dma_start3A_52, %dma_start3A_53] : memref<50x4x128x8x128xf32, #tpu.memory_space<hbm>> -> memref<1x4x4x8x128xf32, #tpu.memory_space<hbm>>
    %dma_start3A_55 = tpu.memref_squeeze %dma_start3A_54 : memref<1x4x4x8x128xf32, #tpu.memory_space<hbm>> -> memref<4x4x8x128xf32, #tpu.memory_space<hbm>>
    %dma_start3A_56 = arith.constant 0 : i32
    %dma_start3A_57 = arith.constant 0 : i32
    %dma_start3A_58 = arith.constant 0 : i32
    %dma_start3A_59 = tpu.memref_slice %arg4[%dma_start3A_50, %dma_start3A_56, %mul3A_4, %dma_start3A_57, %dma_start3A_58] : memref<50x4x128x8x128xf32, #tpu.memory_space<hbm>> -> memref<1x4x4x8x128xf32, #tpu.memory_space<hbm>>
    %dma_start3A_60 = tpu.memref_squeeze %dma_start3A_59 : memref<1x4x4x8x128xf32, #tpu.memory_space<hbm>> -> memref<4x4x8x128xf32, #tpu.memory_space<hbm>>
    tpu.enqueue_dma source(%arg9 : memref<4x4x8x128xf32, #tpu.memory_space<vmem>>) target(%dma_start3A_60 : memref<4x4x8x128xf32, #tpu.memory_space<hbm>>) target_semaphore(%arg15 : memref<!tpu.dma_semaphore, #tpu.memory_space<semaphore_mem>>)
    %dma_wait3A_61 = arith.constant 49 : i32
    %dma_wait3A_62 = arith.constant 0 : i32
    %dma_wait3A_63 = tpu.memref_slice %arg5[%dma_wait3A_61, %dma_wait3A_62] : memref<50x512xi32, #tpu.memory_space<vmem>> -> memref<1x512xi32, #tpu.memory_space<vmem>>
    %dma_wait3A_64 = tpu.memref_squeeze %dma_wait3A_63 : memref<1x512xi32, #tpu.memory_space<vmem>> -> memref<512xi32, #tpu.memory_space<vmem>>
    %dma_wait3A_65 = arith.constant 0 : i32
    %dma_wait3A_66 = arith.constant 0 : i32
    %dma_wait3A_67 = tpu.memref_slice %arg3[%dma_wait3A_65, %dma_wait3A_66] : memref<1000000x32xf32, #tpu.memory_space<hbm>> -> memref<1000000x32xf32, #tpu.memory_space<hbm>>
    tpu.wait_indirect_dma semaphore(%arg13 : memref<!tpu.dma_semaphore, #tpu.memory_space<semaphore_mem>>) src(%dma_wait3A_67 : memref<1000000x32xf32, #tpu.memory_space<hbm>>) dst(%arg7 : memref<512x32xf32, #tpu.memory_space<vmem>>)
    %dma_wait3A_68 = arith.constant 49 : i32
    %dma_wait3A_69 = arith.constant 0 : i32
    %dma_wait3A_70 = arith.constant 0 : i32
    %dma_wait3A_71 = arith.constant 0 : i32
    %dma_wait3A_72 = tpu.memref_slice %arg4[%dma_wait3A_68, %dma_wait3A_69, %mul3A_4, %dma_wait3A_70, %dma_wait3A_71] : memref<50x4x128x8x128xf32, #tpu.memory_space<hbm>> -> memref<1x4x4x8x128xf32, #tpu.memory_space<hbm>>
    %dma_wait3A_73 = tpu.memref_squeeze %dma_wait3A_72 : memref<1x4x4x8x128xf32, #tpu.memory_space<hbm>> -> memref<4x4x8x128xf32, #tpu.memory_space<hbm>>
    %dma_wait3A_74 = arith.constant 0 : i32
    %dma_wait3A_75 = arith.constant 0 : i32
    %dma_wait3A_76 = arith.constant 0 : i32
    %dma_wait3A_77 = tpu.memref_slice %arg4[%dma_wait3A_68, %dma_wait3A_74, %mul3A_4, %dma_wait3A_75, %dma_wait3A_76] : memref<50x4x128x8x128xf32, #tpu.memory_space<hbm>> -> memref<1x4x4x8x128xf32, #tpu.memory_space<hbm>>
    %dma_wait3A_78 = tpu.memref_squeeze %dma_wait3A_77 : memref<1x4x4x8x128xf32, #tpu.memory_space<hbm>> -> memref<4x4x8x128xf32, #tpu.memory_space<hbm>>
    tpu.wait_dma2 semaphore(%arg16 : memref<!tpu.dma_semaphore, #tpu.memory_space<semaphore_mem>>) src(%arg10 : memref<4x4x8x128xf32, #tpu.memory_space<vmem>>) dst(%dma_wait3A_78 : memref<4x4x8x128xf32, #tpu.memory_space<hbm>>)
    %parallel_loop3A_79 = arith.constant 0 : i32
    %parallel_loop3A_80 = arith.constant 128 : i32
    %parallel_loop3A_81 = arith.constant 1 : i32
    scf.for %parallel_loop3A_126 = %parallel_loop3A_79 to %parallel_loop3A_80 step %parallel_loop3A_81  : i32 {
      %parallel_loop3A_127 = arith.constant 4 : i32
      %parallel_loop3A_128 = arith.divsi %parallel_loop3A_126, %parallel_loop3A_127 : i32
      %parallel_loop3A_129 = arith.constant 0 : i32
      %parallel_loop3A_130 = arith.cmpi sgt, %parallel_loop3A_126, %parallel_loop3A_129 : i32
      %parallel_loop3A_131 = arith.extui %parallel_loop3A_130 : i1 to i32
      %parallel_loop3A_132 = arith.constant 0 : i32
      %parallel_loop3A_133 = arith.cmpi slt, %parallel_loop3A_126, %parallel_loop3A_132 : i32
      %parallel_loop3A_134 = arith.extui %parallel_loop3A_133 : i1 to i32
      %parallel_loop3A_135 = arith.subi %parallel_loop3A_131, %parallel_loop3A_134 : i32
      %parallel_loop3A_136 = arith.constant 0 : i32
      %parallel_loop3A_137 = arith.cmpi sgt, %parallel_loop3A_127, %parallel_loop3A_136 : i32
      %parallel_loop3A_138 = arith.extui %parallel_loop3A_137 : i1 to i32
      %parallel_loop3A_139 = arith.constant 0 : i32
      %parallel_loop3A_140 = arith.cmpi slt, %parallel_loop3A_127, %parallel_loop3A_139 : i32
      %parallel_loop3A_141 = arith.extui %parallel_loop3A_140 : i1 to i32
      %parallel_loop3A_142 = arith.subi %parallel_loop3A_138, %parallel_loop3A_141 : i32
      %parallel_loop3A_143 = arith.cmpi ne, %parallel_loop3A_135, %parallel_loop3A_142 : i32
      %parallel_loop3A_144 = arith.remsi %parallel_loop3A_126, %parallel_loop3A_127 : i32
      %parallel_loop3A_145 = arith.constant 0 : i32
      %parallel_loop3A_146 = arith.cmpi ne, %parallel_loop3A_144, %parallel_loop3A_145 : i32
      %parallel_loop3A_147 = arith.andi %parallel_loop3A_143, %parallel_loop3A_146 : i1
      %parallel_loop3A_148 = arith.constant 1 : i32
      %parallel_loop3A_149 = arith.subi %parallel_loop3A_128, %parallel_loop3A_148 : i32
      %parallel_loop3A_150 = arith.select %parallel_loop3A_147, %parallel_loop3A_149, %parallel_loop3A_128 : i32
      %parallel_loop3A_151 = arith.constant 4 : i32
      %parallel_loop3A_152 = arith.constant 0 : i32
      %parallel_loop3A_153 = arith.cmpi eq, %parallel_loop3A_151, %parallel_loop3A_152 : i32
      %parallel_loop3A_154 = arith.constant 1 : i32
      %parallel_loop3A_155 = arith.select %parallel_loop3A_153, %parallel_loop3A_154, %parallel_loop3A_151 : i32
      %parallel_loop3A_156 = arith.remsi %parallel_loop3A_126, %parallel_loop3A_155 : i32
      %parallel_loop3A_157 = arith.constant 0 : i32
      %parallel_loop3A_158 = arith.cmpi ne, %parallel_loop3A_156, %parallel_loop3A_157 : i32
      %parallel_loop3A_159 = arith.constant 0 : i32
      %parallel_loop3A_160 = arith.cmpi slt, %parallel_loop3A_156, %parallel_loop3A_159 : i32
      %parallel_loop3A_161 = arith.constant 0 : i32
      %parallel_loop3A_162 = arith.cmpi slt, %parallel_loop3A_155, %parallel_loop3A_161 : i32
      %parallel_loop3A_163 = arith.xori %parallel_loop3A_160, %parallel_loop3A_162 : i1
      %parallel_loop3A_164 = arith.andi %parallel_loop3A_163, %parallel_loop3A_158 : i1
      %parallel_loop3A_165 = arith.addi %parallel_loop3A_156, %parallel_loop3A_155 : i32
      %parallel_loop3A_166 = arith.select %parallel_loop3A_164, %parallel_loop3A_165, %parallel_loop3A_156 : i32
      %parallel_loop3A_167 = arith.constant 16 : i32
      %parallel_loop3A_168 = arith.muli %parallel_loop3A_150, %parallel_loop3A_167 : i32
      %parallel_loop3A_169 = vector.broadcast %parallel_loop3A_168 : i32 to vector<16xi32>
      %parallel_loop3A_170 = arith.addi %parallel_loop3A_169, %iota3A : vector<16xi32>
      %parallel_loop3A_171 = arith.constant 8 : i32
      %parallel_loop3A_172 = arith.divsi %parallel_loop3A_150, %parallel_loop3A_171 : i32
      %parallel_loop3A_173 = arith.constant 0 : i32
      %parallel_loop3A_174 = arith.cmpi sgt, %parallel_loop3A_150, %parallel_loop3A_173 : i32
      %parallel_loop3A_175 = arith.extui %parallel_loop3A_174 : i1 to i32
      %parallel_loop3A_176 = arith.constant 0 : i32
      %parallel_loop3A_177 = arith.cmpi slt, %parallel_loop3A_150, %parallel_loop3A_176 : i32
      %parallel_loop3A_178 = arith.extui %parallel_loop3A_177 : i1 to i32
      %parallel_loop3A_179 = arith.subi %parallel_loop3A_175, %parallel_loop3A_178 : i32
      %parallel_loop3A_180 = arith.constant 0 : i32
      %parallel_loop3A_181 = arith.cmpi sgt, %parallel_loop3A_171, %parallel_loop3A_180 : i32
      %parallel_loop3A_182 = arith.extui %parallel_loop3A_181 : i1 to i32
      %parallel_loop3A_183 = arith.constant 0 : i32
      %parallel_loop3A_184 = arith.cmpi slt, %parallel_loop3A_171, %parallel_loop3A_183 : i32
      %parallel_loop3A_185 = arith.extui %parallel_loop3A_184 : i1 to i32
      %parallel_loop3A_186 = arith.subi %parallel_loop3A_182, %parallel_loop3A_185 : i32
      %parallel_loop3A_187 = arith.cmpi ne, %parallel_loop3A_179, %parallel_loop3A_186 : i32
      %parallel_loop3A_188 = arith.remsi %parallel_loop3A_150, %parallel_loop3A_171 : i32
      %parallel_loop3A_189 = arith.constant 0 : i32
      %parallel_loop3A_190 = arith.cmpi ne, %parallel_loop3A_188, %parallel_loop3A_189 : i32
      %parallel_loop3A_191 = arith.andi %parallel_loop3A_187, %parallel_loop3A_190 : i1
      %parallel_loop3A_192 = arith.constant 1 : i32
      %parallel_loop3A_193 = arith.subi %parallel_loop3A_172, %parallel_loop3A_192 : i32
      %parallel_loop3A_194 = arith.select %parallel_loop3A_191, %parallel_loop3A_193, %parallel_loop3A_172 : i32
      %parallel_loop3A_195 = arith.constant 8 : i32
      %parallel_loop3A_196 = arith.constant 0 : i32
      %parallel_loop3A_197 = arith.cmpi eq, %parallel_loop3A_195, %parallel_loop3A_196 : i32
      %parallel_loop3A_198 = arith.constant 1 : i32
      %parallel_loop3A_199 = arith.select %parallel_loop3A_197, %parallel_loop3A_198, %parallel_loop3A_195 : i32
      %parallel_loop3A_200 = arith.remsi %parallel_loop3A_150, %parallel_loop3A_199 : i32
      %parallel_loop3A_201 = arith.constant 0 : i32
      %parallel_loop3A_202 = arith.cmpi ne, %parallel_loop3A_200, %parallel_loop3A_201 : i32
      %parallel_loop3A_203 = arith.constant 0 : i32
      %parallel_loop3A_204 = arith.cmpi slt, %parallel_loop3A_200, %parallel_loop3A_203 : i32
      %parallel_loop3A_205 = arith.constant 0 : i32
      %parallel_loop3A_206 = arith.cmpi slt, %parallel_loop3A_199, %parallel_loop3A_205 : i32
      %parallel_loop3A_207 = arith.xori %parallel_loop3A_204, %parallel_loop3A_206 : i1
      %parallel_loop3A_208 = arith.andi %parallel_loop3A_207, %parallel_loop3A_202 : i1
      %parallel_loop3A_209 = arith.addi %parallel_loop3A_200, %parallel_loop3A_199 : i32
      %parallel_loop3A_210 = arith.select %parallel_loop3A_208, %parallel_loop3A_209, %parallel_loop3A_200 : i32
      %parallel_loop3A_211 = arith.constant 16 : i32
      %parallel_loop3A_212 = arith.muli %parallel_loop3A_210, %parallel_loop3A_211 : i32
      %parallel_loop3A_213 = arith.constant 8 : i32
      %parallel_loop3A_214 = arith.muli %parallel_loop3A_166, %parallel_loop3A_213 : i32
      %parallel_loop3A_215 = arith.constant 0 : i32
      %parallel_loop3A_216 = arith.addi %parallel_loop3A_214, %parallel_loop3A_215 : i32
      %parallel_loop3A_217 = vector.broadcast %parallel_loop3A_216 : i32 to vector<16xi32>
      %parallel_loop3A_218 = tpu.vector_load_idx %arg7[%parallel_loop3A_170, %parallel_loop3A_217] : memref<512x32xf32, #tpu.memory_space<vmem>>[vector<16xi32>, vector<16xi32>], vector<16xf32>,
      %parallel_loop3A_219 = arith.constant 5.65685415 : f32
      %parallel_loop3A_220 = vector.broadcast %parallel_loop3A_219 : f32 to vector<16xf32>
      %parallel_loop3A_221 = arith.mulf %parallel_loop3A_218, %parallel_loop3A_220 : vector<16xf32>
      %parallel_loop3A_222 = arith.constant 0 : i32
      %parallel_loop3A_223 = arith.index_cast %parallel_loop3A_166 : i32 to index
      %parallel_loop3A_224 = arith.index_cast %parallel_loop3A_194 : i32 to index
      %parallel_loop3A_225 = arith.index_cast %parallel_loop3A_222 : i32 to index
      %parallel_loop3A_226 = arith.index_cast %parallel_loop3A_212 : i32 to index
      %parallel_loop3A_227 = tpu.vector_load %arg10[%parallel_loop3A_223, %parallel_loop3A_224, %parallel_loop3A_225, %parallel_loop3A_226] {strides = array<i32>} : memref<4x4x8x128xf32, #tpu.memory_space<vmem>>, vector<16xf32>,
      tpu.vector_store %arg10[%parallel_loop3A_223, %parallel_loop3A_224, %parallel_loop3A_225, %parallel_loop3A_226], %parallel_loop3A_221 {strides = array<i32>} : memref<4x4x8x128xf32, #tpu.memory_space<vmem>>, vector<16xf32>,
      %parallel_loop3A_228 = arith.constant 8 : i32
      %parallel_loop3A_229 = arith.muli %parallel_loop3A_166, %parallel_loop3A_228 : i32
      %parallel_loop3A_230 = arith.constant 1 : i32
      %parallel_loop3A_231 = arith.addi %parallel_loop3A_229, %parallel_loop3A_230 : i32
      %parallel_loop3A_232 = vector.broadcast %parallel_loop3A_231 : i32 to vector<16xi32>
      %parallel_loop3A_233 = tpu.vector_load_idx %arg7[%parallel_loop3A_170, %parallel_loop3A_232] : memref<512x32xf32, #tpu.memory_space<vmem>>[vector<16xi32>, vector<16xi32>], vector<16xf32>,
      %parallel_loop3A_234 = arith.constant 5.65685415 : f32
      %parallel_loop3A_235 = vector.broadcast %parallel_loop3A_234 : f32 to vector<16xf32>
      %parallel_loop3A_236 = arith.mulf %parallel_loop3A_233, %parallel_loop3A_235 : vector<16xf32>
      %parallel_loop3A_237 = arith.constant 1 : i32
      %parallel_loop3A_238 = arith.index_cast %parallel_loop3A_166 : i32 to index
      %parallel_loop3A_239 = arith.index_cast %parallel_loop3A_194 : i32 to index
      %parallel_loop3A_240 = arith.index_cast %parallel_loop3A_237 : i32 to index
      %parallel_loop3A_241 = arith.index_cast %parallel_loop3A_212 : i32 to index
      %parallel_loop3A_242 = tpu.vector_load %arg10[%parallel_loop3A_238, %parallel_loop3A_239, %parallel_loop3A_240, %parallel_loop3A_241] {strides = array<i32>} : memref<4x4x8x128xf32, #tpu.memory_space<vmem>>, vector<16xf32>,
      tpu.vector_store %arg10[%parallel_loop3A_238, %parallel_loop3A_239, %parallel_loop3A_240, %parallel_loop3A_241], %parallel_loop3A_236 {strides = array<i32>} : memref<4x4x8x128xf32, #tpu.memory_space<vmem>>, vector<16xf32>,
      %parallel_loop3A_243 = arith.constant 8 : i32
      %parallel_loop3A_244 = arith.muli %parallel_loop3A_166, %parallel_loop3A_243 : i32
      %parallel_loop3A_245 = arith.constant 2 : i32
      %parallel_loop3A_246 = arith.addi %parallel_loop3A_244, %parallel_loop3A_245 : i32
      %parallel_loop3A_247 = vector.broadcast %parallel_loop3A_246 : i32 to vector<16xi32>
      %parallel_loop3A_248 = tpu.vector_load_idx %arg7[%parallel_loop3A_170, %parallel_loop3A_247] : memref<512x32xf32, #tpu.memory_space<vmem>>[vector<16xi32>, vector<16xi32>], vector<16xf32>,
      %parallel_loop3A_249 = arith.constant 5.65685415 : f32
      %parallel_loop3A_250 = vector.broadcast %parallel_loop3A_249 : f32 to vector<16xf32>
      %parallel_loop3A_251 = arith.mulf %parallel_loop3A_248, %parallel_loop3A_250 : vector<16xf32>
      %parallel_loop3A_252 = arith.constant 2 : i32
      %parallel_loop3A_253 = arith.index_cast %parallel_loop3A_166 : i32 to index
      %parallel_loop3A_254 = arith.index_cast %parallel_loop3A_194 : i32 to index
      %parallel_loop3A_255 = arith.index_cast %parallel_loop3A_252 : i32 to index
      %parallel_loop3A_256 = arith.index_cast %parallel_loop3A_212 : i32 to index
      %parallel_loop3A_257 = tpu.vector_load %arg10[%parallel_loop3A_253, %parallel_loop3A_254, %parallel_loop3A_255, %parallel_loop3A_256] {strides = array<i32>} : memref<4x4x8x128xf32, #tpu.memory_space<vmem>>, vector<16xf32>,
      tpu.vector_store %arg10[%parallel_loop3A_253, %parallel_loop3A_254, %parallel_loop3A_255, %parallel_loop3A_256], %parallel_loop3A_251 {strides = array<i32>} : memref<4x4x8x128xf32, #tpu.memory_space<vmem>>, vector<16xf32>,
      %parallel_loop3A_258 = arith.constant 8 : i32
      %parallel_loop3A_259 = arith.muli %parallel_loop3A_166, %parallel_loop3A_258 : i32
      %parallel_loop3A_260 = arith.constant 3 : i32
      %parallel_loop3A_261 = arith.addi %parallel_loop3A_259, %parallel_loop3A_260 : i32
      %parallel_loop3A_262 = vector.broadcast %parallel_loop3A_261 : i32 to vector<16xi32>
      %parallel_loop3A_263 = tpu.vector_load_idx %arg7[%parallel_loop3A_170, %parallel_loop3A_262] : memref<512x32xf32, #tpu.memory_space<vmem>>[vector<16xi32>, vector<16xi32>], vector<16xf32>,
      %parallel_loop3A_264 = arith.constant 5.65685415 : f32
      %parallel_loop3A_265 = vector.broadcast %parallel_loop3A_264 : f32 to vector<16xf32>
      %parallel_loop3A_266 = arith.mulf %parallel_loop3A_263, %parallel_loop3A_265 : vector<16xf32>
      %parallel_loop3A_267 = arith.constant 3 : i32
      %parallel_loop3A_268 = arith.index_cast %parallel_loop3A_166 : i32 to index
      %parallel_loop3A_269 = arith.index_cast %parallel_loop3A_194 : i32 to index
      %parallel_loop3A_270 = arith.index_cast %parallel_loop3A_267 : i32 to index
      %parallel_loop3A_271 = arith.index_cast %parallel_loop3A_212 : i32 to index
      %parallel_loop3A_272 = tpu.vector_load %arg10[%parallel_loop3A_268, %parallel_loop3A_269, %parallel_loop3A_270, %parallel_loop3A_271] {strides = array<i32>} : memref<4x4x8x128xf32, #tpu.memory_space<vmem>>, vector<16xf32>,
      tpu.vector_store %arg10[%parallel_loop3A_268, %parallel_loop3A_269, %parallel_loop3A_270, %parallel_loop3A_271], %parallel_loop3A_266 {strides = array<i32>} : memref<4x4x8x128xf32, #tpu.memory_space<vmem>>, vector<16xf32>,
      %parallel_loop3A_273 = arith.constant 8 : i32
      %parallel_loop3A_274 = arith.muli %parallel_loop3A_166, %parallel_loop3A_273 : i32
      %parallel_loop3A_275 = arith.constant 4 : i32
      %parallel_loop3A_276 = arith.addi %parallel_loop3A_274, %parallel_loop3A_275 : i32
      %parallel_loop3A_277 = vector.broadcast %parallel_loop3A_276 : i32 to vector<16xi32>
      %parallel_loop3A_278 = tpu.vector_load_idx %arg7[%parallel_loop3A_170, %parallel_loop3A_277] : memref<512x32xf32, #tpu.memory_space<vmem>>[vector<16xi32>, vector<16xi32>], vector<16xf32>,
      %parallel_loop3A_279 = arith.constant 5.65685415 : f32
      %parallel_loop3A_280 = vector.broadcast %parallel_loop3A_279 : f32 to vector<16xf32>
      %parallel_loop3A_281 = arith.mulf %parallel_loop3A_278, %parallel_loop3A_280 : vector<16xf32>
      %parallel_loop3A_282 = arith.constant 4 : i32
      %parallel_loop3A_283 = arith.index_cast %parallel_loop3A_166 : i32 to index
      %parallel_loop3A_284 = arith.index_cast %parallel_loop3A_194 : i32 to index
      %parallel_loop3A_285 = arith.index_cast %parallel_loop3A_282 : i32 to index
      %parallel_loop3A_286 = arith.index_cast %parallel_loop3A_212 : i32 to index
      %parallel_loop3A_287 = tpu.vector_load %arg10[%parallel_loop3A_283, %parallel_loop3A_284, %parallel_loop3A_285, %parallel_loop3A_286] {strides = array<i32>} : memref<4x4x8x128xf32, #tpu.memory_space<vmem>>, vector<16xf32>,
      tpu.vector_store %arg10[%parallel_loop3A_283, %parallel_loop3A_284, %parallel_loop3A_285, %parallel_loop3A_286], %parallel_loop3A_281 {strides = array<i32>} : memref<4x4x8x128xf32, #tpu.memory_space<vmem>>, vector<16xf32>,
      %parallel_loop3A_288 = arith.constant 8 : i32
      %parallel_loop3A_289 = arith.muli %parallel_loop3A_166, %parallel_loop3A_288 : i32
      %parallel_loop3A_290 = arith.constant 5 : i32
      %parallel_loop3A_291 = arith.addi %parallel_loop3A_289, %parallel_loop3A_290 : i32
      %parallel_loop3A_292 = vector.broadcast %parallel_loop3A_291 : i32 to vector<16xi32>
      %parallel_loop3A_293 = tpu.vector_load_idx %arg7[%parallel_loop3A_170, %parallel_loop3A_292] : memref<512x32xf32, #tpu.memory_space<vmem>>[vector<16xi32>, vector<16xi32>], vector<16xf32>,
      %parallel_loop3A_294 = arith.constant 5.65685415 : f32
      %parallel_loop3A_295 = vector.broadcast %parallel_loop3A_294 : f32 to vector<16xf32>
      %parallel_loop3A_296 = arith.mulf %parallel_loop3A_293, %parallel_loop3A_295 : vector<16xf32>
      %parallel_loop3A_297 = arith.constant 5 : i32
      %parallel_loop3A_298 = arith.index_cast %parallel_loop3A_166 : i32 to index
      %parallel_loop3A_299 = arith.index_cast %parallel_loop3A_194 : i32 to index
      %parallel_loop3A_300 = arith.index_cast %parallel_loop3A_297 : i32 to index
      %parallel_loop3A_301 = arith.index_cast %parallel_loop3A_212 : i32 to index
      %parallel_loop3A_302 = tpu.vector_load %arg10[%parallel_loop3A_298, %parallel_loop3A_299, %parallel_loop3A_300, %parallel_loop3A_301] {strides = array<i32>} : memref<4x4x8x128xf32, #tpu.memory_space<vmem>>, vector<16xf32>,
      tpu.vector_store %arg10[%parallel_loop3A_298, %parallel_loop3A_299, %parallel_loop3A_300, %parallel_loop3A_301], %parallel_loop3A_296 {strides = array<i32>} : memref<4x4x8x128xf32, #tpu.memory_space<vmem>>, vector<16xf32>,
      %parallel_loop3A_303 = arith.constant 8 : i32
      %parallel_loop3A_304 = arith.muli %parallel_loop3A_166, %parallel_loop3A_303 : i32
      %parallel_loop3A_305 = arith.constant 6 : i32
      %parallel_loop3A_306 = arith.addi %parallel_loop3A_304, %parallel_loop3A_305 : i32
      %parallel_loop3A_307 = vector.broadcast %parallel_loop3A_306 : i32 to vector<16xi32>
      %parallel_loop3A_308 = tpu.vector_load_idx %arg7[%parallel_loop3A_170, %parallel_loop3A_307] : memref<512x32xf32, #tpu.memory_space<vmem>>[vector<16xi32>, vector<16xi32>], vector<16xf32>,
      %parallel_loop3A_309 = arith.constant 5.65685415 : f32
      %parallel_loop3A_310 = vector.broadcast %parallel_loop3A_309 : f32 to vector<16xf32>
      %parallel_loop3A_311 = arith.mulf %parallel_loop3A_308, %parallel_loop3A_310 : vector<16xf32>
      %parallel_loop3A_312 = arith.constant 6 : i32
      %parallel_loop3A_313 = arith.index_cast %parallel_loop3A_166 : i32 to index
      %parallel_loop3A_314 = arith.index_cast %parallel_loop3A_194 : i32 to index
      %parallel_loop3A_315 = arith.index_cast %parallel_loop3A_312 : i32 to index
      %parallel_loop3A_316 = arith.index_cast %parallel_loop3A_212 : i32 to index
      %parallel_loop3A_317 = tpu.vector_load %arg10[%parallel_loop3A_313, %parallel_loop3A_314, %parallel_loop3A_315, %parallel_loop3A_316] {strides = array<i32>} : memref<4x4x8x128xf32, #tpu.memory_space<vmem>>, vector<16xf32>,
      tpu.vector_store %arg10[%parallel_loop3A_313, %parallel_loop3A_314, %parallel_loop3A_315, %parallel_loop3A_316], %parallel_loop3A_311 {strides = array<i32>} : memref<4x4x8x128xf32, #tpu.memory_space<vmem>>, vector<16xf32>,
      %parallel_loop3A_318 = arith.constant 8 : i32
      %parallel_loop3A_319 = arith.muli %parallel_loop3A_166, %parallel_loop3A_318 : i32
      %parallel_loop3A_320 = arith.constant 7 : i32
      %parallel_loop3A_321 = arith.addi %parallel_loop3A_319, %parallel_loop3A_320 : i32
      %parallel_loop3A_322 = vector.broadcast %parallel_loop3A_321 : i32 to vector<16xi32>
      %parallel_loop3A_323 = tpu.vector_load_idx %arg7[%parallel_loop3A_170, %parallel_loop3A_322] : memref<512x32xf32, #tpu.memory_space<vmem>>[vector<16xi32>, vector<16xi32>], vector<16xf32>,
      %parallel_loop3A_324 = arith.constant 5.65685415 : f32
      %parallel_loop3A_325 = vector.broadcast %parallel_loop3A_324 : f32 to vector<16xf32>
      %parallel_loop3A_326 = arith.mulf %parallel_loop3A_323, %parallel_loop3A_325 : vector<16xf32>
      %parallel_loop3A_327 = arith.constant 7 : i32
      %parallel_loop3A_328 = arith.index_cast %parallel_loop3A_166 : i32 to index
      %parallel_loop3A_329 = arith.index_cast %parallel_loop3A_194 : i32 to index
      %parallel_loop3A_330 = arith.index_cast %parallel_loop3A_327 : i32 to index
      %parallel_loop3A_331 = arith.index_cast %parallel_loop3A_212 : i32 to index
      %parallel_loop3A_332 = tpu.vector_load %arg10[%parallel_loop3A_328, %parallel_loop3A_329, %parallel_loop3A_330, %parallel_loop3A_331] {strides = array<i32>} : memref<4x4x8x128xf32, #tpu.memory_space<vmem>>, vector<16xf32>,
      tpu.vector_store %arg10[%parallel_loop3A_328, %parallel_loop3A_329, %parallel_loop3A_330, %parallel_loop3A_331], %parallel_loop3A_326 {strides = array<i32>} : memref<4x4x8x128xf32, #tpu.memory_space<vmem>>, vector<16xf32>,
    } {sc.loop_unroll_factor = 4 : i64, sc.parallel_access}
    %dma_start3A_82 = arith.constant 49 : i32
    %dma_start3A_83 = arith.constant 0 : i32
    %dma_start3A_84 = arith.constant 0 : i32
    %dma_start3A_85 = arith.constant 0 : i32
    %dma_start3A_86 = tpu.memref_slice %arg4[%dma_start3A_82, %dma_start3A_83, %mul3A_4, %dma_start3A_84, %dma_start3A_85] : memref<50x4x128x8x128xf32, #tpu.memory_space<hbm>> -> memref<1x4x4x8x128xf32, #tpu.memory_space<hbm>>
    %dma_start3A_87 = tpu.memref_squeeze %dma_start3A_86 : memref<1x4x4x8x128xf32, #tpu.memory_space<hbm>> -> memref<4x4x8x128xf32, #tpu.memory_space<hbm>>
    %dma_start3A_88 = arith.constant 0 : i32
    %dma_start3A_89 = arith.constant 0 : i32
    %dma_start3A_90 = arith.constant 0 : i32
    %dma_start3A_91 = tpu.memref_slice %arg4[%dma_start3A_82, %dma_start3A_88, %mul3A_4, %dma_start3A_89, %dma_start3A_90] : memref<50x4x128x8x128xf32, #tpu.memory_space<hbm>> -> memref<1x4x4x8x128xf32, #tpu.memory_space<hbm>>
    %dma_start3A_92 = tpu.memref_squeeze %dma_start3A_91 : memref<1x4x4x8x128xf32, #tpu.memory_space<hbm>> -> memref<4x4x8x128xf32, #tpu.memory_space<hbm>>
    tpu.enqueue_dma source(%arg10 : memref<4x4x8x128xf32, #tpu.memory_space<vmem>>) target(%dma_start3A_92 : memref<4x4x8x128xf32, #tpu.memory_space<hbm>>) target_semaphore(%arg16 : memref<!tpu.dma_semaphore, #tpu.memory_space<semaphore_mem>>)
    %dma_wait3A_93 = arith.constant 47 : i32
    %dma_wait3A_94 = arith.constant 0 : i32
    %dma_wait3A_95 = arith.constant 0 : i32
    %dma_wait3A_96 = arith.constant 0 : i32
    %dma_wait3A_97 = tpu.memref_slice %arg4[%dma_wait3A_93, %dma_wait3A_94, %mul3A_4, %dma_wait3A_95, %dma_wait3A_96] : memref<50x4x128x8x128xf32, #tpu.memory_space<hbm>> -> memref<1x4x4x8x128xf32, #tpu.memory_space<hbm>>
    %dma_wait3A_98 = tpu.memref_squeeze %dma_wait3A_97 : memref<1x4x4x8x128xf32, #tpu.memory_space<hbm>> -> memref<4x4x8x128xf32, #tpu.memory_space<hbm>>
    %dma_wait3A_99 = arith.constant 0 : i32
    %dma_wait3A_100 = arith.constant 0 : i32
    %dma_wait3A_101 = arith.constant 0 : i32
    %dma_wait3A_102 = tpu.memref_slice %arg4[%dma_wait3A_93, %dma_wait3A_99, %mul3A_4, %dma_wait3A_100, %dma_wait3A_101] : memref<50x4x128x8x128xf32, #tpu.memory_space<hbm>> -> memref<1x4x4x8x128xf32, #tpu.memory_space<hbm>>
    %dma_wait3A_103 = tpu.memref_squeeze %dma_wait3A_102 : memref<1x4x4x8x128xf32, #tpu.memory_space<hbm>> -> memref<4x4x8x128xf32, #tpu.memory_space<hbm>>
    tpu.wait_dma2 semaphore(%arg17 : memref<!tpu.dma_semaphore, #tpu.memory_space<semaphore_mem>>) src(%arg11 : memref<4x4x8x128xf32, #tpu.memory_space<vmem>>) dst(%dma_wait3A_103 : memref<4x4x8x128xf32, #tpu.memory_space<hbm>>)
    %dma_wait3A_104 = arith.constant 48 : i32
    %dma_wait3A_105 = arith.constant 0 : i32
    %dma_wait3A_106 = arith.constant 0 : i32
    %dma_wait3A_107 = arith.constant 0 : i32
    %dma_wait3A_108 = tpu.memref_slice %arg4[%dma_wait3A_104, %dma_wait3A_105, %mul3A_4, %dma_wait3A_106, %dma_wait3A_107] : memref<50x4x128x8x128xf32, #tpu.memory_space<hbm>> -> memref<1x4x4x8x128xf32, #tpu.memory_space<hbm>>
    %dma_wait3A_109 = tpu.memref_squeeze %dma_wait3A_108 : memref<1x4x4x8x128xf32, #tpu.memory_space<hbm>> -> memref<4x4x8x128xf32, #tpu.memory_space<hbm>>
    %dma_wait3A_110 = arith.constant 0 : i32
    %dma_wait3A_111 = arith.constant 0 : i32
    %dma_wait3A_112 = arith.constant 0 : i32
    %dma_wait3A_113 = tpu.memref_slice %arg4[%dma_wait3A_104, %dma_wait3A_110, %mul3A_4, %dma_wait3A_111, %dma_wait3A_112] : memref<50x4x128x8x128xf32, #tpu.memory_space<hbm>> -> memref<1x4x4x8x128xf32, #tpu.memory_space<hbm>>
    %dma_wait3A_114 = tpu.memref_squeeze %dma_wait3A_113 : memref<1x4x4x8x128xf32, #tpu.memory_space<hbm>> -> memref<4x4x8x128xf32, #tpu.memory_space<hbm>>
    tpu.wait_dma2 semaphore(%arg15 : memref<!tpu.dma_semaphore, #tpu.memory_space<semaphore_mem>>) src(%arg9 : memref<4x4x8x128xf32, #tpu.memory_space<vmem>>) dst(%dma_wait3A_114 : memref<4x4x8x128xf32, #tpu.memory_space<hbm>>)
    %dma_wait3A_115 = arith.constant 49 : i32
    %dma_wait3A_116 = arith.constant 0 : i32
    %dma_wait3A_117 = arith.constant 0 : i32
    %dma_wait3A_118 = arith.constant 0 : i32
    %dma_wait3A_119 = tpu.memref_slice %arg4[%dma_wait3A_115, %dma_wait3A_116, %mul3A_4, %dma_wait3A_117, %dma_wait3A_118] : memref<50x4x128x8x128xf32, #tpu.memory_space<hbm>> -> memref<1x4x4x8x128xf32, #tpu.memory_space<hbm>>
    %dma_wait3A_120 = tpu.memref_squeeze %dma_wait3A_119 : memref<1x4x4x8x128xf32, #tpu.memory_space<hbm>> -> memref<4x4x8x128xf32, #tpu.memory_space<hbm>>
    %dma_wait3A_121 = arith.constant 0 : i32
    %dma_wait3A_122 = arith.constant 0 : i32
    %dma_wait3A_123 = arith.constant 0 : i32
    %dma_wait3A_124 = tpu.memref_slice %arg4[%dma_wait3A_115, %dma_wait3A_121, %mul3A_4, %dma_wait3A_122, %dma_wait3A_123] : memref<50x4x128x8x128xf32, #tpu.memory_space<hbm>> -> memref<1x4x4x8x128xf32, #tpu.memory_space<hbm>>
    %dma_wait3A_125 = tpu.memref_squeeze %dma_wait3A_124 : memref<1x4x4x8x128xf32, #tpu.memory_space<hbm>> -> memref<4x4x8x128xf32, #tpu.memory_space<hbm>>
    tpu.wait_dma2 semaphore(%arg16 : memref<!tpu.dma_semaphore, #tpu.memory_space<semaphore_mem>>) src(%arg10 : memref<4x4x8x128xf32, #tpu.memory_space<vmem>>) dst(%dma_wait3A_125 : memref<4x4x8x128xf32, #tpu.memory_space<hbm>>)
    return
  }
}

</mosaic_0001>

<sc_bundles>
// kernel: kernel.3.cloned.1.call-start
scs
__scs_entry_jumppad:
0x0: {  	(pc) =	sbr.rel $0x88, $3  }
0x1: {  	(tag) =	ssettag $0x0;
	lr =	simm.s32 $0x1  }
0x2: {  	[smem:$0x3F9F] =	sst lr;
	_ =	strace $0xD0000000  }
0x3: {  	_ = 	snop  }
0x4: {  	_ = 	snop  }
0x5: {  	_ = 	snop  }
0x6: {  	_ = 	snop  }
0x7: {  	_ = 	snop  }
__scs_overlays_trampoline_lowered:
0x8: {  	[smem:$0x3FAE] =	sst s0  }
0x9: {  	[smem:$0x3FAF] =	sst s1  }
0xa: {  	[smem:$0x3FB0] =	sst s2  }
0xb: {  	[smem:$0x3FB1] =	sst s3  }
0xc: {  	[smem:$0x3FB2] =	sst s4  }
0xd: {  	[smem:$0x3FB3] =	sst s5  }
0xe: {  	[smem:$0x3FB4] =	sst s6  }
0xf: {  	[smem:$0x3FB5] =	sst s7  }
0x10: {  	[smem:$0x3FB6] =	sst s8  }
0x11: {  	[smem:$0x3FB7] =	sst s9;
	s0 =	simm.s32 @!p0 $0x0  }
0x12: {  	s1 =	sld [smem:$0x3F9D];
	s0 =	simm.s32 @p0 $0x1  }
0x13: {  	[smem:$0x3FB8] =	sst s0;
	s0 =	simm.s32 @!p1 $0x0  }
0x14: {  	s2 =	sld [smem:$0x3F9C];
	s0 =	simm.s32 @p1 $0x1  }
0x15: {  	[smem:$0x3FB9] =	sst s0;
	s0 =	simm.s32 @!p2 $0x0  }
0x16: {  	s3 =	sld [smem:$0x3FDB];
	s0 =	simm.s32 @p2 $0x1  }
0x17: {  	s4 =	simm.s32 $0x1BF5;
	[smem:$0x3FBB] =	sst s0  }
0x18: {  	s0 =	sld [smem:$0x3F9E];
	_ =	swait.ge [sflag:s4], $0x0  }
0x19: {  	s7 =	sld [smem:$0x3F9F]  }
0x1a: {  	s8 =	sadd.s32 $0xFFFFE003, lr  }
0x1b: {  	s9 =	sadd.s32 $0xFFFFFEF7, lr;
	s5 =	simm.s32 $0xFFFFFFFF;
	p2 =	slt.u32 s8, $0xFFFFF086  }
0x1c: {  	p1 =	slt.u32 s9, $0xF7A;
	s5 =	simm.s32 @!p2 $0x0  }
0x1d: {  	s5 =	simm.s32 @p1 $0x1;
	p0 =	seq.s32 s7, s2  }
0x1e: {  	s7 =	smul.u32 @!p0 $0xF7A, s2;
	p2 =	seq.s32 @!p0 s5, $0x0  }
0x1f: {  	s9 =	smul.u32 $0xF7A, s1;
	s8 =	simm.s32 @!p0 $0x1BF5;
	p2 =	por !p2, p0  }
0x20: {  	[sflag:s8] =	ssyncset.s32 @!p0 $0xFFFFF086;
	s6 =	sadd.s32 @!p0 s3, s7;
	s7 =	simm.s32 @!p0 $0x108  }
0x21: {  	s3 =	sadd.s32 s3, s9;
	s6 =	sadd.s32 @!p0 $0x88, s6;
	s7 =	simm.s32 @p2 $0x1082  }
0x22: {  	[simem:s7], [sflag:s8] =	dma.local @!p0 [hbm:s6], $0xF7A  }
0x23: {  	s9 =	sor.u32 $0xD0000000, s2;
	s6 =	simm.s32 $0x108;
	_ =	swait.ge @!p0 [sflag:s8], $0x0  }
0x24: {  	s3 =	sadd.s32 $0x88, s3;
	s6 =	simm.s32 @!p1 $0x1082;
	[sflag:s4] =	ssyncset.s32 $0xFFFFF086  }
0x25: {  	[simem:s6], [sflag:s4] =	dma.local [hbm:s3], $0xF7A  }
0x26: {  	[smem:$0x3F9F] =	sst s1;
	(tag) =	ssettag s2;
	_ =	strace s9  }
0x27: {  	s1 =	sld [smem:$0x3FAF]  }
0x28: {  	s2 =	sld [smem:$0x3FB0]  }
0x29: {  	s4 =	sld [smem:$0x3FB2]  }
0x2a: {  	p0 =	seq.s32 s5, $0x0;
	s5 =	sld [smem:$0x3FB3]  }
0x2b: {  	s6 =	sld [smem:$0x3FB4]  }
0x2c: {  	s7 =	sld [smem:$0x3FB5]  }
0x2d: {  	s3 =	simm.s32 $0x108;
	s8 =	sld [smem:$0x3FB6]  }
0x2e: {  	s3 =	simm.s32 @!p0 $0x1082;
	s9 =	sld [smem:$0x3FB7]  }
0x2f: {  	lr =	sadd.s32 s0, s3;
	s0 =	sld [smem:$0x3FAE]  }
0x30: {  	s3 =	sld [smem:$0x3FB1]  }
0x31: {  	[smem:$0x3FBA] =	sst s10  }
0x32: {  	s10 =	sld [smem:$0x3FB8];
	_ =	sdelay $0x3  }
0x33: {  	p0 =	seq.s32 s10, $0x1;
	s10 =	sld [smem:$0x3FBA];
	_ =	sdelay $0x3  }
0x34: {  	[smem:$0x3FBA] =	sst s10  }
0x35: {  	s10 =	sld [smem:$0x3FB9];
	_ =	sdelay $0x3  }
0x36: {  	p1 =	seq.s32 s10, $0x1;
	s10 =	sld [smem:$0x3FBA];
	_ =	sdelay $0x3  }
0x37: {  	[smem:$0x3FBA] =	sst s10  }
0x38: {  	s10 =	sld [smem:$0x3FBB]  }
0x39: {  	_ = 	snop;
	(pc) =	sbr.ind lr, $3  }
0x3a: {  	_ = 	snop  }
0x3b: {  	_ = 	snop  }
0x3c: {  	p2 =	seq.s32 s10, $0x1;
	s10 =	sld [smem:$0x3FBA]  }
0x3d: {  	_ =	shalt  }
0x3e: {  	_ =	shalt  }
0x3f: {  	_ =	shalt  }
0x40: {  	_ =	shalt  }
0x41: {  	_ =	shalt  }
0x42: {  	_ =	shalt  }
0x43: {  	_ =	shalt  }
0x44: {  	_ =	shalt  }
0x45: {  	_ =	shalt  }
0x46: {  	_ =	shalt  }
0x47: {  	_ =	shalt  }
0x48: {  	_ =	shalt  }
0x49: {  	_ =	shalt  }
0x4a: {  	_ =	shalt  }
0x4b: {  	_ =	shalt  }
0x4c: {  	_ =	shalt  }
0x4d: {  	_ =	shalt  }
0x4e: {  	_ =	shalt  }
0x4f: {  	_ =	shalt  }
0x50: {  	_ =	shalt  }
0x51: {  	_ =	shalt  }
0x52: {  	_ =	shalt  }
0x53: {  	_ =	shalt  }
0x54: {  	_ =	shalt  }
0x55: {  	_ =	shalt  }
0x56: {  	_ =	shalt  }
0x57: {  	_ =	shalt  }
0x58: {  	_ =	shalt  }
0x59: {  	_ =	shalt  }
0x5a: {  	_ =	shalt  }
0x5b: {  	_ =	shalt  }
0x5c: {  	_ =	shalt  }
0x5d: {  	_ =	shalt  }
0x5e: {  	_ =	shalt  }
0x5f: {  	_ =	shalt  }
0x60: {  	_ =	shalt  }
0x61: {  	_ =	shalt  }
0x62: {  	_ =	shalt  }
0x63: {  	_ =	shalt  }
0x64: {  	_ =	shalt  }
0x65: {  	_ =	shalt  }
0x66: {  	_ =	shalt  }
0x67: {  	_ =	shalt  }
0x68: {  	_ =	shalt  }
0x69: {  	_ =	shalt  }
0x6a: {  	_ =	shalt  }
0x6b: {  	_ =	shalt  }
0x6c: {  	_ =	shalt  }
0x6d: {  	_ =	shalt  }
0x6e: {  	_ =	shalt  }
0x6f: {  	_ =	shalt  }
0x70: {  	_ =	shalt  }
0x71: {  	_ =	shalt  }
0x72: {  	_ =	shalt  }
0x73: {  	_ =	shalt  }
0x74: {  	_ =	shalt  }
0x75: {  	_ =	shalt  }
0x76: {  	_ =	shalt  }
0x77: {  	_ =	shalt  }
0x78: {  	_ =	shalt  }
0x79: {  	_ =	shalt  }
0x7a: {  	_ =	shalt  }
0x7b: {  	_ =	shalt  }
0x7c: {  	_ =	shalt  }
0x7d: {  	_ =	shalt  }
0x7e: {  	_ =	shalt  }
0x7f: {  	_ =	shalt  }
0x80: {  	_ =	shalt  }
0x81: {  	_ =	shalt  }
0x82: {  	_ =	shalt  }
0x83: {  	_ =	shalt  }
0x84: {  	_ =	shalt  }
0x85: {  	_ =	shalt  }
0x86: {  	_ =	shalt  }
0x87: {  	_ =	shalt  }
.Lfunc_end0:
.L_simem_size_0:
called_computation_lowered:
.L_overlay_start_0:
0x88: {  	s2 =	sld [smem:$0x3FD9]  }
0x89: {  	s3 =	sld [smem:$0x3FFE];
	_ =	sdelay $0x1  }
0x8a: {  	s1 =	srdreg.scid  }
0x8b: {  	s0 =	sand.u32 $0x1, s1  }
0x8c: {  	s17 =	sshll.u32 s0, $0xA;
	s2 =	sadd.s32 s3, s2  }
0x8d: {  	s2 =	sadd.s32 s2, s17  }
0x8e: {  	[smem:$0x3FC6] =	sst s2  }
0x8f: {  	_ = 	snop  }
0x90: {  	s2 =	sld [smem:$0x3FD0];
	(tm) =	ssettm $0x1  }
0x91: {  	s18 =	sld [smem:$0x3FFB];
	_ =	sdelay $0x3  }
0x92: {  	_ =	strace s18  }
0x93: {  	s3 =	sld [smem:$0x3FFC];
	_ =	sdelay $0x3  }
0x94: {  	_ =	strace s3  }
0x95: {  	s3 =	sld [smem:$0x3FFD];
	_ =	sdelay $0x3  }
0x96: {  	_ =	strace s3  }
0x97: {  	_ =	strace $0x8FFFFFFF  }
0x98: {  	s19 =	sld [smem:$0x3FDB];
	_ =	sdelay $0x1  }
0x99: {  	s4 =	simm.s32 $_scs_section_size  }
0x9a: {  	s5 =	simm.s32 $_size__tile_overlayer_lowered;
	s6 =	simm.s32 $_tile_overlayer_lowered  }
0x9b: {  	s22 =	simm.s32 $0x1BFF;
	s21 =	sshll.u32 s6, $0x1;
	s3 =	sadd.s32 s4, s19  }
0x9c: {  	s7 =	simm.s32 $0x0;
	s20 =	sshll.u32 s5, $0x1;
	s5 =	sadd.s32 s21, s3  }
0x9d: {  	[timem:s7], [sflag:s22] =	dma.local [hbm:s5], s20  }
0x9e: {  	_ =	swait.ge [sflag:s22], s20  }
0x9f: {  	s4 =	ssub.s32 $0x0, s20;
	[sflag:s22] =	ssyncset.done $0x0  }
0xa0: {  	[sflag:s22] =	ssyncadd.s32 s4;
	_ =	sdelay $0x1  }
0xa1: {  	s23 =	simm.s32 $0x1B8B  }
0xa2: {  	_ =	swait.ge [sflag:s23], $0x1  }
0xa3: {  	[sflag:s23] =	ssyncset.done $0x0  }
0xa4: {  	s25 =	simm.s32 $0x1B8E;
	s24 =	sld [smem:$0x3FFE];
	[sflag:s23] =	ssyncadd.s32 $0xFFFFFFFF  }
0xa5: {  	s26 =	simm.s32 $execute0_lowered;
	[smem:$0x3FD2] =	sst s25  }
0xa6: {  	s5 =	sshll.u32 s26, $0x1;
	_ =	strace $0x80000046;
	[dreg:$0x1] =	wrdreg $0xFFFFFFFF  }
0xa7: {  	s28 =	simm.s32 $_size_execute0_lowered;
	s3 =	sadd.s32 s3, s5;
	[dreg:$0x0] =	wrdreg $0x0  }
0xa8: {  	s5 =	sshll.u32 s28, $0x1;
	[dreg:$0x2] =	wrdreg s3  }
0xa9: {  	[dreg:$0x3] =	wrdreg s5  }
0xaa: {  	[dreg:$0x4] =	wrdreg $0xC0  }
0xab: {  	_ =	task [dreg:s7], $0x5FFFF  }
0xac: {  	[dreg:$0x1] =	wrdreg $0xFFFFFFFF  }
0xad: {  	[dreg:$0x0] =	wrdreg $0x60  }
0xae: {  	[dreg:$0x2] =	wrdreg s24  }
0xaf: {  	[dreg:$0x3] =	wrdreg s2  }
0xb0: {  	[dreg:$0x4] =	wrdreg $0x9  }
0xb1: {  	_ =	task.clear_ibuf [dreg:s7], $0x5FFFF;
	_ =	strace $0x90000046  }
0xb2: {  	s29 =	simm.s32 $0x9;
	_ =	strace $0x80000048  }
0xb3: {  	_ =	swait.ge [sflag:s29], $0x1  }
0xb4: {  	[sflag:s29] =	ssyncadd.s32 $0xFFFFFFFF  }
0xb5: {  	_ =	strace $0x90000048  }
0xb6: {  	_ =	sfence  }
0xb7: {  	s30 =	sld [smem:$0x0];
	_ =	sdelay $0x2  }
0xb8: {  	s31 =	sshll.u32 s1, $0xD;
	s1 =	sshrl.u32 s1, $0x2  }
0xb9: {  	s3 =	sand.u32 $0x4000, s31;
	s1 =	sadd.s32 s1, s30  }
0xba: {  	s0 =	sor.u32 s3, s0;
	s1 =	sshll.u32 s1, $0x11  }
0xbb: {  	s0 =	sor.u32 s1, s0  }
0xbc: {  	s0 =	sadd.s32 $0x8F2B, s0  }
0xbd: {  	[sflag:s0] =	ssyncadd.remote.s32 $0x1  }
0xbe: {  	_ =	sfence.sel $0xFFFF  }
0xbf: {  	[dreg:$0x0] =	wrdreg $0xFFFFFFFF;
	(pc) =	sbr.abs _section_cstart, $3  }
0xc0: {  	[dreg:$0x1] =	wrdreg $0xFFFFFFFF  }
0xc1: {  	_ =	task.clear_ibuf [dreg:s7], $0x2FFFF;
	_ =	strace $0x9FFFFFFF  }
0xc2: {  	(tm) =	ssettm $0x7FFFFFFF  }
0xc3: {  	_ =	shalt  }
tec
execute0_lowered:
.L_overlay_start_1:
0x0: {  	(tag) =	ssettag $0x1  }
0x1: {  	s0 =	rddreg [dreg:$0x0]  }
0x2: {  	s1 =	srdreg.scid;
	s3 =	stileid.u32  }
0x3: {  	s2 =	rddreg [dreg:$0x1];
	s4 =	simm.s32 $0x0;
	s12 =	simm.s32 $0x200  }
0x4: {  	s15 =	simm.s32 $0x6400;
	s16 =	simm.s32 $0xA400;
	s18 =	simm.s32 $0xE400  }
0x5: {  	s19 =	simm.s32 $0x1;
	s20 =	simm.s32 $0x1000;
	s21 =	simm.s32 $0x20000  }
0x6: {  	s22 =	simm.s32 $0x12400;
	s23 =	simm.s32 $0x2;
	s24 =	simm.s32 $0x16400  }
0x7: {  	s25 =	simm.s32 $0x3;
	s1 =	sand.u32 $0x1, s1;
	s3 =	sshll.u32 s3, $0x1  }
0x8: {  	s26 =	simm.s32 $0x1A400;
	[smem:$0x7FF] =	sst s4;
	s3 =	sor.u32 s1, s3  }
0x9: {  	s4 =	sadd.s32 $0xF42A00, s0;
	s1 =	ssub.s32 $0x2, s1;
	s28 =	sshll.u32 s3, $0x6  }
0xa: {  	s6 =	sshrl.u32 s1, $0x1;
	s30 =	sshll.u32 s3, $0x9;
	s5 =	sadd.s32 s28, s0  }
0xb: {  	s29 =	ssub.s32 s1, s6;
	s1 =	sadd.s32 s30, s2;
	s5 =	sadd.s32 $0x600, s5  }
0xc: {  	_ =	strace $0x80000047;
	s31 =	sadd.s32 $0x300000, s1;
	[dreg:$0x3] =	wrdreg s5  }
0xd: {  	s6 =	sshll.u32 s3, $0xC;
	s1 =	sadd.s32 $0x310000, s1;
	[dreg:$0x4] =	wrdreg s31  }
0xe: {  	v0 =	vlaneseq.u32;
	s3 =	simm.s32 $0x0;
	s0 =	smax.u32 s29, $0x1;
	[dreg:$0x5] =	wrdreg s1  }
0xf: {  	v0 =	vmul.u32 $0x20, v0;
	s7 =	sor.u32 $0x80000, s6;
	s8 =	sor.u32 $0x100000, s6;
	[dreg:$0x6] =	wrdreg s0  }
.LBB2_1:
0x10: {  	[dreg:$0x7] =	wrdreg s3;
	s0 =	simm.s32 $0x0  }
0x11: {  	s1 =	rddreg [dreg:$0x3];
	s29 =	simm.s32 $0x4000;
	s30 =	simm.s32 $0x7  }
0x12: {  	[tilespmem:s0], [sflag:$0x7] =	stream.strided.gather [hbm4b:s1+s12], $0x6400, s29, s12, $0x38;
	[tilespmem:$0x1E400] =	vst v63  }
0x13: {  	_ =	swait.ge [sflag:s30], $0x6400  }
0x14: {  	[sflag:s30] =	ssyncset.done $0x0  }
0x15: {  	[sflag:s30] =	ssyncadd.s32 $0xFFFF9C00  }
0x16: {  	[tilespmem:s15], [sflag:$0x1] =	stream.indirect.gather [hbm4b:s4+s12], $0x20, s0, s12, $0xb8;
	[tilespmem:$0x1E400] =	vst v63  }
0x17: {  	_ = 	snop  }
0x18: {  	[tilespmem:s16], [sflag:$0x2] =	stream.indirect.gather [hbm4b:s4+s12], $0x20, s12, s12, $0xb8;
	[tilespmem:$0x1E400] =	vst v63  }
0x19: {  	s31 =	simm.s32 $0x400;
	s1 =	simm.s32 $0x0  }
0x1a: {  	[tilespmem:s18], [sflag:$0x3] =	stream.indirect.gather [hbm4b:s4+s12], $0x20, s31, s12, $0xb8;
	[tilespmem:$0x1E400] =	vst v63  }
.LBB2_2:
0x1b: {  	s0 =	simm.s32 $0x0  }
0x1c: {  	v1 =	vmov s0  }
0x1d: {  	v1 =	vshll.u32 v1, $0x5  }
0x1e: {  	_ =	swait.ge [sflag:s19], $0x4000;
	v2 =	vor.u32 v0, v1  }
0x1f: {  	p0 =	seq.s32 s1, $0x0;
	[sflag:s19] =	ssyncset.done $0x0;
	v1 =	vor.u32 $0x18, v2  }
0x20: {  	s3 =	simm.s32 @!p0 $0x4;
	[sflag:s19] =	ssyncadd.s32 $0xFFFFC000  }
0x21: {  	_ =	swait.ge @!p0 [sflag:s3], $0x4000  }
0x22: {  	[sflag:s3] =	ssyncset.done @!p0 $0x0;
	v3 =	vor.u32 $0x8, v2  }
0x23: {  	v4 =	vor.u32 $0x10, v2;
	[sflag:s3] =	ssyncadd.s32 @!p0 $0xFFFFC000  }
0x24: {  	v1 =	vld.idx.msk [tilespmem:v1+s15+$0x0], $0xffff;
	_ =	sdelay $0x2  }
0x25: {  	v5 =	vor.u32 $0x19, v2;
	v3 =	vld.idx.msk [tilespmem:v3+s15+$0x0], $0xffff  }
0x26: {  	v4 =	vld.idx.msk [tilespmem:v4+s15+$0x0], $0xffff  }
0x27: {  	s30 =	sand.u32 $0x70, s0;
	s0 =	sand.u32 $0xC00, s0;
	v1 =	vmul.f32 $5.656854150e+00, v1  }
0x28: {  	s0 =	sor.u32 s30, s0;
	v6 =	vor.u32 $0x9, v2  }
0x29: {  	v7 =	vor.u32 $0x11, v2;
	[tilespmem:s0+$0x15400] =	vst v1  }
0x2a: {  	v1 =	vmul.f32 $5.656854150e+00, v3;
	v3 =	vld.idx.msk [tilespmem:v5+s15+$0x0], $0xffff  }
0x2b: {  	v4 =	vmul.f32 $5.656854150e+00, v4;
	v5 =	vld.idx.msk [tilespmem:v2+s15+$0x0], $0xffff  }
0x2c: {  	[tilespmem:s0+$0x13400] =	vst v1  }
0x2d: {  	[tilespmem:s0+$0x14400] =	vst v4;
	v4 =	vor.u32 $0x1A, v2;
	v1 =	vld.idx.msk [tilespmem:v6+s15+$0x0], $0xffff  }
0x2e: {  	v6 =	vld.idx.msk [tilespmem:v7+s15+$0x0], $0xffff;
	v7 =	vor.u32 $0x1, v2  }
0x2f: {  	v3 =	vmul.f32 $5.656854150e+00, v3  }
0x30: {  	v8 =	vor.u32 $0xA, v2;
	v5 =	vmul.f32 $5.656854150e+00, v5  }
0x31: {  	v9 =	vor.u32 $0x12, v2;
	[tilespmem:s0+$0x15480] =	vst v3  }
0x32: {  	v1 =	vmul.f32 $5.656854150e+00, v1;
	[tilespmem:s0+$0x12400] =	vst v5;
	v3 =	vld.idx.msk [tilespmem:v4+s15+$0x0], $0xffff  }
0x33: {  	v4 =	vmul.f32 $5.656854150e+00, v6;
	v5 =	vld.idx.msk [tilespmem:v7+s15+$0x0], $0xffff  }
0x34: {  	[tilespmem:s0+$0x13480] =	vst v1  }
0x35: {  	v6 =	vor.u32 $0x1B, v2;
	v1 =	vld.idx.msk [tilespmem:v8+s15+$0x0], $0xffff;
	[tilespmem:s0+$0x14480] =	vst v4  }
0x36: {  	s5 =	simm.s32 $0x10;
	v8 =	vor.u32 $0x2, v2;
	v7 =	vld.idx.msk [tilespmem:v9+s15+$0x0], $0xffff  }
0x37: {  	v4 =	vmov s5;
	v3 =	vmul.f32 $5.656854150e+00, v3  }
0x38: {  	v9 =	vor.u32 $0xB, v2;
	v4 =	vshll.u32 v4, $0x5;
	v5 =	vmul.f32 $5.656854150e+00, v5  }
0x39: {  	v10 =	vor.u32 $0x13, v2;
	s3 =	sadd.s32 $0x12400, s0;
	v4 =	vor.u32 v0, v4;
	[tilespmem:s0+$0x15500] =	vst v3  }
0x3a: {  	v1 =	vmul.f32 $5.656854150e+00, v1;
	v3 =	vor.u32 $0x18, v4;
	[tilespmem:s3+$0x80] =	vst v5;
	v6 =	vld.idx.msk [tilespmem:v6+s15+$0x0], $0xffff  }
0x3b: {  	v5 =	vmul.f32 $5.656854150e+00, v7;
	v7 =	vor.u32 $0x8, v4;
	v8 =	vld.idx.msk [tilespmem:v8+s15+$0x0], $0xffff  }
0x3c: {  	v11 =	vor.u32 $0x10, v4;
	[tilespmem:s0+$0x13500] =	vst v1  }
0x3d: {  	v1 =	vld.idx.msk [tilespmem:v9+s15+$0x0], $0xffff;
	[tilespmem:s0+$0x14500] =	vst v5  }
0x3e: {  	v5 =	vor.u32 $0x1C, v2;
	v9 =	vld.idx.msk [tilespmem:v10+s15+$0x0], $0xffff  }
0x3f: {  	v10 =	vor.u32 $0x3, v2;
	v3 =	vld.idx.msk [tilespmem:v3+s15+$0x0], $0xffff;
	v6 =	vmul.f32 $5.656854150e+00, v6  }
0x40: {  	v12 =	vor.u32 $0xC, v2;
	v7 =	vld.idx.msk [tilespmem:v7+s15+$0x0], $0xffff;
	v8 =	vmul.f32 $5.656854150e+00, v8  }
0x41: {  	v13 =	vor.u32 $0x14, v2;
	v11 =	vld.idx.msk [tilespmem:v11+s15+$0x0], $0xffff;
	[tilespmem:s0+$0x15580] =	vst v6  }
0x42: {  	v1 =	vmul.f32 $5.656854150e+00, v1;
	v6 =	vor.u32 $0x19, v4;
	[tilespmem:s3+$0x100] =	vst v8;
	v8 =	vld.idx.msk [tilespmem:v4+s15+$0x0], $0xffff  }
0x43: {  	s9 =	simm.s32 $0x80;
	v14 =	vor.u32 $0x9, v4;
	v5 =	vld.idx.msk [tilespmem:v5+s15+$0x0], $0xffff;
	v9 =	vmul.f32 $5.656854150e+00, v9  }
0x44: {  	s9 =	sand.u32 $0xC00, s9;
	s5 =	sand.u32 $0x70, s5;
	v15 =	vor.u32 $0x11, v4;
	[tilespmem:s0+$0x13580] =	vst v1;
	v1 =	vld.idx.msk [tilespmem:v10+s15+$0x0], $0xffff;
	v3 =	vmul.f32 $5.656854150e+00, v3  }
0x45: {  	s13 =	sor.u32 s5, s9;
	[tilespmem:s0+$0x14580] =	vst v9;
	v9 =	vld.idx.msk [tilespmem:v12+s15+$0x0], $0xffff;
	v7 =	vmul.f32 $5.656854150e+00, v7;
	v12 =	vor.u32 $0x1, v4  }
0x46: {  	v11 =	vmul.f32 $5.656854150e+00, v11;
	v10 =	vor.u32 $0x1D, v2;
	v13 =	vld.idx.msk [tilespmem:v13+s15+$0x0], $0xffff;
	[tilespmem:s13+$0x15400] =	vst v3  }
0x47: {  	v3 =	vor.u32 $0x4, v2;
	[tilespmem:s13+$0x13400] =	vst v7;
	v6 =	vld.idx.msk [tilespmem:v6+s15+$0x0], $0xffff;
	v8 =	vmul.f32 $5.656854150e+00, v8  }
0x48: {  	[tilespmem:s13+$0x14400] =	vst v11;
	v7 =	vor.u32 $0xD, v2;
	v5 =	vmul.f32 $5.656854150e+00, v5;
	v14 =	vld.idx.msk [tilespmem:v14+s15+$0x0], $0xffff  }
0x49: {  	v11 =	vor.u32 $0x15, v2;
	v15 =	vld.idx.msk [tilespmem:v15+s15+$0x0], $0xffff;
	v1 =	vmul.f32 $5.656854150e+00, v1;
	[tilespmem:s13+$0x12400] =	vst v8  }
0x4a: {  	v8 =	vor.u32 $0x1A, v4;
	[tilespmem:s0+$0x15600] =	vst v5;
	v5 =	vmul.f32 $5.656854150e+00, v9;
	v12 =	vld.idx.msk [tilespmem:v12+s15+$0x0], $0xffff  }
0x4b: {  	v9 =	vld.idx.msk [tilespmem:v10+s15+$0x0], $0xffff;
	v10 =	vor.u32 $0xA, v4;
	[tilespmem:s3+$0x180] =	vst v1;
	v1 =	vmul.f32 $5.656854150e+00, v13  }
0x4c: {  	v13 =	vor.u32 $0x12, v4;
	v3 =	vld.idx.msk [tilespmem:v3+s15+$0x0], $0xffff;
	[tilespmem:s0+$0x13600] =	vst v5;
	v5 =	vmul.f32 $5.656854150e+00, v6  }
0x4d: {  	v6 =	vld.idx.msk [tilespmem:v7+s15+$0x0], $0xffff;
	[tilespmem:s0+$0x14600] =	vst v1;
	v1 =	vmul.f32 $5.656854150e+00, v14;
	v14 =	vor.u32 $0x2, v4  }
0x4e: {  	v15 =	vmul.f32 $5.656854150e+00, v15;
	v7 =	vor.u32 $0x1E, v2;
	v11 =	vld.idx.msk [tilespmem:v11+s15+$0x0], $0xffff;
	[tilespmem:s13+$0x15480] =	vst v5  }
0x4f: {  	v5 =	vor.u32 $0x5, v2;
	[tilespmem:s13+$0x13480] =	vst v1;
	v1 =	vld.idx.msk [tilespmem:v8+s15+$0x0], $0xffff;
	v12 =	vmul.f32 $5.656854150e+00, v12  }
0x50: {  	s5 =	sadd.s32 $0x12400, s13;
	[tilespmem:s13+$0x14480] =	vst v15;
	v8 =	vmul.f32 $5.656854150e+00, v9;
	v9 =	vor.u32 $0xE, v2;
	v10 =	vld.idx.msk [tilespmem:v10+s15+$0x0], $0xffff  }
0x51: {  	v15 =	vor.u32 $0x16, v2;
	v13 =	vld.idx.msk [tilespmem:v13+s15+$0x0], $0xffff;
	v3 =	vmul.f32 $5.656854150e+00, v3;
	[tilespmem:s5+$0x80] =	vst v12  }
0x52: {  	s31 =	simm.s32 $0x20;
	[tilespmem:s0+$0x15680] =	vst v8;
	v6 =	vmul.f32 $5.656854150e+00, v6;
	v8 =	vor.u32 $0x1B, v4;
	v14 =	vld.idx.msk [tilespmem:v14+s15+$0x0], $0xffff  }
0x53: {  	v12 =	vor.u32 $0xB, v4;
	v7 =	vld.idx.msk [tilespmem:v7+s15+$0x0], $0xffff;
	[tilespmem:s3+$0x200] =	vst v3;
	v3 =	vmul.f32 $5.656854150e+00, v11;
	v11 =	vmov s31  }
0x54: {  	v16 =	vor.u32 $0x13, v4;
	v5 =	vld.idx.msk [tilespmem:v5+s15+$0x0], $0xffff;
	[tilespmem:s0+$0x13680] =	vst v6;
	v6 =	vmul.f32 $5.656854150e+00, v1;
	v1 =	vshll.u32 v11, $0x5  }
0x55: {  	v9 =	vld.idx.msk [tilespmem:v9+s15+$0x0], $0xffff;
	[tilespmem:s0+$0x14680] =	vst v3;
	v3 =	vmul.f32 $5.656854150e+00, v10;
	v1 =	vor.u32 v0, v1  }
0x56: {  	v10 =	vor.u32 $0x1F, v2;
	v13 =	vmul.f32 $5.656854150e+00, v13;
	v11 =	vld.idx.msk [tilespmem:v15+s15+$0x0], $0xffff;
	[tilespmem:s13+$0x15500] =	vst v6  }
0x57: {  	v6 =	vor.u32 $0x18, v1;
	[tilespmem:s13+$0x13500] =	vst v3;
	v3 =	vld.idx.msk [tilespmem:v8+s15+$0x0], $0xffff  }
0x58: {  	v15 =	vor.u32 $0x8, v1;
	[tilespmem:s13+$0x14500] =	vst v13;
	v7 =	vmul.f32 $5.656854150e+00, v7;
	v12 =	vld.idx.msk [tilespmem:v12+s15+$0x0], $0xffff  }
0x59: {  	v8 =	vor.u32 $0x10, v1;
	v13 =	vld.idx.msk [tilespmem:v16+s15+$0x0], $0xffff  }
0x5a: {  	[tilespmem:s0+$0x15700] =	vst v7;
	v7 =	vor.u32 $0x1C, v4;
	v20 =	vld.idx.msk [tilespmem:v1+s15+$0x0], $0xffff  }
0x5b: {  	v16 =	vor.u32 $0x3, v4;
	v10 =	vld.idx.msk [tilespmem:v10+s15+$0x0], $0xffff  }
0x5c: {  	v17 =	vor.u32 $0xC, v4;
	v6 =	vld.idx.msk [tilespmem:v6+s15+$0x0], $0xffff;
	v3 =	vmul.f32 $5.656854150e+00, v3  }
0x5d: {  	v18 =	vor.u32 $0x14, v4;
	v14 =	vmul.f32 $5.656854150e+00, v14;
	v15 =	vld.idx.msk [tilespmem:v15+s15+$0x0], $0xffff  }
0x5e: {  	v19 =	vor.u32 $0x6, v2;
	v8 =	vld.idx.msk [tilespmem:v8+s15+$0x0], $0xffff;
	v12 =	vmul.f32 $5.656854150e+00, v12;
	[tilespmem:s13+$0x15580] =	vst v3  }
0x5f: {  	[tilespmem:s5+$0x100] =	vst v14;
	v3 =	vmul.f32 $5.656854150e+00, v13;
	v13 =	vor.u32 $0x19, v1;
	v7 =	vld.idx.msk [tilespmem:v7+s15+$0x0], $0xffff  }
0x60: {  	s10 =	simm.s32 $0x100;
	v14 =	vor.u32 $0x9, v1;
	v5 =	vmul.f32 $5.656854150e+00, v5;
	[tilespmem:s13+$0x13580] =	vst v12;
	v12 =	vld.idx.msk [tilespmem:v16+s15+$0x0], $0xffff  }
0x61: {  	s10 =	sand.u32 $0xC00, s10;
	s9 =	sand.u32 $0x70, s31;
	v16 =	vor.u32 $0x11, v1;
	[tilespmem:s13+$0x14580] =	vst v3;
	v3 =	vmul.f32 $5.656854150e+00, v6;
	v6 =	vld.idx.msk [tilespmem:v17+s15+$0x0], $0xffff  }
0x62: {  	s9 =	sor.u32 s9, s10;
	[tilespmem:s3+$0x280] =	vst v5;
	v17 =	vor.u32 $0x1, v1;
	v5 =	vmul.f32 $5.656854150e+00, v15;
	v15 =	vld.idx.msk [tilespmem:v18+s15+$0x0], $0xffff  }
0x63: {  	v8 =	vmul.f32 $5.656854150e+00, v8;
	v18 =	vld.idx.msk [tilespmem:v19+s15+$0x0], $0xffff;
	[tilespmem:s9+$0x15400] =	vst v3;
	v3 =	vor.u32 $0x1D, v4  }
0x64: {  	v20 =	vmul.f32 $5.656854150e+00, v20;
	v19 =	vor.u32 $0x4, v4;
	[tilespmem:s9+$0x13400] =	vst v5;
	v5 =	vld.idx.msk [tilespmem:v13+s15+$0x0], $0xffff  }
0x65: {  	v13 =	vor.u32 $0xD, v4;
	v14 =	vld.idx.msk [tilespmem:v14+s15+$0x0], $0xffff;
	[tilespmem:s9+$0x14400] =	vst v8;
	v7 =	vmul.f32 $5.656854150e+00, v7  }
0x66: {  	[tilespmem:s9+$0x12400] =	vst v20;
	v8 =	vor.u32 $0x15, v4;
	v16 =	vld.idx.msk [tilespmem:v16+s15+$0x0], $0xffff;
	v12 =	vmul.f32 $5.656854150e+00, v12  }
0x67: {  	v20 =	vor.u32 $0xF, v2;
	v17 =	vld.idx.msk [tilespmem:v17+s15+$0x0], $0xffff;
	v6 =	vmul.f32 $5.656854150e+00, v6;
	[tilespmem:s13+$0x15600] =	vst v7  }
0x68: {  	v7 =	vor.u32 $0x1A, v1;
	[tilespmem:s5+$0x180] =	vst v12;
	v12 =	vmul.f32 $5.656854150e+00, v15;
	v3 =	vld.idx.msk [tilespmem:v3+s15+$0x0], $0xffff  }
0x69: {  	v9 =	vmul.f32 $5.656854150e+00, v9;
	v15 =	vor.u32 $0xA, v1;
	v19 =	vld.idx.msk [tilespmem:v19+s15+$0x0], $0xffff;
	[tilespmem:s13+$0x13600] =	vst v6  }
0x6a: {  	v6 =	vor.u32 $0x12, v1;
	v5 =	vmul.f32 $5.656854150e+00, v5;
	v13 =	vld.idx.msk [tilespmem:v13+s15+$0x0], $0xffff;
	[tilespmem:s13+$0x14600] =	vst v12  }
0x6b: {  	[tilespmem:s0+$0x13700] =	vst v9;
	v12 =	vor.u32 $0x2, v1;
	v14 =	vmul.f32 $5.656854150e+00, v14;
	v8 =	vld.idx.msk [tilespmem:v8+s15+$0x0], $0xffff  }
0x6c: {  	v9 =	vmul.f32 $5.656854150e+00, v16;
	v16 =	vld.idx.msk [tilespmem:v20+s15+$0x0], $0xffff;
	[tilespmem:s9+$0x15480] =	vst v5;
	v5 =	vor.u32 $0x1E, v4  }
0x6d: {  	v20 =	vor.u32 $0x5, v4;
	v17 =	vmul.f32 $5.656854150e+00, v17;
	[tilespmem:s9+$0x13480] =	vst v14;
	v7 =	vld.idx.msk [tilespmem:v7+s15+$0x0], $0xffff  }
0x6e: {  	s10 =	sadd.s32 $0x12400, s9;
	v14 =	vor.u32 $0xE, v4;
	v15 =	vld.idx.msk [tilespmem:v15+s15+$0x0], $0xffff;
	[tilespmem:s9+$0x14480] =	vst v9;
	v3 =	vmul.f32 $5.656854150e+00, v3  }
0x6f: {  	v9 =	vor.u32 $0x16, v4;
	[tilespmem:s10+$0x80] =	vst v17;
	v6 =	vld.idx.msk [tilespmem:v6+s15+$0x0], $0xffff;
	v17 =	vmul.f32 $5.656854150e+00, v19  }
0x70: {  	v19 =	vor.u32 $0x17, v2;
	v21 =	vld.idx.msk [tilespmem:v12+s15+$0x0], $0xffff;
	v12 =	vmul.f32 $5.656854150e+00, v13;
	[tilespmem:s13+$0x15680] =	vst v3  }
0x71: {  	v3 =	vor.u32 $0x1B, v1;
	[tilespmem:s5+$0x200] =	vst v17;
	v8 =	vmul.f32 $5.656854150e+00, v8;
	v5 =	vld.idx.msk [tilespmem:v5+s15+$0x0], $0xffff  }
0x72: {  	s11 =	simm.s32 $0x30;
	v11 =	vmul.f32 $5.656854150e+00, v11;
	v13 =	vor.u32 $0xB, v1;
	v17 =	vld.idx.msk [tilespmem:v20+s15+$0x0], $0xffff;
	[tilespmem:s13+$0x13680] =	vst v12  }
0x73: {  	v20 =	vor.u32 $0x13, v1;
	v12 =	vmov s11;
	v7 =	vmul.f32 $5.656854150e+00, v7;
	v14 =	vld.idx.msk [tilespmem:v14+s15+$0x0], $0xffff;
	[tilespmem:s13+$0x14680] =	vst v8  }
0x74: {  	[tilespmem:s0+$0x14700] =	vst v11;
	v8 =	vor.u32 $0x7, v2;
	v2 =	vshll.u32 v12, $0x5;
	v15 =	vmul.f32 $5.656854150e+00, v15;
	v12 =	vld.idx.msk [tilespmem:v9+s15+$0x0], $0xffff  }
0x75: {  	v2 =	vor.u32 v0, v2;
	v6 =	vmul.f32 $5.656854150e+00, v6;
	v24 =	vld.idx.msk [tilespmem:v19+s15+$0x0], $0xffff;
	[tilespmem:s9+$0x15500] =	vst v7;
	v7 =	vor.u32 $0x1F, v4  }
0x76: {  	v9 =	vmul.f32 $5.656854150e+00, v18;
	v11 =	vor.u32 $0x18, v2;
	[tilespmem:s9+$0x13500] =	vst v15;
	v3 =	vld.idx.msk [tilespmem:v3+s15+$0x0], $0xffff  }
0x77: {  	v15 =	vor.u32 $0x8, v2;
	v13 =	vld.idx.msk [tilespmem:v13+s15+$0x0], $0xffff;
	[tilespmem:s9+$0x14500] =	vst v6;
	v5 =	vmul.f32 $5.656854150e+00, v5  }
0x78: {  	v6 =	vor.u32 $0x10, v2;
	[tilespmem:s3+$0x300] =	vst v9;
	v18 =	vld.idx.msk [tilespmem:v20+s15+$0x0], $0xffff  }
0x79: {  	v9 =	vmul.f32 $5.656854150e+00, v10;
	v26 =	vld.idx.msk [tilespmem:v8+s15+$0x0], $0xffff;
	[tilespmem:s13+$0x15700] =	vst v5  }
0x7a: {  	v10 =	vor.u32 $0x3, v1;
	v5 =	vmul.f32 $5.656854150e+00, v16;
	v7 =	vld.idx.msk [tilespmem:v7+s15+$0x0], $0xffff  }
0x7b: {  	v23 =	vor.u32 $0xF, v4;
	v17 =	vmul.f32 $5.656854150e+00, v17;
	[tilespmem:s0+$0x15780] =	vst v9;
	v11 =	vld.idx.msk [tilespmem:v11+s15+$0x0], $0xffff  }
0x7c: {  	v25 =	vor.u32 $0xD, v1;
	v8 =	vor.u32 $0x1C, v1;
	v9 =	vmul.f32 $5.656854150e+00, v21;
	[tilespmem:s0+$0x13780] =	vst v5;
	v5 =	vld.idx.msk [tilespmem:v15+s15+$0x0], $0xffff  }
0x7d: {  	v30 =	vor.u32 $0x5, v1;
	v14 =	vmul.f32 $5.656854150e+00, v14;
	v16 =	vor.u32 $0x6, v4;
	[tilespmem:s5+$0x280] =	vst v17;
	v6 =	vld.idx.msk [tilespmem:v6+s15+$0x0], $0xffff  }
0x7e: {  	v19 =	vor.u32 $0xC, v1;
	[tilespmem:s10+$0x100] =	vst v9;
	v15 =	vmul.f32 $5.656854150e+00, v3;
	v9 =	vmul.f32 $5.656854150e+00, v13;
	v13 =	vld.idx.msk [tilespmem:v2+s15+$0x0], $0xffff  }
0x7f: {  	s17 =	simm.s32 $0x180;
	v29 =	vor.u32 $0x15, v1;
	v27 =	vor.u32 $0x9, v2;
	v20 =	vor.u32 $0x14, v1;
	[tilespmem:s13+$0x13700] =	vst v14;
	v28 =	vld.idx.msk [tilespmem:v10+s15+$0x0], $0xffff  }
0x80: {  	s14 =	sand.u32 $0xC00, s17;
	v34 =	vor.u32 $0x2, v2;
	v21 =	vor.u32 $0x19, v2;
	v42 =	vld.idx.msk [tilespmem:v23+s15+$0x0], $0xffff;
	v18 =	vmul.f32 $5.656854150e+00, v18;
	[tilespmem:s9+$0x15580] =	vst v15  }
0x81: {  	s11 =	sand.u32 $0x70, s11;
	v35 =	vor.u32 $0x12, v2;
	v36 =	vor.u32 $0x1A, v2;
	[tilespmem:s9+$0x13580] =	vst v9;
	v22 =	vld.idx.msk [tilespmem:v8+s15+$0x0], $0xffff;
	v8 =	vmul.f32 $5.656854150e+00, v11  }
0x82: {  	s11 =	sor.u32 s11, s14;
	v17 =	vor.u32 $0x1, v2;
	[tilespmem:s9+$0x14580] =	vst v18;
	v18 =	vor.u32 $0x11, v2;
	v33 =	vld.idx.msk [tilespmem:v16+s15+$0x0], $0xffff;
	v5 =	vmul.f32 $5.656854150e+00, v5  }
0x83: {  	v14 =	vor.u32 $0x15, v2;
	v3 =	vor.u32 $0x7, v4;
	v11 =	vld.idx.msk [tilespmem:v19+s15+$0x0], $0xffff;
	v6 =	vmul.f32 $5.656854150e+00, v6;
	[tilespmem:s11+$0x15400] =	vst v8  }
0x84: {  	v4 =	vor.u32 $0x17, v4;
	v15 =	vor.u32 $0x4, v1;
	v19 =	vld.idx.msk [tilespmem:v20+s15+$0x0], $0xffff;
	v13 =	vmul.f32 $5.656854150e+00, v13;
	[tilespmem:s11+$0x13400] =	vst v5  }
0x85: {  	v10 =	vor.u32 $0xE, v1;
	v7 =	vmul.f32 $5.656854150e+00, v7;
	v20 =	vor.u32 $0x1D, v1;
	v16 =	vld.idx.msk [tilespmem:v21+s15+$0x0], $0xffff;
	[tilespmem:s11+$0x14400] =	vst v6  }
0x86: {  	v23 =	vor.u32 $0x16, v2;
	v9 =	vor.u32 $0x16, v1;
	[tilespmem:s11+$0x12400] =	vst v13;
	v13 =	vmul.f32 $5.656854150e+00, v28;
	v27 =	vld.idx.msk [tilespmem:v27+s15+$0x0], $0xffff  }
0x87: {  	v26 =	vmul.f32 $5.656854150e+00, v26;
	[tilespmem:s13+$0x15780] =	vst v7;
	v7 =	vor.u32 $0x6, v1;
	v21 =	vmul.f32 $5.656854150e+00, v22;
	v31 =	vld.idx.msk [tilespmem:v18+s15+$0x0], $0xffff  }
0x88: {  	v8 =	vor.u32 $0xF, v1;
	v5 =	vor.u32 $0x7, v1;
	v32 =	vld.idx.msk [tilespmem:v17+s15+$0x0], $0xffff;
	v11 =	vmul.f32 $5.656854150e+00, v11;
	[tilespmem:s10+$0x180] =	vst v13  }
0x89: {  	v6 =	vor.u32 $0x17, v1;
	v28 =	vor.u32 $0xA, v2;
	v13 =	vmul.f32 $5.656854150e+00, v19;
	[tilespmem:s9+$0x15600] =	vst v21;
	v39 =	vld.idx.msk [tilespmem:v15+s15+$0x0], $0xffff  }
0x8a: {  	v18 =	vor.u32 $0x3, v2;
	v22 =	vor.u32 $0xB, v2;
	v38 =	vld.idx.msk [tilespmem:v20+s15+$0x0], $0xffff;
	[tilespmem:s9+$0x13600] =	vst v11;
	v11 =	vmul.f32 $5.656854150e+00, v16  }
0x8b: {  	v17 =	vor.u32 $0x4, v2;
	v19 =	vor.u32 $0x14, v2;
	[tilespmem:s9+$0x14600] =	vst v13;
	v40 =	vld.idx.msk [tilespmem:v25+s15+$0x0], $0xffff;
	v15 =	vmul.f32 $5.656854150e+00, v27  }
0x8c: {  	v21 =	vor.u32 $0x13, v2;
	v20 =	vor.u32 $0xC, v2;
	v41 =	vld.idx.msk [tilespmem:v29+s15+$0x0], $0xffff;
	v25 =	vmul.f32 $5.656854150e+00, v31;
	[tilespmem:s11+$0x15480] =	vst v11  }
0x8d: {  	v13 =	vor.u32 $0x5, v2;
	v29 =	vor.u32 $0x1E, v1;
	v32 =	vmul.f32 $5.656854150e+00, v32;
	[tilespmem:s11+$0x13480] =	vst v15;
	v37 =	vld.idx.msk [tilespmem:v36+s15+$0x0], $0xffff  }
0x8e: {  	s14 =	sadd.s32 $0x12400, s11;
	v16 =	vor.u32 $0xD, v2;
	v27 =	vor.u32 $0xE, v2;
	[tilespmem:s11+$0x14480] =	vst v25;
	v63 =	vmul.f32 $5.656854150e+00, v39;
	v31 =	vld.idx.msk [tilespmem:v28+s15+$0x0], $0xffff  }
0x8f: {  	v11 =	vor.u32 $0x6, v2;
	v15 =	vor.u32 $0x7, v2;
	[tilespmem:s14+$0x80] =	vst v32;
	v38 =	vmul.f32 $5.656854150e+00, v38;
	v32 =	vld.idx.msk [tilespmem:v35+s15+$0x0], $0xffff  }
0x90: {  	v25 =	vmul.f32 $5.656854150e+00, v24;
	v24 =	vor.u32 $0x17, v2;
	v36 =	vld.idx.msk [tilespmem:v34+s15+$0x0], $0xffff;
	v40 =	vmul.f32 $5.656854150e+00, v40;
	[tilespmem:s10+$0x200] =	vst v63  }
0x91: {  	v28 =	vmul.f32 $5.656854150e+00, v12;
	v39 =	vmul.f32 $5.656854150e+00, v41;
	[tilespmem:s9+$0x15680] =	vst v38;
	v38 =	vor.u32 $0x1B, v2;
	v30 =	vld.idx.msk [tilespmem:v30+s15+$0x0], $0xffff  }
0x92: {  	s28 =	simm.s32 $0xC;
	s29 =	simm.s32 $0x40;
	v12 =	vor.u32 $0xF, v2;
	v34 =	vmul.f32 $5.656854150e+00, v33;
	v35 =	vmul.f32 $5.656854150e+00, v42;
	v29 =	vld.idx.msk [tilespmem:v29+s15+$0x0], $0xffff;
	[tilespmem:s9+$0x13680] =	vst v40  }
.LBB2_3:
0x93: {  	v33 =	vmov s29;
	s28 =	sadd.s32 $0x4, s28;
	v37 =	vmul.f32 $5.656854150e+00, v37;
	v40 =	vld.idx.msk [tilespmem:v10+s15+$0x0], $0xffff;
	[tilespmem:s9+$0x14680] =	vst v39;
	v10 =	vmov v27  }
0x94: {  	v31 =	vmul.f32 $5.656854150e+00, v31;
	v27 =	vshll.u32 v33, $0x5;
	p1 =	slt.u32 s28, $0x7C;
	v39 =	vld.idx.msk [tilespmem:v9+s15+$0x0], $0xffff;
	[tilespmem:s13+$0x14700] =	vst v28;
	v9 =	vmov v23  }
0x95: {  	v23 =	vmul.f32 $5.656854150e+00, v32;
	v28 =	vor.u32 $0x1F, v1;
	v1 =	vmovc v2;
	[tilespmem:s11+$0x15500] =	vst v37;
	v37 =	vld.idx.msk [tilespmem:v4+s15+$0x0], $0xffff;
	v2 =	vor.u32 v0, v27  }
0x96: {  	v4 =	vmovc v6;
	v6 =	vmovc v24;
	v27 =	vor.u32 $0x8, v2;
	v41 =	vor.u32 $0x10, v2;
	v33 =	vor.u32 $0x18, v2;
	[tilespmem:s11+$0x13500] =	vst v31;
	v38 =	vld.idx.msk [tilespmem:v38+s15+$0x0], $0xffff  }
0x97: {  	v42 =	vor.u32 $0x1, v2;
	v43 =	vor.u32 $0x9, v2;
	v24 =	vld.idx.msk [tilespmem:v22+s15+$0x0], $0xffff;
	[tilespmem:s11+$0x14500] =	vst v23;
	v22 =	vmul.f32 $5.656854150e+00, v29  }
0x98: {  	v31 =	vor.u32 $0xA, v2;
	v44 =	vor.u32 $0x11, v2;
	v29 =	vor.u32 $0x2, v2;
	v23 =	vld.idx.msk [tilespmem:v21+s15+$0x0], $0xffff;
	[tilespmem:s5+$0x300] =	vst v34  }
0x99: {  	v36 =	vmul.f32 $5.656854150e+00, v36;
	v32 =	vor.u32 $0x12, v2;
	v34 =	vor.u32 $0x3, v2;
	[tilespmem:s9+$0x15700] =	vst v22;
	v45 =	vld.idx.msk [tilespmem:v3+s15+$0x0], $0xffff;
	v3 =	vmovc v5;
	v5 =	vmovc v15  }
0x9a: {  	v21 =	vor.u32 $0x13, v2;
	v22 =	vor.u32 $0xB, v2;
	v15 =	vor.u32 $0x1C, v1;
	v46 =	vld.idx.msk [tilespmem:v28+s15+$0x0], $0xffff;
	[tilespmem:s13+$0x13780] =	vst v35  }
0x9b: {  	v47 =	vor.u32 $0xC, v2;
	v48 =	vor.u32 $0x14, v2;
	v35 =	vor.u32 $0x4, v2;
	v49 =	vld.idx.msk [tilespmem:v33+s15+$0x0], $0xffff;
	[tilespmem:s14+$0x100] =	vst v36  }
0x9c: {  	v50 =	vor.u32 $0xD, v2;
	v33 =	vor.u32 $0x5, v2;
	v28 =	vmul.f32 $5.656854150e+00, v38;
	v36 =	vld.idx.msk [tilespmem:v27+s15+$0x0], $0xffff;
	[tilespmem:s0+$0x14780] =	vst v25;
	s0 =	smov.u32 s13;
	s13 =	smov.u32 s9;
	s9 =	smov.u32 s11  }
0x9d: {  	v24 =	vmul.f32 $5.656854150e+00, v24;
	v25 =	vmul.f32 $5.656854150e+00, v30;
	v38 =	vld.idx.msk [tilespmem:v41+s15+$0x0], $0xffff;
	v41 =	vor.u32 $0x15, v2;
	[tilespmem:s3+$0x380] =	vst v26;
	s3 =	smov.u32 s5;
	s5 =	smov.u32 s10;
	s10 =	smov.u32 s14  }
0x9e: {  	v51 =	vor.u32 $0x6, v2;
	v27 =	vor.u32 $0xE, v2;
	v26 =	vmul.f32 $5.656854150e+00, v23;
	v30 =	vld.idx.msk [tilespmem:v2+s15+$0x0], $0xffff;
	[tilespmem:s9+$0x15580] =	vst v28  }
0x9f: {  	v52 =	vor.u32 $0x19, v2;
	v40 =	vmul.f32 $5.656854150e+00, v40;
	v23 =	vor.u32 $0x16, v2;
	[tilespmem:s9+$0x13580] =	vst v24;
	v53 =	vld.idx.msk [tilespmem:v15+s15+$0x0], $0xffff  }
0xa0: {  	s17 =	sadd.s32 $0x80, s17;
	v28 =	vmul.f32 $5.656854150e+00, v39;
	v15 =	vor.u32 $0x7, v2;
	v54 =	vld.idx.msk [tilespmem:v18+s15+$0x0], $0xffff;
	[tilespmem:s9+$0x14580] =	vst v26;
	v26 =	vmul.f32 $5.656854150e+00, v46;
	v18 =	vmovc v34  }
0xa1: {  	s11 =	sand.u32 $0x70, s29;
	s14 =	sand.u32 $0xC00, s17;
	v39 =	vor.u32 $0xF, v2;
	v34 =	vmul.f32 $5.656854150e+00, v49;
	v46 =	vld.idx.msk [tilespmem:v20+s15+$0x0], $0xffff;
	[tilespmem:s5+$0x280] =	vst v25;
	v25 =	vmul.f32 $5.656854150e+00, v37;
	v20 =	vmovc v47  }
0xa2: {  	s11 =	sor.u32 s11, s14;
	v24 =	vor.u32 $0x17, v2;
	v36 =	vmul.f32 $5.656854150e+00, v36;
	v37 =	vld.idx.msk [tilespmem:v19+s15+$0x0], $0xffff;
	[tilespmem:s13+$0x15780] =	vst v26;
	v26 =	vmul.f32 $5.656854150e+00, v45;
	v19 =	vmovc v48  }
0xa3: {  	s14 =	sadd.s32 $0x12400, s11;
	v38 =	vmul.f32 $5.656854150e+00, v38;
	[tilespmem:s11+$0x15400] =	vst v34;
	v34 =	vor.u32 $0x1D, v1;
	v45 =	vld.idx.msk [tilespmem:v7+s15+$0x0], $0xffff;
	v7 =	vmovc v11;
	v11 =	vmov v51  }
0xa4: {  	v30 =	vmul.f32 $5.656854150e+00, v30;
	[tilespmem:s11+$0x13400] =	vst v36;
	v36 =	vld.idx.msk [tilespmem:v52+s15+$0x0], $0xffff  }
0xa5: {  	v43 =	vld.idx.msk [tilespmem:v43+s15+$0x0], $0xffff;
	[tilespmem:s11+$0x14400] =	vst v38;
	v38 =	vmul.f32 $5.656854150e+00, v53  }
0xa6: {  	[tilespmem:s11+$0x12400] =	vst v30;
	v30 =	vld.idx.msk [tilespmem:v44+s15+$0x0], $0xffff;
	v44 =	vmul.f32 $5.656854150e+00, v54  }
0xa7: {  	v46 =	vmul.f32 $5.656854150e+00, v46;
	v42 =	vld.idx.msk [tilespmem:v42+s15+$0x0], $0xffff;
	[tilespmem:s9+$0x15600] =	vst v38  }
0xa8: {  	v38 =	vor.u32 $0x1A, v2;
	v37 =	vmul.f32 $5.656854150e+00, v37;
	[tilespmem:s10+$0x180] =	vst v44;
	v44 =	vld.idx.msk [tilespmem:v34+s15+$0x0], $0xffff  }
0xa9: {  	v34 =	vmul.f32 $5.656854150e+00, v45;
	v47 =	vld.idx.msk [tilespmem:v17+s15+$0x0], $0xffff;
	[tilespmem:s9+$0x13600] =	vst v46;
	v17 =	vmov v35  }
0xaa: {  	v35 =	vmul.f32 $5.656854150e+00, v36;
	v45 =	vld.idx.msk [tilespmem:v16+s15+$0x0], $0xffff;
	[tilespmem:s9+$0x14600] =	vst v37;
	v16 =	vmov v50  }
0xab: {  	v36 =	vmul.f32 $5.656854150e+00, v43;
	v43 =	vld.idx.msk [tilespmem:v14+s15+$0x0], $0xffff;
	[tilespmem:s13+$0x13700] =	vst v40;
	v14 =	vmov v41  }
0xac: {  	v30 =	vmul.f32 $5.656854150e+00, v30;
	[tilespmem:s11+$0x15480] =	vst v35;
	v35 =	vor.u32 $0x1E, v1;
	v40 =	vld.idx.msk [tilespmem:v8+s15+$0x0], $0xffff;
	v8 =	vmovc v12;
	v12 =	vmov v39  }
0xad: {  	v39 =	vmul.f32 $5.656854150e+00, v42;
	[tilespmem:s11+$0x13480] =	vst v36;
	v37 =	vld.idx.msk [tilespmem:v38+s15+$0x0], $0xffff  }
.Ltmp0:
0xae: {  	v31 =	vld.idx.msk [tilespmem:v31+s15+$0x0], $0xffff;
	[tilespmem:s11+$0x14480] =	vst v30;
	v30 =	vmul.f32 $5.656854150e+00, v44;
	(pc) =	sbr.rel @p1 .LBB2_3-.Ltmp0, $4  }
0xaf: {  	[tilespmem:s14+$0x80] =	vst v39;
	v32 =	vld.idx.msk [tilespmem:v32+s15+$0x0], $0xffff;
	v39 =	vmul.f32 $5.656854150e+00, v47  }
0xb0: {  	v41 =	vmul.f32 $5.656854150e+00, v45;
	v36 =	vld.idx.msk [tilespmem:v29+s15+$0x0], $0xffff;
	[tilespmem:s9+$0x15680] =	vst v30  }
0xb1: {  	v38 =	vor.u32 $0x1B, v2;
	[tilespmem:s10+$0x200] =	vst v39;
	v39 =	vmul.f32 $5.656854150e+00, v43;
	v29 =	vld.idx.msk [tilespmem:v35+s15+$0x0], $0xffff  }
0xb2: {  	s29 =	sadd.s32 $0x10, s29;
	v35 =	vmul.f32 $5.656854150e+00, v40;
	v30 =	vld.idx.msk [tilespmem:v13+s15+$0x0], $0xffff;
	[tilespmem:s9+$0x13680] =	vst v41;
	v13 =	vmov v33  }
0xb3: {  	_ = 	snop  }
0xb4: {  	v33 =	vmul.f32 $5.656854150e+00, v37  }
0xb5: {  	v31 =	vmul.f32 $5.656854150e+00, v31  }
0xb6: {  	[tilespmem:s11+$0x15500] =	vst v33  }
0xb7: {  	[tilespmem:s11+$0x13500] =	vst v31;
	v31 =	vld.idx.msk [tilespmem:v38+s15+$0x0], $0xffff  }
0xb8: {  	v32 =	vmul.f32 $5.656854150e+00, v32;
	v22 =	vld.idx.msk [tilespmem:v22+s15+$0x0], $0xffff  }
0xb9: {  	v54 =	vmul.f32 $5.656854150e+00, v36  }
0xba: {  	v55 =	vor.u32 $0x1C, v2;
	[tilespmem:s11+$0x14500] =	vst v32  }
0xbb: {  	v21 =	vld.idx.msk [tilespmem:v21+s15+$0x0], $0xffff;
	[tilespmem:s14+$0x100] =	vst v54  }
0xbc: {  	v18 =	vld.idx.msk [tilespmem:v18+s15+$0x0], $0xffff;
	v31 =	vmul.f32 $5.656854150e+00, v31  }
0xbd: {  	v22 =	vmul.f32 $5.656854150e+00, v22  }
0xbe: {  	[tilespmem:s11+$0x15580] =	vst v31  }
0xbf: {  	[tilespmem:s11+$0x13580] =	vst v22;
	v22 =	vld.idx.msk [tilespmem:v55+s15+$0x0], $0xffff  }
0xc0: {  	v21 =	vmul.f32 $5.656854150e+00, v21;
	v20 =	vld.idx.msk [tilespmem:v20+s15+$0x0], $0xffff  }
0xc1: {  	[tilespmem:s9+$0x14680] =	vst v39;
	v18 =	vmul.f32 $5.656854150e+00, v18  }
0xc2: {  	[tilespmem:s11+$0x14580] =	vst v21;
	v21 =	vor.u32 $0x1D, v2  }
0xc3: {  	v19 =	vld.idx.msk [tilespmem:v19+s15+$0x0], $0xffff;
	[tilespmem:s14+$0x180] =	vst v18  }
0xc4: {  	[tilespmem:s13+$0x14700] =	vst v28;
	v17 =	vld.idx.msk [tilespmem:v17+s15+$0x0], $0xffff;
	v18 =	vmul.f32 $5.656854150e+00, v22  }
0xc5: {  	[tilespmem:s5+$0x300] =	vst v34;
	v20 =	vmul.f32 $5.656854150e+00, v20  }
0xc6: {  	[tilespmem:s11+$0x15600] =	vst v18  }
0xc7: {  	[tilespmem:s11+$0x13600] =	vst v20;
	v18 =	vld.idx.msk [tilespmem:v21+s15+$0x0], $0xffff  }
0xc8: {  	v1 =	vor.u32 $0x1F, v1;
	[tilespmem:s0+$0x14780] =	vst v25;
	v19 =	vmul.f32 $5.656854150e+00, v19;
	v16 =	vld.idx.msk [tilespmem:v16+s15+$0x0], $0xffff  }
0xc9: {  	v10 =	vld.idx.msk [tilespmem:v10+s15+$0x0], $0xffff;
	[tilespmem:s3+$0x380] =	vst v26;
	v17 =	vmul.f32 $5.656854150e+00, v17  }
0xca: {  	v9 =	vld.idx.msk [tilespmem:v9+s15+$0x0], $0xffff;
	v22 =	vmul.f32 $5.656854150e+00, v29;
	[tilespmem:s11+$0x14600] =	vst v19;
	v19 =	vor.u32 $0x1E, v2  }
0xcb: {  	v14 =	vld.idx.msk [tilespmem:v14+s15+$0x0], $0xffff;
	[tilespmem:s14+$0x200] =	vst v17  }
0xcc: {  	[tilespmem:s9+$0x15700] =	vst v22;
	v13 =	vld.idx.msk [tilespmem:v13+s15+$0x0], $0xffff;
	v17 =	vmul.f32 $5.656854150e+00, v18  }
0xcd: {  	[tilespmem:s13+$0x13780] =	vst v35;
	v1 =	vld.idx.msk [tilespmem:v1+s15+$0x0], $0xffff;
	v16 =	vmul.f32 $5.656854150e+00, v16  }
0xce: {  	v4 =	vld.idx.msk [tilespmem:v4+s15+$0x0], $0xffff;
	v18 =	vmul.f32 $5.656854150e+00, v30;
	[tilespmem:s11+$0x15680] =	vst v17  }
0xcf: {  	v10 =	vmul.f32 $5.656854150e+00, v10;
	[tilespmem:s11+$0x13680] =	vst v16;
	v17 =	vld.idx.msk [tilespmem:v19+s15+$0x0], $0xffff  }
0xd0: {  	v14 =	vmul.f32 $5.656854150e+00, v14;
	[tilespmem:s10+$0x280] =	vst v18;
	v16 =	vld.idx.msk [tilespmem:v27+s15+$0x0], $0xffff  }
0xd1: {  	[tilespmem:s9+$0x13700] =	vst v10;
	v10 =	vmul.f32 $5.656854150e+00, v13;
	v7 =	vld.idx.msk [tilespmem:v7+s15+$0x0], $0xffff  }
0xd2: {  	v8 =	vld.idx.msk [tilespmem:v8+s15+$0x0], $0xffff;
	v2 =	vor.u32 $0x1F, v2;
	v1 =	vmul.f32 $5.656854150e+00, v1;
	[tilespmem:s11+$0x14680] =	vst v14  }
0xd3: {  	v9 =	vmul.f32 $5.656854150e+00, v9;
	v13 =	vld.idx.msk [tilespmem:v23+s15+$0x0], $0xffff;
	[tilespmem:s14+$0x280] =	vst v10  }
0xd4: {  	[tilespmem:s9+$0x15780] =	vst v1;
	v10 =	vld.idx.msk [tilespmem:v11+s15+$0x0], $0xffff;
	v1 =	vmul.f32 $5.656854150e+00, v17  }
0xd5: {  	v3 =	vld.idx.msk [tilespmem:v3+s15+$0x0], $0xffff;
	[tilespmem:s9+$0x14700] =	vst v9;
	v9 =	vmul.f32 $5.656854150e+00, v16  }
0xd6: {  	v6 =	vld.idx.msk [tilespmem:v6+s15+$0x0], $0xffff;
	v7 =	vmul.f32 $5.656854150e+00, v7;
	[tilespmem:s11+$0x15700] =	vst v1  }
0xd7: {  	v1 =	vmul.f32 $5.656854150e+00, v8;
	[tilespmem:s11+$0x13700] =	vst v9;
	v2 =	vld.idx.msk [tilespmem:v2+s15+$0x0], $0xffff  }
0xd8: {  	[tilespmem:s10+$0x300] =	vst v7;
	v7 =	vmul.f32 $5.656854150e+00, v13  }
0xd9: {  	v8 =	vld.idx.msk [tilespmem:v12+s15+$0x0], $0xffff;
	[tilespmem:s9+$0x13780] =	vst v1;
	v1 =	vmul.f32 $5.656854150e+00, v10  }
0xda: {  	v4 =	vmul.f32 $5.656854150e+00, v4;
	v5 =	vld.idx.msk [tilespmem:v5+s15+$0x0], $0xffff;
	[tilespmem:s11+$0x14700] =	vst v7  }
0xdb: {  	v3 =	vmul.f32 $5.656854150e+00, v3;
	v7 =	vld.idx.msk [tilespmem:v24+s15+$0x0], $0xffff;
	[tilespmem:s14+$0x300] =	vst v1  }
0xdc: {  	[tilespmem:s13+$0x14780] =	vst v4;
	v4 =	vmul.f32 $5.656854150e+00, v6;
	v1 =	vmul.f32 $5.656854150e+00, v2;
	v2 =	vld.idx.msk [tilespmem:v15+s15+$0x0], $0xffff  }
0xdd: {  	[tilespmem:s5+$0x380] =	vst v3  }
0xde: {  	[tilespmem:s9+$0x14780] =	vst v4;
	v3 =	vmul.f32 $5.656854150e+00, v8  }
0xdf: {  	s0 =	smul.u32 $0x180000, s1;
	[tilespmem:s11+$0x15780] =	vst v1;
	v1 =	vmul.f32 $5.656854150e+00, v5  }
0xe0: {  	[tilespmem:s11+$0x13780] =	vst v3;
	v3 =	vmul.f32 $5.656854150e+00, v7  }
0xe1: {  	s13 =	smul.u32 $0x1800, s1;
	[tilespmem:s10+$0x380] =	vst v1;
	s10 =	sor.u32 s6, s0;
	v1 =	vmul.f32 $5.656854150e+00, v2  }
0xe2: {  	[tilespmem:s11+$0x14780] =	vst v3;
	s3 =	sshrl.u32 s10, $0x3  }
0xe3: {  	s13 =	sshra.s32 s13, $0x2;
	s3 =	sadd.s32 s2, s3;
	[tilespmem:s14+$0x380] =	vst v1;
	s14 =	simm.s32 $0x0  }
0xe4: {  	[hbm4b:s3+s20] =	stream.strided.scatter [tilespmem:s22], [sflag:$0x4], $0x4000, s21, s20, $0x38;
	[tilespmem:$0x1E400] =	vst v63  }
0xe5: {  	s5 =	sadd.s32 $0x600, s13;
	v1 =	vmov s14  }
0xe6: {  	v1 =	vshll.u32 v1, $0x5;
	[tilespmem:s15], [sflag:$0x1] =	stream.indirect.gather [hbm4b:s4+s12], $0x20, s5, s12, $0xb8;
	[tilespmem:$0x1E400] =	vst v63  }
0xe7: {  	v2 =	vor.u32 v0, v1;
	_ =	swait.ge [sflag:s23], $0x4000  }
0xe8: {  	v1 =	vor.u32 $0x18, v2;
	[sflag:s23] =	ssyncset.done $0x0  }
0xe9: {  	s5 =	simm.s32 @!p0 $0x5;
	[sflag:s23] =	ssyncadd.s32 $0xFFFFC000  }
0xea: {  	_ =	swait.ge @!p0 [sflag:s5], $0x4000  }
0xeb: {  	v3 =	vor.u32 $0x8, v2;
	[sflag:s5] =	ssyncset.done @!p0 $0x0  }
0xec: {  	v4 =	vor.u32 $0x10, v2;
	[sflag:s5] =	ssyncadd.s32 @!p0 $0xFFFFC000  }
0xed: {  	v1 =	vld.idx.msk [tilespmem:v1+s16+$0x0], $0xffff;
	_ =	sdelay $0x2  }
0xee: {  	v5 =	vor.u32 $0x19, v2;
	v3 =	vld.idx.msk [tilespmem:v3+s16+$0x0], $0xffff  }
0xef: {  	v4 =	vld.idx.msk [tilespmem:v4+s16+$0x0], $0xffff  }
0xf0: {  	s17 =	sand.u32 $0x70, s14;
	s3 =	sand.u32 $0xC00, s14;
	v1 =	vmul.f32 $5.656854150e+00, v1  }
0xf1: {  	s17 =	sor.u32 s17, s3;
	v6 =	vor.u32 $0x9, v2  }
0xf2: {  	v7 =	vor.u32 $0x11, v2;
	[tilespmem:s17+$0x19400] =	vst v1  }
0xf3: {  	v1 =	vmul.f32 $5.656854150e+00, v3;
	v3 =	vld.idx.msk [tilespmem:v5+s16+$0x0], $0xffff  }
0xf4: {  	v4 =	vmul.f32 $5.656854150e+00, v4;
	v5 =	vld.idx.msk [tilespmem:v2+s16+$0x0], $0xffff  }
0xf5: {  	[tilespmem:s17+$0x17400] =	vst v1  }
0xf6: {  	[tilespmem:s17+$0x18400] =	vst v4;
	v4 =	vor.u32 $0x1A, v2;
	v1 =	vld.idx.msk [tilespmem:v6+s16+$0x0], $0xffff  }
0xf7: {  	v6 =	vld.idx.msk [tilespmem:v7+s16+$0x0], $0xffff;
	v7 =	vor.u32 $0x1, v2  }
0xf8: {  	v3 =	vmul.f32 $5.656854150e+00, v3  }
0xf9: {  	v8 =	vor.u32 $0xA, v2;
	v5 =	vmul.f32 $5.656854150e+00, v5  }
0xfa: {  	v9 =	vor.u32 $0x12, v2;
	[tilespmem:s17+$0x19480] =	vst v3  }
0xfb: {  	v1 =	vmul.f32 $5.656854150e+00, v1;
	[tilespmem:s17+$0x16400] =	vst v5;
	v3 =	vld.idx.msk [tilespmem:v4+s16+$0x0], $0xffff  }
0xfc: {  	v4 =	vmul.f32 $5.656854150e+00, v6;
	v5 =	vld.idx.msk [tilespmem:v7+s16+$0x0], $0xffff  }
0xfd: {  	[tilespmem:s17+$0x17480] =	vst v1  }
0xfe: {  	v6 =	vor.u32 $0x1B, v2;
	v1 =	vld.idx.msk [tilespmem:v8+s16+$0x0], $0xffff;
	[tilespmem:s17+$0x18480] =	vst v4  }
0xff: {  	s9 =	simm.s32 $0x10;
	v8 =	vor.u32 $0x2, v2;
	v7 =	vld.idx.msk [tilespmem:v9+s16+$0x0], $0xffff  }
0x100: {  	v4 =	vmov s9;
	v3 =	vmul.f32 $5.656854150e+00, v3  }
0x101: {  	v9 =	vor.u32 $0xB, v2;
	v4 =	vshll.u32 v4, $0x5;
	v5 =	vmul.f32 $5.656854150e+00, v5  }
0x102: {  	v10 =	vor.u32 $0x13, v2;
	s5 =	sadd.s32 $0x16400, s17;
	v4 =	vor.u32 v0, v4;
	[tilespmem:s17+$0x19500] =	vst v3  }
0x103: {  	v1 =	vmul.f32 $5.656854150e+00, v1;
	v3 =	vor.u32 $0x18, v4;
	[tilespmem:s5+$0x80] =	vst v5;
	v6 =	vld.idx.msk [tilespmem:v6+s16+$0x0], $0xffff  }
0x104: {  	v5 =	vmul.f32 $5.656854150e+00, v7;
	v7 =	vor.u32 $0x8, v4;
	v8 =	vld.idx.msk [tilespmem:v8+s16+$0x0], $0xffff  }
0x105: {  	v11 =	vor.u32 $0x10, v4;
	[tilespmem:s17+$0x17500] =	vst v1  }
0x106: {  	v1 =	vld.idx.msk [tilespmem:v9+s16+$0x0], $0xffff;
	[tilespmem:s17+$0x18500] =	vst v5  }
0x107: {  	v5 =	vor.u32 $0x1C, v2;
	v9 =	vld.idx.msk [tilespmem:v10+s16+$0x0], $0xffff  }
0x108: {  	v10 =	vor.u32 $0x3, v2;
	v3 =	vld.idx.msk [tilespmem:v3+s16+$0x0], $0xffff;
	v6 =	vmul.f32 $5.656854150e+00, v6  }
0x109: {  	v12 =	vor.u32 $0xC, v2;
	v7 =	vld.idx.msk [tilespmem:v7+s16+$0x0], $0xffff;
	v8 =	vmul.f32 $5.656854150e+00, v8  }
0x10a: {  	v13 =	vor.u32 $0x14, v2;
	v11 =	vld.idx.msk [tilespmem:v11+s16+$0x0], $0xffff;
	[tilespmem:s17+$0x19580] =	vst v6  }
0x10b: {  	v1 =	vmul.f32 $5.656854150e+00, v1;
	v6 =	vor.u32 $0x19, v4;
	[tilespmem:s5+$0x100] =	vst v8;
	v8 =	vld.idx.msk [tilespmem:v4+s16+$0x0], $0xffff  }
0x10c: {  	s10 =	simm.s32 $0x80;
	v14 =	vor.u32 $0x9, v4;
	v5 =	vld.idx.msk [tilespmem:v5+s16+$0x0], $0xffff;
	v9 =	vmul.f32 $5.656854150e+00, v9  }
0x10d: {  	s3 =	sand.u32 $0x70, s9;
	s9 =	sand.u32 $0xC00, s10;
	v15 =	vor.u32 $0x11, v4;
	[tilespmem:s17+$0x17580] =	vst v1;
	v1 =	vld.idx.msk [tilespmem:v10+s16+$0x0], $0xffff;
	v3 =	vmul.f32 $5.656854150e+00, v3  }
0x10e: {  	s3 =	sor.u32 s3, s9;
	[tilespmem:s17+$0x18580] =	vst v9;
	v9 =	vld.idx.msk [tilespmem:v12+s16+$0x0], $0xffff;
	v7 =	vmul.f32 $5.656854150e+00, v7;
	v12 =	vor.u32 $0x1, v4  }
0x10f: {  	v11 =	vmul.f32 $5.656854150e+00, v11;
	v10 =	vor.u32 $0x1D, v2;
	v13 =	vld.idx.msk [tilespmem:v13+s16+$0x0], $0xffff;
	[tilespmem:s3+$0x19400] =	vst v3  }
0x110: {  	v3 =	vor.u32 $0x4, v2;
	[tilespmem:s3+$0x17400] =	vst v7;
	v6 =	vld.idx.msk [tilespmem:v6+s16+$0x0], $0xffff;
	v8 =	vmul.f32 $5.656854150e+00, v8  }
0x111: {  	[tilespmem:s3+$0x18400] =	vst v11;
	v7 =	vor.u32 $0xD, v2;
	v5 =	vmul.f32 $5.656854150e+00, v5;
	v14 =	vld.idx.msk [tilespmem:v14+s16+$0x0], $0xffff  }
0x112: {  	v11 =	vor.u32 $0x15, v2;
	v15 =	vld.idx.msk [tilespmem:v15+s16+$0x0], $0xffff;
	v1 =	vmul.f32 $5.656854150e+00, v1;
	[tilespmem:s3+$0x16400] =	vst v8  }
0x113: {  	v8 =	vor.u32 $0x1A, v4;
	[tilespmem:s17+$0x19600] =	vst v5;
	v5 =	vmul.f32 $5.656854150e+00, v9;
	v12 =	vld.idx.msk [tilespmem:v12+s16+$0x0], $0xffff  }
0x114: {  	v9 =	vld.idx.msk [tilespmem:v10+s16+$0x0], $0xffff;
	v10 =	vor.u32 $0xA, v4;
	[tilespmem:s5+$0x180] =	vst v1;
	v1 =	vmul.f32 $5.656854150e+00, v13  }
0x115: {  	v13 =	vor.u32 $0x12, v4;
	v3 =	vld.idx.msk [tilespmem:v3+s16+$0x0], $0xffff;
	[tilespmem:s17+$0x17600] =	vst v5;
	v5 =	vmul.f32 $5.656854150e+00, v6  }
0x116: {  	v6 =	vld.idx.msk [tilespmem:v7+s16+$0x0], $0xffff;
	[tilespmem:s17+$0x18600] =	vst v1;
	v1 =	vmul.f32 $5.656854150e+00, v14;
	v14 =	vor.u32 $0x2, v4  }
0x117: {  	v15 =	vmul.f32 $5.656854150e+00, v15;
	v7 =	vor.u32 $0x1E, v2;
	v11 =	vld.idx.msk [tilespmem:v11+s16+$0x0], $0xffff;
	[tilespmem:s3+$0x19480] =	vst v5  }
0x118: {  	v5 =	vor.u32 $0x5, v2;
	[tilespmem:s3+$0x17480] =	vst v1;
	v1 =	vld.idx.msk [tilespmem:v8+s16+$0x0], $0xffff;
	v12 =	vmul.f32 $5.656854150e+00, v12  }
0x119: {  	s9 =	sadd.s32 $0x16400, s3;
	[tilespmem:s3+$0x18480] =	vst v15;
	v8 =	vmul.f32 $5.656854150e+00, v9;
	v9 =	vor.u32 $0xE, v2;
	v10 =	vld.idx.msk [tilespmem:v10+s16+$0x0], $0xffff  }
0x11a: {  	v15 =	vor.u32 $0x16, v2;
	v13 =	vld.idx.msk [tilespmem:v13+s16+$0x0], $0xffff;
	v3 =	vmul.f32 $5.656854150e+00, v3;
	[tilespmem:s9+$0x80] =	vst v12  }
0x11b: {  	s11 =	simm.s32 $0x20;
	[tilespmem:s17+$0x19680] =	vst v8;
	v6 =	vmul.f32 $5.656854150e+00, v6;
	v8 =	vor.u32 $0x1B, v4;
	v14 =	vld.idx.msk [tilespmem:v14+s16+$0x0], $0xffff  }
0x11c: {  	v12 =	vor.u32 $0xB, v4;
	v7 =	vld.idx.msk [tilespmem:v7+s16+$0x0], $0xffff;
	[tilespmem:s5+$0x200] =	vst v3;
	v3 =	vmul.f32 $5.656854150e+00, v11;
	v11 =	vmov s11  }
0x11d: {  	v16 =	vor.u32 $0x13, v4;
	v5 =	vld.idx.msk [tilespmem:v5+s16+$0x0], $0xffff;
	[tilespmem:s17+$0x17680] =	vst v6;
	v6 =	vmul.f32 $5.656854150e+00, v1;
	v1 =	vshll.u32 v11, $0x5  }
0x11e: {  	v9 =	vld.idx.msk [tilespmem:v9+s16+$0x0], $0xffff;
	[tilespmem:s17+$0x18680] =	vst v3;
	v3 =	vmul.f32 $5.656854150e+00, v10;
	v1 =	vor.u32 v0, v1  }
0x11f: {  	v10 =	vor.u32 $0x1F, v2;
	v13 =	vmul.f32 $5.656854150e+00, v13;
	v11 =	vld.idx.msk [tilespmem:v15+s16+$0x0], $0xffff;
	[tilespmem:s3+$0x19500] =	vst v6  }
0x120: {  	v6 =	vor.u32 $0x18, v1;
	[tilespmem:s3+$0x17500] =	vst v3;
	v3 =	vld.idx.msk [tilespmem:v8+s16+$0x0], $0xffff  }
0x121: {  	v15 =	vor.u32 $0x8, v1;
	[tilespmem:s3+$0x18500] =	vst v13;
	v7 =	vmul.f32 $5.656854150e+00, v7;
	v12 =	vld.idx.msk [tilespmem:v12+s16+$0x0], $0xffff  }
0x122: {  	v8 =	vor.u32 $0x10, v1;
	v13 =	vld.idx.msk [tilespmem:v16+s16+$0x0], $0xffff  }
0x123: {  	[tilespmem:s17+$0x19700] =	vst v7;
	v7 =	vor.u32 $0x1C, v4;
	v20 =	vld.idx.msk [tilespmem:v1+s16+$0x0], $0xffff  }
0x124: {  	v16 =	vor.u32 $0x3, v4;
	v10 =	vld.idx.msk [tilespmem:v10+s16+$0x0], $0xffff  }
0x125: {  	v17 =	vor.u32 $0xC, v4;
	v6 =	vld.idx.msk [tilespmem:v6+s16+$0x0], $0xffff;
	v3 =	vmul.f32 $5.656854150e+00, v3  }
0x126: {  	v18 =	vor.u32 $0x14, v4;
	v14 =	vmul.f32 $5.656854150e+00, v14;
	v15 =	vld.idx.msk [tilespmem:v15+s16+$0x0], $0xffff  }
0x127: {  	v19 =	vor.u32 $0x6, v2;
	v8 =	vld.idx.msk [tilespmem:v8+s16+$0x0], $0xffff;
	v12 =	vmul.f32 $5.656854150e+00, v12;
	[tilespmem:s3+$0x19580] =	vst v3  }
0x128: {  	[tilespmem:s9+$0x100] =	vst v14;
	v3 =	vmul.f32 $5.656854150e+00, v13;
	v13 =	vor.u32 $0x19, v1;
	v7 =	vld.idx.msk [tilespmem:v7+s16+$0x0], $0xffff  }
0x129: {  	s14 =	simm.s32 $0x100;
	v14 =	vor.u32 $0x9, v1;
	v5 =	vmul.f32 $5.656854150e+00, v5;
	[tilespmem:s3+$0x17580] =	vst v12;
	v12 =	vld.idx.msk [tilespmem:v16+s16+$0x0], $0xffff  }
0x12a: {  	s10 =	sand.u32 $0x70, s11;
	s11 =	sand.u32 $0xC00, s14;
	v16 =	vor.u32 $0x11, v1;
	[tilespmem:s3+$0x18580] =	vst v3;
	v3 =	vmul.f32 $5.656854150e+00, v6;
	v6 =	vld.idx.msk [tilespmem:v17+s16+$0x0], $0xffff  }
0x12b: {  	s10 =	sor.u32 s10, s11;
	[tilespmem:s5+$0x280] =	vst v5;
	v17 =	vor.u32 $0x1, v1;
	v5 =	vmul.f32 $5.656854150e+00, v15;
	v15 =	vld.idx.msk [tilespmem:v18+s16+$0x0], $0xffff  }
0x12c: {  	v8 =	vmul.f32 $5.656854150e+00, v8;
	v18 =	vld.idx.msk [tilespmem:v19+s16+$0x0], $0xffff;
	[tilespmem:s10+$0x19400] =	vst v3;
	v3 =	vor.u32 $0x1D, v4  }
0x12d: {  	v20 =	vmul.f32 $5.656854150e+00, v20;
	v19 =	vor.u32 $0x4, v4;
	[tilespmem:s10+$0x17400] =	vst v5;
	v5 =	vld.idx.msk [tilespmem:v13+s16+$0x0], $0xffff  }
0x12e: {  	v13 =	vor.u32 $0xD, v4;
	v14 =	vld.idx.msk [tilespmem:v14+s16+$0x0], $0xffff;
	[tilespmem:s10+$0x18400] =	vst v8;
	v7 =	vmul.f32 $5.656854150e+00, v7  }
0x12f: {  	[tilespmem:s10+$0x16400] =	vst v20;
	v8 =	vor.u32 $0x15, v4;
	v16 =	vld.idx.msk [tilespmem:v16+s16+$0x0], $0xffff;
	v12 =	vmul.f32 $5.656854150e+00, v12  }
0x130: {  	v20 =	vor.u32 $0xF, v2;
	v17 =	vld.idx.msk [tilespmem:v17+s16+$0x0], $0xffff;
	v6 =	vmul.f32 $5.656854150e+00, v6;
	[tilespmem:s3+$0x19600] =	vst v7  }
0x131: {  	v7 =	vor.u32 $0x1A, v1;
	[tilespmem:s9+$0x180] =	vst v12;
	v12 =	vmul.f32 $5.656854150e+00, v15;
	v3 =	vld.idx.msk [tilespmem:v3+s16+$0x0], $0xffff  }
0x132: {  	v9 =	vmul.f32 $5.656854150e+00, v9;
	v15 =	vor.u32 $0xA, v1;
	v19 =	vld.idx.msk [tilespmem:v19+s16+$0x0], $0xffff;
	[tilespmem:s3+$0x17600] =	vst v6  }
0x133: {  	v6 =	vor.u32 $0x12, v1;
	v5 =	vmul.f32 $5.656854150e+00, v5;
	v13 =	vld.idx.msk [tilespmem:v13+s16+$0x0], $0xffff;
	[tilespmem:s3+$0x18600] =	vst v12  }
0x134: {  	[tilespmem:s17+$0x17700] =	vst v9;
	v12 =	vor.u32 $0x2, v1;
	v14 =	vmul.f32 $5.656854150e+00, v14;
	v8 =	vld.idx.msk [tilespmem:v8+s16+$0x0], $0xffff  }
0x135: {  	v9 =	vmul.f32 $5.656854150e+00, v16;
	v16 =	vld.idx.msk [tilespmem:v20+s16+$0x0], $0xffff;
	[tilespmem:s10+$0x19480] =	vst v5;
	v5 =	vor.u32 $0x1E, v4  }
0x136: {  	v20 =	vor.u32 $0x5, v4;
	v17 =	vmul.f32 $5.656854150e+00, v17;
	[tilespmem:s10+$0x17480] =	vst v14;
	v7 =	vld.idx.msk [tilespmem:v7+s16+$0x0], $0xffff  }
0x137: {  	s11 =	sadd.s32 $0x16400, s10;
	v14 =	vor.u32 $0xE, v4;
	v15 =	vld.idx.msk [tilespmem:v15+s16+$0x0], $0xffff;
	[tilespmem:s10+$0x18480] =	vst v9;
	v3 =	vmul.f32 $5.656854150e+00, v3  }
0x138: {  	v9 =	vor.u32 $0x16, v4;
	[tilespmem:s11+$0x80] =	vst v17;
	v6 =	vld.idx.msk [tilespmem:v6+s16+$0x0], $0xffff;
	v17 =	vmul.f32 $5.656854150e+00, v19  }
0x139: {  	v19 =	vor.u32 $0x17, v2;
	v21 =	vld.idx.msk [tilespmem:v12+s16+$0x0], $0xffff;
	v12 =	vmul.f32 $5.656854150e+00, v13;
	[tilespmem:s3+$0x19680] =	vst v3  }
0x13a: {  	v3 =	vor.u32 $0x1B, v1;
	[tilespmem:s9+$0x200] =	vst v17;
	v8 =	vmul.f32 $5.656854150e+00, v8;
	v5 =	vld.idx.msk [tilespmem:v5+s16+$0x0], $0xffff  }
0x13b: {  	s14 =	simm.s32 $0x30;
	v11 =	vmul.f32 $5.656854150e+00, v11;
	v13 =	vor.u32 $0xB, v1;
	v17 =	vld.idx.msk [tilespmem:v20+s16+$0x0], $0xffff;
	[tilespmem:s3+$0x17680] =	vst v12  }
0x13c: {  	v20 =	vor.u32 $0x13, v1;
	v12 =	vmov s14;
	v7 =	vmul.f32 $5.656854150e+00, v7;
	v14 =	vld.idx.msk [tilespmem:v14+s16+$0x0], $0xffff;
	[tilespmem:s3+$0x18680] =	vst v8  }
0x13d: {  	[tilespmem:s17+$0x18700] =	vst v11;
	v8 =	vor.u32 $0x7, v2;
	v2 =	vshll.u32 v12, $0x5;
	v15 =	vmul.f32 $5.656854150e+00, v15;
	v12 =	vld.idx.msk [tilespmem:v9+s16+$0x0], $0xffff  }
0x13e: {  	v2 =	vor.u32 v0, v2;
	v6 =	vmul.f32 $5.656854150e+00, v6;
	v24 =	vld.idx.msk [tilespmem:v19+s16+$0x0], $0xffff;
	[tilespmem:s10+$0x19500] =	vst v7;
	v7 =	vor.u32 $0x1F, v4  }
0x13f: {  	v9 =	vmul.f32 $5.656854150e+00, v18;
	v11 =	vor.u32 $0x18, v2;
	[tilespmem:s10+$0x17500] =	vst v15;
	v3 =	vld.idx.msk [tilespmem:v3+s16+$0x0], $0xffff  }
0x140: {  	v15 =	vor.u32 $0x8, v2;
	v13 =	vld.idx.msk [tilespmem:v13+s16+$0x0], $0xffff;
	[tilespmem:s10+$0x18500] =	vst v6;
	v5 =	vmul.f32 $5.656854150e+00, v5  }
0x141: {  	v6 =	vor.u32 $0x10, v2;
	[tilespmem:s5+$0x300] =	vst v9;
	v18 =	vld.idx.msk [tilespmem:v20+s16+$0x0], $0xffff  }
0x142: {  	v9 =	vmul.f32 $5.656854150e+00, v10;
	v26 =	vld.idx.msk [tilespmem:v8+s16+$0x0], $0xffff;
	[tilespmem:s3+$0x19700] =	vst v5  }
0x143: {  	v10 =	vor.u32 $0x3, v1;
	v5 =	vmul.f32 $5.656854150e+00, v16;
	v7 =	vld.idx.msk [tilespmem:v7+s16+$0x0], $0xffff  }
0x144: {  	v23 =	vor.u32 $0xF, v4;
	v17 =	vmul.f32 $5.656854150e+00, v17;
	[tilespmem:s17+$0x19780] =	vst v9;
	v11 =	vld.idx.msk [tilespmem:v11+s16+$0x0], $0xffff  }
0x145: {  	v25 =	vor.u32 $0xD, v1;
	v8 =	vor.u32 $0x1C, v1;
	v9 =	vmul.f32 $5.656854150e+00, v21;
	[tilespmem:s17+$0x17780] =	vst v5;
	v5 =	vld.idx.msk [tilespmem:v15+s16+$0x0], $0xffff  }
0x146: {  	v30 =	vor.u32 $0x5, v1;
	v14 =	vmul.f32 $5.656854150e+00, v14;
	v16 =	vor.u32 $0x6, v4;
	[tilespmem:s9+$0x280] =	vst v17;
	v6 =	vld.idx.msk [tilespmem:v6+s16+$0x0], $0xffff  }
0x147: {  	v19 =	vor.u32 $0xC, v1;
	[tilespmem:s11+$0x100] =	vst v9;
	v15 =	vmul.f32 $5.656854150e+00, v3;
	v9 =	vmul.f32 $5.656854150e+00, v13;
	v13 =	vld.idx.msk [tilespmem:v2+s16+$0x0], $0xffff  }
0x148: {  	s28 =	simm.s32 $0x180;
	v29 =	vor.u32 $0x15, v1;
	v27 =	vor.u32 $0x9, v2;
	v20 =	vor.u32 $0x14, v1;
	[tilespmem:s3+$0x17700] =	vst v14;
	v28 =	vld.idx.msk [tilespmem:v10+s16+$0x0], $0xffff  }
0x149: {  	s29 =	sand.u32 $0xC00, s28;
	v57 =	vor.u32 $0x2, v2;
	v21 =	vor.u32 $0x19, v2;
	v42 =	vld.idx.msk [tilespmem:v23+s16+$0x0], $0xffff;
	v18 =	vmul.f32 $5.656854150e+00, v18;
	[tilespmem:s10+$0x19580] =	vst v15  }
0x14a: {  	s14 =	sand.u32 $0x70, s14;
	v59 =	vor.u32 $0x12, v2;
	v60 =	vor.u32 $0x1A, v2;
	[tilespmem:s10+$0x17580] =	vst v9;
	v22 =	vld.idx.msk [tilespmem:v8+s16+$0x0], $0xffff;
	v8 =	vmul.f32 $5.656854150e+00, v11  }
0x14b: {  	s14 =	sor.u32 s14, s29;
	v17 =	vor.u32 $0x1, v2;
	[tilespmem:s10+$0x18580] =	vst v18;
	v18 =	vor.u32 $0x11, v2;
	v56 =	vld.idx.msk [tilespmem:v16+s16+$0x0], $0xffff;
	v5 =	vmul.f32 $5.656854150e+00, v5  }
0x14c: {  	v14 =	vor.u32 $0x15, v2;
	v3 =	vor.u32 $0x7, v4;
	v11 =	vld.idx.msk [tilespmem:v19+s16+$0x0], $0xffff;
	v6 =	vmul.f32 $5.656854150e+00, v6;
	[tilespmem:s14+$0x19400] =	vst v8  }
0x14d: {  	v4 =	vor.u32 $0x17, v4;
	v15 =	vor.u32 $0x4, v1;
	v19 =	vld.idx.msk [tilespmem:v20+s16+$0x0], $0xffff;
	v13 =	vmul.f32 $5.656854150e+00, v13;
	[tilespmem:s14+$0x17400] =	vst v5  }
0x14e: {  	v10 =	vor.u32 $0xE, v1;
	v7 =	vmul.f32 $5.656854150e+00, v7;
	v20 =	vor.u32 $0x1D, v1;
	v16 =	vld.idx.msk [tilespmem:v21+s16+$0x0], $0xffff;
	[tilespmem:s14+$0x18400] =	vst v6  }
0x14f: {  	v23 =	vor.u32 $0x16, v2;
	v26 =	vmul.f32 $5.656854150e+00, v26;
	[tilespmem:s14+$0x16400] =	vst v13;
	v13 =	vmul.f32 $5.656854150e+00, v28;
	v27 =	vld.idx.msk [tilespmem:v27+s16+$0x0], $0xffff  }
0x150: {  	v9 =	vor.u32 $0x16, v1;
	v35 =	vmul.f32 $5.656854150e+00, v42;
	[tilespmem:s3+$0x19780] =	vst v7;
	v21 =	vmul.f32 $5.656854150e+00, v22;
	v31 =	vld.idx.msk [tilespmem:v18+s16+$0x0], $0xffff  }
0x151: {  	v7 =	vor.u32 $0x6, v1;
	v8 =	vor.u32 $0xF, v1;
	v58 =	vld.idx.msk [tilespmem:v17+s16+$0x0], $0xffff;
	v11 =	vmul.f32 $5.656854150e+00, v11;
	[tilespmem:s11+$0x180] =	vst v13  }
0x152: {  	v5 =	vor.u32 $0x7, v1;
	v28 =	vor.u32 $0xA, v2;
	v13 =	vmul.f32 $5.656854150e+00, v19;
	[tilespmem:s10+$0x19600] =	vst v21;
	v62 =	vld.idx.msk [tilespmem:v15+s16+$0x0], $0xffff  }
0x153: {  	v6 =	vor.u32 $0x17, v1;
	v18 =	vor.u32 $0x3, v2;
	v61 =	vld.idx.msk [tilespmem:v20+s16+$0x0], $0xffff;
	[tilespmem:s10+$0x17600] =	vst v11;
	v11 =	vmul.f32 $5.656854150e+00, v16  }
0x154: {  	v22 =	vor.u32 $0xB, v2;
	v17 =	vor.u32 $0x4, v2;
	[tilespmem:s10+$0x18600] =	vst v13;
	v40 =	vld.idx.msk [tilespmem:v25+s16+$0x0], $0xffff;
	v15 =	vmul.f32 $5.656854150e+00, v27  }
0x155: {  	v34 =	vmul.f32 $5.656854150e+00, v56;
	v19 =	vor.u32 $0x14, v2;
	v41 =	vld.idx.msk [tilespmem:v29+s16+$0x0], $0xffff;
	v25 =	vmul.f32 $5.656854150e+00, v31;
	[tilespmem:s14+$0x19480] =	vst v11  }
0x156: {  	v21 =	vor.u32 $0x13, v2;
	v29 =	vor.u32 $0x1E, v1;
	v32 =	vmul.f32 $5.656854150e+00, v58;
	[tilespmem:s14+$0x17480] =	vst v15;
	v37 =	vld.idx.msk [tilespmem:v60+s16+$0x0], $0xffff  }
0x157: {  	s30 =	sadd.s32 $0x16400, s14;
	v20 =	vor.u32 $0xC, v2;
	v13 =	vor.u32 $0x5, v2;
	[tilespmem:s14+$0x18480] =	vst v25;
	v63 =	vmul.f32 $5.656854150e+00, v62;
	v31 =	vld.idx.msk [tilespmem:v28+s16+$0x0], $0xffff  }
0x158: {  	v16 =	vor.u32 $0xD, v2;
	v27 =	vor.u32 $0xE, v2;
	[tilespmem:s30+$0x80] =	vst v32;
	v38 =	vmul.f32 $5.656854150e+00, v61;
	v32 =	vld.idx.msk [tilespmem:v59+s16+$0x0], $0xffff  }
0x159: {  	v11 =	vor.u32 $0x6, v2;
	v15 =	vor.u32 $0x7, v2;
	v36 =	vld.idx.msk [tilespmem:v57+s16+$0x0], $0xffff;
	v40 =	vmul.f32 $5.656854150e+00, v40;
	[tilespmem:s11+$0x200] =	vst v63  }
0x15a: {  	v25 =	vmul.f32 $5.656854150e+00, v24;
	v39 =	vmul.f32 $5.656854150e+00, v41;
	[tilespmem:s10+$0x19680] =	vst v38;
	v38 =	vor.u32 $0x1B, v2;
	v30 =	vld.idx.msk [tilespmem:v30+s16+$0x0], $0xffff  }
0x15b: {  	s31 =	simm.s32 $0x40;
	s29 =	simm.s32 $0xC;
	v24 =	vor.u32 $0x17, v2;
	v28 =	vmul.f32 $5.656854150e+00, v12;
	v12 =	vor.u32 $0xF, v2;
	v29 =	vld.idx.msk [tilespmem:v29+s16+$0x0], $0xffff;
	[tilespmem:s10+$0x17680] =	vst v40  }
.LBB2_5:
0x15c: {  	v33 =	vmov s31;
	s29 =	sadd.s32 $0x4, s29;
	v37 =	vmul.f32 $5.656854150e+00, v37;
	v40 =	vld.idx.msk [tilespmem:v10+s16+$0x0], $0xffff;
	[tilespmem:s10+$0x18680] =	vst v39;
	v10 =	vmov v27  }
0x15d: {  	v31 =	vmul.f32 $5.656854150e+00, v31;
	v27 =	vshll.u32 v33, $0x5;
	p1 =	slt.u32 s29, $0x7C;
	v39 =	vld.idx.msk [tilespmem:v9+s16+$0x0], $0xffff;
	[tilespmem:s3+$0x18700] =	vst v28;
	v9 =	vmov v23  }
0x15e: {  	v23 =	vmul.f32 $5.656854150e+00, v32;
	v28 =	vor.u32 $0x1F, v1;
	v1 =	vmovc v2;
	[tilespmem:s14+$0x19500] =	vst v37;
	v37 =	vld.idx.msk [tilespmem:v4+s16+$0x0], $0xffff;
	v2 =	vor.u32 v0, v27  }
0x15f: {  	v4 =	vmovc v6;
	v6 =	vmovc v24;
	v27 =	vor.u32 $0x8, v2;
	v41 =	vor.u32 $0x10, v2;
	v33 =	vor.u32 $0x18, v2;
	[tilespmem:s14+$0x17500] =	vst v31;
	v38 =	vld.idx.msk [tilespmem:v38+s16+$0x0], $0xffff  }
0x160: {  	v42 =	vor.u32 $0x1, v2;
	v43 =	vor.u32 $0x9, v2;
	v24 =	vld.idx.msk [tilespmem:v22+s16+$0x0], $0xffff;
	[tilespmem:s14+$0x18500] =	vst v23;
	v22 =	vmul.f32 $5.656854150e+00, v29  }
0x161: {  	v31 =	vor.u32 $0xA, v2;
	v44 =	vor.u32 $0x11, v2;
	v29 =	vor.u32 $0x2, v2;
	v23 =	vld.idx.msk [tilespmem:v21+s16+$0x0], $0xffff;
	[tilespmem:s9+$0x300] =	vst v34  }
0x162: {  	v36 =	vmul.f32 $5.656854150e+00, v36;
	v32 =	vor.u32 $0x12, v2;
	v34 =	vor.u32 $0x3, v2;
	[tilespmem:s10+$0x19700] =	vst v22;
	v45 =	vld.idx.msk [tilespmem:v3+s16+$0x0], $0xffff;
	v3 =	vmovc v5;
	v5 =	vmovc v15  }
0x163: {  	v21 =	vor.u32 $0x13, v2;
	v22 =	vor.u32 $0xB, v2;
	v15 =	vor.u32 $0x1C, v1;
	v46 =	vld.idx.msk [tilespmem:v28+s16+$0x0], $0xffff;
	[tilespmem:s3+$0x17780] =	vst v35  }
0x164: {  	v47 =	vor.u32 $0xC, v2;
	v48 =	vor.u32 $0x14, v2;
	v35 =	vor.u32 $0x4, v2;
	v49 =	vld.idx.msk [tilespmem:v33+s16+$0x0], $0xffff;
	[tilespmem:s30+$0x100] =	vst v36  }
0x165: {  	v50 =	vor.u32 $0xD, v2;
	v33 =	vor.u32 $0x5, v2;
	v28 =	vmul.f32 $5.656854150e+00, v38;
	v36 =	vld.idx.msk [tilespmem:v27+s16+$0x0], $0xffff;
	[tilespmem:s17+$0x18780] =	vst v25;
	s17 =	smov.u32 s3;
	s3 =	smov.u32 s10;
	s10 =	smov.u32 s14  }
0x166: {  	v24 =	vmul.f32 $5.656854150e+00, v24;
	v25 =	vmul.f32 $5.656854150e+00, v30;
	v38 =	vld.idx.msk [tilespmem:v41+s16+$0x0], $0xffff;
	v41 =	vor.u32 $0x15, v2;
	[tilespmem:s5+$0x380] =	vst v26;
	s5 =	smov.u32 s9;
	s9 =	smov.u32 s11;
	s11 =	smov.u32 s30  }
0x167: {  	v51 =	vor.u32 $0x6, v2;
	v27 =	vor.u32 $0xE, v2;
	v26 =	vmul.f32 $5.656854150e+00, v23;
	v30 =	vld.idx.msk [tilespmem:v2+s16+$0x0], $0xffff;
	[tilespmem:s10+$0x19580] =	vst v28  }
0x168: {  	v52 =	vor.u32 $0x19, v2;
	v40 =	vmul.f32 $5.656854150e+00, v40;
	v23 =	vor.u32 $0x16, v2;
	[tilespmem:s10+$0x17580] =	vst v24;
	v53 =	vld.idx.msk [tilespmem:v15+s16+$0x0], $0xffff  }
0x169: {  	s28 =	sadd.s32 $0x80, s28;
	v28 =	vmul.f32 $5.656854150e+00, v39;
	v15 =	vor.u32 $0x7, v2;
	v54 =	vld.idx.msk [tilespmem:v18+s16+$0x0], $0xffff;
	[tilespmem:s10+$0x18580] =	vst v26;
	v26 =	vmul.f32 $5.656854150e+00, v46;
	v18 =	vmovc v34  }
0x16a: {  	s14 =	sand.u32 $0x70, s31;
	s30 =	sand.u32 $0xC00, s28;
	v39 =	vor.u32 $0xF, v2;
	v34 =	vmul.f32 $5.656854150e+00, v49;
	v46 =	vld.idx.msk [tilespmem:v20+s16+$0x0], $0xffff;
	[tilespmem:s9+$0x280] =	vst v25;
	v25 =	vmul.f32 $5.656854150e+00, v37;
	v20 =	vmovc v47  }
0x16b: {  	s14 =	sor.u32 s14, s30;
	v24 =	vor.u32 $0x17, v2;
	v36 =	vmul.f32 $5.656854150e+00, v36;
	v37 =	vld.idx.msk [tilespmem:v19+s16+$0x0], $0xffff;
	[tilespmem:s3+$0x19780] =	vst v26;
	v26 =	vmul.f32 $5.656854150e+00, v45;
	v19 =	vmovc v48  }
0x16c: {  	s30 =	sadd.s32 $0x16400, s14;
	v38 =	vmul.f32 $5.656854150e+00, v38;
	[tilespmem:s14+$0x19400] =	vst v34;
	v34 =	vor.u32 $0x1D, v1;
	v45 =	vld.idx.msk [tilespmem:v7+s16+$0x0], $0xffff;
	v7 =	vmovc v11;
	v11 =	vmov v51  }
0x16d: {  	v30 =	vmul.f32 $5.656854150e+00, v30;
	[tilespmem:s14+$0x17400] =	vst v36;
	v36 =	vld.idx.msk [tilespmem:v52+s16+$0x0], $0xffff  }
0x16e: {  	v43 =	vld.idx.msk [tilespmem:v43+s16+$0x0], $0xffff;
	[tilespmem:s14+$0x18400] =	vst v38;
	v38 =	vmul.f32 $5.656854150e+00, v53  }
0x16f: {  	[tilespmem:s14+$0x16400] =	vst v30;
	v30 =	vld.idx.msk [tilespmem:v44+s16+$0x0], $0xffff;
	v44 =	vmul.f32 $5.656854150e+00, v54  }
0x170: {  	v46 =	vmul.f32 $5.656854150e+00, v46;
	v42 =	vld.idx.msk [tilespmem:v42+s16+$0x0], $0xffff;
	[tilespmem:s10+$0x19600] =	vst v38  }
0x171: {  	v38 =	vor.u32 $0x1A, v2;
	v37 =	vmul.f32 $5.656854150e+00, v37;
	[tilespmem:s11+$0x180] =	vst v44;
	v44 =	vld.idx.msk [tilespmem:v34+s16+$0x0], $0xffff  }
0x172: {  	v34 =	vmul.f32 $5.656854150e+00, v45;
	v47 =	vld.idx.msk [tilespmem:v17+s16+$0x0], $0xffff;
	[tilespmem:s10+$0x17600] =	vst v46;
	v17 =	vmov v35  }
0x173: {  	v35 =	vmul.f32 $5.656854150e+00, v36;
	v45 =	vld.idx.msk [tilespmem:v16+s16+$0x0], $0xffff;
	[tilespmem:s10+$0x18600] =	vst v37;
	v16 =	vmov v50  }
0x174: {  	v36 =	vmul.f32 $5.656854150e+00, v43;
	v43 =	vld.idx.msk [tilespmem:v14+s16+$0x0], $0xffff;
	[tilespmem:s3+$0x17700] =	vst v40;
	v14 =	vmov v41  }
0x175: {  	v30 =	vmul.f32 $5.656854150e+00, v30;
	[tilespmem:s14+$0x19480] =	vst v35;
	v35 =	vor.u32 $0x1E, v1;
	v40 =	vld.idx.msk [tilespmem:v8+s16+$0x0], $0xffff;
	v8 =	vmovc v12;
	v12 =	vmov v39  }
0x176: {  	v39 =	vmul.f32 $5.656854150e+00, v42;
	[tilespmem:s14+$0x17480] =	vst v36;
	v37 =	vld.idx.msk [tilespmem:v38+s16+$0x0], $0xffff  }
.Ltmp1:
0x177: {  	v31 =	vld.idx.msk [tilespmem:v31+s16+$0x0], $0xffff;
	[tilespmem:s14+$0x18480] =	vst v30;
	v30 =	vmul.f32 $5.656854150e+00, v44;
	(pc) =	sbr.rel @p1 .LBB2_5-.Ltmp1, $4  }
0x178: {  	[tilespmem:s30+$0x80] =	vst v39;
	v32 =	vld.idx.msk [tilespmem:v32+s16+$0x0], $0xffff;
	v39 =	vmul.f32 $5.656854150e+00, v47  }
0x179: {  	v41 =	vmul.f32 $5.656854150e+00, v45;
	v36 =	vld.idx.msk [tilespmem:v29+s16+$0x0], $0xffff;
	[tilespmem:s10+$0x19680] =	vst v30  }
0x17a: {  	v38 =	vor.u32 $0x1B, v2;
	[tilespmem:s11+$0x200] =	vst v39;
	v39 =	vmul.f32 $5.656854150e+00, v43;
	v29 =	vld.idx.msk [tilespmem:v35+s16+$0x0], $0xffff  }
0x17b: {  	s31 =	sadd.s32 $0x10, s31;
	v35 =	vmul.f32 $5.656854150e+00, v40;
	v30 =	vld.idx.msk [tilespmem:v13+s16+$0x0], $0xffff;
	[tilespmem:s10+$0x17680] =	vst v41;
	v13 =	vmov v33  }
0x17c: {  	_ = 	snop  }
0x17d: {  	v33 =	vmul.f32 $5.656854150e+00, v37  }
0x17e: {  	v31 =	vmul.f32 $5.656854150e+00, v31  }
0x17f: {  	[tilespmem:s14+$0x19500] =	vst v33  }
0x180: {  	[tilespmem:s14+$0x17500] =	vst v31;
	v31 =	vld.idx.msk [tilespmem:v38+s16+$0x0], $0xffff  }
0x181: {  	v32 =	vmul.f32 $5.656854150e+00, v32;
	v22 =	vld.idx.msk [tilespmem:v22+s16+$0x0], $0xffff  }
0x182: {  	v54 =	vmul.f32 $5.656854150e+00, v36  }
0x183: {  	v55 =	vor.u32 $0x1C, v2;
	[tilespmem:s14+$0x18500] =	vst v32  }
0x184: {  	v21 =	vld.idx.msk [tilespmem:v21+s16+$0x0], $0xffff;
	[tilespmem:s30+$0x100] =	vst v54  }
0x185: {  	v18 =	vld.idx.msk [tilespmem:v18+s16+$0x0], $0xffff;
	v31 =	vmul.f32 $5.656854150e+00, v31  }
0x186: {  	v22 =	vmul.f32 $5.656854150e+00, v22  }
0x187: {  	[tilespmem:s14+$0x19580] =	vst v31  }
0x188: {  	[tilespmem:s14+$0x17580] =	vst v22;
	v22 =	vld.idx.msk [tilespmem:v55+s16+$0x0], $0xffff  }
0x189: {  	v21 =	vmul.f32 $5.656854150e+00, v21;
	v20 =	vld.idx.msk [tilespmem:v20+s16+$0x0], $0xffff  }
0x18a: {  	[tilespmem:s10+$0x18680] =	vst v39;
	v18 =	vmul.f32 $5.656854150e+00, v18  }
0x18b: {  	[tilespmem:s14+$0x18580] =	vst v21;
	v21 =	vor.u32 $0x1D, v2  }
0x18c: {  	v19 =	vld.idx.msk [tilespmem:v19+s16+$0x0], $0xffff;
	[tilespmem:s30+$0x180] =	vst v18  }
0x18d: {  	[tilespmem:s3+$0x18700] =	vst v28;
	v17 =	vld.idx.msk [tilespmem:v17+s16+$0x0], $0xffff;
	v18 =	vmul.f32 $5.656854150e+00, v22  }
0x18e: {  	[tilespmem:s9+$0x300] =	vst v34;
	v20 =	vmul.f32 $5.656854150e+00, v20  }
0x18f: {  	[tilespmem:s14+$0x19600] =	vst v18  }
0x190: {  	[tilespmem:s14+$0x17600] =	vst v20;
	v18 =	vld.idx.msk [tilespmem:v21+s16+$0x0], $0xffff  }
0x191: {  	v1 =	vor.u32 $0x1F, v1;
	[tilespmem:s17+$0x18780] =	vst v25;
	v19 =	vmul.f32 $5.656854150e+00, v19;
	v16 =	vld.idx.msk [tilespmem:v16+s16+$0x0], $0xffff  }
0x192: {  	v10 =	vld.idx.msk [tilespmem:v10+s16+$0x0], $0xffff;
	[tilespmem:s5+$0x380] =	vst v26;
	v17 =	vmul.f32 $5.656854150e+00, v17  }
0x193: {  	v9 =	vld.idx.msk [tilespmem:v9+s16+$0x0], $0xffff;
	v22 =	vmul.f32 $5.656854150e+00, v29;
	[tilespmem:s14+$0x18600] =	vst v19;
	v19 =	vor.u32 $0x1E, v2  }
0x194: {  	v14 =	vld.idx.msk [tilespmem:v14+s16+$0x0], $0xffff;
	[tilespmem:s30+$0x200] =	vst v17  }
0x195: {  	[tilespmem:s10+$0x19700] =	vst v22;
	v13 =	vld.idx.msk [tilespmem:v13+s16+$0x0], $0xffff;
	v17 =	vmul.f32 $5.656854150e+00, v18  }
0x196: {  	[tilespmem:s3+$0x17780] =	vst v35;
	v1 =	vld.idx.msk [tilespmem:v1+s16+$0x0], $0xffff;
	v16 =	vmul.f32 $5.656854150e+00, v16  }
0x197: {  	v4 =	vld.idx.msk [tilespmem:v4+s16+$0x0], $0xffff;
	v18 =	vmul.f32 $5.656854150e+00, v30;
	[tilespmem:s14+$0x19680] =	vst v17  }
0x198: {  	v10 =	vmul.f32 $5.656854150e+00, v10;
	[tilespmem:s14+$0x17680] =	vst v16;
	v17 =	vld.idx.msk [tilespmem:v19+s16+$0x0], $0xffff  }
0x199: {  	v14 =	vmul.f32 $5.656854150e+00, v14;
	[tilespmem:s11+$0x280] =	vst v18;
	v16 =	vld.idx.msk [tilespmem:v27+s16+$0x0], $0xffff  }
0x19a: {  	[tilespmem:s10+$0x17700] =	vst v10;
	v10 =	vmul.f32 $5.656854150e+00, v13;
	v7 =	vld.idx.msk [tilespmem:v7+s16+$0x0], $0xffff  }
0x19b: {  	v8 =	vld.idx.msk [tilespmem:v8+s16+$0x0], $0xffff;
	v2 =	vor.u32 $0x1F, v2;
	v1 =	vmul.f32 $5.656854150e+00, v1;
	[tilespmem:s14+$0x18680] =	vst v14  }
0x19c: {  	v9 =	vmul.f32 $5.656854150e+00, v9;
	v13 =	vld.idx.msk [tilespmem:v23+s16+$0x0], $0xffff;
	[tilespmem:s30+$0x280] =	vst v10  }
0x19d: {  	[tilespmem:s10+$0x19780] =	vst v1;
	v10 =	vld.idx.msk [tilespmem:v11+s16+$0x0], $0xffff;
	v1 =	vmul.f32 $5.656854150e+00, v17  }
0x19e: {  	v3 =	vld.idx.msk [tilespmem:v3+s16+$0x0], $0xffff;
	[tilespmem:s10+$0x18700] =	vst v9;
	v9 =	vmul.f32 $5.656854150e+00, v16  }
0x19f: {  	v6 =	vld.idx.msk [tilespmem:v6+s16+$0x0], $0xffff;
	v7 =	vmul.f32 $5.656854150e+00, v7;
	[tilespmem:s14+$0x19700] =	vst v1  }
0x1a0: {  	v1 =	vmul.f32 $5.656854150e+00, v8;
	[tilespmem:s14+$0x17700] =	vst v9;
	v2 =	vld.idx.msk [tilespmem:v2+s16+$0x0], $0xffff  }
0x1a1: {  	[tilespmem:s11+$0x300] =	vst v7;
	v7 =	vmul.f32 $5.656854150e+00, v13  }
0x1a2: {  	v8 =	vld.idx.msk [tilespmem:v12+s16+$0x0], $0xffff;
	[tilespmem:s10+$0x17780] =	vst v1;
	v1 =	vmul.f32 $5.656854150e+00, v10  }
0x1a3: {  	v4 =	vmul.f32 $5.656854150e+00, v4;
	v5 =	vld.idx.msk [tilespmem:v5+s16+$0x0], $0xffff;
	[tilespmem:s14+$0x18700] =	vst v7  }
0x1a4: {  	v3 =	vmul.f32 $5.656854150e+00, v3;
	v7 =	vld.idx.msk [tilespmem:v24+s16+$0x0], $0xffff;
	[tilespmem:s30+$0x300] =	vst v1  }
0x1a5: {  	[tilespmem:s3+$0x18780] =	vst v4;
	v4 =	vmul.f32 $5.656854150e+00, v6;
	v1 =	vmul.f32 $5.656854150e+00, v2;
	v2 =	vld.idx.msk [tilespmem:v15+s16+$0x0], $0xffff  }
0x1a6: {  	[tilespmem:s9+$0x380] =	vst v3  }
0x1a7: {  	[tilespmem:s10+$0x18780] =	vst v4;
	v3 =	vmul.f32 $5.656854150e+00, v8  }
0x1a8: {  	[tilespmem:s14+$0x19780] =	vst v1;
	v1 =	vmul.f32 $5.656854150e+00, v5  }
0x1a9: {  	[tilespmem:s14+$0x17780] =	vst v3;
	v3 =	vmul.f32 $5.656854150e+00, v7  }
0x1aa: {  	s10 =	sadd.s32 s7, s0;
	[tilespmem:s11+$0x380] =	vst v1;
	v1 =	vmul.f32 $5.656854150e+00, v2  }
0x1ab: {  	s3 =	sshrl.u32 s10, $0x3;
	[tilespmem:s14+$0x18780] =	vst v3  }
0x1ac: {  	s3 =	sadd.s32 s2, s3;
	s11 =	simm.s32 $0x0;
	[tilespmem:s30+$0x380] =	vst v1  }
0x1ad: {  	[hbm4b:s3+s20] =	stream.strided.scatter [tilespmem:s24], [sflag:$0x5], $0x4000, s21, s20, $0x38;
	[tilespmem:$0x1E400] =	vst v63  }
0x1ae: {  	s14 =	sadd.s32 $0x800, s13;
	v1 =	vmov s11  }
0x1af: {  	v1 =	vshll.u32 v1, $0x5;
	[tilespmem:s16], [sflag:$0x2] =	stream.indirect.gather [hbm4b:s4+s12], $0x20, s14, s12, $0xb8;
	[tilespmem:$0x1E400] =	vst v63  }
0x1b0: {  	v2 =	vor.u32 v0, v1;
	_ =	swait.ge [sflag:s25], $0x4000  }
0x1b1: {  	v1 =	vor.u32 $0x18, v2;
	[sflag:s25] =	ssyncset.done $0x0  }
0x1b2: {  	s5 =	simm.s32 @!p0 $0x6;
	[sflag:s25] =	ssyncadd.s32 $0xFFFFC000  }
0x1b3: {  	_ =	swait.ge @!p0 [sflag:s5], $0x4000  }
0x1b4: {  	v3 =	vor.u32 $0x8, v2;
	[sflag:s5] =	ssyncset.done @!p0 $0x0  }
0x1b5: {  	v4 =	vor.u32 $0x10, v2;
	[sflag:s5] =	ssyncadd.s32 @!p0 $0xFFFFC000  }
0x1b6: {  	v1 =	vld.idx.msk [tilespmem:v1+s18+$0x0], $0xffff;
	_ =	sdelay $0x2  }
0x1b7: {  	v5 =	vor.u32 $0x19, v2;
	v3 =	vld.idx.msk [tilespmem:v3+s18+$0x0], $0xffff  }
0x1b8: {  	v4 =	vld.idx.msk [tilespmem:v4+s18+$0x0], $0xffff  }
0x1b9: {  	s17 =	sand.u32 $0x70, s11;
	s3 =	sand.u32 $0xC00, s11;
	v1 =	vmul.f32 $5.656854150e+00, v1  }
0x1ba: {  	s17 =	sor.u32 s17, s3;
	v6 =	vor.u32 $0x9, v2  }
0x1bb: {  	v7 =	vor.u32 $0x11, v2;
	[tilespmem:s17+$0x1D400] =	vst v1  }
0x1bc: {  	v1 =	vmul.f32 $5.656854150e+00, v3;
	v3 =	vld.idx.msk [tilespmem:v5+s18+$0x0], $0xffff  }
0x1bd: {  	v4 =	vmul.f32 $5.656854150e+00, v4;
	v5 =	vld.idx.msk [tilespmem:v2+s18+$0x0], $0xffff  }
0x1be: {  	[tilespmem:s17+$0x1B400] =	vst v1  }
0x1bf: {  	[tilespmem:s17+$0x1C400] =	vst v4;
	v4 =	vor.u32 $0x1A, v2;
	v1 =	vld.idx.msk [tilespmem:v6+s18+$0x0], $0xffff  }
0x1c0: {  	v6 =	vld.idx.msk [tilespmem:v7+s18+$0x0], $0xffff;
	v7 =	vor.u32 $0x1, v2  }
0x1c1: {  	v3 =	vmul.f32 $5.656854150e+00, v3  }
0x1c2: {  	v8 =	vor.u32 $0xA, v2;
	v5 =	vmul.f32 $5.656854150e+00, v5  }
0x1c3: {  	v9 =	vor.u32 $0x12, v2;
	[tilespmem:s17+$0x1D480] =	vst v3  }
0x1c4: {  	v1 =	vmul.f32 $5.656854150e+00, v1;
	[tilespmem:s17+$0x1A400] =	vst v5;
	v3 =	vld.idx.msk [tilespmem:v4+s18+$0x0], $0xffff  }
0x1c5: {  	v4 =	vmul.f32 $5.656854150e+00, v6;
	v5 =	vld.idx.msk [tilespmem:v7+s18+$0x0], $0xffff  }
0x1c6: {  	[tilespmem:s17+$0x1B480] =	vst v1  }
0x1c7: {  	v6 =	vor.u32 $0x1B, v2;
	v1 =	vld.idx.msk [tilespmem:v8+s18+$0x0], $0xffff;
	[tilespmem:s17+$0x1C480] =	vst v4  }
0x1c8: {  	s9 =	simm.s32 $0x10;
	v8 =	vor.u32 $0x2, v2;
	v7 =	vld.idx.msk [tilespmem:v9+s18+$0x0], $0xffff  }
0x1c9: {  	v4 =	vmov s9;
	v3 =	vmul.f32 $5.656854150e+00, v3  }
0x1ca: {  	v9 =	vor.u32 $0xB, v2;
	v4 =	vshll.u32 v4, $0x5;
	v5 =	vmul.f32 $5.656854150e+00, v5  }
0x1cb: {  	v10 =	vor.u32 $0x13, v2;
	s5 =	sadd.s32 $0x1A400, s17;
	v4 =	vor.u32 v0, v4;
	[tilespmem:s17+$0x1D500] =	vst v3  }
0x1cc: {  	v1 =	vmul.f32 $5.656854150e+00, v1;
	v3 =	vor.u32 $0x18, v4;
	[tilespmem:s5+$0x80] =	vst v5;
	v6 =	vld.idx.msk [tilespmem:v6+s18+$0x0], $0xffff  }
0x1cd: {  	v5 =	vmul.f32 $5.656854150e+00, v7;
	v7 =	vor.u32 $0x8, v4;
	v8 =	vld.idx.msk [tilespmem:v8+s18+$0x0], $0xffff  }
0x1ce: {  	v11 =	vor.u32 $0x10, v4;
	[tilespmem:s17+$0x1B500] =	vst v1  }
0x1cf: {  	v1 =	vld.idx.msk [tilespmem:v9+s18+$0x0], $0xffff;
	[tilespmem:s17+$0x1C500] =	vst v5  }
0x1d0: {  	v5 =	vor.u32 $0x1C, v2;
	v9 =	vld.idx.msk [tilespmem:v10+s18+$0x0], $0xffff  }
0x1d1: {  	v10 =	vor.u32 $0x3, v2;
	v3 =	vld.idx.msk [tilespmem:v3+s18+$0x0], $0xffff;
	v6 =	vmul.f32 $5.656854150e+00, v6  }
0x1d2: {  	v12 =	vor.u32 $0xC, v2;
	v7 =	vld.idx.msk [tilespmem:v7+s18+$0x0], $0xffff;
	v8 =	vmul.f32 $5.656854150e+00, v8  }
0x1d3: {  	v13 =	vor.u32 $0x14, v2;
	v11 =	vld.idx.msk [tilespmem:v11+s18+$0x0], $0xffff;
	[tilespmem:s17+$0x1D580] =	vst v6  }
0x1d4: {  	v1 =	vmul.f32 $5.656854150e+00, v1;
	v6 =	vor.u32 $0x19, v4;
	[tilespmem:s5+$0x100] =	vst v8;
	v8 =	vld.idx.msk [tilespmem:v4+s18+$0x0], $0xffff  }
0x1d5: {  	s10 =	simm.s32 $0x80;
	v14 =	vor.u32 $0x9, v4;
	v5 =	vld.idx.msk [tilespmem:v5+s18+$0x0], $0xffff;
	v9 =	vmul.f32 $5.656854150e+00, v9  }
0x1d6: {  	s3 =	sand.u32 $0x70, s9;
	s9 =	sand.u32 $0xC00, s10;
	v15 =	vor.u32 $0x11, v4;
	[tilespmem:s17+$0x1B580] =	vst v1;
	v1 =	vld.idx.msk [tilespmem:v10+s18+$0x0], $0xffff;
	v3 =	vmul.f32 $5.656854150e+00, v3  }
0x1d7: {  	s3 =	sor.u32 s3, s9;
	[tilespmem:s17+$0x1C580] =	vst v9;
	v9 =	vld.idx.msk [tilespmem:v12+s18+$0x0], $0xffff;
	v7 =	vmul.f32 $5.656854150e+00, v7;
	v12 =	vor.u32 $0x1, v4  }
0x1d8: {  	v11 =	vmul.f32 $5.656854150e+00, v11;
	v10 =	vor.u32 $0x1D, v2;
	v13 =	vld.idx.msk [tilespmem:v13+s18+$0x0], $0xffff;
	[tilespmem:s3+$0x1D400] =	vst v3  }
0x1d9: {  	v3 =	vor.u32 $0x4, v2;
	[tilespmem:s3+$0x1B400] =	vst v7;
	v6 =	vld.idx.msk [tilespmem:v6+s18+$0x0], $0xffff;
	v8 =	vmul.f32 $5.656854150e+00, v8  }
0x1da: {  	[tilespmem:s3+$0x1C400] =	vst v11;
	v7 =	vor.u32 $0xD, v2;
	v5 =	vmul.f32 $5.656854150e+00, v5;
	v14 =	vld.idx.msk [tilespmem:v14+s18+$0x0], $0xffff  }
0x1db: {  	v11 =	vor.u32 $0x15, v2;
	v15 =	vld.idx.msk [tilespmem:v15+s18+$0x0], $0xffff;
	v1 =	vmul.f32 $5.656854150e+00, v1;
	[tilespmem:s3+$0x1A400] =	vst v8  }
0x1dc: {  	v8 =	vor.u32 $0x1A, v4;
	[tilespmem:s17+$0x1D600] =	vst v5;
	v5 =	vmul.f32 $5.656854150e+00, v9;
	v12 =	vld.idx.msk [tilespmem:v12+s18+$0x0], $0xffff  }
0x1dd: {  	v9 =	vld.idx.msk [tilespmem:v10+s18+$0x0], $0xffff;
	v10 =	vor.u32 $0xA, v4;
	[tilespmem:s5+$0x180] =	vst v1;
	v1 =	vmul.f32 $5.656854150e+00, v13  }
0x1de: {  	v13 =	vor.u32 $0x12, v4;
	v3 =	vld.idx.msk [tilespmem:v3+s18+$0x0], $0xffff;
	[tilespmem:s17+$0x1B600] =	vst v5;
	v5 =	vmul.f32 $5.656854150e+00, v6  }
0x1df: {  	v6 =	vld.idx.msk [tilespmem:v7+s18+$0x0], $0xffff;
	[tilespmem:s17+$0x1C600] =	vst v1;
	v1 =	vmul.f32 $5.656854150e+00, v14;
	v14 =	vor.u32 $0x2, v4  }
0x1e0: {  	v15 =	vmul.f32 $5.656854150e+00, v15;
	v7 =	vor.u32 $0x1E, v2;
	v11 =	vld.idx.msk [tilespmem:v11+s18+$0x0], $0xffff;
	[tilespmem:s3+$0x1D480] =	vst v5  }
0x1e1: {  	v5 =	vor.u32 $0x5, v2;
	[tilespmem:s3+$0x1B480] =	vst v1;
	v1 =	vld.idx.msk [tilespmem:v8+s18+$0x0], $0xffff;
	v12 =	vmul.f32 $5.656854150e+00, v12  }
0x1e2: {  	s9 =	sadd.s32 $0x1A400, s3;
	[tilespmem:s3+$0x1C480] =	vst v15;
	v8 =	vmul.f32 $5.656854150e+00, v9;
	v9 =	vor.u32 $0xE, v2;
	v10 =	vld.idx.msk [tilespmem:v10+s18+$0x0], $0xffff  }
0x1e3: {  	v15 =	vor.u32 $0x16, v2;
	v13 =	vld.idx.msk [tilespmem:v13+s18+$0x0], $0xffff;
	v3 =	vmul.f32 $5.656854150e+00, v3;
	[tilespmem:s9+$0x80] =	vst v12  }
0x1e4: {  	s11 =	simm.s32 $0x20;
	[tilespmem:s17+$0x1D680] =	vst v8;
	v6 =	vmul.f32 $5.656854150e+00, v6;
	v8 =	vor.u32 $0x1B, v4;
	v14 =	vld.idx.msk [tilespmem:v14+s18+$0x0], $0xffff  }
0x1e5: {  	v12 =	vor.u32 $0xB, v4;
	v7 =	vld.idx.msk [tilespmem:v7+s18+$0x0], $0xffff;
	[tilespmem:s5+$0x200] =	vst v3;
	v3 =	vmul.f32 $5.656854150e+00, v11;
	v11 =	vmov s11  }
0x1e6: {  	v16 =	vor.u32 $0x13, v4;
	v5 =	vld.idx.msk [tilespmem:v5+s18+$0x0], $0xffff;
	[tilespmem:s17+$0x1B680] =	vst v6;
	v6 =	vmul.f32 $5.656854150e+00, v1;
	v1 =	vshll.u32 v11, $0x5  }
0x1e7: {  	v9 =	vld.idx.msk [tilespmem:v9+s18+$0x0], $0xffff;
	[tilespmem:s17+$0x1C680] =	vst v3;
	v3 =	vmul.f32 $5.656854150e+00, v10;
	v1 =	vor.u32 v0, v1  }
0x1e8: {  	v10 =	vor.u32 $0x1F, v2;
	v13 =	vmul.f32 $5.656854150e+00, v13;
	v11 =	vld.idx.msk [tilespmem:v15+s18+$0x0], $0xffff;
	[tilespmem:s3+$0x1D500] =	vst v6  }
0x1e9: {  	v6 =	vor.u32 $0x18, v1;
	[tilespmem:s3+$0x1B500] =	vst v3;
	v3 =	vld.idx.msk [tilespmem:v8+s18+$0x0], $0xffff  }
0x1ea: {  	v15 =	vor.u32 $0x8, v1;
	[tilespmem:s3+$0x1C500] =	vst v13;
	v7 =	vmul.f32 $5.656854150e+00, v7;
	v12 =	vld.idx.msk [tilespmem:v12+s18+$0x0], $0xffff  }
0x1eb: {  	v8 =	vor.u32 $0x10, v1;
	v13 =	vld.idx.msk [tilespmem:v16+s18+$0x0], $0xffff  }
0x1ec: {  	[tilespmem:s17+$0x1D700] =	vst v7;
	v7 =	vor.u32 $0x1C, v4;
	v20 =	vld.idx.msk [tilespmem:v1+s18+$0x0], $0xffff  }
0x1ed: {  	v16 =	vor.u32 $0x3, v4;
	v10 =	vld.idx.msk [tilespmem:v10+s18+$0x0], $0xffff  }
0x1ee: {  	v17 =	vor.u32 $0xC, v4;
	v6 =	vld.idx.msk [tilespmem:v6+s18+$0x0], $0xffff;
	v3 =	vmul.f32 $5.656854150e+00, v3  }
0x1ef: {  	v18 =	vor.u32 $0x14, v4;
	v14 =	vmul.f32 $5.656854150e+00, v14;
	v15 =	vld.idx.msk [tilespmem:v15+s18+$0x0], $0xffff  }
0x1f0: {  	v19 =	vor.u32 $0x6, v2;
	v8 =	vld.idx.msk [tilespmem:v8+s18+$0x0], $0xffff;
	v12 =	vmul.f32 $5.656854150e+00, v12;
	[tilespmem:s3+$0x1D580] =	vst v3  }
0x1f1: {  	[tilespmem:s9+$0x100] =	vst v14;
	v3 =	vmul.f32 $5.656854150e+00, v13;
	v13 =	vor.u32 $0x19, v1;
	v7 =	vld.idx.msk [tilespmem:v7+s18+$0x0], $0xffff  }
0x1f2: {  	s14 =	simm.s32 $0x100;
	v14 =	vor.u32 $0x9, v1;
	v5 =	vmul.f32 $5.656854150e+00, v5;
	[tilespmem:s3+$0x1B580] =	vst v12;
	v12 =	vld.idx.msk [tilespmem:v16+s18+$0x0], $0xffff  }
0x1f3: {  	s10 =	sand.u32 $0x70, s11;
	s11 =	sand.u32 $0xC00, s14;
	v16 =	vor.u32 $0x11, v1;
	[tilespmem:s3+$0x1C580] =	vst v3;
	v3 =	vmul.f32 $5.656854150e+00, v6;
	v6 =	vld.idx.msk [tilespmem:v17+s18+$0x0], $0xffff  }
0x1f4: {  	s10 =	sor.u32 s10, s11;
	[tilespmem:s5+$0x280] =	vst v5;
	v17 =	vor.u32 $0x1, v1;
	v5 =	vmul.f32 $5.656854150e+00, v15;
	v15 =	vld.idx.msk [tilespmem:v18+s18+$0x0], $0xffff  }
0x1f5: {  	v8 =	vmul.f32 $5.656854150e+00, v8;
	v18 =	vld.idx.msk [tilespmem:v19+s18+$0x0], $0xffff;
	[tilespmem:s10+$0x1D400] =	vst v3;
	v3 =	vor.u32 $0x1D, v4  }
0x1f6: {  	v20 =	vmul.f32 $5.656854150e+00, v20;
	v19 =	vor.u32 $0x4, v4;
	[tilespmem:s10+$0x1B400] =	vst v5;
	v5 =	vld.idx.msk [tilespmem:v13+s18+$0x0], $0xffff  }
0x1f7: {  	v13 =	vor.u32 $0xD, v4;
	v14 =	vld.idx.msk [tilespmem:v14+s18+$0x0], $0xffff;
	[tilespmem:s10+$0x1C400] =	vst v8;
	v7 =	vmul.f32 $5.656854150e+00, v7  }
0x1f8: {  	[tilespmem:s10+$0x1A400] =	vst v20;
	v8 =	vor.u32 $0x15, v4;
	v16 =	vld.idx.msk [tilespmem:v16+s18+$0x0], $0xffff;
	v12 =	vmul.f32 $5.656854150e+00, v12  }
0x1f9: {  	v20 =	vor.u32 $0xF, v2;
	v17 =	vld.idx.msk [tilespmem:v17+s18+$0x0], $0xffff;
	v6 =	vmul.f32 $5.656854150e+00, v6;
	[tilespmem:s3+$0x1D600] =	vst v7  }
0x1fa: {  	v7 =	vor.u32 $0x1A, v1;
	[tilespmem:s9+$0x180] =	vst v12;
	v12 =	vmul.f32 $5.656854150e+00, v15;
	v3 =	vld.idx.msk [tilespmem:v3+s18+$0x0], $0xffff  }
0x1fb: {  	v9 =	vmul.f32 $5.656854150e+00, v9;
	v15 =	vor.u32 $0xA, v1;
	v19 =	vld.idx.msk [tilespmem:v19+s18+$0x0], $0xffff;
	[tilespmem:s3+$0x1B600] =	vst v6  }
0x1fc: {  	v6 =	vor.u32 $0x12, v1;
	v5 =	vmul.f32 $5.656854150e+00, v5;
	v13 =	vld.idx.msk [tilespmem:v13+s18+$0x0], $0xffff;
	[tilespmem:s3+$0x1C600] =	vst v12  }
0x1fd: {  	[tilespmem:s17+$0x1B700] =	vst v9;
	v12 =	vor.u32 $0x2, v1;
	v14 =	vmul.f32 $5.656854150e+00, v14;
	v8 =	vld.idx.msk [tilespmem:v8+s18+$0x0], $0xffff  }
0x1fe: {  	v9 =	vmul.f32 $5.656854150e+00, v16;
	v16 =	vld.idx.msk [tilespmem:v20+s18+$0x0], $0xffff;
	[tilespmem:s10+$0x1D480] =	vst v5;
	v5 =	vor.u32 $0x1E, v4  }
0x1ff: {  	v20 =	vor.u32 $0x5, v4;
	v17 =	vmul.f32 $5.656854150e+00, v17;
	[tilespmem:s10+$0x1B480] =	vst v14;
	v7 =	vld.idx.msk [tilespmem:v7+s18+$0x0], $0xffff  }
0x200: {  	s11 =	sadd.s32 $0x1A400, s10;
	v14 =	vor.u32 $0xE, v4;
	v15 =	vld.idx.msk [tilespmem:v15+s18+$0x0], $0xffff;
	[tilespmem:s10+$0x1C480] =	vst v9;
	v3 =	vmul.f32 $5.656854150e+00, v3  }
0x201: {  	v9 =	vor.u32 $0x16, v4;
	[tilespmem:s11+$0x80] =	vst v17;
	v6 =	vld.idx.msk [tilespmem:v6+s18+$0x0], $0xffff;
	v17 =	vmul.f32 $5.656854150e+00, v19  }
0x202: {  	v19 =	vor.u32 $0x17, v2;
	v21 =	vld.idx.msk [tilespmem:v12+s18+$0x0], $0xffff;
	v12 =	vmul.f32 $5.656854150e+00, v13;
	[tilespmem:s3+$0x1D680] =	vst v3  }
0x203: {  	v3 =	vor.u32 $0x1B, v1;
	[tilespmem:s9+$0x200] =	vst v17;
	v8 =	vmul.f32 $5.656854150e+00, v8;
	v5 =	vld.idx.msk [tilespmem:v5+s18+$0x0], $0xffff  }
0x204: {  	s14 =	simm.s32 $0x30;
	v11 =	vmul.f32 $5.656854150e+00, v11;
	v13 =	vor.u32 $0xB, v1;
	v17 =	vld.idx.msk [tilespmem:v20+s18+$0x0], $0xffff;
	[tilespmem:s3+$0x1B680] =	vst v12  }
0x205: {  	v20 =	vor.u32 $0x13, v1;
	v12 =	vmov s14;
	v7 =	vmul.f32 $5.656854150e+00, v7;
	v14 =	vld.idx.msk [tilespmem:v14+s18+$0x0], $0xffff;
	[tilespmem:s3+$0x1C680] =	vst v8  }
0x206: {  	[tilespmem:s17+$0x1C700] =	vst v11;
	v8 =	vor.u32 $0x7, v2;
	v2 =	vshll.u32 v12, $0x5;
	v15 =	vmul.f32 $5.656854150e+00, v15;
	v12 =	vld.idx.msk [tilespmem:v9+s18+$0x0], $0xffff  }
0x207: {  	v2 =	vor.u32 v0, v2;
	v6 =	vmul.f32 $5.656854150e+00, v6;
	v24 =	vld.idx.msk [tilespmem:v19+s18+$0x0], $0xffff;
	[tilespmem:s10+$0x1D500] =	vst v7;
	v7 =	vor.u32 $0x1F, v4  }
0x208: {  	v9 =	vmul.f32 $5.656854150e+00, v18;
	v11 =	vor.u32 $0x18, v2;
	[tilespmem:s10+$0x1B500] =	vst v15;
	v3 =	vld.idx.msk [tilespmem:v3+s18+$0x0], $0xffff  }
0x209: {  	v15 =	vor.u32 $0x8, v2;
	v13 =	vld.idx.msk [tilespmem:v13+s18+$0x0], $0xffff;
	[tilespmem:s10+$0x1C500] =	vst v6;
	v5 =	vmul.f32 $5.656854150e+00, v5  }
0x20a: {  	v6 =	vor.u32 $0x10, v2;
	[tilespmem:s5+$0x300] =	vst v9;
	v18 =	vld.idx.msk [tilespmem:v20+s18+$0x0], $0xffff  }
0x20b: {  	v9 =	vmul.f32 $5.656854150e+00, v10;
	v26 =	vld.idx.msk [tilespmem:v8+s18+$0x0], $0xffff;
	[tilespmem:s3+$0x1D700] =	vst v5  }
0x20c: {  	v10 =	vor.u32 $0x3, v1;
	v5 =	vmul.f32 $5.656854150e+00, v16;
	v7 =	vld.idx.msk [tilespmem:v7+s18+$0x0], $0xffff  }
0x20d: {  	v23 =	vor.u32 $0xF, v4;
	v17 =	vmul.f32 $5.656854150e+00, v17;
	[tilespmem:s17+$0x1D780] =	vst v9;
	v11 =	vld.idx.msk [tilespmem:v11+s18+$0x0], $0xffff  }
0x20e: {  	v25 =	vor.u32 $0xD, v1;
	v8 =	vor.u32 $0x1C, v1;
	v9 =	vmul.f32 $5.656854150e+00, v21;
	[tilespmem:s17+$0x1B780] =	vst v5;
	v5 =	vld.idx.msk [tilespmem:v15+s18+$0x0], $0xffff  }
0x20f: {  	v30 =	vor.u32 $0x5, v1;
	v14 =	vmul.f32 $5.656854150e+00, v14;
	v16 =	vor.u32 $0x6, v4;
	[tilespmem:s9+$0x280] =	vst v17;
	v6 =	vld.idx.msk [tilespmem:v6+s18+$0x0], $0xffff  }
0x210: {  	v19 =	vor.u32 $0xC, v1;
	[tilespmem:s11+$0x100] =	vst v9;
	v15 =	vmul.f32 $5.656854150e+00, v3;
	v9 =	vmul.f32 $5.656854150e+00, v13;
	v13 =	vld.idx.msk [tilespmem:v2+s18+$0x0], $0xffff  }
0x211: {  	s28 =	simm.s32 $0x180;
	v29 =	vor.u32 $0x15, v1;
	v27 =	vor.u32 $0x9, v2;
	v20 =	vor.u32 $0x14, v1;
	[tilespmem:s3+$0x1B700] =	vst v14;
	v28 =	vld.idx.msk [tilespmem:v10+s18+$0x0], $0xffff  }
0x212: {  	s29 =	sand.u32 $0xC00, s28;
	v57 =	vor.u32 $0x2, v2;
	v21 =	vor.u32 $0x19, v2;
	v42 =	vld.idx.msk [tilespmem:v23+s18+$0x0], $0xffff;
	v18 =	vmul.f32 $5.656854150e+00, v18;
	[tilespmem:s10+$0x1D580] =	vst v15  }
0x213: {  	s14 =	sand.u32 $0x70, s14;
	v59 =	vor.u32 $0x12, v2;
	v60 =	vor.u32 $0x1A, v2;
	[tilespmem:s10+$0x1B580] =	vst v9;
	v22 =	vld.idx.msk [tilespmem:v8+s18+$0x0], $0xffff;
	v8 =	vmul.f32 $5.656854150e+00, v11  }
0x214: {  	s14 =	sor.u32 s14, s29;
	v17 =	vor.u32 $0x1, v2;
	[tilespmem:s10+$0x1C580] =	vst v18;
	v18 =	vor.u32 $0x11, v2;
	v56 =	vld.idx.msk [tilespmem:v16+s18+$0x0], $0xffff;
	v5 =	vmul.f32 $5.656854150e+00, v5  }
0x215: {  	v14 =	vor.u32 $0x15, v2;
	v3 =	vor.u32 $0x7, v4;
	v11 =	vld.idx.msk [tilespmem:v19+s18+$0x0], $0xffff;
	v6 =	vmul.f32 $5.656854150e+00, v6;
	[tilespmem:s14+$0x1D400] =	vst v8  }
0x216: {  	v4 =	vor.u32 $0x17, v4;
	v15 =	vor.u32 $0x4, v1;
	v19 =	vld.idx.msk [tilespmem:v20+s18+$0x0], $0xffff;
	v13 =	vmul.f32 $5.656854150e+00, v13;
	[tilespmem:s14+$0x1B400] =	vst v5  }
0x217: {  	v10 =	vor.u32 $0xE, v1;
	v7 =	vmul.f32 $5.656854150e+00, v7;
	v20 =	vor.u32 $0x1D, v1;
	v16 =	vld.idx.msk [tilespmem:v21+s18+$0x0], $0xffff;
	[tilespmem:s14+$0x1C400] =	vst v6  }
0x218: {  	v23 =	vor.u32 $0x16, v2;
	v26 =	vmul.f32 $5.656854150e+00, v26;
	[tilespmem:s14+$0x1A400] =	vst v13;
	v13 =	vmul.f32 $5.656854150e+00, v28;
	v27 =	vld.idx.msk [tilespmem:v27+s18+$0x0], $0xffff  }
0x219: {  	v9 =	vor.u32 $0x16, v1;
	v35 =	vmul.f32 $5.656854150e+00, v42;
	[tilespmem:s3+$0x1D780] =	vst v7;
	v21 =	vmul.f32 $5.656854150e+00, v22;
	v31 =	vld.idx.msk [tilespmem:v18+s18+$0x0], $0xffff  }
0x21a: {  	v7 =	vor.u32 $0x6, v1;
	v8 =	vor.u32 $0xF, v1;
	v58 =	vld.idx.msk [tilespmem:v17+s18+$0x0], $0xffff;
	v11 =	vmul.f32 $5.656854150e+00, v11;
	[tilespmem:s11+$0x180] =	vst v13  }
0x21b: {  	v5 =	vor.u32 $0x7, v1;
	v28 =	vor.u32 $0xA, v2;
	v13 =	vmul.f32 $5.656854150e+00, v19;
	[tilespmem:s10+$0x1D600] =	vst v21;
	v62 =	vld.idx.msk [tilespmem:v15+s18+$0x0], $0xffff  }
0x21c: {  	v6 =	vor.u32 $0x17, v1;
	v18 =	vor.u32 $0x3, v2;
	v61 =	vld.idx.msk [tilespmem:v20+s18+$0x0], $0xffff;
	[tilespmem:s10+$0x1B600] =	vst v11;
	v11 =	vmul.f32 $5.656854150e+00, v16  }
0x21d: {  	v22 =	vor.u32 $0xB, v2;
	v17 =	vor.u32 $0x4, v2;
	[tilespmem:s10+$0x1C600] =	vst v13;
	v40 =	vld.idx.msk [tilespmem:v25+s18+$0x0], $0xffff;
	v15 =	vmul.f32 $5.656854150e+00, v27  }
0x21e: {  	v34 =	vmul.f32 $5.656854150e+00, v56;
	v19 =	vor.u32 $0x14, v2;
	v41 =	vld.idx.msk [tilespmem:v29+s18+$0x0], $0xffff;
	v25 =	vmul.f32 $5.656854150e+00, v31;
	[tilespmem:s14+$0x1D480] =	vst v11  }
0x21f: {  	v21 =	vor.u32 $0x13, v2;
	v29 =	vor.u32 $0x1E, v1;
	v32 =	vmul.f32 $5.656854150e+00, v58;
	[tilespmem:s14+$0x1B480] =	vst v15;
	v37 =	vld.idx.msk [tilespmem:v60+s18+$0x0], $0xffff  }
0x220: {  	s30 =	sadd.s32 $0x1A400, s14;
	v20 =	vor.u32 $0xC, v2;
	v13 =	vor.u32 $0x5, v2;
	[tilespmem:s14+$0x1C480] =	vst v25;
	v63 =	vmul.f32 $5.656854150e+00, v62;
	v31 =	vld.idx.msk [tilespmem:v28+s18+$0x0], $0xffff  }
0x221: {  	v16 =	vor.u32 $0xD, v2;
	v27 =	vor.u32 $0xE, v2;
	[tilespmem:s30+$0x80] =	vst v32;
	v38 =	vmul.f32 $5.656854150e+00, v61;
	v32 =	vld.idx.msk [tilespmem:v59+s18+$0x0], $0xffff  }
0x222: {  	v11 =	vor.u32 $0x6, v2;
	v15 =	vor.u32 $0x7, v2;
	v36 =	vld.idx.msk [tilespmem:v57+s18+$0x0], $0xffff;
	v40 =	vmul.f32 $5.656854150e+00, v40;
	[tilespmem:s11+$0x200] =	vst v63  }
0x223: {  	v25 =	vmul.f32 $5.656854150e+00, v24;
	v39 =	vmul.f32 $5.656854150e+00, v41;
	[tilespmem:s10+$0x1D680] =	vst v38;
	v38 =	vor.u32 $0x1B, v2;
	v30 =	vld.idx.msk [tilespmem:v30+s18+$0x0], $0xffff  }
0x224: {  	s31 =	simm.s32 $0x40;
	s29 =	simm.s32 $0xC;
	v24 =	vor.u32 $0x17, v2;
	v28 =	vmul.f32 $5.656854150e+00, v12;
	v12 =	vor.u32 $0xF, v2;
	v29 =	vld.idx.msk [tilespmem:v29+s18+$0x0], $0xffff;
	[tilespmem:s10+$0x1B680] =	vst v40  }
.LBB2_7:
0x225: {  	v33 =	vmov s31;
	s29 =	sadd.s32 $0x4, s29;
	v37 =	vmul.f32 $5.656854150e+00, v37;
	v40 =	vld.idx.msk [tilespmem:v10+s18+$0x0], $0xffff;
	[tilespmem:s10+$0x1C680] =	vst v39;
	v10 =	vmov v27  }
0x226: {  	v31 =	vmul.f32 $5.656854150e+00, v31;
	v27 =	vshll.u32 v33, $0x5;
	p0 =	slt.u32 s29, $0x7C;
	v39 =	vld.idx.msk [tilespmem:v9+s18+$0x0], $0xffff;
	[tilespmem:s3+$0x1C700] =	vst v28;
	v9 =	vmov v23  }
0x227: {  	v23 =	vmul.f32 $5.656854150e+00, v32;
	v28 =	vor.u32 $0x1F, v1;
	v1 =	vmovc v2;
	[tilespmem:s14+$0x1D500] =	vst v37;
	v37 =	vld.idx.msk [tilespmem:v4+s18+$0x0], $0xffff;
	v2 =	vor.u32 v0, v27  }
0x228: {  	v4 =	vmovc v6;
	v6 =	vmovc v24;
	v27 =	vor.u32 $0x8, v2;
	v41 =	vor.u32 $0x10, v2;
	v33 =	vor.u32 $0x18, v2;
	[tilespmem:s14+$0x1B500] =	vst v31;
	v38 =	vld.idx.msk [tilespmem:v38+s18+$0x0], $0xffff  }
0x229: {  	v42 =	vor.u32 $0x1, v2;
	v43 =	vor.u32 $0x9, v2;
	v24 =	vld.idx.msk [tilespmem:v22+s18+$0x0], $0xffff;
	[tilespmem:s14+$0x1C500] =	vst v23;
	v22 =	vmul.f32 $5.656854150e+00, v29  }
0x22a: {  	v31 =	vor.u32 $0xA, v2;
	v44 =	vor.u32 $0x11, v2;
	v29 =	vor.u32 $0x2, v2;
	v23 =	vld.idx.msk [tilespmem:v21+s18+$0x0], $0xffff;
	[tilespmem:s9+$0x300] =	vst v34  }
0x22b: {  	v36 =	vmul.f32 $5.656854150e+00, v36;
	v32 =	vor.u32 $0x12, v2;
	v34 =	vor.u32 $0x3, v2;
	[tilespmem:s10+$0x1D700] =	vst v22;
	v45 =	vld.idx.msk [tilespmem:v3+s18+$0x0], $0xffff;
	v3 =	vmovc v5;
	v5 =	vmovc v15  }
0x22c: {  	v21 =	vor.u32 $0x13, v2;
	v22 =	vor.u32 $0xB, v2;
	v15 =	vor.u32 $0x1C, v1;
	v46 =	vld.idx.msk [tilespmem:v28+s18+$0x0], $0xffff;
	[tilespmem:s3+$0x1B780] =	vst v35  }
0x22d: {  	v47 =	vor.u32 $0xC, v2;
	v48 =	vor.u32 $0x14, v2;
	v35 =	vor.u32 $0x4, v2;
	v49 =	vld.idx.msk [tilespmem:v33+s18+$0x0], $0xffff;
	[tilespmem:s30+$0x100] =	vst v36  }
0x22e: {  	v50 =	vor.u32 $0xD, v2;
	v33 =	vor.u32 $0x5, v2;
	v28 =	vmul.f32 $5.656854150e+00, v38;
	v36 =	vld.idx.msk [tilespmem:v27+s18+$0x0], $0xffff;
	[tilespmem:s17+$0x1C780] =	vst v25;
	s17 =	smov.u32 s3;
	s3 =	smov.u32 s10;
	s10 =	smov.u32 s14  }
0x22f: {  	v24 =	vmul.f32 $5.656854150e+00, v24;
	v25 =	vmul.f32 $5.656854150e+00, v30;
	v38 =	vld.idx.msk [tilespmem:v41+s18+$0x0], $0xffff;
	v41 =	vor.u32 $0x15, v2;
	[tilespmem:s5+$0x380] =	vst v26;
	s5 =	smov.u32 s9;
	s9 =	smov.u32 s11;
	s11 =	smov.u32 s30  }
0x230: {  	v51 =	vor.u32 $0x6, v2;
	v27 =	vor.u32 $0xE, v2;
	v26 =	vmul.f32 $5.656854150e+00, v23;
	v30 =	vld.idx.msk [tilespmem:v2+s18+$0x0], $0xffff;
	[tilespmem:s10+$0x1D580] =	vst v28  }
0x231: {  	v52 =	vor.u32 $0x19, v2;
	v40 =	vmul.f32 $5.656854150e+00, v40;
	v23 =	vor.u32 $0x16, v2;
	[tilespmem:s10+$0x1B580] =	vst v24;
	v53 =	vld.idx.msk [tilespmem:v15+s18+$0x0], $0xffff  }
0x232: {  	s28 =	sadd.s32 $0x80, s28;
	v28 =	vmul.f32 $5.656854150e+00, v39;
	v15 =	vor.u32 $0x7, v2;
	v54 =	vld.idx.msk [tilespmem:v18+s18+$0x0], $0xffff;
	[tilespmem:s10+$0x1C580] =	vst v26;
	v26 =	vmul.f32 $5.656854150e+00, v46;
	v18 =	vmovc v34  }
0x233: {  	s14 =	sand.u32 $0x70, s31;
	s30 =	sand.u32 $0xC00, s28;
	v39 =	vor.u32 $0xF, v2;
	v34 =	vmul.f32 $5.656854150e+00, v49;
	v46 =	vld.idx.msk [tilespmem:v20+s18+$0x0], $0xffff;
	[tilespmem:s9+$0x280] =	vst v25;
	v25 =	vmul.f32 $5.656854150e+00, v37;
	v20 =	vmovc v47  }
0x234: {  	s14 =	sor.u32 s14, s30;
	v24 =	vor.u32 $0x17, v2;
	v36 =	vmul.f32 $5.656854150e+00, v36;
	v37 =	vld.idx.msk [tilespmem:v19+s18+$0x0], $0xffff;
	[tilespmem:s3+$0x1D780] =	vst v26;
	v26 =	vmul.f32 $5.656854150e+00, v45;
	v19 =	vmovc v48  }
0x235: {  	s30 =	sadd.s32 $0x1A400, s14;
	v38 =	vmul.f32 $5.656854150e+00, v38;
	[tilespmem:s14+$0x1D400] =	vst v34;
	v34 =	vor.u32 $0x1D, v1;
	v45 =	vld.idx.msk [tilespmem:v7+s18+$0x0], $0xffff;
	v7 =	vmovc v11;
	v11 =	vmov v51  }
0x236: {  	v30 =	vmul.f32 $5.656854150e+00, v30;
	[tilespmem:s14+$0x1B400] =	vst v36;
	v36 =	vld.idx.msk [tilespmem:v52+s18+$0x0], $0xffff  }
0x237: {  	v43 =	vld.idx.msk [tilespmem:v43+s18+$0x0], $0xffff;
	[tilespmem:s14+$0x1C400] =	vst v38;
	v38 =	vmul.f32 $5.656854150e+00, v53  }
0x238: {  	[tilespmem:s14+$0x1A400] =	vst v30;
	v30 =	vld.idx.msk [tilespmem:v44+s18+$0x0], $0xffff;
	v44 =	vmul.f32 $5.656854150e+00, v54  }
0x239: {  	v46 =	vmul.f32 $5.656854150e+00, v46;
	v42 =	vld.idx.msk [tilespmem:v42+s18+$0x0], $0xffff;
	[tilespmem:s10+$0x1D600] =	vst v38  }
0x23a: {  	v38 =	vor.u32 $0x1A, v2;
	v37 =	vmul.f32 $5.656854150e+00, v37;
	[tilespmem:s11+$0x180] =	vst v44;
	v44 =	vld.idx.msk [tilespmem:v34+s18+$0x0], $0xffff  }
0x23b: {  	v34 =	vmul.f32 $5.656854150e+00, v45;
	v47 =	vld.idx.msk [tilespmem:v17+s18+$0x0], $0xffff;
	[tilespmem:s10+$0x1B600] =	vst v46;
	v17 =	vmov v35  }
0x23c: {  	v35 =	vmul.f32 $5.656854150e+00, v36;
	v45 =	vld.idx.msk [tilespmem:v16+s18+$0x0], $0xffff;
	[tilespmem:s10+$0x1C600] =	vst v37;
	v16 =	vmov v50  }
0x23d: {  	v36 =	vmul.f32 $5.656854150e+00, v43;
	v43 =	vld.idx.msk [tilespmem:v14+s18+$0x0], $0xffff;
	[tilespmem:s3+$0x1B700] =	vst v40;
	v14 =	vmov v41  }
0x23e: {  	v30 =	vmul.f32 $5.656854150e+00, v30;
	[tilespmem:s14+$0x1D480] =	vst v35;
	v35 =	vor.u32 $0x1E, v1;
	v40 =	vld.idx.msk [tilespmem:v8+s18+$0x0], $0xffff;
	v8 =	vmovc v12;
	v12 =	vmov v39  }
0x23f: {  	v39 =	vmul.f32 $5.656854150e+00, v42;
	[tilespmem:s14+$0x1B480] =	vst v36;
	v37 =	vld.idx.msk [tilespmem:v38+s18+$0x0], $0xffff  }
.Ltmp2:
0x240: {  	v31 =	vld.idx.msk [tilespmem:v31+s18+$0x0], $0xffff;
	[tilespmem:s14+$0x1C480] =	vst v30;
	v30 =	vmul.f32 $5.656854150e+00, v44;
	(pc) =	sbr.rel @p0 .LBB2_7-.Ltmp2, $4  }
0x241: {  	[tilespmem:s30+$0x80] =	vst v39;
	v32 =	vld.idx.msk [tilespmem:v32+s18+$0x0], $0xffff;
	v39 =	vmul.f32 $5.656854150e+00, v47  }
0x242: {  	v41 =	vmul.f32 $5.656854150e+00, v45;
	v36 =	vld.idx.msk [tilespmem:v29+s18+$0x0], $0xffff;
	[tilespmem:s10+$0x1D680] =	vst v30  }
0x243: {  	v38 =	vor.u32 $0x1B, v2;
	[tilespmem:s11+$0x200] =	vst v39;
	v39 =	vmul.f32 $5.656854150e+00, v43;
	v29 =	vld.idx.msk [tilespmem:v35+s18+$0x0], $0xffff  }
0x244: {  	s31 =	sadd.s32 $0x10, s31;
	v35 =	vmul.f32 $5.656854150e+00, v40;
	v30 =	vld.idx.msk [tilespmem:v13+s18+$0x0], $0xffff;
	[tilespmem:s10+$0x1B680] =	vst v41;
	v13 =	vmov v33  }
0x245: {  	_ = 	snop  }
0x246: {  	v33 =	vmul.f32 $5.656854150e+00, v37;
	_ =	sdelay $0x1  }
0x247: {  	v31 =	vmul.f32 $5.656854150e+00, v31;
	[tilespmem:s14+$0x1D500] =	vst v33  }
0x248: {  	v48 =	vld.idx.msk [tilespmem:v38+s18+$0x0], $0xffff  }
0x249: {  	v32 =	vmul.f32 $5.656854150e+00, v32;
	[tilespmem:s14+$0x1B500] =	vst v31  }
0x24a: {  	v49 =	vmul.f32 $5.656854150e+00, v36;
	v22 =	vld.idx.msk [tilespmem:v22+s18+$0x0], $0xffff  }
0x24b: {  	v50 =	vor.u32 $0x1C, v2;
	[tilespmem:s14+$0x1C500] =	vst v32  }
0x24c: {  	v21 =	vld.idx.msk [tilespmem:v21+s18+$0x0], $0xffff;
	[tilespmem:s30+$0x100] =	vst v49  }
0x24d: {  	v18 =	vld.idx.msk [tilespmem:v18+s18+$0x0], $0xffff;
	v31 =	vmul.f32 $5.656854150e+00, v48;
	_ =	sdelay $0x1  }
0x24e: {  	v22 =	vmul.f32 $5.656854150e+00, v22;
	[tilespmem:s14+$0x1D580] =	vst v31  }
0x24f: {  	v51 =	vld.idx.msk [tilespmem:v50+s18+$0x0], $0xffff  }
0x250: {  	v21 =	vmul.f32 $5.656854150e+00, v21;
	[tilespmem:s14+$0x1B580] =	vst v22  }
0x251: {  	[tilespmem:s10+$0x1C680] =	vst v39;
	v18 =	vmul.f32 $5.656854150e+00, v18;
	v20 =	vld.idx.msk [tilespmem:v20+s18+$0x0], $0xffff  }
0x252: {  	v52 =	vor.u32 $0x1D, v2;
	[tilespmem:s14+$0x1C580] =	vst v21  }
0x253: {  	v19 =	vld.idx.msk [tilespmem:v19+s18+$0x0], $0xffff;
	[tilespmem:s30+$0x180] =	vst v18  }
0x254: {  	[tilespmem:s3+$0x1C700] =	vst v28;
	v17 =	vld.idx.msk [tilespmem:v17+s18+$0x0], $0xffff;
	v53 =	vmul.f32 $5.656854150e+00, v51  }
0x255: {  	[tilespmem:s9+$0x300] =	vst v34  }
0x256: {  	v20 =	vmul.f32 $5.656854150e+00, v20;
	[tilespmem:s14+$0x1D600] =	vst v53  }
0x257: {  	[tilespmem:s17+$0x1C780] =	vst v25;
	v18 =	vld.idx.msk [tilespmem:v52+s18+$0x0], $0xffff  }
0x258: {  	v1 =	vor.u32 $0x1F, v1;
	v10 =	vld.idx.msk [tilespmem:v10+s18+$0x0], $0xffff;
	v19 =	vmul.f32 $5.656854150e+00, v19;
	[tilespmem:s14+$0x1B600] =	vst v20  }
0x259: {  	[tilespmem:s5+$0x380] =	vst v26;
	v17 =	vmul.f32 $5.656854150e+00, v17;
	v16 =	vld.idx.msk [tilespmem:v16+s18+$0x0], $0xffff  }
0x25a: {  	v55 =	vor.u32 $0x1E, v2;
	v9 =	vld.idx.msk [tilespmem:v9+s18+$0x0], $0xffff;
	v54 =	vmul.f32 $5.656854150e+00, v29;
	[tilespmem:s14+$0x1C600] =	vst v19  }
0x25b: {  	v14 =	vld.idx.msk [tilespmem:v14+s18+$0x0], $0xffff;
	[tilespmem:s30+$0x200] =	vst v17  }
0x25c: {  	[tilespmem:s10+$0x1D700] =	vst v54;
	v13 =	vld.idx.msk [tilespmem:v13+s18+$0x0], $0xffff;
	v56 =	vmul.f32 $5.656854150e+00, v18  }
0x25d: {  	[tilespmem:s3+$0x1B780] =	vst v35;
	v57 =	vmul.f32 $5.656854150e+00, v30;
	v1 =	vld.idx.msk [tilespmem:v1+s18+$0x0], $0xffff  }
0x25e: {  	v4 =	vld.idx.msk [tilespmem:v4+s18+$0x0], $0xffff;
	v16 =	vmul.f32 $5.656854150e+00, v16;
	[tilespmem:s14+$0x1D680] =	vst v56  }
0x25f: {  	v10 =	vmul.f32 $5.656854150e+00, v10;
	[tilespmem:s11+$0x280] =	vst v57;
	v17 =	vld.idx.msk [tilespmem:v55+s18+$0x0], $0xffff  }
0x260: {  	v7 =	vld.idx.msk [tilespmem:v7+s18+$0x0], $0xffff;
	v14 =	vmul.f32 $5.656854150e+00, v14;
	[tilespmem:s14+$0x1B680] =	vst v16  }
0x261: {  	[tilespmem:s10+$0x1B700] =	vst v10;
	v58 =	vmul.f32 $5.656854150e+00, v13;
	v16 =	vld.idx.msk [tilespmem:v27+s18+$0x0], $0xffff  }
0x262: {  	v2 =	vor.u32 $0x1F, v2;
	v8 =	vld.idx.msk [tilespmem:v8+s18+$0x0], $0xffff;
	v1 =	vmul.f32 $5.656854150e+00, v1;
	[tilespmem:s14+$0x1C680] =	vst v14  }
0x263: {  	v9 =	vmul.f32 $5.656854150e+00, v9;
	v59 =	vld.idx.msk [tilespmem:v23+s18+$0x0], $0xffff;
	[tilespmem:s30+$0x280] =	vst v58  }
0x264: {  	[tilespmem:s10+$0x1D780] =	vst v1;
	v10 =	vld.idx.msk [tilespmem:v11+s18+$0x0], $0xffff;
	v1 =	vmul.f32 $5.656854150e+00, v17  }
0x265: {  	v3 =	vld.idx.msk [tilespmem:v3+s18+$0x0], $0xffff;
	[tilespmem:s10+$0x1C700] =	vst v9;
	v7 =	vmul.f32 $5.656854150e+00, v7  }
0x266: {  	v6 =	vld.idx.msk [tilespmem:v6+s18+$0x0], $0xffff;
	v60 =	vmul.f32 $5.656854150e+00, v16;
	[tilespmem:s14+$0x1D700] =	vst v1  }
0x267: {  	[tilespmem:s11+$0x300] =	vst v7;
	v1 =	vmul.f32 $5.656854150e+00, v8;
	v2 =	vld.idx.msk [tilespmem:v2+s18+$0x0], $0xffff  }
0x268: {  	v61 =	vmul.f32 $5.656854150e+00, v59;
	[tilespmem:s14+$0x1B700] =	vst v60  }
0x269: {  	v62 =	vld.idx.msk [tilespmem:v12+s18+$0x0], $0xffff;
	[tilespmem:s10+$0x1B780] =	vst v1;
	v1 =	vmul.f32 $5.656854150e+00, v10  }
0x26a: {  	v4 =	vmul.f32 $5.656854150e+00, v4;
	v5 =	vld.idx.msk [tilespmem:v5+s18+$0x0], $0xffff;
	[tilespmem:s14+$0x1C700] =	vst v61  }
0x26b: {  	v3 =	vmul.f32 $5.656854150e+00, v3;
	v7 =	vld.idx.msk [tilespmem:v24+s18+$0x0], $0xffff;
	[tilespmem:s30+$0x300] =	vst v1  }
0x26c: {  	[tilespmem:s3+$0x1C780] =	vst v4;
	v63 =	vmul.f32 $5.656854150e+00, v6;
	v1 =	vmul.f32 $5.656854150e+00, v2;
	v2 =	vld.idx.msk [tilespmem:v15+s18+$0x0], $0xffff  }
0x26d: {  	[tilespmem:s9+$0x380] =	vst v3  }
0x26e: {  	[tilespmem:s10+$0x1C780] =	vst v63;
	v3 =	vmul.f32 $5.656854150e+00, v62  }
0x26f: {  	p0 =	seq.s32 s1, $0xF;
	[tilespmem:s14+$0x1D780] =	vst v1;
	v1 =	vmul.f32 $5.656854150e+00, v5  }
.Ltmp3:
0x270: {  	[tilespmem:s14+$0x1B780] =	vst v3;
	v3 =	vmul.f32 $5.656854150e+00, v7;
	(pc) =	sbr.rel @p0 .LBB2_10-.Ltmp3, $4  }
0x271: {  	s0 =	sadd.s32 s8, s0;
	[tilespmem:s11+$0x380] =	vst v1;
	v1 =	vmul.f32 $5.656854150e+00, v2  }
0x272: {  	s0 =	sshrl.u32 s0, $0x3;
	[tilespmem:s14+$0x1C780] =	vst v3  }
0x273: {  	s0 =	sadd.s32 s2, s0;
	[tilespmem:s30+$0x380] =	vst v1  }
0x274: {  	[hbm4b:s0+s20] =	stream.strided.scatter [tilespmem:s26], [sflag:$0x6], $0x4000, s21, s20, $0x38;
	[tilespmem:$0x1E400] =	vst v63  }
.Ltmp4:
0x275: {  	(pc) =	sbr.rel .LBB2_2-.Ltmp4, $3  }
0x276: {  	_ =	sdelay $0x1  }
0x277: {  	s0 =	sadd.s32 $0xA00, s13;
	s1 =	sadd.s32 $0x1, s1  }
0x278: {  	[tilespmem:s18], [sflag:$0x3] =	stream.indirect.gather [hbm4b:s4+s12], $0x20, s0, s12, $0xb8;
	[tilespmem:$0x1E400] =	vst v63  }
.LBB2_10:
0x279: {  	s0 =	simm.s32 $0x0  }
0x27a: {  	v1 =	vmov s0  }
0x27b: {  	v1 =	vshll.u32 v1, $0x5  }
0x27c: {  	_ =	swait.ge [sflag:s19], $0x4000;
	v2 =	vor.u32 v0, v1  }
0x27d: {  	[sflag:s19] =	ssyncset.done $0x0;
	v1 =	vor.u32 $0x18, v2  }
0x27e: {  	s29 =	simm.s32 $0x4;
	[sflag:s19] =	ssyncadd.s32 $0xFFFFC000  }
0x27f: {  	_ =	swait.ge [sflag:s29], $0x4000  }
0x280: {  	[sflag:s29] =	ssyncset.done $0x0;
	v3 =	vor.u32 $0x8, v2  }
0x281: {  	v4 =	vor.u32 $0x10, v2;
	[sflag:s29] =	ssyncadd.s32 $0xFFFFC000  }
0x282: {  	v1 =	vld.idx.msk [tilespmem:v1+s15+$0x0], $0xffff;
	_ =	sdelay $0x2  }
0x283: {  	v5 =	vor.u32 $0x19, v2;
	v3 =	vld.idx.msk [tilespmem:v3+s15+$0x0], $0xffff  }
0x284: {  	v4 =	vld.idx.msk [tilespmem:v4+s15+$0x0], $0xffff  }
0x285: {  	s1 =	sand.u32 $0x70, s0;
	s0 =	sand.u32 $0xC00, s0;
	v1 =	vmul.f32 $5.656854150e+00, v1  }
0x286: {  	s0 =	sor.u32 s1, s0;
	v6 =	vor.u32 $0x9, v2  }
0x287: {  	v7 =	vor.u32 $0x11, v2;
	[tilespmem:s0+$0x15400] =	vst v1  }
0x288: {  	v1 =	vmul.f32 $5.656854150e+00, v3;
	v3 =	vld.idx.msk [tilespmem:v5+s15+$0x0], $0xffff  }
0x289: {  	v4 =	vmul.f32 $5.656854150e+00, v4;
	v5 =	vld.idx.msk [tilespmem:v2+s15+$0x0], $0xffff  }
0x28a: {  	[tilespmem:s0+$0x13400] =	vst v1  }
0x28b: {  	[tilespmem:s0+$0x14400] =	vst v4;
	v4 =	vor.u32 $0x1A, v2;
	v1 =	vld.idx.msk [tilespmem:v6+s15+$0x0], $0xffff  }
0x28c: {  	v6 =	vld.idx.msk [tilespmem:v7+s15+$0x0], $0xffff;
	v7 =	vor.u32 $0x1, v2  }
0x28d: {  	v3 =	vmul.f32 $5.656854150e+00, v3  }
0x28e: {  	v8 =	vor.u32 $0xA, v2;
	v5 =	vmul.f32 $5.656854150e+00, v5  }
0x28f: {  	v9 =	vor.u32 $0x12, v2;
	[tilespmem:s0+$0x15480] =	vst v3  }
0x290: {  	v1 =	vmul.f32 $5.656854150e+00, v1;
	[tilespmem:s0+$0x12400] =	vst v5;
	v3 =	vld.idx.msk [tilespmem:v4+s15+$0x0], $0xffff  }
0x291: {  	v4 =	vmul.f32 $5.656854150e+00, v6;
	v5 =	vld.idx.msk [tilespmem:v7+s15+$0x0], $0xffff  }
0x292: {  	[tilespmem:s0+$0x13480] =	vst v1  }
0x293: {  	v6 =	vor.u32 $0x1B, v2;
	v1 =	vld.idx.msk [tilespmem:v8+s15+$0x0], $0xffff;
	[tilespmem:s0+$0x14480] =	vst v4  }
0x294: {  	s31 =	simm.s32 $0x10;
	v8 =	vor.u32 $0x2, v2;
	v7 =	vld.idx.msk [tilespmem:v9+s15+$0x0], $0xffff  }
0x295: {  	v4 =	vmov s31;
	v3 =	vmul.f32 $5.656854150e+00, v3  }
0x296: {  	v9 =	vor.u32 $0xB, v2;
	v4 =	vshll.u32 v4, $0x5;
	v5 =	vmul.f32 $5.656854150e+00, v5  }
0x297: {  	s3 =	sadd.s32 $0x12400, s0;
	v10 =	vor.u32 $0x13, v2;
	v4 =	vor.u32 v0, v4;
	[tilespmem:s0+$0x15500] =	vst v3  }
0x298: {  	v1 =	vmul.f32 $5.656854150e+00, v1;
	v3 =	vor.u32 $0x18, v4;
	[tilespmem:s3+$0x80] =	vst v5;
	v6 =	vld.idx.msk [tilespmem:v6+s15+$0x0], $0xffff  }
0x299: {  	v5 =	vmul.f32 $5.656854150e+00, v7;
	v7 =	vor.u32 $0x8, v4;
	v8 =	vld.idx.msk [tilespmem:v8+s15+$0x0], $0xffff  }
0x29a: {  	v11 =	vor.u32 $0x10, v4;
	[tilespmem:s0+$0x13500] =	vst v1  }
0x29b: {  	v1 =	vld.idx.msk [tilespmem:v9+s15+$0x0], $0xffff;
	[tilespmem:s0+$0x14500] =	vst v5  }
0x29c: {  	v5 =	vor.u32 $0x1C, v2;
	v9 =	vld.idx.msk [tilespmem:v10+s15+$0x0], $0xffff  }
0x29d: {  	v10 =	vor.u32 $0x3, v2;
	v3 =	vld.idx.msk [tilespmem:v3+s15+$0x0], $0xffff;
	v6 =	vmul.f32 $5.656854150e+00, v6  }
0x29e: {  	v12 =	vor.u32 $0xC, v2;
	v7 =	vld.idx.msk [tilespmem:v7+s15+$0x0], $0xffff;
	v8 =	vmul.f32 $5.656854150e+00, v8  }
0x29f: {  	v13 =	vor.u32 $0x14, v2;
	v11 =	vld.idx.msk [tilespmem:v11+s15+$0x0], $0xffff;
	[tilespmem:s0+$0x15580] =	vst v6  }
0x2a0: {  	v1 =	vmul.f32 $5.656854150e+00, v1;
	v6 =	vor.u32 $0x19, v4;
	[tilespmem:s3+$0x100] =	vst v8;
	v8 =	vld.idx.msk [tilespmem:v4+s15+$0x0], $0xffff  }
0x2a1: {  	s5 =	simm.s32 $0x80;
	v14 =	vor.u32 $0x9, v4;
	v5 =	vld.idx.msk [tilespmem:v5+s15+$0x0], $0xffff;
	v9 =	vmul.f32 $5.656854150e+00, v9  }
0x2a2: {  	s5 =	sand.u32 $0xC00, s5;
	s1 =	sand.u32 $0x70, s31;
	v15 =	vor.u32 $0x11, v4;
	[tilespmem:s0+$0x13580] =	vst v1;
	v1 =	vld.idx.msk [tilespmem:v10+s15+$0x0], $0xffff;
	v3 =	vmul.f32 $5.656854150e+00, v3  }
0x2a3: {  	s1 =	sor.u32 s1, s5;
	[tilespmem:s0+$0x14580] =	vst v9;
	v9 =	vld.idx.msk [tilespmem:v12+s15+$0x0], $0xffff;
	v7 =	vmul.f32 $5.656854150e+00, v7;
	v12 =	vor.u32 $0x1, v4  }
0x2a4: {  	v11 =	vmul.f32 $5.656854150e+00, v11;
	v10 =	vor.u32 $0x1D, v2;
	v13 =	vld.idx.msk [tilespmem:v13+s15+$0x0], $0xffff;
	[tilespmem:s1+$0x15400] =	vst v3  }
0x2a5: {  	v3 =	vor.u32 $0x4, v2;
	[tilespmem:s1+$0x13400] =	vst v7;
	v6 =	vld.idx.msk [tilespmem:v6+s15+$0x0], $0xffff;
	v8 =	vmul.f32 $5.656854150e+00, v8  }
0x2a6: {  	[tilespmem:s1+$0x14400] =	vst v11;
	v7 =	vor.u32 $0xD, v2;
	v5 =	vmul.f32 $5.656854150e+00, v5;
	v14 =	vld.idx.msk [tilespmem:v14+s15+$0x0], $0xffff  }
0x2a7: {  	v11 =	vor.u32 $0x15, v2;
	v15 =	vld.idx.msk [tilespmem:v15+s15+$0x0], $0xffff;
	v1 =	vmul.f32 $5.656854150e+00, v1;
	[tilespmem:s1+$0x12400] =	vst v8  }
0x2a8: {  	v8 =	vor.u32 $0x1A, v4;
	[tilespmem:s0+$0x15600] =	vst v5;
	v5 =	vmul.f32 $5.656854150e+00, v9;
	v12 =	vld.idx.msk [tilespmem:v12+s15+$0x0], $0xffff  }
0x2a9: {  	v9 =	vld.idx.msk [tilespmem:v10+s15+$0x0], $0xffff;
	v10 =	vor.u32 $0xA, v4;
	[tilespmem:s3+$0x180] =	vst v1;
	v1 =	vmul.f32 $5.656854150e+00, v13  }
0x2aa: {  	v13 =	vor.u32 $0x12, v4;
	v3 =	vld.idx.msk [tilespmem:v3+s15+$0x0], $0xffff;
	[tilespmem:s0+$0x13600] =	vst v5;
	v5 =	vmul.f32 $5.656854150e+00, v6  }
0x2ab: {  	v6 =	vld.idx.msk [tilespmem:v7+s15+$0x0], $0xffff;
	[tilespmem:s0+$0x14600] =	vst v1;
	v1 =	vmul.f32 $5.656854150e+00, v14;
	v14 =	vor.u32 $0x2, v4  }
0x2ac: {  	v15 =	vmul.f32 $5.656854150e+00, v15;
	v7 =	vor.u32 $0x1E, v2;
	v11 =	vld.idx.msk [tilespmem:v11+s15+$0x0], $0xffff;
	[tilespmem:s1+$0x15480] =	vst v5  }
0x2ad: {  	v5 =	vor.u32 $0x5, v2;
	[tilespmem:s1+$0x13480] =	vst v1;
	v1 =	vld.idx.msk [tilespmem:v8+s15+$0x0], $0xffff;
	v12 =	vmul.f32 $5.656854150e+00, v12  }
0x2ae: {  	s5 =	sadd.s32 $0x12400, s1;
	[tilespmem:s1+$0x14480] =	vst v15;
	v8 =	vmul.f32 $5.656854150e+00, v9;
	v9 =	vor.u32 $0xE, v2;
	v10 =	vld.idx.msk [tilespmem:v10+s15+$0x0], $0xffff  }
0x2af: {  	v15 =	vor.u32 $0x16, v2;
	v13 =	vld.idx.msk [tilespmem:v13+s15+$0x0], $0xffff;
	v3 =	vmul.f32 $5.656854150e+00, v3;
	[tilespmem:s5+$0x80] =	vst v12  }
0x2b0: {  	s9 =	simm.s32 $0x20;
	[tilespmem:s0+$0x15680] =	vst v8;
	v6 =	vmul.f32 $5.656854150e+00, v6;
	v8 =	vor.u32 $0x1B, v4;
	v14 =	vld.idx.msk [tilespmem:v14+s15+$0x0], $0xffff  }
0x2b1: {  	v12 =	vor.u32 $0xB, v4;
	v7 =	vld.idx.msk [tilespmem:v7+s15+$0x0], $0xffff;
	[tilespmem:s3+$0x200] =	vst v3;
	v3 =	vmul.f32 $5.656854150e+00, v11;
	v11 =	vmov s9  }
0x2b2: {  	v16 =	vor.u32 $0x13, v4;
	v5 =	vld.idx.msk [tilespmem:v5+s15+$0x0], $0xffff;
	[tilespmem:s0+$0x13680] =	vst v6;
	v6 =	vmul.f32 $5.656854150e+00, v1;
	v1 =	vshll.u32 v11, $0x5  }
0x2b3: {  	v9 =	vld.idx.msk [tilespmem:v9+s15+$0x0], $0xffff;
	[tilespmem:s0+$0x14680] =	vst v3;
	v3 =	vmul.f32 $5.656854150e+00, v10;
	v1 =	vor.u32 v0, v1  }
0x2b4: {  	v10 =	vor.u32 $0x1F, v2;
	v13 =	vmul.f32 $5.656854150e+00, v13;
	v11 =	vld.idx.msk [tilespmem:v15+s15+$0x0], $0xffff;
	[tilespmem:s1+$0x15500] =	vst v6  }
0x2b5: {  	v6 =	vor.u32 $0x18, v1;
	[tilespmem:s1+$0x13500] =	vst v3;
	v3 =	vld.idx.msk [tilespmem:v8+s15+$0x0], $0xffff  }
0x2b6: {  	v15 =	vor.u32 $0x8, v1;
	[tilespmem:s1+$0x14500] =	vst v13;
	v7 =	vmul.f32 $5.656854150e+00, v7;
	v12 =	vld.idx.msk [tilespmem:v12+s15+$0x0], $0xffff  }
0x2b7: {  	v8 =	vor.u32 $0x10, v1;
	v13 =	vld.idx.msk [tilespmem:v16+s15+$0x0], $0xffff  }
0x2b8: {  	[tilespmem:s0+$0x15700] =	vst v7;
	v7 =	vor.u32 $0x1C, v4;
	v20 =	vld.idx.msk [tilespmem:v1+s15+$0x0], $0xffff  }
0x2b9: {  	v16 =	vor.u32 $0x3, v4;
	v10 =	vld.idx.msk [tilespmem:v10+s15+$0x0], $0xffff  }
0x2ba: {  	v17 =	vor.u32 $0xC, v4;
	v6 =	vld.idx.msk [tilespmem:v6+s15+$0x0], $0xffff;
	v3 =	vmul.f32 $5.656854150e+00, v3  }
0x2bb: {  	v18 =	vor.u32 $0x14, v4;
	v14 =	vmul.f32 $5.656854150e+00, v14;
	v15 =	vld.idx.msk [tilespmem:v15+s15+$0x0], $0xffff  }
0x2bc: {  	v19 =	vor.u32 $0x6, v2;
	v8 =	vld.idx.msk [tilespmem:v8+s15+$0x0], $0xffff;
	v12 =	vmul.f32 $5.656854150e+00, v12;
	[tilespmem:s1+$0x15580] =	vst v3  }
0x2bd: {  	[tilespmem:s5+$0x100] =	vst v14;
	v3 =	vmul.f32 $5.656854150e+00, v13;
	v13 =	vor.u32 $0x19, v1;
	v7 =	vld.idx.msk [tilespmem:v7+s15+$0x0], $0xffff  }
0x2be: {  	s10 =	simm.s32 $0x100;
	v14 =	vor.u32 $0x9, v1;
	v5 =	vmul.f32 $5.656854150e+00, v5;
	[tilespmem:s1+$0x13580] =	vst v12;
	v12 =	vld.idx.msk [tilespmem:v16+s15+$0x0], $0xffff  }
0x2bf: {  	s10 =	sand.u32 $0xC00, s10;
	s9 =	sand.u32 $0x70, s9;
	v16 =	vor.u32 $0x11, v1;
	[tilespmem:s1+$0x14580] =	vst v3;
	v3 =	vmul.f32 $5.656854150e+00, v6;
	v6 =	vld.idx.msk [tilespmem:v17+s15+$0x0], $0xffff  }
0x2c0: {  	s9 =	sor.u32 s9, s10;
	[tilespmem:s3+$0x280] =	vst v5;
	v17 =	vor.u32 $0x1, v1;
	v5 =	vmul.f32 $5.656854150e+00, v15;
	v15 =	vld.idx.msk [tilespmem:v18+s15+$0x0], $0xffff  }
0x2c1: {  	v8 =	vmul.f32 $5.656854150e+00, v8;
	v18 =	vld.idx.msk [tilespmem:v19+s15+$0x0], $0xffff;
	[tilespmem:s9+$0x15400] =	vst v3;
	v3 =	vor.u32 $0x1D, v4  }
0x2c2: {  	v20 =	vmul.f32 $5.656854150e+00, v20;
	v19 =	vor.u32 $0x4, v4;
	[tilespmem:s9+$0x13400] =	vst v5;
	v5 =	vld.idx.msk [tilespmem:v13+s15+$0x0], $0xffff  }
0x2c3: {  	v13 =	vor.u32 $0xD, v4;
	v14 =	vld.idx.msk [tilespmem:v14+s15+$0x0], $0xffff;
	[tilespmem:s9+$0x14400] =	vst v8;
	v7 =	vmul.f32 $5.656854150e+00, v7  }
0x2c4: {  	[tilespmem:s9+$0x12400] =	vst v20;
	v8 =	vor.u32 $0x15, v4;
	v16 =	vld.idx.msk [tilespmem:v16+s15+$0x0], $0xffff;
	v12 =	vmul.f32 $5.656854150e+00, v12  }
0x2c5: {  	v20 =	vor.u32 $0xF, v2;
	v17 =	vld.idx.msk [tilespmem:v17+s15+$0x0], $0xffff;
	v6 =	vmul.f32 $5.656854150e+00, v6;
	[tilespmem:s1+$0x15600] =	vst v7  }
0x2c6: {  	v7 =	vor.u32 $0x1A, v1;
	[tilespmem:s5+$0x180] =	vst v12;
	v12 =	vmul.f32 $5.656854150e+00, v15;
	v3 =	vld.idx.msk [tilespmem:v3+s15+$0x0], $0xffff  }
0x2c7: {  	v9 =	vmul.f32 $5.656854150e+00, v9;
	v15 =	vor.u32 $0xA, v1;
	v19 =	vld.idx.msk [tilespmem:v19+s15+$0x0], $0xffff;
	[tilespmem:s1+$0x13600] =	vst v6  }
0x2c8: {  	v6 =	vor.u32 $0x12, v1;
	v5 =	vmul.f32 $5.656854150e+00, v5;
	v13 =	vld.idx.msk [tilespmem:v13+s15+$0x0], $0xffff;
	[tilespmem:s1+$0x14600] =	vst v12  }
0x2c9: {  	[tilespmem:s0+$0x13700] =	vst v9;
	v12 =	vor.u32 $0x2, v1;
	v14 =	vmul.f32 $5.656854150e+00, v14;
	v8 =	vld.idx.msk [tilespmem:v8+s15+$0x0], $0xffff  }
0x2ca: {  	v9 =	vmul.f32 $5.656854150e+00, v16;
	v16 =	vld.idx.msk [tilespmem:v20+s15+$0x0], $0xffff;
	[tilespmem:s9+$0x15480] =	vst v5;
	v5 =	vor.u32 $0x1E, v4  }
0x2cb: {  	v20 =	vor.u32 $0x5, v4;
	v17 =	vmul.f32 $5.656854150e+00, v17;
	[tilespmem:s9+$0x13480] =	vst v14;
	v7 =	vld.idx.msk [tilespmem:v7+s15+$0x0], $0xffff  }
0x2cc: {  	s10 =	sadd.s32 $0x12400, s9;
	v14 =	vor.u32 $0xE, v4;
	v15 =	vld.idx.msk [tilespmem:v15+s15+$0x0], $0xffff;
	[tilespmem:s9+$0x14480] =	vst v9;
	v3 =	vmul.f32 $5.656854150e+00, v3  }
0x2cd: {  	v9 =	vor.u32 $0x16, v4;
	[tilespmem:s10+$0x80] =	vst v17;
	v6 =	vld.idx.msk [tilespmem:v6+s15+$0x0], $0xffff;
	v17 =	vmul.f32 $5.656854150e+00, v19  }
0x2ce: {  	v19 =	vor.u32 $0x17, v2;
	v21 =	vld.idx.msk [tilespmem:v12+s15+$0x0], $0xffff;
	v12 =	vmul.f32 $5.656854150e+00, v13;
	[tilespmem:s1+$0x15680] =	vst v3  }
0x2cf: {  	v3 =	vor.u32 $0x1B, v1;
	[tilespmem:s5+$0x200] =	vst v17;
	v8 =	vmul.f32 $5.656854150e+00, v8;
	v5 =	vld.idx.msk [tilespmem:v5+s15+$0x0], $0xffff  }
0x2d0: {  	s11 =	simm.s32 $0x30;
	v11 =	vmul.f32 $5.656854150e+00, v11;
	v13 =	vor.u32 $0xB, v1;
	v17 =	vld.idx.msk [tilespmem:v20+s15+$0x0], $0xffff;
	[tilespmem:s1+$0x13680] =	vst v12  }
0x2d1: {  	v20 =	vor.u32 $0x13, v1;
	v12 =	vmov s11;
	v7 =	vmul.f32 $5.656854150e+00, v7;
	v14 =	vld.idx.msk [tilespmem:v14+s15+$0x0], $0xffff;
	[tilespmem:s1+$0x14680] =	vst v8  }
0x2d2: {  	[tilespmem:s0+$0x14700] =	vst v11;
	v8 =	vor.u32 $0x7, v2;
	v2 =	vshll.u32 v12, $0x5;
	v15 =	vmul.f32 $5.656854150e+00, v15;
	v12 =	vld.idx.msk [tilespmem:v9+s15+$0x0], $0xffff  }
0x2d3: {  	v2 =	vor.u32 v0, v2;
	v6 =	vmul.f32 $5.656854150e+00, v6;
	v24 =	vld.idx.msk [tilespmem:v19+s15+$0x0], $0xffff;
	[tilespmem:s9+$0x15500] =	vst v7;
	v7 =	vor.u32 $0x1F, v4  }
0x2d4: {  	v9 =	vmul.f32 $5.656854150e+00, v18;
	v11 =	vor.u32 $0x18, v2;
	[tilespmem:s9+$0x13500] =	vst v15;
	v3 =	vld.idx.msk [tilespmem:v3+s15+$0x0], $0xffff  }
0x2d5: {  	v15 =	vor.u32 $0x8, v2;
	v13 =	vld.idx.msk [tilespmem:v13+s15+$0x0], $0xffff;
	[tilespmem:s9+$0x14500] =	vst v6;
	v5 =	vmul.f32 $5.656854150e+00, v5  }
0x2d6: {  	v6 =	vor.u32 $0x10, v2;
	[tilespmem:s3+$0x300] =	vst v9;
	v18 =	vld.idx.msk [tilespmem:v20+s15+$0x0], $0xffff  }
0x2d7: {  	v9 =	vmul.f32 $5.656854150e+00, v10;
	v26 =	vld.idx.msk [tilespmem:v8+s15+$0x0], $0xffff;
	[tilespmem:s1+$0x15700] =	vst v5  }
0x2d8: {  	v10 =	vor.u32 $0x3, v1;
	v5 =	vmul.f32 $5.656854150e+00, v16;
	v7 =	vld.idx.msk [tilespmem:v7+s15+$0x0], $0xffff  }
0x2d9: {  	v23 =	vor.u32 $0xF, v4;
	v17 =	vmul.f32 $5.656854150e+00, v17;
	[tilespmem:s0+$0x15780] =	vst v9;
	v11 =	vld.idx.msk [tilespmem:v11+s15+$0x0], $0xffff  }
0x2da: {  	v25 =	vor.u32 $0xD, v1;
	v8 =	vor.u32 $0x1C, v1;
	v9 =	vmul.f32 $5.656854150e+00, v21;
	[tilespmem:s0+$0x13780] =	vst v5;
	v5 =	vld.idx.msk [tilespmem:v15+s15+$0x0], $0xffff  }
0x2db: {  	v30 =	vor.u32 $0x5, v1;
	v14 =	vmul.f32 $5.656854150e+00, v14;
	v16 =	vor.u32 $0x6, v4;
	[tilespmem:s5+$0x280] =	vst v17;
	v6 =	vld.idx.msk [tilespmem:v6+s15+$0x0], $0xffff  }
0x2dc: {  	v19 =	vor.u32 $0xC, v1;
	[tilespmem:s10+$0x100] =	vst v9;
	v15 =	vmul.f32 $5.656854150e+00, v3;
	v9 =	vmul.f32 $5.656854150e+00, v13;
	v13 =	vld.idx.msk [tilespmem:v2+s15+$0x0], $0xffff  }
0x2dd: {  	s14 =	simm.s32 $0x180;
	v29 =	vor.u32 $0x15, v1;
	v27 =	vor.u32 $0x9, v2;
	v20 =	vor.u32 $0x14, v1;
	[tilespmem:s1+$0x13700] =	vst v14;
	v28 =	vld.idx.msk [tilespmem:v10+s15+$0x0], $0xffff  }
0x2de: {  	s13 =	sand.u32 $0xC00, s14;
	v34 =	vor.u32 $0x2, v2;
	v21 =	vor.u32 $0x19, v2;
	v42 =	vld.idx.msk [tilespmem:v23+s15+$0x0], $0xffff;
	v18 =	vmul.f32 $5.656854150e+00, v18;
	[tilespmem:s9+$0x15580] =	vst v15  }
0x2df: {  	s11 =	sand.u32 $0x70, s11;
	v35 =	vor.u32 $0x12, v2;
	v36 =	vor.u32 $0x1A, v2;
	[tilespmem:s9+$0x13580] =	vst v9;
	v22 =	vld.idx.msk [tilespmem:v8+s15+$0x0], $0xffff;
	v8 =	vmul.f32 $5.656854150e+00, v11  }
0x2e0: {  	s11 =	sor.u32 s11, s13;
	v17 =	vor.u32 $0x1, v2;
	[tilespmem:s9+$0x14580] =	vst v18;
	v18 =	vor.u32 $0x11, v2;
	v33 =	vld.idx.msk [tilespmem:v16+s15+$0x0], $0xffff;
	v5 =	vmul.f32 $5.656854150e+00, v5  }
0x2e1: {  	v14 =	vor.u32 $0x15, v2;
	v3 =	vor.u32 $0x7, v4;
	v11 =	vld.idx.msk [tilespmem:v19+s15+$0x0], $0xffff;
	v6 =	vmul.f32 $5.656854150e+00, v6;
	[tilespmem:s11+$0x15400] =	vst v8  }
0x2e2: {  	v4 =	vor.u32 $0x17, v4;
	v15 =	vor.u32 $0x4, v1;
	v19 =	vld.idx.msk [tilespmem:v20+s15+$0x0], $0xffff;
	v13 =	vmul.f32 $5.656854150e+00, v13;
	[tilespmem:s11+$0x13400] =	vst v5  }
0x2e3: {  	v10 =	vor.u32 $0xE, v1;
	v7 =	vmul.f32 $5.656854150e+00, v7;
	v20 =	vor.u32 $0x1D, v1;
	v16 =	vld.idx.msk [tilespmem:v21+s15+$0x0], $0xffff;
	[tilespmem:s11+$0x14400] =	vst v6  }
0x2e4: {  	v23 =	vor.u32 $0x16, v2;
	v9 =	vor.u32 $0x16, v1;
	[tilespmem:s11+$0x12400] =	vst v13;
	v13 =	vmul.f32 $5.656854150e+00, v28;
	v27 =	vld.idx.msk [tilespmem:v27+s15+$0x0], $0xffff  }
0x2e5: {  	v26 =	vmul.f32 $5.656854150e+00, v26;
	[tilespmem:s1+$0x15780] =	vst v7;
	v7 =	vor.u32 $0x6, v1;
	v21 =	vmul.f32 $5.656854150e+00, v22;
	v31 =	vld.idx.msk [tilespmem:v18+s15+$0x0], $0xffff  }
0x2e6: {  	v8 =	vor.u32 $0xF, v1;
	v5 =	vor.u32 $0x7, v1;
	v32 =	vld.idx.msk [tilespmem:v17+s15+$0x0], $0xffff;
	v11 =	vmul.f32 $5.656854150e+00, v11;
	[tilespmem:s10+$0x180] =	vst v13  }
0x2e7: {  	v6 =	vor.u32 $0x17, v1;
	v28 =	vor.u32 $0xA, v2;
	v13 =	vmul.f32 $5.656854150e+00, v19;
	[tilespmem:s9+$0x15600] =	vst v21;
	v39 =	vld.idx.msk [tilespmem:v15+s15+$0x0], $0xffff  }
0x2e8: {  	v18 =	vor.u32 $0x3, v2;
	v22 =	vor.u32 $0xB, v2;
	v38 =	vld.idx.msk [tilespmem:v20+s15+$0x0], $0xffff;
	[tilespmem:s9+$0x13600] =	vst v11;
	v11 =	vmul.f32 $5.656854150e+00, v16  }
0x2e9: {  	v17 =	vor.u32 $0x4, v2;
	v19 =	vor.u32 $0x14, v2;
	[tilespmem:s9+$0x14600] =	vst v13;
	v40 =	vld.idx.msk [tilespmem:v25+s15+$0x0], $0xffff;
	v15 =	vmul.f32 $5.656854150e+00, v27  }
0x2ea: {  	v21 =	vor.u32 $0x13, v2;
	v20 =	vor.u32 $0xC, v2;
	v41 =	vld.idx.msk [tilespmem:v29+s15+$0x0], $0xffff;
	v25 =	vmul.f32 $5.656854150e+00, v31;
	[tilespmem:s11+$0x15480] =	vst v11  }
0x2eb: {  	v13 =	vor.u32 $0x5, v2;
	v29 =	vor.u32 $0x1E, v1;
	v32 =	vmul.f32 $5.656854150e+00, v32;
	[tilespmem:s11+$0x13480] =	vst v15;
	v37 =	vld.idx.msk [tilespmem:v36+s15+$0x0], $0xffff  }
0x2ec: {  	s13 =	sadd.s32 $0x12400, s11;
	v16 =	vor.u32 $0xD, v2;
	v27 =	vor.u32 $0xE, v2;
	[tilespmem:s11+$0x14480] =	vst v25;
	v63 =	vmul.f32 $5.656854150e+00, v39;
	v31 =	vld.idx.msk [tilespmem:v28+s15+$0x0], $0xffff  }
0x2ed: {  	v11 =	vor.u32 $0x6, v2;
	v15 =	vor.u32 $0x7, v2;
	[tilespmem:s13+$0x80] =	vst v32;
	v38 =	vmul.f32 $5.656854150e+00, v38;
	v32 =	vld.idx.msk [tilespmem:v35+s15+$0x0], $0xffff  }
0x2ee: {  	v25 =	vmul.f32 $5.656854150e+00, v24;
	v24 =	vor.u32 $0x17, v2;
	v36 =	vld.idx.msk [tilespmem:v34+s15+$0x0], $0xffff;
	v40 =	vmul.f32 $5.656854150e+00, v40;
	[tilespmem:s10+$0x200] =	vst v63  }
0x2ef: {  	v28 =	vmul.f32 $5.656854150e+00, v12;
	v39 =	vmul.f32 $5.656854150e+00, v41;
	[tilespmem:s9+$0x15680] =	vst v38;
	v38 =	vor.u32 $0x1B, v2;
	v30 =	vld.idx.msk [tilespmem:v30+s15+$0x0], $0xffff  }
0x2f0: {  	s17 =	simm.s32 $0xC;
	s28 =	simm.s32 $0x40;
	v12 =	vor.u32 $0xF, v2;
	v34 =	vmul.f32 $5.656854150e+00, v33;
	v35 =	vmul.f32 $5.656854150e+00, v42;
	v29 =	vld.idx.msk [tilespmem:v29+s15+$0x0], $0xffff;
	[tilespmem:s9+$0x13680] =	vst v40  }
.LBB2_11:
0x2f1: {  	v33 =	vmov s28;
	s17 =	sadd.s32 $0x4, s17;
	v37 =	vmul.f32 $5.656854150e+00, v37;
	v40 =	vld.idx.msk [tilespmem:v10+s15+$0x0], $0xffff;
	[tilespmem:s9+$0x14680] =	vst v39;
	v10 =	vmov v27  }
0x2f2: {  	v31 =	vmul.f32 $5.656854150e+00, v31;
	v27 =	vshll.u32 v33, $0x5;
	p0 =	slt.u32 s17, $0x7C;
	v39 =	vld.idx.msk [tilespmem:v9+s15+$0x0], $0xffff;
	[tilespmem:s1+$0x14700] =	vst v28;
	v9 =	vmov v23  }
0x2f3: {  	v23 =	vmul.f32 $5.656854150e+00, v32;
	v28 =	vor.u32 $0x1F, v1;
	v1 =	vmovc v2;
	[tilespmem:s11+$0x15500] =	vst v37;
	v37 =	vld.idx.msk [tilespmem:v4+s15+$0x0], $0xffff;
	v2 =	vor.u32 v0, v27  }
0x2f4: {  	v4 =	vmovc v6;
	v6 =	vmovc v24;
	v27 =	vor.u32 $0x8, v2;
	v41 =	vor.u32 $0x10, v2;
	v33 =	vor.u32 $0x18, v2;
	[tilespmem:s11+$0x13500] =	vst v31;
	v38 =	vld.idx.msk [tilespmem:v38+s15+$0x0], $0xffff  }
0x2f5: {  	v42 =	vor.u32 $0x1, v2;
	v43 =	vor.u32 $0x9, v2;
	v24 =	vld.idx.msk [tilespmem:v22+s15+$0x0], $0xffff;
	[tilespmem:s11+$0x14500] =	vst v23;
	v22 =	vmul.f32 $5.656854150e+00, v29  }
0x2f6: {  	v31 =	vor.u32 $0xA, v2;
	v44 =	vor.u32 $0x11, v2;
	v29 =	vor.u32 $0x2, v2;
	v23 =	vld.idx.msk [tilespmem:v21+s15+$0x0], $0xffff;
	[tilespmem:s5+$0x300] =	vst v34  }
0x2f7: {  	v36 =	vmul.f32 $5.656854150e+00, v36;
	v32 =	vor.u32 $0x12, v2;
	v34 =	vor.u32 $0x3, v2;
	[tilespmem:s9+$0x15700] =	vst v22;
	v45 =	vld.idx.msk [tilespmem:v3+s15+$0x0], $0xffff;
	v3 =	vmovc v5;
	v5 =	vmovc v15  }
0x2f8: {  	v21 =	vor.u32 $0x13, v2;
	v22 =	vor.u32 $0xB, v2;
	v15 =	vor.u32 $0x1C, v1;
	v46 =	vld.idx.msk [tilespmem:v28+s15+$0x0], $0xffff;
	[tilespmem:s1+$0x13780] =	vst v35  }
0x2f9: {  	v47 =	vor.u32 $0xC, v2;
	v48 =	vor.u32 $0x14, v2;
	v35 =	vor.u32 $0x4, v2;
	v49 =	vld.idx.msk [tilespmem:v33+s15+$0x0], $0xffff;
	[tilespmem:s13+$0x100] =	vst v36  }
0x2fa: {  	v50 =	vor.u32 $0xD, v2;
	v33 =	vor.u32 $0x5, v2;
	v28 =	vmul.f32 $5.656854150e+00, v38;
	v36 =	vld.idx.msk [tilespmem:v27+s15+$0x0], $0xffff;
	[tilespmem:s0+$0x14780] =	vst v25;
	s0 =	smov.u32 s1;
	s1 =	smov.u32 s9;
	s9 =	smov.u32 s11  }
0x2fb: {  	v24 =	vmul.f32 $5.656854150e+00, v24;
	v25 =	vmul.f32 $5.656854150e+00, v30;
	v38 =	vld.idx.msk [tilespmem:v41+s15+$0x0], $0xffff;
	v41 =	vor.u32 $0x15, v2;
	[tilespmem:s3+$0x380] =	vst v26;
	s3 =	smov.u32 s5;
	s5 =	smov.u32 s10;
	s10 =	smov.u32 s13  }
0x2fc: {  	v51 =	vor.u32 $0x6, v2;
	v27 =	vor.u32 $0xE, v2;
	v26 =	vmul.f32 $5.656854150e+00, v23;
	v30 =	vld.idx.msk [tilespmem:v2+s15+$0x0], $0xffff;
	[tilespmem:s9+$0x15580] =	vst v28  }
0x2fd: {  	v52 =	vor.u32 $0x19, v2;
	v40 =	vmul.f32 $5.656854150e+00, v40;
	v23 =	vor.u32 $0x16, v2;
	[tilespmem:s9+$0x13580] =	vst v24;
	v53 =	vld.idx.msk [tilespmem:v15+s15+$0x0], $0xffff  }
0x2fe: {  	s14 =	sadd.s32 $0x80, s14;
	v28 =	vmul.f32 $5.656854150e+00, v39;
	v15 =	vor.u32 $0x7, v2;
	v54 =	vld.idx.msk [tilespmem:v18+s15+$0x0], $0xffff;
	[tilespmem:s9+$0x14580] =	vst v26;
	v26 =	vmul.f32 $5.656854150e+00, v46;
	v18 =	vmovc v34  }
0x2ff: {  	s11 =	sand.u32 $0x70, s28;
	s13 =	sand.u32 $0xC00, s14;
	v39 =	vor.u32 $0xF, v2;
	v34 =	vmul.f32 $5.656854150e+00, v49;
	v46 =	vld.idx.msk [tilespmem:v20+s15+$0x0], $0xffff;
	[tilespmem:s5+$0x280] =	vst v25;
	v25 =	vmul.f32 $5.656854150e+00, v37;
	v20 =	vmovc v47  }
0x300: {  	s11 =	sor.u32 s11, s13;
	v24 =	vor.u32 $0x17, v2;
	v36 =	vmul.f32 $5.656854150e+00, v36;
	v37 =	vld.idx.msk [tilespmem:v19+s15+$0x0], $0xffff;
	[tilespmem:s1+$0x15780] =	vst v26;
	v26 =	vmul.f32 $5.656854150e+00, v45;
	v19 =	vmovc v48  }
0x301: {  	s13 =	sadd.s32 $0x12400, s11;
	v38 =	vmul.f32 $5.656854150e+00, v38;
	[tilespmem:s11+$0x15400] =	vst v34;
	v34 =	vor.u32 $0x1D, v1;
	v45 =	vld.idx.msk [tilespmem:v7+s15+$0x0], $0xffff;
	v7 =	vmovc v11;
	v11 =	vmov v51  }
0x302: {  	v30 =	vmul.f32 $5.656854150e+00, v30;
	[tilespmem:s11+$0x13400] =	vst v36;
	v36 =	vld.idx.msk [tilespmem:v52+s15+$0x0], $0xffff  }
0x303: {  	v43 =	vld.idx.msk [tilespmem:v43+s15+$0x0], $0xffff;
	[tilespmem:s11+$0x14400] =	vst v38;
	v38 =	vmul.f32 $5.656854150e+00, v53  }
0x304: {  	[tilespmem:s11+$0x12400] =	vst v30;
	v30 =	vld.idx.msk [tilespmem:v44+s15+$0x0], $0xffff;
	v44 =	vmul.f32 $5.656854150e+00, v54  }
0x305: {  	v46 =	vmul.f32 $5.656854150e+00, v46;
	v42 =	vld.idx.msk [tilespmem:v42+s15+$0x0], $0xffff;
	[tilespmem:s9+$0x15600] =	vst v38  }
0x306: {  	v38 =	vor.u32 $0x1A, v2;
	v37 =	vmul.f32 $5.656854150e+00, v37;
	[tilespmem:s10+$0x180] =	vst v44;
	v44 =	vld.idx.msk [tilespmem:v34+s15+$0x0], $0xffff  }
0x307: {  	v34 =	vmul.f32 $5.656854150e+00, v45;
	v47 =	vld.idx.msk [tilespmem:v17+s15+$0x0], $0xffff;
	[tilespmem:s9+$0x13600] =	vst v46;
	v17 =	vmov v35  }
0x308: {  	v35 =	vmul.f32 $5.656854150e+00, v36;
	v45 =	vld.idx.msk [tilespmem:v16+s15+$0x0], $0xffff;
	[tilespmem:s9+$0x14600] =	vst v37;
	v16 =	vmov v50  }
0x309: {  	v36 =	vmul.f32 $5.656854150e+00, v43;
	v43 =	vld.idx.msk [tilespmem:v14+s15+$0x0], $0xffff;
	[tilespmem:s1+$0x13700] =	vst v40;
	v14 =	vmov v41  }
0x30a: {  	v30 =	vmul.f32 $5.656854150e+00, v30;
	[tilespmem:s11+$0x15480] =	vst v35;
	v35 =	vor.u32 $0x1E, v1;
	v40 =	vld.idx.msk [tilespmem:v8+s15+$0x0], $0xffff;
	v8 =	vmovc v12;
	v12 =	vmov v39  }
0x30b: {  	v39 =	vmul.f32 $5.656854150e+00, v42;
	[tilespmem:s11+$0x13480] =	vst v36;
	v37 =	vld.idx.msk [tilespmem:v38+s15+$0x0], $0xffff  }
.Ltmp5:
0x30c: {  	v31 =	vld.idx.msk [tilespmem:v31+s15+$0x0], $0xffff;
	[tilespmem:s11+$0x14480] =	vst v30;
	v30 =	vmul.f32 $5.656854150e+00, v44;
	(pc) =	sbr.rel @p0 .LBB2_11-.Ltmp5, $4  }
0x30d: {  	[tilespmem:s13+$0x80] =	vst v39;
	v32 =	vld.idx.msk [tilespmem:v32+s15+$0x0], $0xffff;
	v39 =	vmul.f32 $5.656854150e+00, v47  }
0x30e: {  	v41 =	vmul.f32 $5.656854150e+00, v45;
	v36 =	vld.idx.msk [tilespmem:v29+s15+$0x0], $0xffff;
	[tilespmem:s9+$0x15680] =	vst v30  }
0x30f: {  	v38 =	vor.u32 $0x1B, v2;
	[tilespmem:s10+$0x200] =	vst v39;
	v39 =	vmul.f32 $5.656854150e+00, v43;
	v29 =	vld.idx.msk [tilespmem:v35+s15+$0x0], $0xffff  }
0x310: {  	s28 =	sadd.s32 $0x10, s28;
	v35 =	vmul.f32 $5.656854150e+00, v40;
	v30 =	vld.idx.msk [tilespmem:v13+s15+$0x0], $0xffff;
	[tilespmem:s9+$0x13680] =	vst v41;
	v13 =	vmov v33  }
0x311: {  	_ = 	snop  }
0x312: {  	v33 =	vmul.f32 $5.656854150e+00, v37  }
0x313: {  	v31 =	vmul.f32 $5.656854150e+00, v31  }
0x314: {  	[tilespmem:s11+$0x15500] =	vst v33  }
0x315: {  	[tilespmem:s11+$0x13500] =	vst v31;
	v31 =	vld.idx.msk [tilespmem:v38+s15+$0x0], $0xffff  }
0x316: {  	v32 =	vmul.f32 $5.656854150e+00, v32;
	v22 =	vld.idx.msk [tilespmem:v22+s15+$0x0], $0xffff  }
0x317: {  	v54 =	vmul.f32 $5.656854150e+00, v36  }
0x318: {  	v55 =	vor.u32 $0x1C, v2;
	[tilespmem:s11+$0x14500] =	vst v32  }
0x319: {  	v21 =	vld.idx.msk [tilespmem:v21+s15+$0x0], $0xffff;
	[tilespmem:s13+$0x100] =	vst v54  }
0x31a: {  	v18 =	vld.idx.msk [tilespmem:v18+s15+$0x0], $0xffff;
	v31 =	vmul.f32 $5.656854150e+00, v31  }
0x31b: {  	v22 =	vmul.f32 $5.656854150e+00, v22  }
0x31c: {  	[tilespmem:s11+$0x15580] =	vst v31  }
0x31d: {  	[tilespmem:s11+$0x13580] =	vst v22;
	v22 =	vld.idx.msk [tilespmem:v55+s15+$0x0], $0xffff  }
0x31e: {  	v21 =	vmul.f32 $5.656854150e+00, v21;
	v20 =	vld.idx.msk [tilespmem:v20+s15+$0x0], $0xffff  }
0x31f: {  	[tilespmem:s9+$0x14680] =	vst v39;
	v18 =	vmul.f32 $5.656854150e+00, v18  }
0x320: {  	[tilespmem:s11+$0x14580] =	vst v21;
	v21 =	vor.u32 $0x1D, v2  }
0x321: {  	v19 =	vld.idx.msk [tilespmem:v19+s15+$0x0], $0xffff;
	[tilespmem:s13+$0x180] =	vst v18  }
0x322: {  	[tilespmem:s1+$0x14700] =	vst v28;
	v17 =	vld.idx.msk [tilespmem:v17+s15+$0x0], $0xffff;
	v18 =	vmul.f32 $5.656854150e+00, v22  }
0x323: {  	[tilespmem:s5+$0x300] =	vst v34;
	v20 =	vmul.f32 $5.656854150e+00, v20  }
0x324: {  	[tilespmem:s11+$0x15600] =	vst v18  }
0x325: {  	[tilespmem:s11+$0x13600] =	vst v20;
	v18 =	vld.idx.msk [tilespmem:v21+s15+$0x0], $0xffff  }
0x326: {  	v1 =	vor.u32 $0x1F, v1;
	[tilespmem:s0+$0x14780] =	vst v25;
	v19 =	vmul.f32 $5.656854150e+00, v19;
	v16 =	vld.idx.msk [tilespmem:v16+s15+$0x0], $0xffff  }
0x327: {  	v10 =	vld.idx.msk [tilespmem:v10+s15+$0x0], $0xffff;
	[tilespmem:s3+$0x380] =	vst v26;
	v17 =	vmul.f32 $5.656854150e+00, v17  }
0x328: {  	v9 =	vld.idx.msk [tilespmem:v9+s15+$0x0], $0xffff;
	v22 =	vmul.f32 $5.656854150e+00, v29;
	[tilespmem:s11+$0x14600] =	vst v19;
	v19 =	vor.u32 $0x1E, v2  }
0x329: {  	v14 =	vld.idx.msk [tilespmem:v14+s15+$0x0], $0xffff;
	[tilespmem:s13+$0x200] =	vst v17  }
0x32a: {  	[tilespmem:s9+$0x15700] =	vst v22;
	v13 =	vld.idx.msk [tilespmem:v13+s15+$0x0], $0xffff;
	v17 =	vmul.f32 $5.656854150e+00, v18  }
0x32b: {  	[tilespmem:s1+$0x13780] =	vst v35;
	v1 =	vld.idx.msk [tilespmem:v1+s15+$0x0], $0xffff;
	v16 =	vmul.f32 $5.656854150e+00, v16  }
0x32c: {  	v4 =	vld.idx.msk [tilespmem:v4+s15+$0x0], $0xffff;
	v18 =	vmul.f32 $5.656854150e+00, v30;
	[tilespmem:s11+$0x15680] =	vst v17  }
0x32d: {  	v10 =	vmul.f32 $5.656854150e+00, v10;
	[tilespmem:s11+$0x13680] =	vst v16;
	v17 =	vld.idx.msk [tilespmem:v19+s15+$0x0], $0xffff  }
0x32e: {  	v14 =	vmul.f32 $5.656854150e+00, v14;
	[tilespmem:s10+$0x280] =	vst v18;
	v16 =	vld.idx.msk [tilespmem:v27+s15+$0x0], $0xffff  }
0x32f: {  	[tilespmem:s9+$0x13700] =	vst v10;
	v10 =	vmul.f32 $5.656854150e+00, v13;
	v7 =	vld.idx.msk [tilespmem:v7+s15+$0x0], $0xffff  }
0x330: {  	v8 =	vld.idx.msk [tilespmem:v8+s15+$0x0], $0xffff;
	v2 =	vor.u32 $0x1F, v2;
	v1 =	vmul.f32 $5.656854150e+00, v1;
	[tilespmem:s11+$0x14680] =	vst v14  }
0x331: {  	v9 =	vmul.f32 $5.656854150e+00, v9;
	v13 =	vld.idx.msk [tilespmem:v23+s15+$0x0], $0xffff;
	[tilespmem:s13+$0x280] =	vst v10  }
0x332: {  	[tilespmem:s9+$0x15780] =	vst v1;
	v10 =	vld.idx.msk [tilespmem:v11+s15+$0x0], $0xffff;
	v1 =	vmul.f32 $5.656854150e+00, v17  }
0x333: {  	v3 =	vld.idx.msk [tilespmem:v3+s15+$0x0], $0xffff;
	[tilespmem:s9+$0x14700] =	vst v9;
	v9 =	vmul.f32 $5.656854150e+00, v16  }
0x334: {  	v6 =	vld.idx.msk [tilespmem:v6+s15+$0x0], $0xffff;
	v7 =	vmul.f32 $5.656854150e+00, v7;
	[tilespmem:s11+$0x15700] =	vst v1  }
0x335: {  	v1 =	vmul.f32 $5.656854150e+00, v8;
	[tilespmem:s11+$0x13700] =	vst v9;
	v2 =	vld.idx.msk [tilespmem:v2+s15+$0x0], $0xffff  }
0x336: {  	[tilespmem:s10+$0x300] =	vst v7;
	v7 =	vmul.f32 $5.656854150e+00, v13  }
0x337: {  	v8 =	vld.idx.msk [tilespmem:v12+s15+$0x0], $0xffff;
	[tilespmem:s9+$0x13780] =	vst v1;
	v1 =	vmul.f32 $5.656854150e+00, v10  }
0x338: {  	v4 =	vmul.f32 $5.656854150e+00, v4;
	v5 =	vld.idx.msk [tilespmem:v5+s15+$0x0], $0xffff;
	[tilespmem:s11+$0x14700] =	vst v7  }
0x339: {  	v3 =	vmul.f32 $5.656854150e+00, v3;
	v7 =	vld.idx.msk [tilespmem:v24+s15+$0x0], $0xffff;
	[tilespmem:s13+$0x300] =	vst v1  }
0x33a: {  	[tilespmem:s1+$0x14780] =	vst v4;
	v4 =	vmul.f32 $5.656854150e+00, v6;
	v1 =	vmul.f32 $5.656854150e+00, v2;
	v2 =	vld.idx.msk [tilespmem:v15+s15+$0x0], $0xffff  }
0x33b: {  	[tilespmem:s5+$0x380] =	vst v3  }
0x33c: {  	[tilespmem:s9+$0x14780] =	vst v4;
	v3 =	vmul.f32 $5.656854150e+00, v8  }
0x33d: {  	[tilespmem:s11+$0x15780] =	vst v1;
	v1 =	vmul.f32 $5.656854150e+00, v5  }
0x33e: {  	[tilespmem:s11+$0x13780] =	vst v3;
	v3 =	vmul.f32 $5.656854150e+00, v7  }
0x33f: {  	[tilespmem:s10+$0x380] =	vst v1;
	v1 =	vmul.f32 $5.656854150e+00, v2  }
0x340: {  	[tilespmem:s11+$0x14780] =	vst v3  }
0x341: {  	s9 =	simm.s32 $0x0;
	[tilespmem:s13+$0x380] =	vst v1  }
0x342: {  	v1 =	vmov s9;
	s1 =	rddreg [dreg:$0x4]  }
0x343: {  	v1 =	vshll.u32 v1, $0x5;
	[hbm4b:s1+s20] =	stream.strided.scatter [tilespmem:s22], [sflag:$0x4], $0x4000, s21, s20, $0x38;
	[tilespmem:$0x1E400] =	vst v63  }
0x344: {  	v2 =	vor.u32 v0, v1;
	_ =	swait.ge [sflag:s23], $0x4000  }
0x345: {  	v1 =	vor.u32 $0x18, v2;
	[sflag:s23] =	ssyncset.done $0x0  }
0x346: {  	s10 =	simm.s32 $0x5;
	[sflag:s23] =	ssyncadd.s32 $0xFFFFC000  }
0x347: {  	_ =	swait.ge [sflag:s10], $0x4000  }
0x348: {  	v3 =	vor.u32 $0x8, v2;
	[sflag:s10] =	ssyncset.done $0x0  }
0x349: {  	v4 =	vor.u32 $0x10, v2;
	[sflag:s10] =	ssyncadd.s32 $0xFFFFC000  }
0x34a: {  	v1 =	vld.idx.msk [tilespmem:v1+s16+$0x0], $0xffff;
	_ =	sdelay $0x2  }
0x34b: {  	v5 =	vor.u32 $0x19, v2;
	v3 =	vld.idx.msk [tilespmem:v3+s16+$0x0], $0xffff  }
0x34c: {  	v4 =	vld.idx.msk [tilespmem:v4+s16+$0x0], $0xffff  }
0x34d: {  	s0 =	sand.u32 $0xC00, s9;
	s11 =	sand.u32 $0x70, s9;
	v1 =	vmul.f32 $5.656854150e+00, v1  }
0x34e: {  	s0 =	sor.u32 s11, s0;
	v6 =	vor.u32 $0x9, v2  }
0x34f: {  	v7 =	vor.u32 $0x11, v2;
	[tilespmem:s0+$0x19400] =	vst v1  }
0x350: {  	v1 =	vmul.f32 $5.656854150e+00, v3;
	v3 =	vld.idx.msk [tilespmem:v5+s16+$0x0], $0xffff  }
0x351: {  	v4 =	vmul.f32 $5.656854150e+00, v4;
	v5 =	vld.idx.msk [tilespmem:v2+s16+$0x0], $0xffff  }
0x352: {  	[tilespmem:s0+$0x17400] =	vst v1  }
0x353: {  	[tilespmem:s0+$0x18400] =	vst v4;
	v4 =	vor.u32 $0x1A, v2;
	v1 =	vld.idx.msk [tilespmem:v6+s16+$0x0], $0xffff  }
0x354: {  	v6 =	vld.idx.msk [tilespmem:v7+s16+$0x0], $0xffff;
	v7 =	vor.u32 $0x1, v2  }
0x355: {  	v3 =	vmul.f32 $5.656854150e+00, v3  }
0x356: {  	v8 =	vor.u32 $0xA, v2;
	v5 =	vmul.f32 $5.656854150e+00, v5  }
0x357: {  	v9 =	vor.u32 $0x12, v2;
	[tilespmem:s0+$0x19480] =	vst v3  }
0x358: {  	v1 =	vmul.f32 $5.656854150e+00, v1;
	[tilespmem:s0+$0x16400] =	vst v5;
	v3 =	vld.idx.msk [tilespmem:v4+s16+$0x0], $0xffff  }
0x359: {  	v4 =	vmul.f32 $5.656854150e+00, v6;
	v5 =	vld.idx.msk [tilespmem:v7+s16+$0x0], $0xffff  }
0x35a: {  	[tilespmem:s0+$0x17480] =	vst v1  }
0x35b: {  	v6 =	vor.u32 $0x1B, v2;
	v1 =	vld.idx.msk [tilespmem:v8+s16+$0x0], $0xffff;
	[tilespmem:s0+$0x18480] =	vst v4  }
0x35c: {  	s13 =	simm.s32 $0x10;
	v8 =	vor.u32 $0x2, v2;
	v7 =	vld.idx.msk [tilespmem:v9+s16+$0x0], $0xffff  }
0x35d: {  	v4 =	vmov s13;
	v3 =	vmul.f32 $5.656854150e+00, v3  }
0x35e: {  	v9 =	vor.u32 $0xB, v2;
	v4 =	vshll.u32 v4, $0x5;
	v5 =	vmul.f32 $5.656854150e+00, v5  }
0x35f: {  	s3 =	sadd.s32 $0x16400, s0;
	v10 =	vor.u32 $0x13, v2;
	v4 =	vor.u32 v0, v4;
	[tilespmem:s0+$0x19500] =	vst v3  }
0x360: {  	v1 =	vmul.f32 $5.656854150e+00, v1;
	v3 =	vor.u32 $0x18, v4;
	[tilespmem:s3+$0x80] =	vst v5;
	v6 =	vld.idx.msk [tilespmem:v6+s16+$0x0], $0xffff  }
0x361: {  	v5 =	vmul.f32 $5.656854150e+00, v7;
	v7 =	vor.u32 $0x8, v4;
	v8 =	vld.idx.msk [tilespmem:v8+s16+$0x0], $0xffff  }
0x362: {  	v11 =	vor.u32 $0x10, v4;
	[tilespmem:s0+$0x17500] =	vst v1  }
0x363: {  	v1 =	vld.idx.msk [tilespmem:v9+s16+$0x0], $0xffff;
	[tilespmem:s0+$0x18500] =	vst v5  }
0x364: {  	v5 =	vor.u32 $0x1C, v2;
	v9 =	vld.idx.msk [tilespmem:v10+s16+$0x0], $0xffff  }
0x365: {  	v10 =	vor.u32 $0x3, v2;
	v3 =	vld.idx.msk [tilespmem:v3+s16+$0x0], $0xffff;
	v6 =	vmul.f32 $5.656854150e+00, v6  }
0x366: {  	v12 =	vor.u32 $0xC, v2;
	v7 =	vld.idx.msk [tilespmem:v7+s16+$0x0], $0xffff;
	v8 =	vmul.f32 $5.656854150e+00, v8  }
0x367: {  	v13 =	vor.u32 $0x14, v2;
	v11 =	vld.idx.msk [tilespmem:v11+s16+$0x0], $0xffff;
	[tilespmem:s0+$0x19580] =	vst v6  }
0x368: {  	v1 =	vmul.f32 $5.656854150e+00, v1;
	v6 =	vor.u32 $0x19, v4;
	[tilespmem:s3+$0x100] =	vst v8;
	v8 =	vld.idx.msk [tilespmem:v4+s16+$0x0], $0xffff  }
0x369: {  	s14 =	simm.s32 $0x80;
	v14 =	vor.u32 $0x9, v4;
	v5 =	vld.idx.msk [tilespmem:v5+s16+$0x0], $0xffff;
	v9 =	vmul.f32 $5.656854150e+00, v9  }
0x36a: {  	s5 =	sand.u32 $0xC00, s14;
	s1 =	sand.u32 $0x70, s13;
	v15 =	vor.u32 $0x11, v4;
	[tilespmem:s0+$0x17580] =	vst v1;
	v1 =	vld.idx.msk [tilespmem:v10+s16+$0x0], $0xffff;
	v3 =	vmul.f32 $5.656854150e+00, v3  }
0x36b: {  	s1 =	sor.u32 s1, s5;
	[tilespmem:s0+$0x18580] =	vst v9;
	v9 =	vld.idx.msk [tilespmem:v12+s16+$0x0], $0xffff;
	v7 =	vmul.f32 $5.656854150e+00, v7;
	v12 =	vor.u32 $0x1, v4  }
0x36c: {  	v11 =	vmul.f32 $5.656854150e+00, v11;
	v10 =	vor.u32 $0x1D, v2;
	v13 =	vld.idx.msk [tilespmem:v13+s16+$0x0], $0xffff;
	[tilespmem:s1+$0x19400] =	vst v3  }
0x36d: {  	v3 =	vor.u32 $0x4, v2;
	[tilespmem:s1+$0x17400] =	vst v7;
	v6 =	vld.idx.msk [tilespmem:v6+s16+$0x0], $0xffff;
	v8 =	vmul.f32 $5.656854150e+00, v8  }
0x36e: {  	[tilespmem:s1+$0x18400] =	vst v11;
	v7 =	vor.u32 $0xD, v2;
	v5 =	vmul.f32 $5.656854150e+00, v5;
	v14 =	vld.idx.msk [tilespmem:v14+s16+$0x0], $0xffff  }
0x36f: {  	v11 =	vor.u32 $0x15, v2;
	v15 =	vld.idx.msk [tilespmem:v15+s16+$0x0], $0xffff;
	v1 =	vmul.f32 $5.656854150e+00, v1;
	[tilespmem:s1+$0x16400] =	vst v8  }
0x370: {  	v8 =	vor.u32 $0x1A, v4;
	[tilespmem:s0+$0x19600] =	vst v5;
	v5 =	vmul.f32 $5.656854150e+00, v9;
	v12 =	vld.idx.msk [tilespmem:v12+s16+$0x0], $0xffff  }
0x371: {  	v9 =	vld.idx.msk [tilespmem:v10+s16+$0x0], $0xffff;
	v10 =	vor.u32 $0xA, v4;
	[tilespmem:s3+$0x180] =	vst v1;
	v1 =	vmul.f32 $5.656854150e+00, v13  }
0x372: {  	v13 =	vor.u32 $0x12, v4;
	v3 =	vld.idx.msk [tilespmem:v3+s16+$0x0], $0xffff;
	[tilespmem:s0+$0x17600] =	vst v5;
	v5 =	vmul.f32 $5.656854150e+00, v6  }
0x373: {  	v6 =	vld.idx.msk [tilespmem:v7+s16+$0x0], $0xffff;
	[tilespmem:s0+$0x18600] =	vst v1;
	v1 =	vmul.f32 $5.656854150e+00, v14;
	v14 =	vor.u32 $0x2, v4  }
0x374: {  	v15 =	vmul.f32 $5.656854150e+00, v15;
	v7 =	vor.u32 $0x1E, v2;
	v11 =	vld.idx.msk [tilespmem:v11+s16+$0x0], $0xffff;
	[tilespmem:s1+$0x19480] =	vst v5  }
0x375: {  	v5 =	vor.u32 $0x5, v2;
	[tilespmem:s1+$0x17480] =	vst v1;
	v1 =	vld.idx.msk [tilespmem:v8+s16+$0x0], $0xffff;
	v12 =	vmul.f32 $5.656854150e+00, v12  }
0x376: {  	s5 =	sadd.s32 $0x16400, s1;
	[tilespmem:s1+$0x18480] =	vst v15;
	v8 =	vmul.f32 $5.656854150e+00, v9;
	v9 =	vor.u32 $0xE, v2;
	v10 =	vld.idx.msk [tilespmem:v10+s16+$0x0], $0xffff  }
0x377: {  	v15 =	vor.u32 $0x16, v2;
	v13 =	vld.idx.msk [tilespmem:v13+s16+$0x0], $0xffff;
	v3 =	vmul.f32 $5.656854150e+00, v3;
	[tilespmem:s5+$0x80] =	vst v12  }
0x378: {  	s17 =	simm.s32 $0x20;
	[tilespmem:s0+$0x19680] =	vst v8;
	v6 =	vmul.f32 $5.656854150e+00, v6;
	v8 =	vor.u32 $0x1B, v4;
	v14 =	vld.idx.msk [tilespmem:v14+s16+$0x0], $0xffff  }
0x379: {  	v12 =	vor.u32 $0xB, v4;
	v7 =	vld.idx.msk [tilespmem:v7+s16+$0x0], $0xffff;
	[tilespmem:s3+$0x200] =	vst v3;
	v3 =	vmul.f32 $5.656854150e+00, v11;
	v11 =	vmov s17  }
0x37a: {  	v16 =	vor.u32 $0x13, v4;
	v5 =	vld.idx.msk [tilespmem:v5+s16+$0x0], $0xffff;
	[tilespmem:s0+$0x17680] =	vst v6;
	v6 =	vmul.f32 $5.656854150e+00, v1;
	v1 =	vshll.u32 v11, $0x5  }
0x37b: {  	v9 =	vld.idx.msk [tilespmem:v9+s16+$0x0], $0xffff;
	[tilespmem:s0+$0x18680] =	vst v3;
	v3 =	vmul.f32 $5.656854150e+00, v10;
	v1 =	vor.u32 v0, v1  }
0x37c: {  	v10 =	vor.u32 $0x1F, v2;
	v13 =	vmul.f32 $5.656854150e+00, v13;
	v11 =	vld.idx.msk [tilespmem:v15+s16+$0x0], $0xffff;
	[tilespmem:s1+$0x19500] =	vst v6  }
0x37d: {  	v6 =	vor.u32 $0x18, v1;
	[tilespmem:s1+$0x17500] =	vst v3;
	v3 =	vld.idx.msk [tilespmem:v8+s16+$0x0], $0xffff  }
0x37e: {  	v15 =	vor.u32 $0x8, v1;
	[tilespmem:s1+$0x18500] =	vst v13;
	v7 =	vmul.f32 $5.656854150e+00, v7;
	v12 =	vld.idx.msk [tilespmem:v12+s16+$0x0], $0xffff  }
0x37f: {  	v8 =	vor.u32 $0x10, v1;
	v13 =	vld.idx.msk [tilespmem:v16+s16+$0x0], $0xffff  }
0x380: {  	[tilespmem:s0+$0x19700] =	vst v7;
	v7 =	vor.u32 $0x1C, v4;
	v20 =	vld.idx.msk [tilespmem:v1+s16+$0x0], $0xffff  }
0x381: {  	v16 =	vor.u32 $0x3, v4;
	v10 =	vld.idx.msk [tilespmem:v10+s16+$0x0], $0xffff  }
0x382: {  	v17 =	vor.u32 $0xC, v4;
	v6 =	vld.idx.msk [tilespmem:v6+s16+$0x0], $0xffff;
	v3 =	vmul.f32 $5.656854150e+00, v3  }
0x383: {  	v18 =	vor.u32 $0x14, v4;
	v14 =	vmul.f32 $5.656854150e+00, v14;
	v15 =	vld.idx.msk [tilespmem:v15+s16+$0x0], $0xffff  }
0x384: {  	v19 =	vor.u32 $0x6, v2;
	v8 =	vld.idx.msk [tilespmem:v8+s16+$0x0], $0xffff;
	v12 =	vmul.f32 $5.656854150e+00, v12;
	[tilespmem:s1+$0x19580] =	vst v3  }
0x385: {  	[tilespmem:s5+$0x100] =	vst v14;
	v3 =	vmul.f32 $5.656854150e+00, v13;
	v13 =	vor.u32 $0x19, v1;
	v7 =	vld.idx.msk [tilespmem:v7+s16+$0x0], $0xffff  }
0x386: {  	s30 =	simm.s32 $0x100;
	v14 =	vor.u32 $0x9, v1;
	v5 =	vmul.f32 $5.656854150e+00, v5;
	[tilespmem:s1+$0x17580] =	vst v12;
	v12 =	vld.idx.msk [tilespmem:v16+s16+$0x0], $0xffff  }
0x387: {  	s9 =	sand.u32 $0x70, s17;
	s10 =	sand.u32 $0xC00, s30;
	v16 =	vor.u32 $0x11, v1;
	[tilespmem:s1+$0x18580] =	vst v3;
	v3 =	vmul.f32 $5.656854150e+00, v6;
	v6 =	vld.idx.msk [tilespmem:v17+s16+$0x0], $0xffff  }
0x388: {  	s9 =	sor.u32 s9, s10;
	[tilespmem:s3+$0x280] =	vst v5;
	v17 =	vor.u32 $0x1, v1;
	v5 =	vmul.f32 $5.656854150e+00, v15;
	v15 =	vld.idx.msk [tilespmem:v18+s16+$0x0], $0xffff  }
0x389: {  	v8 =	vmul.f32 $5.656854150e+00, v8;
	v18 =	vld.idx.msk [tilespmem:v19+s16+$0x0], $0xffff;
	[tilespmem:s9+$0x19400] =	vst v3;
	v3 =	vor.u32 $0x1D, v4  }
0x38a: {  	v20 =	vmul.f32 $5.656854150e+00, v20;
	v19 =	vor.u32 $0x4, v4;
	[tilespmem:s9+$0x17400] =	vst v5;
	v5 =	vld.idx.msk [tilespmem:v13+s16+$0x0], $0xffff  }
0x38b: {  	v13 =	vor.u32 $0xD, v4;
	v14 =	vld.idx.msk [tilespmem:v14+s16+$0x0], $0xffff;
	[tilespmem:s9+$0x18400] =	vst v8;
	v7 =	vmul.f32 $5.656854150e+00, v7  }
0x38c: {  	[tilespmem:s9+$0x16400] =	vst v20;
	v8 =	vor.u32 $0x15, v4;
	v16 =	vld.idx.msk [tilespmem:v16+s16+$0x0], $0xffff;
	v12 =	vmul.f32 $5.656854150e+00, v12  }
0x38d: {  	v20 =	vor.u32 $0xF, v2;
	v17 =	vld.idx.msk [tilespmem:v17+s16+$0x0], $0xffff;
	v6 =	vmul.f32 $5.656854150e+00, v6;
	[tilespmem:s1+$0x19600] =	vst v7  }
0x38e: {  	v7 =	vor.u32 $0x1A, v1;
	[tilespmem:s5+$0x180] =	vst v12;
	v12 =	vmul.f32 $5.656854150e+00, v15;
	v3 =	vld.idx.msk [tilespmem:v3+s16+$0x0], $0xffff  }
0x38f: {  	v9 =	vmul.f32 $5.656854150e+00, v9;
	v15 =	vor.u32 $0xA, v1;
	v19 =	vld.idx.msk [tilespmem:v19+s16+$0x0], $0xffff;
	[tilespmem:s1+$0x17600] =	vst v6  }
0x390: {  	v6 =	vor.u32 $0x12, v1;
	v5 =	vmul.f32 $5.656854150e+00, v5;
	v13 =	vld.idx.msk [tilespmem:v13+s16+$0x0], $0xffff;
	[tilespmem:s1+$0x18600] =	vst v12  }
0x391: {  	[tilespmem:s0+$0x17700] =	vst v9;
	v12 =	vor.u32 $0x2, v1;
	v14 =	vmul.f32 $5.656854150e+00, v14;
	v8 =	vld.idx.msk [tilespmem:v8+s16+$0x0], $0xffff  }
0x392: {  	v9 =	vmul.f32 $5.656854150e+00, v16;
	v16 =	vld.idx.msk [tilespmem:v20+s16+$0x0], $0xffff;
	[tilespmem:s9+$0x19480] =	vst v5;
	v5 =	vor.u32 $0x1E, v4  }
0x393: {  	v20 =	vor.u32 $0x5, v4;
	v17 =	vmul.f32 $5.656854150e+00, v17;
	[tilespmem:s9+$0x17480] =	vst v14;
	v7 =	vld.idx.msk [tilespmem:v7+s16+$0x0], $0xffff  }
0x394: {  	s10 =	sadd.s32 $0x16400, s9;
	v14 =	vor.u32 $0xE, v4;
	v15 =	vld.idx.msk [tilespmem:v15+s16+$0x0], $0xffff;
	[tilespmem:s9+$0x18480] =	vst v9;
	v3 =	vmul.f32 $5.656854150e+00, v3  }
0x395: {  	v9 =	vor.u32 $0x16, v4;
	[tilespmem:s10+$0x80] =	vst v17;
	v6 =	vld.idx.msk [tilespmem:v6+s16+$0x0], $0xffff;
	v17 =	vmul.f32 $5.656854150e+00, v19  }
0x396: {  	v19 =	vor.u32 $0x17, v2;
	v21 =	vld.idx.msk [tilespmem:v12+s16+$0x0], $0xffff;
	v12 =	vmul.f32 $5.656854150e+00, v13;
	[tilespmem:s1+$0x19680] =	vst v3  }
0x397: {  	v3 =	vor.u32 $0x1B, v1;
	[tilespmem:s5+$0x200] =	vst v17;
	v8 =	vmul.f32 $5.656854150e+00, v8;
	v5 =	vld.idx.msk [tilespmem:v5+s16+$0x0], $0xffff  }
0x398: {  	s31 =	simm.s32 $0x30;
	v11 =	vmul.f32 $5.656854150e+00, v11;
	v13 =	vor.u32 $0xB, v1;
	v17 =	vld.idx.msk [tilespmem:v20+s16+$0x0], $0xffff;
	[tilespmem:s1+$0x17680] =	vst v12  }
0x399: {  	v20 =	vor.u32 $0x13, v1;
	v12 =	vmov s31;
	v7 =	vmul.f32 $5.656854150e+00, v7;
	v14 =	vld.idx.msk [tilespmem:v14+s16+$0x0], $0xffff;
	[tilespmem:s1+$0x18680] =	vst v8  }
0x39a: {  	[tilespmem:s0+$0x18700] =	vst v11;
	v8 =	vor.u32 $0x7, v2;
	v2 =	vshll.u32 v12, $0x5;
	v15 =	vmul.f32 $5.656854150e+00, v15;
	v12 =	vld.idx.msk [tilespmem:v9+s16+$0x0], $0xffff  }
0x39b: {  	v2 =	vor.u32 v0, v2;
	v6 =	vmul.f32 $5.656854150e+00, v6;
	v24 =	vld.idx.msk [tilespmem:v19+s16+$0x0], $0xffff;
	[tilespmem:s9+$0x19500] =	vst v7;
	v7 =	vor.u32 $0x1F, v4  }
0x39c: {  	v9 =	vmul.f32 $5.656854150e+00, v18;
	v11 =	vor.u32 $0x18, v2;
	[tilespmem:s9+$0x17500] =	vst v15;
	v3 =	vld.idx.msk [tilespmem:v3+s16+$0x0], $0xffff  }
0x39d: {  	v15 =	vor.u32 $0x8, v2;
	v13 =	vld.idx.msk [tilespmem:v13+s16+$0x0], $0xffff;
	[tilespmem:s9+$0x18500] =	vst v6;
	v5 =	vmul.f32 $5.656854150e+00, v5  }
0x39e: {  	v6 =	vor.u32 $0x10, v2;
	[tilespmem:s3+$0x300] =	vst v9;
	v18 =	vld.idx.msk [tilespmem:v20+s16+$0x0], $0xffff  }
0x39f: {  	v9 =	vmul.f32 $5.656854150e+00, v10;
	v26 =	vld.idx.msk [tilespmem:v8+s16+$0x0], $0xffff;
	[tilespmem:s1+$0x19700] =	vst v5  }
0x3a0: {  	v10 =	vor.u32 $0x3, v1;
	v5 =	vmul.f32 $5.656854150e+00, v16;
	v7 =	vld.idx.msk [tilespmem:v7+s16+$0x0], $0xffff  }
0x3a1: {  	v23 =	vor.u32 $0xF, v4;
	v17 =	vmul.f32 $5.656854150e+00, v17;
	[tilespmem:s0+$0x19780] =	vst v9;
	v11 =	vld.idx.msk [tilespmem:v11+s16+$0x0], $0xffff  }
0x3a2: {  	v25 =	vor.u32 $0xD, v1;
	v8 =	vor.u32 $0x1C, v1;
	v9 =	vmul.f32 $5.656854150e+00, v21;
	[tilespmem:s0+$0x17780] =	vst v5;
	v5 =	vld.idx.msk [tilespmem:v15+s16+$0x0], $0xffff  }
0x3a3: {  	v30 =	vor.u32 $0x5, v1;
	v14 =	vmul.f32 $5.656854150e+00, v14;
	v16 =	vor.u32 $0x6, v4;
	[tilespmem:s5+$0x280] =	vst v17;
	v6 =	vld.idx.msk [tilespmem:v6+s16+$0x0], $0xffff  }
0x3a4: {  	v19 =	vor.u32 $0xC, v1;
	[tilespmem:s10+$0x100] =	vst v9;
	v15 =	vmul.f32 $5.656854150e+00, v3;
	v9 =	vmul.f32 $5.656854150e+00, v13;
	v13 =	vld.idx.msk [tilespmem:v2+s16+$0x0], $0xffff  }
0x3a5: {  	v29 =	vor.u32 $0x15, v1;
	v27 =	vor.u32 $0x9, v2;
	v20 =	vor.u32 $0x14, v1;
	[tilespmem:s1+$0x17700] =	vst v14;
	v28 =	vld.idx.msk [tilespmem:v10+s16+$0x0], $0xffff  }
0x3a6: {  	s11 =	sand.u32 $0x70, s31;
	s13 =	simm.s32 $0x180;
	v57 =	vor.u32 $0x2, v2;
	v21 =	vor.u32 $0x19, v2;
	v42 =	vld.idx.msk [tilespmem:v23+s16+$0x0], $0xffff;
	v18 =	vmul.f32 $5.656854150e+00, v18;
	[tilespmem:s9+$0x19580] =	vst v15  }
0x3a7: {  	s14 =	sand.u32 $0xC00, s13;
	v59 =	vor.u32 $0x12, v2;
	v60 =	vor.u32 $0x1A, v2;
	[tilespmem:s9+$0x17580] =	vst v9;
	v22 =	vld.idx.msk [tilespmem:v8+s16+$0x0], $0xffff;
	v8 =	vmul.f32 $5.656854150e+00, v11  }
0x3a8: {  	s11 =	sor.u32 s11, s14;
	v17 =	vor.u32 $0x1, v2;
	[tilespmem:s9+$0x18580] =	vst v18;
	v18 =	vor.u32 $0x11, v2;
	v56 =	vld.idx.msk [tilespmem:v16+s16+$0x0], $0xffff;
	v5 =	vmul.f32 $5.656854150e+00, v5  }
0x3a9: {  	v14 =	vor.u32 $0x15, v2;
	v3 =	vor.u32 $0x7, v4;
	v11 =	vld.idx.msk [tilespmem:v19+s16+$0x0], $0xffff;
	v6 =	vmul.f32 $5.656854150e+00, v6;
	[tilespmem:s11+$0x19400] =	vst v8  }
0x3aa: {  	v4 =	vor.u32 $0x17, v4;
	v15 =	vor.u32 $0x4, v1;
	v19 =	vld.idx.msk [tilespmem:v20+s16+$0x0], $0xffff;
	v13 =	vmul.f32 $5.656854150e+00, v13;
	[tilespmem:s11+$0x17400] =	vst v5  }
0x3ab: {  	v10 =	vor.u32 $0xE, v1;
	v7 =	vmul.f32 $5.656854150e+00, v7;
	v20 =	vor.u32 $0x1D, v1;
	v16 =	vld.idx.msk [tilespmem:v21+s16+$0x0], $0xffff;
	[tilespmem:s11+$0x18400] =	vst v6  }
0x3ac: {  	v23 =	vor.u32 $0x16, v2;
	v26 =	vmul.f32 $5.656854150e+00, v26;
	[tilespmem:s11+$0x16400] =	vst v13;
	v13 =	vmul.f32 $5.656854150e+00, v28;
	v27 =	vld.idx.msk [tilespmem:v27+s16+$0x0], $0xffff  }
0x3ad: {  	v9 =	vor.u32 $0x16, v1;
	v35 =	vmul.f32 $5.656854150e+00, v42;
	[tilespmem:s1+$0x19780] =	vst v7;
	v21 =	vmul.f32 $5.656854150e+00, v22;
	v31 =	vld.idx.msk [tilespmem:v18+s16+$0x0], $0xffff  }
0x3ae: {  	v7 =	vor.u32 $0x6, v1;
	v8 =	vor.u32 $0xF, v1;
	v58 =	vld.idx.msk [tilespmem:v17+s16+$0x0], $0xffff;
	v11 =	vmul.f32 $5.656854150e+00, v11;
	[tilespmem:s10+$0x180] =	vst v13  }
0x3af: {  	v5 =	vor.u32 $0x7, v1;
	v28 =	vor.u32 $0xA, v2;
	v13 =	vmul.f32 $5.656854150e+00, v19;
	[tilespmem:s9+$0x19600] =	vst v21;
	v62 =	vld.idx.msk [tilespmem:v15+s16+$0x0], $0xffff  }
0x3b0: {  	v6 =	vor.u32 $0x17, v1;
	v18 =	vor.u32 $0x3, v2;
	v61 =	vld.idx.msk [tilespmem:v20+s16+$0x0], $0xffff;
	[tilespmem:s9+$0x17600] =	vst v11;
	v11 =	vmul.f32 $5.656854150e+00, v16  }
0x3b1: {  	v22 =	vor.u32 $0xB, v2;
	v17 =	vor.u32 $0x4, v2;
	[tilespmem:s9+$0x18600] =	vst v13;
	v40 =	vld.idx.msk [tilespmem:v25+s16+$0x0], $0xffff;
	v15 =	vmul.f32 $5.656854150e+00, v27  }
0x3b2: {  	v34 =	vmul.f32 $5.656854150e+00, v56;
	v19 =	vor.u32 $0x14, v2;
	v41 =	vld.idx.msk [tilespmem:v29+s16+$0x0], $0xffff;
	v25 =	vmul.f32 $5.656854150e+00, v31;
	[tilespmem:s11+$0x19480] =	vst v11  }
0x3b3: {  	v21 =	vor.u32 $0x13, v2;
	v29 =	vor.u32 $0x1E, v1;
	v32 =	vmul.f32 $5.656854150e+00, v58;
	[tilespmem:s11+$0x17480] =	vst v15;
	v37 =	vld.idx.msk [tilespmem:v60+s16+$0x0], $0xffff  }
0x3b4: {  	s14 =	sadd.s32 $0x16400, s11;
	v20 =	vor.u32 $0xC, v2;
	v13 =	vor.u32 $0x5, v2;
	[tilespmem:s11+$0x18480] =	vst v25;
	v63 =	vmul.f32 $5.656854150e+00, v62;
	v31 =	vld.idx.msk [tilespmem:v28+s16+$0x0], $0xffff  }
0x3b5: {  	v16 =	vor.u32 $0xD, v2;
	v27 =	vor.u32 $0xE, v2;
	[tilespmem:s14+$0x80] =	vst v32;
	v38 =	vmul.f32 $5.656854150e+00, v61;
	v32 =	vld.idx.msk [tilespmem:v59+s16+$0x0], $0xffff  }
0x3b6: {  	v11 =	vor.u32 $0x6, v2;
	v15 =	vor.u32 $0x7, v2;
	v36 =	vld.idx.msk [tilespmem:v57+s16+$0x0], $0xffff;
	v40 =	vmul.f32 $5.656854150e+00, v40;
	[tilespmem:s10+$0x200] =	vst v63  }
0x3b7: {  	v25 =	vmul.f32 $5.656854150e+00, v24;
	v39 =	vmul.f32 $5.656854150e+00, v41;
	[tilespmem:s9+$0x19680] =	vst v38;
	v38 =	vor.u32 $0x1B, v2;
	v30 =	vld.idx.msk [tilespmem:v30+s16+$0x0], $0xffff  }
0x3b8: {  	s28 =	simm.s32 $0x40;
	s17 =	simm.s32 $0xC;
	v24 =	vor.u32 $0x17, v2;
	v28 =	vmul.f32 $5.656854150e+00, v12;
	v12 =	vor.u32 $0xF, v2;
	v29 =	vld.idx.msk [tilespmem:v29+s16+$0x0], $0xffff;
	[tilespmem:s9+$0x17680] =	vst v40  }
.LBB2_13:
0x3b9: {  	v33 =	vmov s28;
	s17 =	sadd.s32 $0x4, s17;
	v37 =	vmul.f32 $5.656854150e+00, v37;
	v40 =	vld.idx.msk [tilespmem:v10+s16+$0x0], $0xffff;
	[tilespmem:s9+$0x18680] =	vst v39;
	v10 =	vmov v27  }
0x3ba: {  	v31 =	vmul.f32 $5.656854150e+00, v31;
	v27 =	vshll.u32 v33, $0x5;
	p0 =	slt.u32 s17, $0x7C;
	v39 =	vld.idx.msk [tilespmem:v9+s16+$0x0], $0xffff;
	[tilespmem:s1+$0x18700] =	vst v28;
	v9 =	vmov v23  }
0x3bb: {  	v23 =	vmul.f32 $5.656854150e+00, v32;
	v28 =	vor.u32 $0x1F, v1;
	v1 =	vmovc v2;
	[tilespmem:s11+$0x19500] =	vst v37;
	v37 =	vld.idx.msk [tilespmem:v4+s16+$0x0], $0xffff;
	v2 =	vor.u32 v0, v27  }
0x3bc: {  	v4 =	vmovc v6;
	v6 =	vmovc v24;
	v27 =	vor.u32 $0x8, v2;
	v41 =	vor.u32 $0x10, v2;
	v33 =	vor.u32 $0x18, v2;
	[tilespmem:s11+$0x17500] =	vst v31;
	v38 =	vld.idx.msk [tilespmem:v38+s16+$0x0], $0xffff  }
0x3bd: {  	v42 =	vor.u32 $0x1, v2;
	v43 =	vor.u32 $0x9, v2;
	v24 =	vld.idx.msk [tilespmem:v22+s16+$0x0], $0xffff;
	[tilespmem:s11+$0x18500] =	vst v23;
	v22 =	vmul.f32 $5.656854150e+00, v29  }
0x3be: {  	v31 =	vor.u32 $0xA, v2;
	v44 =	vor.u32 $0x11, v2;
	v29 =	vor.u32 $0x2, v2;
	v23 =	vld.idx.msk [tilespmem:v21+s16+$0x0], $0xffff;
	[tilespmem:s5+$0x300] =	vst v34  }
0x3bf: {  	v36 =	vmul.f32 $5.656854150e+00, v36;
	v32 =	vor.u32 $0x12, v2;
	v34 =	vor.u32 $0x3, v2;
	[tilespmem:s9+$0x19700] =	vst v22;
	v45 =	vld.idx.msk [tilespmem:v3+s16+$0x0], $0xffff;
	v3 =	vmovc v5;
	v5 =	vmovc v15  }
0x3c0: {  	v21 =	vor.u32 $0x13, v2;
	v22 =	vor.u32 $0xB, v2;
	v15 =	vor.u32 $0x1C, v1;
	v46 =	vld.idx.msk [tilespmem:v28+s16+$0x0], $0xffff;
	[tilespmem:s1+$0x17780] =	vst v35  }
0x3c1: {  	v47 =	vor.u32 $0xC, v2;
	v48 =	vor.u32 $0x14, v2;
	v35 =	vor.u32 $0x4, v2;
	v49 =	vld.idx.msk [tilespmem:v33+s16+$0x0], $0xffff;
	[tilespmem:s14+$0x100] =	vst v36  }
0x3c2: {  	v50 =	vor.u32 $0xD, v2;
	v33 =	vor.u32 $0x5, v2;
	v28 =	vmul.f32 $5.656854150e+00, v38;
	v36 =	vld.idx.msk [tilespmem:v27+s16+$0x0], $0xffff;
	[tilespmem:s0+$0x18780] =	vst v25;
	s0 =	smov.u32 s1;
	s1 =	smov.u32 s9;
	s9 =	smov.u32 s11  }
0x3c3: {  	v24 =	vmul.f32 $5.656854150e+00, v24;
	v25 =	vmul.f32 $5.656854150e+00, v30;
	v38 =	vld.idx.msk [tilespmem:v41+s16+$0x0], $0xffff;
	v41 =	vor.u32 $0x15, v2;
	[tilespmem:s3+$0x380] =	vst v26;
	s3 =	smov.u32 s5;
	s5 =	smov.u32 s10;
	s10 =	smov.u32 s14  }
0x3c4: {  	v51 =	vor.u32 $0x6, v2;
	v27 =	vor.u32 $0xE, v2;
	v26 =	vmul.f32 $5.656854150e+00, v23;
	v30 =	vld.idx.msk [tilespmem:v2+s16+$0x0], $0xffff;
	[tilespmem:s9+$0x19580] =	vst v28  }
0x3c5: {  	v52 =	vor.u32 $0x19, v2;
	v40 =	vmul.f32 $5.656854150e+00, v40;
	v23 =	vor.u32 $0x16, v2;
	[tilespmem:s9+$0x17580] =	vst v24;
	v53 =	vld.idx.msk [tilespmem:v15+s16+$0x0], $0xffff  }
0x3c6: {  	s13 =	sadd.s32 $0x80, s13;
	v28 =	vmul.f32 $5.656854150e+00, v39;
	v15 =	vor.u32 $0x7, v2;
	v54 =	vld.idx.msk [tilespmem:v18+s16+$0x0], $0xffff;
	[tilespmem:s9+$0x18580] =	vst v26;
	v26 =	vmul.f32 $5.656854150e+00, v46;
	v18 =	vmovc v34  }
0x3c7: {  	s11 =	sand.u32 $0x70, s28;
	s14 =	sand.u32 $0xC00, s13;
	v39 =	vor.u32 $0xF, v2;
	v34 =	vmul.f32 $5.656854150e+00, v49;
	v46 =	vld.idx.msk [tilespmem:v20+s16+$0x0], $0xffff;
	[tilespmem:s5+$0x280] =	vst v25;
	v25 =	vmul.f32 $5.656854150e+00, v37;
	v20 =	vmovc v47  }
0x3c8: {  	s11 =	sor.u32 s11, s14;
	v24 =	vor.u32 $0x17, v2;
	v36 =	vmul.f32 $5.656854150e+00, v36;
	v37 =	vld.idx.msk [tilespmem:v19+s16+$0x0], $0xffff;
	[tilespmem:s1+$0x19780] =	vst v26;
	v26 =	vmul.f32 $5.656854150e+00, v45;
	v19 =	vmovc v48  }
0x3c9: {  	s14 =	sadd.s32 $0x16400, s11;
	v38 =	vmul.f32 $5.656854150e+00, v38;
	[tilespmem:s11+$0x19400] =	vst v34;
	v34 =	vor.u32 $0x1D, v1;
	v45 =	vld.idx.msk [tilespmem:v7+s16+$0x0], $0xffff;
	v7 =	vmovc v11;
	v11 =	vmov v51  }
0x3ca: {  	v30 =	vmul.f32 $5.656854150e+00, v30;
	[tilespmem:s11+$0x17400] =	vst v36;
	v36 =	vld.idx.msk [tilespmem:v52+s16+$0x0], $0xffff  }
0x3cb: {  	v43 =	vld.idx.msk [tilespmem:v43+s16+$0x0], $0xffff;
	[tilespmem:s11+$0x18400] =	vst v38;
	v38 =	vmul.f32 $5.656854150e+00, v53  }
0x3cc: {  	[tilespmem:s11+$0x16400] =	vst v30;
	v30 =	vld.idx.msk [tilespmem:v44+s16+$0x0], $0xffff;
	v44 =	vmul.f32 $5.656854150e+00, v54  }
0x3cd: {  	v46 =	vmul.f32 $5.656854150e+00, v46;
	v42 =	vld.idx.msk [tilespmem:v42+s16+$0x0], $0xffff;
	[tilespmem:s9+$0x19600] =	vst v38  }
0x3ce: {  	v38 =	vor.u32 $0x1A, v2;
	v37 =	vmul.f32 $5.656854150e+00, v37;
	[tilespmem:s10+$0x180] =	vst v44;
	v44 =	vld.idx.msk [tilespmem:v34+s16+$0x0], $0xffff  }
0x3cf: {  	v34 =	vmul.f32 $5.656854150e+00, v45;
	v47 =	vld.idx.msk [tilespmem:v17+s16+$0x0], $0xffff;
	[tilespmem:s9+$0x17600] =	vst v46;
	v17 =	vmov v35  }
0x3d0: {  	v35 =	vmul.f32 $5.656854150e+00, v36;
	v45 =	vld.idx.msk [tilespmem:v16+s16+$0x0], $0xffff;
	[tilespmem:s9+$0x18600] =	vst v37;
	v16 =	vmov v50  }
0x3d1: {  	v36 =	vmul.f32 $5.656854150e+00, v43;
	v43 =	vld.idx.msk [tilespmem:v14+s16+$0x0], $0xffff;
	[tilespmem:s1+$0x17700] =	vst v40;
	v14 =	vmov v41  }
0x3d2: {  	v30 =	vmul.f32 $5.656854150e+00, v30;
	[tilespmem:s11+$0x19480] =	vst v35;
	v35 =	vor.u32 $0x1E, v1;
	v40 =	vld.idx.msk [tilespmem:v8+s16+$0x0], $0xffff;
	v8 =	vmovc v12;
	v12 =	vmov v39  }
0x3d3: {  	v39 =	vmul.f32 $5.656854150e+00, v42;
	[tilespmem:s11+$0x17480] =	vst v36;
	v37 =	vld.idx.msk [tilespmem:v38+s16+$0x0], $0xffff  }
.Ltmp6:
0x3d4: {  	v31 =	vld.idx.msk [tilespmem:v31+s16+$0x0], $0xffff;
	[tilespmem:s11+$0x18480] =	vst v30;
	v30 =	vmul.f32 $5.656854150e+00, v44;
	(pc) =	sbr.rel @p0 .LBB2_13-.Ltmp6, $4  }
0x3d5: {  	[tilespmem:s14+$0x80] =	vst v39;
	v32 =	vld.idx.msk [tilespmem:v32+s16+$0x0], $0xffff;
	v39 =	vmul.f32 $5.656854150e+00, v47  }
0x3d6: {  	v41 =	vmul.f32 $5.656854150e+00, v45;
	v36 =	vld.idx.msk [tilespmem:v29+s16+$0x0], $0xffff;
	[tilespmem:s9+$0x19680] =	vst v30  }
0x3d7: {  	v38 =	vor.u32 $0x1B, v2;
	[tilespmem:s10+$0x200] =	vst v39;
	v39 =	vmul.f32 $5.656854150e+00, v43;
	v29 =	vld.idx.msk [tilespmem:v35+s16+$0x0], $0xffff  }
0x3d8: {  	s28 =	sadd.s32 $0x10, s28;
	v35 =	vmul.f32 $5.656854150e+00, v40;
	v30 =	vld.idx.msk [tilespmem:v13+s16+$0x0], $0xffff;
	[tilespmem:s9+$0x17680] =	vst v41;
	v13 =	vmov v33  }
0x3d9: {  	_ = 	snop  }
0x3da: {  	v33 =	vmul.f32 $5.656854150e+00, v37;
	_ =	sdelay $0x1  }
0x3db: {  	v31 =	vmul.f32 $5.656854150e+00, v31;
	[tilespmem:s11+$0x19500] =	vst v33  }
0x3dc: {  	v48 =	vld.idx.msk [tilespmem:v38+s16+$0x0], $0xffff  }
0x3dd: {  	v32 =	vmul.f32 $5.656854150e+00, v32;
	[tilespmem:s11+$0x17500] =	vst v31  }
0x3de: {  	v49 =	vmul.f32 $5.656854150e+00, v36;
	v22 =	vld.idx.msk [tilespmem:v22+s16+$0x0], $0xffff  }
0x3df: {  	v50 =	vor.u32 $0x1C, v2;
	[tilespmem:s11+$0x18500] =	vst v32  }
0x3e0: {  	v21 =	vld.idx.msk [tilespmem:v21+s16+$0x0], $0xffff;
	[tilespmem:s14+$0x100] =	vst v49  }
0x3e1: {  	v18 =	vld.idx.msk [tilespmem:v18+s16+$0x0], $0xffff;
	v31 =	vmul.f32 $5.656854150e+00, v48;
	_ =	sdelay $0x1  }
0x3e2: {  	v22 =	vmul.f32 $5.656854150e+00, v22;
	[tilespmem:s11+$0x19580] =	vst v31  }
0x3e3: {  	v51 =	vld.idx.msk [tilespmem:v50+s16+$0x0], $0xffff  }
0x3e4: {  	v21 =	vmul.f32 $5.656854150e+00, v21;
	[tilespmem:s11+$0x17580] =	vst v22  }
0x3e5: {  	[tilespmem:s9+$0x18680] =	vst v39;
	v18 =	vmul.f32 $5.656854150e+00, v18;
	v20 =	vld.idx.msk [tilespmem:v20+s16+$0x0], $0xffff  }
0x3e6: {  	v52 =	vor.u32 $0x1D, v2;
	[tilespmem:s11+$0x18580] =	vst v21  }
0x3e7: {  	v19 =	vld.idx.msk [tilespmem:v19+s16+$0x0], $0xffff;
	[tilespmem:s14+$0x180] =	vst v18  }
0x3e8: {  	[tilespmem:s1+$0x18700] =	vst v28;
	v17 =	vld.idx.msk [tilespmem:v17+s16+$0x0], $0xffff;
	v53 =	vmul.f32 $5.656854150e+00, v51  }
0x3e9: {  	[tilespmem:s5+$0x300] =	vst v34  }
0x3ea: {  	v20 =	vmul.f32 $5.656854150e+00, v20;
	[tilespmem:s11+$0x19600] =	vst v53  }
0x3eb: {  	[tilespmem:s0+$0x18780] =	vst v25;
	v18 =	vld.idx.msk [tilespmem:v52+s16+$0x0], $0xffff  }
0x3ec: {  	v1 =	vor.u32 $0x1F, v1;
	v10 =	vld.idx.msk [tilespmem:v10+s16+$0x0], $0xffff;
	v19 =	vmul.f32 $5.656854150e+00, v19;
	[tilespmem:s11+$0x17600] =	vst v20  }
0x3ed: {  	[tilespmem:s3+$0x380] =	vst v26;
	v17 =	vmul.f32 $5.656854150e+00, v17;
	v16 =	vld.idx.msk [tilespmem:v16+s16+$0x0], $0xffff  }
0x3ee: {  	v55 =	vor.u32 $0x1E, v2;
	v9 =	vld.idx.msk [tilespmem:v9+s16+$0x0], $0xffff;
	v54 =	vmul.f32 $5.656854150e+00, v29;
	[tilespmem:s11+$0x18600] =	vst v19  }
0x3ef: {  	v14 =	vld.idx.msk [tilespmem:v14+s16+$0x0], $0xffff;
	[tilespmem:s14+$0x200] =	vst v17  }
0x3f0: {  	[tilespmem:s9+$0x19700] =	vst v54;
	v13 =	vld.idx.msk [tilespmem:v13+s16+$0x0], $0xffff;
	v56 =	vmul.f32 $5.656854150e+00, v18  }
0x3f1: {  	[tilespmem:s1+$0x17780] =	vst v35;
	v57 =	vmul.f32 $5.656854150e+00, v30;
	v1 =	vld.idx.msk [tilespmem:v1+s16+$0x0], $0xffff  }
0x3f2: {  	v4 =	vld.idx.msk [tilespmem:v4+s16+$0x0], $0xffff;
	v16 =	vmul.f32 $5.656854150e+00, v16;
	[tilespmem:s11+$0x19680] =	vst v56  }
0x3f3: {  	v10 =	vmul.f32 $5.656854150e+00, v10;
	[tilespmem:s10+$0x280] =	vst v57;
	v17 =	vld.idx.msk [tilespmem:v55+s16+$0x0], $0xffff  }
0x3f4: {  	v7 =	vld.idx.msk [tilespmem:v7+s16+$0x0], $0xffff;
	v14 =	vmul.f32 $5.656854150e+00, v14;
	[tilespmem:s11+$0x17680] =	vst v16  }
0x3f5: {  	[tilespmem:s9+$0x17700] =	vst v10;
	v58 =	vmul.f32 $5.656854150e+00, v13;
	v16 =	vld.idx.msk [tilespmem:v27+s16+$0x0], $0xffff  }
0x3f6: {  	v2 =	vor.u32 $0x1F, v2;
	v8 =	vld.idx.msk [tilespmem:v8+s16+$0x0], $0xffff;
	v1 =	vmul.f32 $5.656854150e+00, v1;
	[tilespmem:s11+$0x18680] =	vst v14  }
0x3f7: {  	v9 =	vmul.f32 $5.656854150e+00, v9;
	v59 =	vld.idx.msk [tilespmem:v23+s16+$0x0], $0xffff;
	[tilespmem:s14+$0x280] =	vst v58  }
0x3f8: {  	[tilespmem:s9+$0x19780] =	vst v1;
	v10 =	vld.idx.msk [tilespmem:v11+s16+$0x0], $0xffff;
	v1 =	vmul.f32 $5.656854150e+00, v17  }
0x3f9: {  	v3 =	vld.idx.msk [tilespmem:v3+s16+$0x0], $0xffff;
	[tilespmem:s9+$0x18700] =	vst v9;
	v7 =	vmul.f32 $5.656854150e+00, v7  }
0x3fa: {  	v6 =	vld.idx.msk [tilespmem:v6+s16+$0x0], $0xffff;
	v60 =	vmul.f32 $5.656854150e+00, v16;
	[tilespmem:s11+$0x19700] =	vst v1  }
0x3fb: {  	[tilespmem:s10+$0x300] =	vst v7;
	v1 =	vmul.f32 $5.656854150e+00, v8;
	v2 =	vld.idx.msk [tilespmem:v2+s16+$0x0], $0xffff  }
0x3fc: {  	v61 =	vmul.f32 $5.656854150e+00, v59;
	[tilespmem:s11+$0x17700] =	vst v60  }
0x3fd: {  	v62 =	vld.idx.msk [tilespmem:v12+s16+$0x0], $0xffff;
	[tilespmem:s9+$0x17780] =	vst v1;
	v1 =	vmul.f32 $5.656854150e+00, v10  }
0x3fe: {  	v4 =	vmul.f32 $5.656854150e+00, v4;
	v5 =	vld.idx.msk [tilespmem:v5+s16+$0x0], $0xffff;
	[tilespmem:s11+$0x18700] =	vst v61  }
0x3ff: {  	v3 =	vmul.f32 $5.656854150e+00, v3;
	v7 =	vld.idx.msk [tilespmem:v24+s16+$0x0], $0xffff;
	[tilespmem:s14+$0x300] =	vst v1  }
0x400: {  	[tilespmem:s1+$0x18780] =	vst v4;
	v63 =	vmul.f32 $5.656854150e+00, v6;
	v1 =	vmul.f32 $5.656854150e+00, v2;
	v2 =	vld.idx.msk [tilespmem:v15+s16+$0x0], $0xffff  }
0x401: {  	[tilespmem:s5+$0x380] =	vst v3  }
0x402: {  	[tilespmem:s9+$0x18780] =	vst v63;
	v3 =	vmul.f32 $5.656854150e+00, v62  }
0x403: {  	[tilespmem:s11+$0x19780] =	vst v1;
	v1 =	vmul.f32 $5.656854150e+00, v5  }
0x404: {  	[tilespmem:s11+$0x17780] =	vst v3;
	v3 =	vmul.f32 $5.656854150e+00, v7  }
0x405: {  	[tilespmem:s10+$0x380] =	vst v1;
	v1 =	vmul.f32 $5.656854150e+00, v2  }
0x406: {  	[tilespmem:s11+$0x18780] =	vst v3  }
0x407: {  	[tilespmem:s14+$0x380] =	vst v1  }
0x408: {  	s28 =	simm.s32 $0x6;
	s0 =	rddreg [dreg:$0x5]  }
0x409: {  	[hbm4b:s0+s20] =	stream.strided.scatter [tilespmem:s24], [sflag:$0x5], $0x4000, s21, s20, $0x38;
	[tilespmem:$0x1E400] =	vst v63  }
0x40a: {  	_ =	swait.ge [sflag:s28], $0x4000  }
0x40b: {  	[sflag:s28] =	ssyncset.done $0x0  }
0x40c: {  	[sflag:s28] =	ssyncadd.s32 $0xFFFFC000  }
0x40d: {  	_ =	swait.ge [sflag:s29], $0x4000  }
0x40e: {  	[sflag:s29] =	ssyncset.done $0x0  }
0x40f: {  	[sflag:s29] =	ssyncadd.s32 $0xFFFFC000;
	s29 =	simm.s32 $0x5  }
0x410: {  	_ =	swait.ge [sflag:s29], $0x4000  }
0x411: {  	s30 =	rddreg [dreg:$0x7]  }
0x412: {  	s31 =	rddreg [dreg:$0x6];
	s3 =	sadd.s32 $0x1, s30  }
0x413: {  	p0 =	sne.s32 s3, s31  }
.Ltmp7:
0x414: {  	_ = 	snop;
	(pc) =	sbr.rel @p0 .LBB2_1-.Ltmp7, $3  }
0x415: {  	_ =	sdelay $0x1  }
0x416: {  	[sflag:s29] =	ssyncset.done $0x0  }
0x417: {  	[sflag:s29] =	ssyncadd.s32 $0xFFFFC000  }
0x418: {  	_ =	sfence.sel $0x180000  }
0x419: {  	[bflag:$0x0] =	sbarrier.arrive $0xFFFF  }
0x41a: {  	_ =	strace $0x90000047  }
0x41b: {  	s0 =	stileid.u32;
	[bflag:$0x2] =	sbarrier.arrive $0xFFFF  }
0x41c: {  	p0 =	sne.s32 s0, $0x0;
	s0 =	rddreg [dreg:$0x2]  }
0x41d: {  	s0 =	sadd.s32 @!p0 $0x100000, s0  }
0x41e: {  	[sflag:s0] =	ssyncadd.tile.s32 @!p0 $0x1;
	_ =	shalt  }
.Lfunc_end2:
_tile_overlayer_lowered:
.L_overlay_start_2:
0x41f: {  	(tag) =	ssettag $0x2  }
0x420: {  	s0 =	rddreg [dreg:$0x0];
	s2 =	stileid.u32  }
0x421: {  	s1 =	rddreg [dreg:$0x1];
	p0 =	sne.s32 s2, $0x0  }
0x422: {  	s3 =	rddreg [dreg:$0x2];
	[bflag:$0x3] =	sbarrier.arrive $0xFFFF;
	s2 =	simm.s32 @!p0 $0x1C07  }
0x423: {  	[timem:s3], [sflag:s2] =	dma.local @!p0 [hbm:s0], s1  }
0x424: {  	s0 =	simm.s32 @!p0 $0x7  }
0x425: {  	_ =	swait.ge @!p0 [sflag:s0], s1  }
0x426: {  	s1 =	ssub.s32 @!p0 $0x0, s1;
	[sflag:s0] =	ssyncset.done @!p0 $0x0  }
0x427: {  	[sflag:s0] =	ssyncadd.s32 @!p0 s1  }
0x428: {  	[bflag:$0x3] =	sbarrier.arrive $0xFFFF  }
0x429: {  	_ =	shalt  }

</sc_bundles>
